<compile_context>
chip_gen: v7x
topology: tpu7x:2x2x1
jax: 0.10.2.dev20260603
libtpu: 0.0.44.dev20260713+nightly
codegen_flags: <defaults>
</compile_context>

<pallas_src>
import functools

import jax
import jax.numpy as jnp
from jax import lax
from jax.experimental import pallas as pl
from jax.experimental.pallas import tpu as pltpu
from jax.experimental.pallas import tpu_sc as plsc

N_NODE = 10000
D_FEAT = 128
D_OUT = 3
D_OUT_PAD = 16

NC, NS = 2, 16
NW = NC * NS
EPW = N_NODE
CH = 128
NCH = EPW // CH
TAIL = EPW - NCH * CH
ROWS_PT = N_NODE // NS
RB = 4096


def _mesh():
  return plsc.VectorSubcoreMesh(core_axis_name="c", subcore_axis_name="s",
                                num_cores=NC, num_subcores=NS)


_SC_PARAMS = pltpu.CompilerParams(use_tc_tiling_on_sc=False,
                                  needs_layout_passes=False)


def _worker_id():
  return lax.axis_index("s") * NC + lax.axis_index("c")


def _zero_rows(buf, nrows, width, dtype):
  lanes = 16 if dtype == jnp.float32 else 32
  zv = jnp.zeros((lanes,), dtype)

  def row(i, _):
    for cc in range(width // lanes):
      buf[i, pl.ds(cc * lanes, lanes)] = zv
    return 0

  lax.fori_loop(0, nrows, row, 0)


def _zero_acc(buf, acc, row0):
  n_full = ROWS_PT // CH
  rem = ROWS_PT - n_full * CH
  for t in range(n_full):
    pltpu.sync_copy(buf, acc.at[pl.ds(row0 + t * CH, CH)])
  pltpu.sync_copy(buf.at[pl.ds(0, rem)], acc.at[pl.ds(row0 + n_full * CH, rem)])


_DEG_GRP = 6


def _deg_body(ei_hbm, ones_hbm, zeros_hbm, out_hbm, didx, ones_v, di_t, acc,
              sem):
  c = lax.axis_index("c")
  s = lax.axis_index("s")
  wid = _worker_id()
  e0 = wid * EPW
  row0 = s * ROWS_PT
  pltpu.sync_copy(ei_hbm.at[1, pl.ds(e0, EPW)], didx)
  pltpu.sync_copy(ei_hbm.at[1, pl.ds(e0 + NCH * CH, TAIL)], di_t)
  pltpu.sync_copy(ones_hbm, ones_v)
  pltpu.sync_copy(zeros_hbm, acc.at[pl.ds(row0, ROWS_PT)])
  plsc.subcore_barrier()

  def group(gi, _):
    j0 = gi * _DEG_GRP
    for r in range(_DEG_GRP):
      pltpu.async_copy(ones_v, acc.at[didx.at[pl.ds((j0 + r) * CH, CH)]], sem,
                       add=True)
    for r in range(_DEG_GRP):
      pltpu.make_async_copy(ones_v, acc.at[didx.at[pl.ds((j0 + r) * CH, CH)]],
                            sem).wait()
    return 0

  lax.fori_loop(0, NCH // _DEG_GRP, group, 0)
  pltpu.sync_copy(ones_v.at[pl.ds(0, TAIL)], acc.at[di_t], add=True)
  plsc.subcore_barrier()
  pltpu.sync_copy(acc.at[pl.ds(row0, ROWS_PT)], out_hbm.at[c, pl.ds(row0, ROWS_PT)])


def _deg_kernel(ei):
  ones = jnp.ones((CH, 8), jnp.float32)
  zeros = jnp.zeros((ROWS_PT, 8), jnp.float32)
  k = functools.partial(
      pl.kernel,
      out_type=jax.ShapeDtypeStruct((NC, N_NODE, 8), jnp.float32),
      mesh=_mesh(),
      compiler_params=_SC_PARAMS,
      scratch_types=[
          pltpu.VMEM((EPW,), jnp.int32),
          pltpu.VMEM((CH, 8), jnp.float32),
          pltpu.VMEM((TAIL,), jnp.int32),
          pltpu.VMEM_SHARED((N_NODE, 8), jnp.float32),
          pltpu.SemaphoreType.DMA,
      ],
  )(_deg_body)
  return k(ei, ones, zeros)


def _make_scatter_body(width, ring, sidx_halves, dtype, stage_table):
  sch = NCH // sidx_halves
  bf16 = dtype == jnp.bfloat16

  def body(table_hbm, ei_hbm, out_hbm, sidx, didx, di_t, *rest):
    rest = list(rest)
    bufs = rest[:ring]
    sems = rest[ring:2 * ring]
    rest = rest[2 * ring:]
    f32buf = rest.pop(0) if bf16 else None
    tspm = rest.pop(0) if stage_table else None
    acc = rest.pop(0)
    c = lax.axis_index("c")
    s = lax.axis_index("s")
    wid = _worker_id()
    e0 = wid * EPW
    row0 = s * ROWS_PT

    _zero_rows(bufs[0], CH, width, dtype)
    _zero_acc(bufs[0], acc, row0)
    pltpu.sync_copy(ei_hbm.at[1, pl.ds(e0, EPW)], didx)
    pltpu.sync_copy(ei_hbm.at[1, pl.ds(e0 + NCH * CH, TAIL)], di_t)
    if stage_table:
      pltpu.sync_copy(table_hbm.at[pl.ds(row0, ROWS_PT)],
                      tspm.at[pl.ds(row0, ROWS_PT)])
    plsc.subcore_barrier()
    table = tspm if stage_table else table_hbm

    for h in range(sidx_halves):
      n_src = sch * CH + (TAIL if h == sidx_halves - 1 else 0)
      pltpu.sync_copy(ei_hbm.at[0, pl.ds(e0 + h * sch * CH, n_src)],
                      sidx.at[pl.ds(0, n_src)])

      for r in range(ring):
        pltpu.async_copy(table.at[sidx.at[pl.ds(r * CH, CH)]], bufs[r],
                         sems[r])

      def outer(jo, _):
        j0 = jo * ring
        for r in range(ring):
          j = j0 + r
          pltpu.make_async_copy(table.at[sidx.at[pl.ds(j * CH, CH)]],
                                bufs[r], sems[r]).wait()
          pltpu.sync_copy(bufs[r],
                          acc.at[didx.at[pl.ds((h * sch + j) * CH, CH)]],
                          add=True)

          @pl.when(j + ring < sch)
          def _():
            pltpu.async_copy(table.at[sidx.at[pl.ds((j + ring) * CH, CH)]],
                             bufs[r], sems[r])

        return 0

      lax.fori_loop(0, sch // ring, outer, 0)

    pltpu.async_copy(table.at[sidx.at[pl.ds(sch * CH, TAIL)]],
                     bufs[0].at[pl.ds(0, TAIL)], sems[0]).wait()
    pltpu.sync_copy(bufs[0].at[pl.ds(0, TAIL)], acc.at[di_t], add=True)

    plsc.subcore_barrier()
    if not bf16:
      pltpu.sync_copy(acc.at[pl.ds(row0, ROWS_PT)],
                      out_hbm.at[c, pl.ds(row0, ROWS_PT)])
      return

    iota = lax.iota(jnp.int32, 16)
    hi_mask = jnp.full((16,), -65536, jnp.int32)
    sixteen = jnp.full((16,), 16, jnp.int32)

    def convert_span(r0, nrows):
      pltpu.sync_copy(acc.at[pl.ds(r0, nrows)], bufs[0].at[pl.ds(0, nrows)])

      def row(i, _):
        rowv = jnp.full((16,), i, jnp.int32)
        for gk in range(width // 32):
          v = bufs[0][i, pl.ds(gk * 32, 32)]
          w = plsc.bitcast(v, jnp.int32)
          ev = plsc.bitcast(lax.shift_left(w, sixteen), jnp.float32)
          od = plsc.bitcast(lax.bitwise_and(w, hi_mask), jnp.float32)
          cols = gk * 32 + 2 * iota
          plsc.store_scatter(f32buf, [rowv, cols], ev)
          plsc.store_scatter(f32buf, [rowv, cols + 1], od)
        return 0

      lax.fori_loop(0, nrows, row, 0)
      pltpu.sync_copy(f32buf.at[pl.ds(0, nrows)],
                      out_hbm.at[c, pl.ds(r0, nrows)])

    n_full = ROWS_PT // CH
    for t in range(n_full):
      convert_span(row0 + t * CH, CH)
    convert_span(row0 + n_full * CH, ROWS_PT - n_full * CH)

  return body


def _scatter_kernel(table, ei, width, ring, sidx_halves, dtype=jnp.float32,
                    stage_table=False):
  sidx_len = (NCH // sidx_halves) * CH + TAIL
  f32buf = [pltpu.VMEM((CH, width), jnp.float32)] if dtype == jnp.bfloat16 else []
  tspm = [pltpu.VMEM_SHARED((N_NODE, width), dtype)] if stage_table else []
  k = functools.partial(
      pl.kernel,
      out_type=jax.ShapeDtypeStruct((NC, N_NODE, width), jnp.float32),
      mesh=_mesh(),
      compiler_params=_SC_PARAMS,
      scratch_types=[
          pltpu.VMEM((sidx_len,), jnp.int32),
          pltpu.VMEM((EPW,), jnp.int32),
          pltpu.VMEM((TAIL,), jnp.int32),
          *[pltpu.VMEM((CH, width), dtype) for _ in range(ring)],
          *[pltpu.SemaphoreType.DMA for _ in range(ring)],
          *f32buf,
          *tspm,
          pltpu.VMEM_SHARED((N_NODE, width), dtype),
      ],
  )(_make_scatter_body(width, ring, sidx_halves, dtype, stage_table))
  return k(table, ei)


_GRID = (N_NODE + RB - 1) // RB


def _tc1_body(x_ref, w_ref, degp_ref, g_ref, d_ref):
  d = lax.rsqrt(degp_ref[0, :, 0] + degp_ref[1, :, 0] + 1.0)
  h = jnp.dot(x_ref[...], w_ref[...], preferred_element_type=jnp.float32)
  g_ref[...] = (h * d[:, None]).astype(jnp.bfloat16)
  d_ref[...] = d


def _tc1(x, W1, degp):
  return pl.pallas_call(
      _tc1_body,
      grid=(_GRID,),
      in_specs=[
          pl.BlockSpec((RB, D_FEAT), lambda i: (i, 0)),
          pl.BlockSpec((D_FEAT, D_FEAT), lambda i: (0, 0)),
          pl.BlockSpec((NC, RB, 8), lambda i: (0, i, 0)),
      ],
      out_specs=[
          pl.BlockSpec((RB, D_FEAT), lambda i: (i, 0)),
          pl.BlockSpec((RB,), lambda i: (i,)),
      ],
      out_shape=[
          jax.ShapeDtypeStruct((N_NODE, D_FEAT), jnp.bfloat16),
          jax.ShapeDtypeStruct((N_NODE,), jnp.float32),
      ],
  )(x, W1, degp)


def _tc2_body(g_ref, sp_ref, d_ref, b1_ref, w2_ref, g2_ref):
  d = d_ref[...]
  msum = sp_ref[0] + sp_ref[1] + g_ref[...].astype(jnp.float32)
  z = d[:, None] * msum + b1_ref[...][None, :]
  z = jnp.maximum(z, 0.0)
  h2 = jnp.dot(z, w2_ref[...], preferred_element_type=jnp.float32)
  g2_ref[...] = h2 * d[:, None]


def _tc2(g, sp, d, b1, W2p):
  return pl.pallas_call(
      _tc2_body,
      grid=(_GRID,),
      in_specs=[
          pl.BlockSpec((RB, D_FEAT), lambda i: (i, 0)),
          pl.BlockSpec((NC, RB, D_FEAT), lambda i: (0, i, 0)),
          pl.BlockSpec((RB,), lambda i: (i,)),
          pl.BlockSpec((D_FEAT,), lambda i: (0,)),
          pl.BlockSpec((D_FEAT, D_OUT_PAD), lambda i: (0, 0)),
      ],
      out_specs=pl.BlockSpec((RB, D_OUT_PAD), lambda i: (i, 0)),
      out_shape=jax.ShapeDtypeStruct((N_NODE, D_OUT_PAD), jnp.float32),
  )(g, sp, d, b1, W2p)


def _tc3_body(g2_ref, s2p_ref, d_ref, b2_ref, y_ref):
  d = d_ref[...]
  y = d[:, None] * (s2p_ref[0] + s2p_ref[1] + g2_ref[...]) + b2_ref[...][None, :]
  y_ref[...] = jnp.tanh(jnp.maximum(y, 0.0))[:, :D_OUT]


def _tc3(g2, s2p, d, b2p):
  return pl.pallas_call(
      _tc3_body,
      grid=(_GRID,),
      in_specs=[
          pl.BlockSpec((RB, D_OUT_PAD), lambda i: (i, 0)),
          pl.BlockSpec((NC, RB, D_OUT_PAD), lambda i: (0, i, 0)),
          pl.BlockSpec((RB,), lambda i: (i,)),
          pl.BlockSpec((D_OUT_PAD,), lambda i: (0,)),
      ],
      out_specs=pl.BlockSpec((RB, D_OUT), lambda i: (i, 0)),
      out_shape=jax.ShapeDtypeStruct((N_NODE, D_OUT), jnp.float32),
  )(g2, s2p, d, b2p)


def kernel(x, edge_index, W1, b1, W2, b2):
  ei = edge_index.astype(jnp.int32)
  W2p = jnp.pad(W2, ((0, 0), (0, D_OUT_PAD - W2.shape[1])))
  b2p = jnp.pad(b2, (0, D_OUT_PAD - b2.shape[0]))

  degp = _deg_kernel(ei)
  g, d = _tc1(x, W1, degp)
  sp = _scatter_kernel(g, ei, D_FEAT, ring=6, sidx_halves=1, dtype=jnp.bfloat16)
  g2 = _tc2(g, sp, d, b1, W2p)
  s2p = _scatter_kernel(g2, ei, D_OUT_PAD, ring=6, sidx_halves=1)
  y = _tc3(g2, s2p, d, b2p)
  return y

# --- scband reference (transcript-rebuilt; emitter-appended) ---
"""Pipeline reference for scband-deformation-gnn-20933670600725 (READ-ONLY COPY).

The authoritative reference and input builder live on the scoring server;
editing this copy changes nothing except your own understanding.
"""

import jax, jax.numpy as jnp
import numpy as np

N_NODES = 10000
N_EDGES = 320000
D_IN = 128
D_HID = 128
D_OUT = 3


def setup_inputs(seed: int = 0) -> dict:
    key = jax.random.key(seed)
    k_x, k_ei, k_w1, k_w2 = jax.random.split(key, 4)
    x = jax.random.normal(k_x, (N_NODES, D_IN), dtype=jnp.float32)
    edge_index = jax.random.randint(k_ei, (2, N_EDGES), 0, N_NODES, dtype=jnp.int64)
    W1 = jax.random.normal(k_w1, (D_IN, D_HID), dtype=jnp.float32) * 0.05
    b1 = jnp.zeros((D_HID,), dtype=jnp.float32)
    W2 = jax.random.normal(k_w2, (D_HID, D_OUT), dtype=jnp.float32) * 0.05
    b2 = jnp.zeros((D_OUT,), dtype=jnp.float32)
    return {"x": x, "edge_index": edge_index, "W1": W1, "b1": b1, "W2": W2, "b2": b2}


def gcn_conv(x, edge_index, W, b):
    # PyG GCNConv: add self-loops, symmetric normalization, linear transform, scatter-add.
    n = x.shape[0]
    h = x @ W
    self_loops = jnp.arange(n, dtype=edge_index.dtype)
    src = jnp.concatenate([edge_index[0], self_loops])
    dst = jnp.concatenate([edge_index[1], self_loops])
    deg = jnp.zeros((n,), dtype=h.dtype).at[dst].add(1.0)
    deg_inv_sqrt = jnp.where(deg > 0, deg ** -0.5, 0.0)
    norm = deg_inv_sqrt[src] * deg_inv_sqrt[dst]
    msg = h[src] * norm[:, None]
    out = jnp.zeros((n, h.shape[1]), dtype=h.dtype).at[dst].add(msg)
    return out + b


def reference(x, edge_index, W1, b1, W2, b2):
    # Layer 0: GCNConv -> ReLU (dropout is identity in eval mode)
    h = gcn_conv(x, edge_index, W1, b1)
    h = jax.nn.relu(h)
    # Final layer: GCNConv -> ReLU (applied inside loop) -> tanh (final_activation)
    h = gcn_conv(h, edge_index, W2, b2)
    h = jax.nn.relu(h)
    return jnp.tanh(h)

if __name__ == "__main__":
    import jax
    _d = setup_inputs()
    print(jax.jit(kernel)(*tuple(_d.values())))

</pallas_src>

<mosaic_0001>
#map = affine_map<(d0, d1) -> (0, 0)>
#map1 = affine_map<(d0, d1) -> (0, 0, 0)>
module attributes {stable_mosaic.version = 14 : i64} {
  func.func @_deg_body(%arg0: i32, %arg1: i32, %arg2: memref<2x320000xi32, #tpu.memory_space<hbm>>, %arg3: memref<128x8xf32, #tpu.memory_space<hbm>>, %arg4: memref<625x8xf32, #tpu.memory_space<hbm>>, %arg5: memref<2x10000x8xf32, #tpu.memory_space<hbm>>, %arg6: memref<10000xi32, #tpu.memory_space<vmem>>, %arg7: memref<128x8xf32, #tpu.memory_space<vmem>>, %arg8: memref<16xi32, #tpu.memory_space<vmem>>, %arg9: memref<10000x8xf32, #tpu.memory_space<vmem_shared>>, %arg10: memref<!tpu.dma_semaphore, #tpu.memory_space<semaphore_mem>>) attributes {dimension_semantics = [#tpu.dimension_semantics<core_parallel>, #tpu.dimension_semantics<subcore_parallel>], iteration_bounds = array<i64: 2, 16>, scalar_prefetch = 0 : i64, scratch_operands = 5 : i64, tpu.core_type = #tpu.core_type<sc_vector_subcore>, window_params = [{transform_indices = #map}, {transform_indices = #map}, {transform_indices = #map}, {transform_indices = #map1}]} {
    %mul3A = arith.constant 2 : i32
    %mul3A_0 = arith.muli %arg1, %mul3A : i32
    %add3A = arith.addi %mul3A_0, %arg0 : i32
    %mul3A_1 = arith.constant 10000 : i32
    %mul3A_2 = arith.muli %add3A, %mul3A_1 : i32
    %mul3A_3 = arith.constant 625 : i32
    %mul3A_4 = arith.muli %arg1, %mul3A_3 : i32
    %run_scoped3A = arith.constant 1 : i32
    "tpu.region"() ({
      %run_scoped3A_15 = tpu.sem_alloc : memref<!tpu.dma_semaphore, #tpu.memory_space<semaphore_mem>>
      %dma_start3A = tpu.memref_slice %arg2[%run_scoped3A, %mul3A_2] : memref<2x320000xi32, #tpu.memory_space<hbm>> -> memref<1x10000xi32, #tpu.memory_space<hbm>>
      %dma_start3A_16 = tpu.memref_squeeze %dma_start3A : memref<1x10000xi32, #tpu.memory_space<hbm>> -> memref<10000xi32, #tpu.memory_space<hbm>>
      %dma_start3A_17 = tpu.memref_slice %arg2[%run_scoped3A, %mul3A_2] : memref<2x320000xi32, #tpu.memory_space<hbm>> -> memref<1x10000xi32, #tpu.memory_space<hbm>>
      %dma_start3A_18 = tpu.memref_squeeze %dma_start3A_17 : memref<1x10000xi32, #tpu.memory_space<hbm>> -> memref<10000xi32, #tpu.memory_space<hbm>>
      tpu.enqueue_dma source(%dma_start3A_18 : memref<10000xi32, #tpu.memory_space<hbm>>) target(%arg6 : memref<10000xi32, #tpu.memory_space<vmem>>) target_semaphore(%run_scoped3A_15 : memref<!tpu.dma_semaphore, #tpu.memory_space<semaphore_mem>>)
      %dma_wait3A = tpu.memref_slice %arg2[%run_scoped3A, %mul3A_2] : memref<2x320000xi32, #tpu.memory_space<hbm>> -> memref<1x10000xi32, #tpu.memory_space<hbm>>
      %dma_wait3A_19 = tpu.memref_squeeze %dma_wait3A : memref<1x10000xi32, #tpu.memory_space<hbm>> -> memref<10000xi32, #tpu.memory_space<hbm>>
      %dma_wait3A_20 = tpu.memref_slice %arg2[%run_scoped3A, %mul3A_2] : memref<2x320000xi32, #tpu.memory_space<hbm>> -> memref<1x10000xi32, #tpu.memory_space<hbm>>
      %dma_wait3A_21 = tpu.memref_squeeze %dma_wait3A_20 : memref<1x10000xi32, #tpu.memory_space<hbm>> -> memref<10000xi32, #tpu.memory_space<hbm>>
      tpu.wait_dma2 semaphore(%run_scoped3A_15 : memref<!tpu.dma_semaphore, #tpu.memory_space<semaphore_mem>>) src(%dma_wait3A_21 : memref<10000xi32, #tpu.memory_space<hbm>>) dst(%arg6 : memref<10000xi32, #tpu.memory_space<vmem>>)
      tpu.yield
    }) : () -> ()
    %add3A_5 = arith.constant 9984 : i32
    %add3A_6 = arith.addi %mul3A_2, %add3A_5 : i32
    %run_scoped3A_7 = arith.constant 1 : i32
    "tpu.region"() ({
      %run_scoped3A_15 = tpu.sem_alloc : memref<!tpu.dma_semaphore, #tpu.memory_space<semaphore_mem>>
      %dma_start3A = tpu.memref_slice %arg2[%run_scoped3A_7, %add3A_6] : memref<2x320000xi32, #tpu.memory_space<hbm>> -> memref<1x16xi32, #tpu.memory_space<hbm>>
      %dma_start3A_16 = tpu.memref_squeeze %dma_start3A : memref<1x16xi32, #tpu.memory_space<hbm>> -> memref<16xi32, #tpu.memory_space<hbm>>
      %dma_start3A_17 = tpu.memref_slice %arg2[%run_scoped3A_7, %add3A_6] : memref<2x320000xi32, #tpu.memory_space<hbm>> -> memref<1x16xi32, #tpu.memory_space<hbm>>
      %dma_start3A_18 = tpu.memref_squeeze %dma_start3A_17 : memref<1x16xi32, #tpu.memory_space<hbm>> -> memref<16xi32, #tpu.memory_space<hbm>>
      tpu.enqueue_dma source(%dma_start3A_18 : memref<16xi32, #tpu.memory_space<hbm>>) target(%arg8 : memref<16xi32, #tpu.memory_space<vmem>>) target_semaphore(%run_scoped3A_15 : memref<!tpu.dma_semaphore, #tpu.memory_space<semaphore_mem>>)
      %dma_wait3A = tpu.memref_slice %arg2[%run_scoped3A_7, %add3A_6] : memref<2x320000xi32, #tpu.memory_space<hbm>> -> memref<1x16xi32, #tpu.memory_space<hbm>>
      %dma_wait3A_19 = tpu.memref_squeeze %dma_wait3A : memref<1x16xi32, #tpu.memory_space<hbm>> -> memref<16xi32, #tpu.memory_space<hbm>>
      %dma_wait3A_20 = tpu.memref_slice %arg2[%run_scoped3A_7, %add3A_6] : memref<2x320000xi32, #tpu.memory_space<hbm>> -> memref<1x16xi32, #tpu.memory_space<hbm>>
      %dma_wait3A_21 = tpu.memref_squeeze %dma_wait3A_20 : memref<1x16xi32, #tpu.memory_space<hbm>> -> memref<16xi32, #tpu.memory_space<hbm>>
      tpu.wait_dma2 semaphore(%run_scoped3A_15 : memref<!tpu.dma_semaphore, #tpu.memory_space<semaphore_mem>>) src(%dma_wait3A_21 : memref<16xi32, #tpu.memory_space<hbm>>) dst(%arg8 : memref<16xi32, #tpu.memory_space<vmem>>)
      tpu.yield
    }) : () -> ()
    "tpu.region"() ({
      %run_scoped3A_15 = tpu.sem_alloc : memref<!tpu.dma_semaphore, #tpu.memory_space<semaphore_mem>>
      tpu.enqueue_dma source(%arg3 : memref<128x8xf32, #tpu.memory_space<hbm>>) target(%arg7 : memref<128x8xf32, #tpu.memory_space<vmem>>) target_semaphore(%run_scoped3A_15 : memref<!tpu.dma_semaphore, #tpu.memory_space<semaphore_mem>>)
      tpu.wait_dma2 semaphore(%run_scoped3A_15 : memref<!tpu.dma_semaphore, #tpu.memory_space<semaphore_mem>>) src(%arg3 : memref<128x8xf32, #tpu.memory_space<hbm>>) dst(%arg7 : memref<128x8xf32, #tpu.memory_space<vmem>>)
      tpu.yield
    }) : () -> ()
    "tpu.region"() ({
      %run_scoped3A_15 = tpu.sem_alloc : memref<!tpu.dma_semaphore, #tpu.memory_space<semaphore_mem>>
      %dma_start3A = arith.constant 0 : i32
      %dma_start3A_16 = tpu.memref_slice %arg9[%mul3A_4, %dma_start3A] : memref<10000x8xf32, #tpu.memory_space<vmem_shared>> -> memref<625x8xf32, #tpu.memory_space<vmem_shared>>
      tpu.enqueue_dma source(%arg4 : memref<625x8xf32, #tpu.memory_space<hbm>>) target(%dma_start3A_16 : memref<625x8xf32, #tpu.memory_space<vmem_shared>>) target_semaphore(%run_scoped3A_15 : memref<!tpu.dma_semaphore, #tpu.memory_space<semaphore_mem>>)
      %dma_wait3A = arith.constant 0 : i32
      %dma_wait3A_17 = tpu.memref_slice %arg9[%mul3A_4, %dma_wait3A] : memref<10000x8xf32, #tpu.memory_space<vmem_shared>> -> memref<625x8xf32, #tpu.memory_space<vmem_shared>>
      tpu.wait_dma2 semaphore(%run_scoped3A_15 : memref<!tpu.dma_semaphore, #tpu.memory_space<semaphore_mem>>) src(%arg4 : memref<625x8xf32, #tpu.memory_space<hbm>>) dst(%dma_wait3A_17 : memref<625x8xf32, #tpu.memory_space<vmem_shared>>)
      tpu.yield
    }) : () -> ()
    %barrier3A = arith.constant 0 : index
    tpu.barrier barrier_id(%barrier3A)
    %scan3A = arith.constant 0 : i32
    %scan3A_8 = arith.constant 0 : i32
    %scan3A_9 = arith.constant 13 : i32
    %scan3A_10 = arith.addi %scan3A_8, %scan3A_9 : i32
    %scan3A_11 = arith.constant 1 : i32
    %scan3A_12 = scf.for %scan3A_15 = %scan3A_8 to %scan3A_10 step %scan3A_11 iter_args(%scan3A_16 = %scan3A) -> (i32)  : i32 {
      %mul3A_17 = arith.constant 6 : i32
      %mul3A_18 = arith.muli %scan3A_15, %mul3A_17 : i32
      %add3A_19 = arith.constant 0 : i32
      %add3A_20 = arith.addi %mul3A_18, %add3A_19 : i32
      %mul3A_21 = arith.constant 128 : i32
      %mul3A_22 = arith.muli %add3A_20, %mul3A_21 : i32
      %dma_start3A = tpu.memref_slice %arg6[%mul3A_22] : memref<10000xi32, #tpu.memory_space<vmem>> -> memref<128xi32, #tpu.memory_space<vmem>>
      %dma_start3A_23 = arith.constant 0 : i32
      %dma_start3A_24 = arith.constant 0 : i32
      %dma_start3A_25 = tpu.memref_slice %arg9[%dma_start3A_23, %dma_start3A_24] : memref<10000x8xf32, #tpu.memory_space<vmem_shared>> -> memref<10000x8xf32, #tpu.memory_space<vmem_shared>>
      tpu.enqueue_indirect_dma source(%arg7 : memref<128x8xf32, #tpu.memory_space<vmem>>) target(%dma_start3A_25 : memref<10000x8xf32, #tpu.memory_space<vmem_shared>>) offsets(%dma_start3A : memref<128xi32, #tpu.memory_space<vmem>>) semaphore(%arg10 : memref<!tpu.dma_semaphore, #tpu.memory_space<semaphore_mem>>) {add = true}
      %add3A_26 = arith.constant 1 : i32
      %add3A_27 = arith.addi %mul3A_18, %add3A_26 : i32
      %mul3A_28 = arith.constant 128 : i32
      %mul3A_29 = arith.muli %add3A_27, %mul3A_28 : i32
      %dma_start3A_30 = tpu.memref_slice %arg6[%mul3A_29] : memref<10000xi32, #tpu.memory_space<vmem>> -> memref<128xi32, #tpu.memory_space<vmem>>
      %dma_start3A_31 = arith.constant 0 : i32
      %dma_start3A_32 = arith.constant 0 : i32
      %dma_start3A_33 = tpu.memref_slice %arg9[%dma_start3A_31, %dma_start3A_32] : memref<10000x8xf32, #tpu.memory_space<vmem_shared>> -> memref<10000x8xf32, #tpu.memory_space<vmem_shared>>
      tpu.enqueue_indirect_dma source(%arg7 : memref<128x8xf32, #tpu.memory_space<vmem>>) target(%dma_start3A_33 : memref<10000x8xf32, #tpu.memory_space<vmem_shared>>) offsets(%dma_start3A_30 : memref<128xi32, #tpu.memory_space<vmem>>) semaphore(%arg10 : memref<!tpu.dma_semaphore, #tpu.memory_space<semaphore_mem>>) {add = true}
      %add3A_34 = arith.constant 2 : i32
      %add3A_35 = arith.addi %mul3A_18, %add3A_34 : i32
      %mul3A_36 = arith.constant 128 : i32
      %mul3A_37 = arith.muli %add3A_35, %mul3A_36 : i32
      %dma_start3A_38 = tpu.memref_slice %arg6[%mul3A_37] : memref<10000xi32, #tpu.memory_space<vmem>> -> memref<128xi32, #tpu.memory_space<vmem>>
      %dma_start3A_39 = arith.constant 0 : i32
      %dma_start3A_40 = arith.constant 0 : i32
      %dma_start3A_41 = tpu.memref_slice %arg9[%dma_start3A_39, %dma_start3A_40] : memref<10000x8xf32, #tpu.memory_space<vmem_shared>> -> memref<10000x8xf32, #tpu.memory_space<vmem_shared>>
      tpu.enqueue_indirect_dma source(%arg7 : memref<128x8xf32, #tpu.memory_space<vmem>>) target(%dma_start3A_41 : memref<10000x8xf32, #tpu.memory_space<vmem_shared>>) offsets(%dma_start3A_38 : memref<128xi32, #tpu.memory_space<vmem>>) semaphore(%arg10 : memref<!tpu.dma_semaphore, #tpu.memory_space<semaphore_mem>>) {add = true}
      %add3A_42 = arith.constant 3 : i32
      %add3A_43 = arith.addi %mul3A_18, %add3A_42 : i32
      %mul3A_44 = arith.constant 128 : i32
      %mul3A_45 = arith.muli %add3A_43, %mul3A_44 : i32
      %dma_start3A_46 = tpu.memref_slice %arg6[%mul3A_45] : memref<10000xi32, #tpu.memory_space<vmem>> -> memref<128xi32, #tpu.memory_space<vmem>>
      %dma_start3A_47 = arith.constant 0 : i32
      %dma_start3A_48 = arith.constant 0 : i32
      %dma_start3A_49 = tpu.memref_slice %arg9[%dma_start3A_47, %dma_start3A_48] : memref<10000x8xf32, #tpu.memory_space<vmem_shared>> -> memref<10000x8xf32, #tpu.memory_space<vmem_shared>>
      tpu.enqueue_indirect_dma source(%arg7 : memref<128x8xf32, #tpu.memory_space<vmem>>) target(%dma_start3A_49 : memref<10000x8xf32, #tpu.memory_space<vmem_shared>>) offsets(%dma_start3A_46 : memref<128xi32, #tpu.memory_space<vmem>>) semaphore(%arg10 : memref<!tpu.dma_semaphore, #tpu.memory_space<semaphore_mem>>) {add = true}
      %add3A_50 = arith.constant 4 : i32
      %add3A_51 = arith.addi %mul3A_18, %add3A_50 : i32
      %mul3A_52 = arith.constant 128 : i32
      %mul3A_53 = arith.muli %add3A_51, %mul3A_52 : i32
      %dma_start3A_54 = tpu.memref_slice %arg6[%mul3A_53] : memref<10000xi32, #tpu.memory_space<vmem>> -> memref<128xi32, #tpu.memory_space<vmem>>
      %dma_start3A_55 = arith.constant 0 : i32
      %dma_start3A_56 = arith.constant 0 : i32
      %dma_start3A_57 = tpu.memref_slice %arg9[%dma_start3A_55, %dma_start3A_56] : memref<10000x8xf32, #tpu.memory_space<vmem_shared>> -> memref<10000x8xf32, #tpu.memory_space<vmem_shared>>
      tpu.enqueue_indirect_dma source(%arg7 : memref<128x8xf32, #tpu.memory_space<vmem>>) target(%dma_start3A_57 : memref<10000x8xf32, #tpu.memory_space<vmem_shared>>) offsets(%dma_start3A_54 : memref<128xi32, #tpu.memory_space<vmem>>) semaphore(%arg10 : memref<!tpu.dma_semaphore, #tpu.memory_space<semaphore_mem>>) {add = true}
      %add3A_58 = arith.constant 5 : i32
      %add3A_59 = arith.addi %mul3A_18, %add3A_58 : i32
      %mul3A_60 = arith.constant 128 : i32
      %mul3A_61 = arith.muli %add3A_59, %mul3A_60 : i32
      %dma_start3A_62 = tpu.memref_slice %arg6[%mul3A_61] : memref<10000xi32, #tpu.memory_space<vmem>> -> memref<128xi32, #tpu.memory_space<vmem>>
      %dma_start3A_63 = arith.constant 0 : i32
      %dma_start3A_64 = arith.constant 0 : i32
      %dma_start3A_65 = tpu.memref_slice %arg9[%dma_start3A_63, %dma_start3A_64] : memref<10000x8xf32, #tpu.memory_space<vmem_shared>> -> memref<10000x8xf32, #tpu.memory_space<vmem_shared>>
      tpu.enqueue_indirect_dma source(%arg7 : memref<128x8xf32, #tpu.memory_space<vmem>>) target(%dma_start3A_65 : memref<10000x8xf32, #tpu.memory_space<vmem_shared>>) offsets(%dma_start3A_62 : memref<128xi32, #tpu.memory_space<vmem>>) semaphore(%arg10 : memref<!tpu.dma_semaphore, #tpu.memory_space<semaphore_mem>>) {add = true}
      %add3A_66 = arith.constant 0 : i32
      %add3A_67 = arith.addi %mul3A_18, %add3A_66 : i32
      %mul3A_68 = arith.constant 128 : i32
      %mul3A_69 = arith.muli %add3A_67, %mul3A_68 : i32
      %dma_wait3A = tpu.memref_slice %arg6[%mul3A_69] : memref<10000xi32, #tpu.memory_space<vmem>> -> memref<128xi32, #tpu.memory_space<vmem>>
      %dma_wait3A_70 = arith.constant 0 : i32
      %dma_wait3A_71 = arith.constant 0 : i32
      %dma_wait3A_72 = tpu.memref_slice %arg9[%dma_wait3A_70, %dma_wait3A_71] : memref<10000x8xf32, #tpu.memory_space<vmem_shared>> -> memref<10000x8xf32, #tpu.memory_space<vmem_shared>>
      tpu.wait_indirect_dma semaphore(%arg10 : memref<!tpu.dma_semaphore, #tpu.memory_space<semaphore_mem>>) src(%arg7 : memref<128x8xf32, #tpu.memory_space<vmem>>) dst(%dma_wait3A_72 : memref<10000x8xf32, #tpu.memory_space<vmem_shared>>)
      %add3A_73 = arith.constant 1 : i32
      %add3A_74 = arith.addi %mul3A_18, %add3A_73 : i32
      %mul3A_75 = arith.constant 128 : i32
      %mul3A_76 = arith.muli %add3A_74, %mul3A_75 : i32
      %dma_wait3A_77 = tpu.memref_slice %arg6[%mul3A_76] : memref<10000xi32, #tpu.memory_space<vmem>> -> memref<128xi32, #tpu.memory_space<vmem>>
      %dma_wait3A_78 = arith.constant 0 : i32
      %dma_wait3A_79 = arith.constant 0 : i32
      %dma_wait3A_80 = tpu.memref_slice %arg9[%dma_wait3A_78, %dma_wait3A_79] : memref<10000x8xf32, #tpu.memory_space<vmem_shared>> -> memref<10000x8xf32, #tpu.memory_space<vmem_shared>>
      tpu.wait_indirect_dma semaphore(%arg10 : memref<!tpu.dma_semaphore, #tpu.memory_space<semaphore_mem>>) src(%arg7 : memref<128x8xf32, #tpu.memory_space<vmem>>) dst(%dma_wait3A_80 : memref<10000x8xf32, #tpu.memory_space<vmem_shared>>)
      %add3A_81 = arith.constant 2 : i32
      %add3A_82 = arith.addi %mul3A_18, %add3A_81 : i32
      %mul3A_83 = arith.constant 128 : i32
      %mul3A_84 = arith.muli %add3A_82, %mul3A_83 : i32
      %dma_wait3A_85 = tpu.memref_slice %arg6[%mul3A_84] : memref<10000xi32, #tpu.memory_space<vmem>> -> memref<128xi32, #tpu.memory_space<vmem>>
      %dma_wait3A_86 = arith.constant 0 : i32
      %dma_wait3A_87 = arith.constant 0 : i32
      %dma_wait3A_88 = tpu.memref_slice %arg9[%dma_wait3A_86, %dma_wait3A_87] : memref<10000x8xf32, #tpu.memory_space<vmem_shared>> -> memref<10000x8xf32, #tpu.memory_space<vmem_shared>>
      tpu.wait_indirect_dma semaphore(%arg10 : memref<!tpu.dma_semaphore, #tpu.memory_space<semaphore_mem>>) src(%arg7 : memref<128x8xf32, #tpu.memory_space<vmem>>) dst(%dma_wait3A_88 : memref<10000x8xf32, #tpu.memory_space<vmem_shared>>)
      %add3A_89 = arith.constant 3 : i32
      %add3A_90 = arith.addi %mul3A_18, %add3A_89 : i32
      %mul3A_91 = arith.constant 128 : i32
      %mul3A_92 = arith.muli %add3A_90, %mul3A_91 : i32
      %dma_wait3A_93 = tpu.memref_slice %arg6[%mul3A_92] : memref<10000xi32, #tpu.memory_space<vmem>> -> memref<128xi32, #tpu.memory_space<vmem>>
      %dma_wait3A_94 = arith.constant 0 : i32
      %dma_wait3A_95 = arith.constant 0 : i32
      %dma_wait3A_96 = tpu.memref_slice %arg9[%dma_wait3A_94, %dma_wait3A_95] : memref<10000x8xf32, #tpu.memory_space<vmem_shared>> -> memref<10000x8xf32, #tpu.memory_space<vmem_shared>>
      tpu.wait_indirect_dma semaphore(%arg10 : memref<!tpu.dma_semaphore, #tpu.memory_space<semaphore_mem>>) src(%arg7 : memref<128x8xf32, #tpu.memory_space<vmem>>) dst(%dma_wait3A_96 : memref<10000x8xf32, #tpu.memory_space<vmem_shared>>)
      %add3A_97 = arith.constant 4 : i32
      %add3A_98 = arith.addi %mul3A_18, %add3A_97 : i32
      %mul3A_99 = arith.constant 128 : i32
      %mul3A_100 = arith.muli %add3A_98, %mul3A_99 : i32
      %dma_wait3A_101 = tpu.memref_slice %arg6[%mul3A_100] : memref<10000xi32, #tpu.memory_space<vmem>> -> memref<128xi32, #tpu.memory_space<vmem>>
      %dma_wait3A_102 = arith.constant 0 : i32
      %dma_wait3A_103 = arith.constant 0 : i32
      %dma_wait3A_104 = tpu.memref_slice %arg9[%dma_wait3A_102, %dma_wait3A_103] : memref<10000x8xf32, #tpu.memory_space<vmem_shared>> -> memref<10000x8xf32, #tpu.memory_space<vmem_shared>>
      tpu.wait_indirect_dma semaphore(%arg10 : memref<!tpu.dma_semaphore, #tpu.memory_space<semaphore_mem>>) src(%arg7 : memref<128x8xf32, #tpu.memory_space<vmem>>) dst(%dma_wait3A_104 : memref<10000x8xf32, #tpu.memory_space<vmem_shared>>)
      %add3A_105 = arith.constant 5 : i32
      %add3A_106 = arith.addi %mul3A_18, %add3A_105 : i32
      %mul3A_107 = arith.constant 128 : i32
      %mul3A_108 = arith.muli %add3A_106, %mul3A_107 : i32
      %dma_wait3A_109 = tpu.memref_slice %arg6[%mul3A_108] : memref<10000xi32, #tpu.memory_space<vmem>> -> memref<128xi32, #tpu.memory_space<vmem>>
      %dma_wait3A_110 = arith.constant 0 : i32
      %dma_wait3A_111 = arith.constant 0 : i32
      %dma_wait3A_112 = tpu.memref_slice %arg9[%dma_wait3A_110, %dma_wait3A_111] : memref<10000x8xf32, #tpu.memory_space<vmem_shared>> -> memref<10000x8xf32, #tpu.memory_space<vmem_shared>>
      tpu.wait_indirect_dma semaphore(%arg10 : memref<!tpu.dma_semaphore, #tpu.memory_space<semaphore_mem>>) src(%arg7 : memref<128x8xf32, #tpu.memory_space<vmem>>) dst(%dma_wait3A_112 : memref<10000x8xf32, #tpu.memory_space<vmem_shared>>)
      %scan3A_113 = arith.constant 0 : i32
      scf.yield %scan3A_113 : i32
    }
    %scan3A_13 = arith.constant 13 : i32
    "tpu.region"() ({
      %run_scoped3A_15 = tpu.sem_alloc : memref<!tpu.dma_semaphore, #tpu.memory_space<semaphore_mem>>
      %dma_start3A = arith.constant 0 : i32
      %dma_start3A_16 = arith.constant 0 : i32
      %dma_start3A_17 = tpu.memref_slice %arg7[%dma_start3A, %dma_start3A_16] : memref<128x8xf32, #tpu.memory_space<vmem>> -> memref<16x8xf32, #tpu.memory_space<vmem>>
      %dma_start3A_18 = arith.constant 0 : i32
      %dma_start3A_19 = arith.constant 0 : i32
      %dma_start3A_20 = tpu.memref_slice %arg9[%dma_start3A_18, %dma_start3A_19] : memref<10000x8xf32, #tpu.memory_space<vmem_shared>> -> memref<10000x8xf32, #tpu.memory_space<vmem_shared>>
      tpu.enqueue_indirect_dma source(%dma_start3A_17 : memref<16x8xf32, #tpu.memory_space<vmem>>) target(%dma_start3A_20 : memref<10000x8xf32, #tpu.memory_space<vmem_shared>>) offsets(%arg8 : memref<16xi32, #tpu.memory_space<vmem>>) semaphore(%run_scoped3A_15 : memref<!tpu.dma_semaphore, #tpu.memory_space<semaphore_mem>>) {add = true}
      %dma_wait3A = arith.constant 0 : i32
      %dma_wait3A_21 = arith.constant 0 : i32
      %dma_wait3A_22 = tpu.memref_slice %arg7[%dma_wait3A, %dma_wait3A_21] : memref<128x8xf32, #tpu.memory_space<vmem>> -> memref<16x8xf32, #tpu.memory_space<vmem>>
      %dma_wait3A_23 = arith.constant 0 : i32
      %dma_wait3A_24 = arith.constant 0 : i32
      %dma_wait3A_25 = tpu.memref_slice %arg9[%dma_wait3A_23, %dma_wait3A_24] : memref<10000x8xf32, #tpu.memory_space<vmem_shared>> -> memref<10000x8xf32, #tpu.memory_space<vmem_shared>>
      tpu.wait_indirect_dma semaphore(%run_scoped3A_15 : memref<!tpu.dma_semaphore, #tpu.memory_space<semaphore_mem>>) src(%dma_wait3A_22 : memref<16x8xf32, #tpu.memory_space<vmem>>) dst(%dma_wait3A_25 : memref<10000x8xf32, #tpu.memory_space<vmem_shared>>)
      tpu.yield
    }) : () -> ()
    %barrier3A_14 = arith.constant 0 : index
    tpu.barrier barrier_id(%barrier3A_14)
    "tpu.region"() ({
      %run_scoped3A_15 = tpu.sem_alloc : memref<!tpu.dma_semaphore, #tpu.memory_space<semaphore_mem>>
      %dma_start3A = arith.constant 0 : i32
      %dma_start3A_16 = tpu.memref_slice %arg5[%arg0, %mul3A_4, %dma_start3A] : memref<2x10000x8xf32, #tpu.memory_space<hbm>> -> memref<1x625x8xf32, #tpu.memory_space<hbm>>
      %dma_start3A_17 = tpu.memref_squeeze %dma_start3A_16 : memref<1x625x8xf32, #tpu.memory_space<hbm>> -> memref<625x8xf32, #tpu.memory_space<hbm>>
      %dma_start3A_18 = arith.constant 0 : i32
      %dma_start3A_19 = tpu.memref_slice %arg9[%mul3A_4, %dma_start3A_18] : memref<10000x8xf32, #tpu.memory_space<vmem_shared>> -> memref<625x8xf32, #tpu.memory_space<vmem_shared>>
      tpu.enqueue_dma source(%dma_start3A_19 : memref<625x8xf32, #tpu.memory_space<vmem_shared>>) target(%dma_start3A_17 : memref<625x8xf32, #tpu.memory_space<hbm>>) target_semaphore(%run_scoped3A_15 : memref<!tpu.dma_semaphore, #tpu.memory_space<semaphore_mem>>)
      %dma_wait3A = arith.constant 0 : i32
      %dma_wait3A_20 = tpu.memref_slice %arg5[%arg0, %mul3A_4, %dma_wait3A] : memref<2x10000x8xf32, #tpu.memory_space<hbm>> -> memref<1x625x8xf32, #tpu.memory_space<hbm>>
      %dma_wait3A_21 = tpu.memref_squeeze %dma_wait3A_20 : memref<1x625x8xf32, #tpu.memory_space<hbm>> -> memref<625x8xf32, #tpu.memory_space<hbm>>
      %dma_wait3A_22 = arith.constant 0 : i32
      %dma_wait3A_23 = tpu.memref_slice %arg9[%mul3A_4, %dma_wait3A_22] : memref<10000x8xf32, #tpu.memory_space<vmem_shared>> -> memref<625x8xf32, #tpu.memory_space<vmem_shared>>
      tpu.wait_dma2 semaphore(%run_scoped3A_15 : memref<!tpu.dma_semaphore, #tpu.memory_space<semaphore_mem>>) src(%dma_wait3A_23 : memref<625x8xf32, #tpu.memory_space<vmem_shared>>) dst(%dma_wait3A_21 : memref<625x8xf32, #tpu.memory_space<hbm>>)
      tpu.yield
    }) : () -> ()
    return
  }
}

#map = affine_map<(d0, d1) -> (0, 0)>
#map1 = affine_map<(d0, d1) -> (0, 0, 0)>
module attributes {stable_mosaic.version = 14 : i64} {
  func.func @body(%arg0: i32, %arg1: i32, %arg2: memref<10000x128xbf16, #tpu.memory_space<hbm>>, %arg3: memref<2x320000xi32, #tpu.memory_space<hbm>>, %arg4: memref<2x10000x128xf32, #tpu.memory_space<hbm>>, %arg5: memref<10000xi32, #tpu.memory_space<vmem>>, %arg6: memref<10000xi32, #tpu.memory_space<vmem>>, %arg7: memref<16xi32, #tpu.memory_space<vmem>>, %arg8: memref<128x128xbf16, #tpu.memory_space<vmem>>, %arg9: memref<128x128xbf16, #tpu.memory_space<vmem>>, %arg10: memref<128x128xbf16, #tpu.memory_space<vmem>>, %arg11: memref<128x128xbf16, #tpu.memory_space<vmem>>, %arg12: memref<128x128xbf16, #tpu.memory_space<vmem>>, %arg13: memref<128x128xbf16, #tpu.memory_space<vmem>>, %arg14: memref<!tpu.dma_semaphore, #tpu.memory_space<semaphore_mem>>, %arg15: memref<!tpu.dma_semaphore, #tpu.memory_space<semaphore_mem>>, %arg16: memref<!tpu.dma_semaphore, #tpu.memory_space<semaphore_mem>>, %arg17: memref<!tpu.dma_semaphore, #tpu.memory_space<semaphore_mem>>, %arg18: memref<!tpu.dma_semaphore, #tpu.memory_space<semaphore_mem>>, %arg19: memref<!tpu.dma_semaphore, #tpu.memory_space<semaphore_mem>>, %arg20: memref<128x128xf32, #tpu.memory_space<vmem>>, %arg21: memref<10000x128xbf16, #tpu.memory_space<vmem_shared>>) attributes {dimension_semantics = [#tpu.dimension_semantics<core_parallel>, #tpu.dimension_semantics<subcore_parallel>], iteration_bounds = array<i64: 2, 16>, scalar_prefetch = 0 : i64, scratch_operands = 17 : i64, tpu.core_type = #tpu.core_type<sc_vector_subcore>, window_params = [{transform_indices = #map}, {transform_indices = #map}, {transform_indices = #map1}]} {
    %mul3A = arith.constant 2 : i32
    %mul3A_0 = arith.muli %arg1, %mul3A : i32
    %add3A = arith.addi %mul3A_0, %arg0 : i32
    %mul3A_1 = arith.constant 10000 : i32
    %mul3A_2 = arith.muli %add3A, %mul3A_1 : i32
    %mul3A_3 = arith.constant 625 : i32
    %mul3A_4 = arith.muli %arg1, %mul3A_3 : i32
    %broadcast_in_dim3A = arith.constant 0.000000e+00 : bf16
    %broadcast_in_dim3A_5 = vector.broadcast %broadcast_in_dim3A : bf16 to vector<32xbf16>
    %scan3A = arith.constant 0 : i32
    %scan3A_6 = arith.constant 0 : i32
    %scan3A_7 = arith.constant 128 : i32
    %scan3A_8 = arith.addi %scan3A_6, %scan3A_7 : i32
    %scan3A_9 = arith.constant 1 : i32
    %scan3A_10 = scf.for %scan3A_129 = %scan3A_6 to %scan3A_8 step %scan3A_9 iter_args(%scan3A_130 = %scan3A) -> (i32)  : i32 {
      %swap3A = arith.index_cast %scan3A_129 : i32 to index
      %swap3A_131 = arith.constant 0 : index
      %swap3A_132 = tpu.vector_load %arg8[%swap3A, %swap3A_131] {strides = array<i32>} : memref<128x128xbf16, #tpu.memory_space<vmem>>, vector<32xbf16>,
      tpu.vector_store %arg8[%swap3A, %swap3A_131], %broadcast_in_dim3A_5 {strides = array<i32>} : memref<128x128xbf16, #tpu.memory_space<vmem>>, vector<32xbf16>,
      %swap3A_133 = arith.index_cast %scan3A_129 : i32 to index
      %swap3A_134 = arith.constant 32 : index
      %swap3A_135 = tpu.vector_load %arg8[%swap3A_133, %swap3A_134] {strides = array<i32>} : memref<128x128xbf16, #tpu.memory_space<vmem>>, vector<32xbf16>,
      tpu.vector_store %arg8[%swap3A_133, %swap3A_134], %broadcast_in_dim3A_5 {strides = array<i32>} : memref<128x128xbf16, #tpu.memory_space<vmem>>, vector<32xbf16>,
      %swap3A_136 = arith.index_cast %scan3A_129 : i32 to index
      %swap3A_137 = arith.constant 64 : index
      %swap3A_138 = tpu.vector_load %arg8[%swap3A_136, %swap3A_137] {strides = array<i32>} : memref<128x128xbf16, #tpu.memory_space<vmem>>, vector<32xbf16>,
      tpu.vector_store %arg8[%swap3A_136, %swap3A_137], %broadcast_in_dim3A_5 {strides = array<i32>} : memref<128x128xbf16, #tpu.memory_space<vmem>>, vector<32xbf16>,
      %swap3A_139 = arith.index_cast %scan3A_129 : i32 to index
      %swap3A_140 = arith.constant 96 : index
      %swap3A_141 = tpu.vector_load %arg8[%swap3A_139, %swap3A_140] {strides = array<i32>} : memref<128x128xbf16, #tpu.memory_space<vmem>>, vector<32xbf16>,
      tpu.vector_store %arg8[%swap3A_139, %swap3A_140], %broadcast_in_dim3A_5 {strides = array<i32>} : memref<128x128xbf16, #tpu.memory_space<vmem>>, vector<32xbf16>,
      %scan3A_142 = arith.constant 0 : i32
      scf.yield %scan3A_142 : i32
    }
    %scan3A_11 = arith.constant 128 : i32
    %add3A_12 = arith.constant 0 : i32
    %add3A_13 = arith.addi %mul3A_4, %add3A_12 : i32
    "tpu.region"() ({
      %run_scoped3A_129 = tpu.sem_alloc : memref<!tpu.dma_semaphore, #tpu.memory_space<semaphore_mem>>
      %dma_start3A_130 = arith.constant 0 : i32
      %dma_start3A_131 = tpu.memref_slice %arg21[%add3A_13, %dma_start3A_130] : memref<10000x128xbf16, #tpu.memory_space<vmem_shared>> -> memref<128x128xbf16, #tpu.memory_space<vmem_shared>>
      %dma_start3A_132 = arith.constant 0 : i32
      %dma_start3A_133 = tpu.memref_slice %arg21[%add3A_13, %dma_start3A_132] : memref<10000x128xbf16, #tpu.memory_space<vmem_shared>> -> memref<128x128xbf16, #tpu.memory_space<vmem_shared>>
      tpu.enqueue_dma source(%arg8 : memref<128x128xbf16, #tpu.memory_space<vmem>>) target(%dma_start3A_133 : memref<128x128xbf16, #tpu.memory_space<vmem_shared>>) target_semaphore(%run_scoped3A_129 : memref<!tpu.dma_semaphore, #tpu.memory_space<semaphore_mem>>)
      %dma_wait3A_134 = arith.constant 0 : i32
      %dma_wait3A_135 = tpu.memref_slice %arg21[%add3A_13, %dma_wait3A_134] : memref<10000x128xbf16, #tpu.memory_space<vmem_shared>> -> memref<128x128xbf16, #tpu.memory_space<vmem_shared>>
      %dma_wait3A_136 = arith.constant 0 : i32
      %dma_wait3A_137 = tpu.memref_slice %arg21[%add3A_13, %dma_wait3A_136] : memref<10000x128xbf16, #tpu.memory_space<vmem_shared>> -> memref<128x128xbf16, #tpu.memory_space<vmem_shared>>
      tpu.wait_dma2 semaphore(%run_scoped3A_129 : memref<!tpu.dma_semaphore, #tpu.memory_space<semaphore_mem>>) src(%arg8 : memref<128x128xbf16, #tpu.memory_space<vmem>>) dst(%dma_wait3A_137 : memref<128x128xbf16, #tpu.memory_space<vmem_shared>>)
      tpu.yield
    }) : () -> ()
    %add3A_14 = arith.constant 128 : i32
    %add3A_15 = arith.addi %mul3A_4, %add3A_14 : i32
    "tpu.region"() ({
      %run_scoped3A_129 = tpu.sem_alloc : memref<!tpu.dma_semaphore, #tpu.memory_space<semaphore_mem>>
      %dma_start3A_130 = arith.constant 0 : i32
      %dma_start3A_131 = tpu.memref_slice %arg21[%add3A_15, %dma_start3A_130] : memref<10000x128xbf16, #tpu.memory_space<vmem_shared>> -> memref<128x128xbf16, #tpu.memory_space<vmem_shared>>
      %dma_start3A_132 = arith.constant 0 : i32
      %dma_start3A_133 = tpu.memref_slice %arg21[%add3A_15, %dma_start3A_132] : memref<10000x128xbf16, #tpu.memory_space<vmem_shared>> -> memref<128x128xbf16, #tpu.memory_space<vmem_shared>>
      tpu.enqueue_dma source(%arg8 : memref<128x128xbf16, #tpu.memory_space<vmem>>) target(%dma_start3A_133 : memref<128x128xbf16, #tpu.memory_space<vmem_shared>>) target_semaphore(%run_scoped3A_129 : memref<!tpu.dma_semaphore, #tpu.memory_space<semaphore_mem>>)
      %dma_wait3A_134 = arith.constant 0 : i32
      %dma_wait3A_135 = tpu.memref_slice %arg21[%add3A_15, %dma_wait3A_134] : memref<10000x128xbf16, #tpu.memory_space<vmem_shared>> -> memref<128x128xbf16, #tpu.memory_space<vmem_shared>>
      %dma_wait3A_136 = arith.constant 0 : i32
      %dma_wait3A_137 = tpu.memref_slice %arg21[%add3A_15, %dma_wait3A_136] : memref<10000x128xbf16, #tpu.memory_space<vmem_shared>> -> memref<128x128xbf16, #tpu.memory_space<vmem_shared>>
      tpu.wait_dma2 semaphore(%run_scoped3A_129 : memref<!tpu.dma_semaphore, #tpu.memory_space<semaphore_mem>>) src(%arg8 : memref<128x128xbf16, #tpu.memory_space<vmem>>) dst(%dma_wait3A_137 : memref<128x128xbf16, #tpu.memory_space<vmem_shared>>)
      tpu.yield
    }) : () -> ()
    %add3A_16 = arith.constant 256 : i32
    %add3A_17 = arith.addi %mul3A_4, %add3A_16 : i32
    "tpu.region"() ({
      %run_scoped3A_129 = tpu.sem_alloc : memref<!tpu.dma_semaphore, #tpu.memory_space<semaphore_mem>>
      %dma_start3A_130 = arith.constant 0 : i32
      %dma_start3A_131 = tpu.memref_slice %arg21[%add3A_17, %dma_start3A_130] : memref<10000x128xbf16, #tpu.memory_space<vmem_shared>> -> memref<128x128xbf16, #tpu.memory_space<vmem_shared>>
      %dma_start3A_132 = arith.constant 0 : i32
      %dma_start3A_133 = tpu.memref_slice %arg21[%add3A_17, %dma_start3A_132] : memref<10000x128xbf16, #tpu.memory_space<vmem_shared>> -> memref<128x128xbf16, #tpu.memory_space<vmem_shared>>
      tpu.enqueue_dma source(%arg8 : memref<128x128xbf16, #tpu.memory_space<vmem>>) target(%dma_start3A_133 : memref<128x128xbf16, #tpu.memory_space<vmem_shared>>) target_semaphore(%run_scoped3A_129 : memref<!tpu.dma_semaphore, #tpu.memory_space<semaphore_mem>>)
      %dma_wait3A_134 = arith.constant 0 : i32
      %dma_wait3A_135 = tpu.memref_slice %arg21[%add3A_17, %dma_wait3A_134] : memref<10000x128xbf16, #tpu.memory_space<vmem_shared>> -> memref<128x128xbf16, #tpu.memory_space<vmem_shared>>
      %dma_wait3A_136 = arith.constant 0 : i32
      %dma_wait3A_137 = tpu.memref_slice %arg21[%add3A_17, %dma_wait3A_136] : memref<10000x128xbf16, #tpu.memory_space<vmem_shared>> -> memref<128x128xbf16, #tpu.memory_space<vmem_shared>>
      tpu.wait_dma2 semaphore(%run_scoped3A_129 : memref<!tpu.dma_semaphore, #tpu.memory_space<semaphore_mem>>) src(%arg8 : memref<128x128xbf16, #tpu.memory_space<vmem>>) dst(%dma_wait3A_137 : memref<128x128xbf16, #tpu.memory_space<vmem_shared>>)
      tpu.yield
    }) : () -> ()
    %add3A_18 = arith.constant 384 : i32
    %add3A_19 = arith.addi %mul3A_4, %add3A_18 : i32
    "tpu.region"() ({
      %run_scoped3A_129 = tpu.sem_alloc : memref<!tpu.dma_semaphore, #tpu.memory_space<semaphore_mem>>
      %dma_start3A_130 = arith.constant 0 : i32
      %dma_start3A_131 = tpu.memref_slice %arg21[%add3A_19, %dma_start3A_130] : memref<10000x128xbf16, #tpu.memory_space<vmem_shared>> -> memref<128x128xbf16, #tpu.memory_space<vmem_shared>>
      %dma_start3A_132 = arith.constant 0 : i32
      %dma_start3A_133 = tpu.memref_slice %arg21[%add3A_19, %dma_start3A_132] : memref<10000x128xbf16, #tpu.memory_space<vmem_shared>> -> memref<128x128xbf16, #tpu.memory_space<vmem_shared>>
      tpu.enqueue_dma source(%arg8 : memref<128x128xbf16, #tpu.memory_space<vmem>>) target(%dma_start3A_133 : memref<128x128xbf16, #tpu.memory_space<vmem_shared>>) target_semaphore(%run_scoped3A_129 : memref<!tpu.dma_semaphore, #tpu.memory_space<semaphore_mem>>)
      %dma_wait3A_134 = arith.constant 0 : i32
      %dma_wait3A_135 = tpu.memref_slice %arg21[%add3A_19, %dma_wait3A_134] : memref<10000x128xbf16, #tpu.memory_space<vmem_shared>> -> memref<128x128xbf16, #tpu.memory_space<vmem_shared>>
      %dma_wait3A_136 = arith.constant 0 : i32
      %dma_wait3A_137 = tpu.memref_slice %arg21[%add3A_19, %dma_wait3A_136] : memref<10000x128xbf16, #tpu.memory_space<vmem_shared>> -> memref<128x128xbf16, #tpu.memory_space<vmem_shared>>
      tpu.wait_dma2 semaphore(%run_scoped3A_129 : memref<!tpu.dma_semaphore, #tpu.memory_space<semaphore_mem>>) src(%arg8 : memref<128x128xbf16, #tpu.memory_space<vmem>>) dst(%dma_wait3A_137 : memref<128x128xbf16, #tpu.memory_space<vmem_shared>>)
      tpu.yield
    }) : () -> ()
    %add3A_20 = arith.constant 512 : i32
    %add3A_21 = arith.addi %mul3A_4, %add3A_20 : i32
    "tpu.region"() ({
      %run_scoped3A_129 = tpu.sem_alloc : memref<!tpu.dma_semaphore, #tpu.memory_space<semaphore_mem>>
      %dma_start3A_130 = arith.constant 0 : i32
      %dma_start3A_131 = arith.constant 0 : i32
      %dma_start3A_132 = tpu.memref_slice %arg8[%dma_start3A_130, %dma_start3A_131] : memref<128x128xbf16, #tpu.memory_space<vmem>> -> memref<113x128xbf16, #tpu.memory_space<vmem>>
      %dma_start3A_133 = arith.constant 0 : i32
      %dma_start3A_134 = tpu.memref_slice %arg21[%add3A_21, %dma_start3A_133] : memref<10000x128xbf16, #tpu.memory_space<vmem_shared>> -> memref<113x128xbf16, #tpu.memory_space<vmem_shared>>
      %dma_start3A_135 = arith.constant 0 : i32
      %dma_start3A_136 = tpu.memref_slice %arg21[%add3A_21, %dma_start3A_135] : memref<10000x128xbf16, #tpu.memory_space<vmem_shared>> -> memref<113x128xbf16, #tpu.memory_space<vmem_shared>>
      %dma_start3A_137 = arith.constant 0 : i32
      %dma_start3A_138 = arith.constant 0 : i32
      %dma_start3A_139 = tpu.memref_slice %arg8[%dma_start3A_137, %dma_start3A_138] : memref<128x128xbf16, #tpu.memory_space<vmem>> -> memref<113x128xbf16, #tpu.memory_space<vmem>>
      tpu.enqueue_dma source(%dma_start3A_139 : memref<113x128xbf16, #tpu.memory_space<vmem>>) target(%dma_start3A_136 : memref<113x128xbf16, #tpu.memory_space<vmem_shared>>) target_semaphore(%run_scoped3A_129 : memref<!tpu.dma_semaphore, #tpu.memory_space<semaphore_mem>>)
      %dma_wait3A_140 = arith.constant 0 : i32
      %dma_wait3A_141 = arith.constant 0 : i32
      %dma_wait3A_142 = tpu.memref_slice %arg8[%dma_wait3A_140, %dma_wait3A_141] : memref<128x128xbf16, #tpu.memory_space<vmem>> -> memref<113x128xbf16, #tpu.memory_space<vmem>>
      %dma_wait3A_143 = arith.constant 0 : i32
      %dma_wait3A_144 = tpu.memref_slice %arg21[%add3A_21, %dma_wait3A_143] : memref<10000x128xbf16, #tpu.memory_space<vmem_shared>> -> memref<113x128xbf16, #tpu.memory_space<vmem_shared>>
      %dma_wait3A_145 = arith.constant 0 : i32
      %dma_wait3A_146 = tpu.memref_slice %arg21[%add3A_21, %dma_wait3A_145] : memref<10000x128xbf16, #tpu.memory_space<vmem_shared>> -> memref<113x128xbf16, #tpu.memory_space<vmem_shared>>
      %dma_wait3A_147 = arith.constant 0 : i32
      %dma_wait3A_148 = arith.constant 0 : i32
      %dma_wait3A_149 = tpu.memref_slice %arg8[%dma_wait3A_147, %dma_wait3A_148] : memref<128x128xbf16, #tpu.memory_space<vmem>> -> memref<113x128xbf16, #tpu.memory_space<vmem>>
      tpu.wait_dma2 semaphore(%run_scoped3A_129 : memref<!tpu.dma_semaphore, #tpu.memory_space<semaphore_mem>>) src(%dma_wait3A_149 : memref<113x128xbf16, #tpu.memory_space<vmem>>) dst(%dma_wait3A_146 : memref<113x128xbf16, #tpu.memory_space<vmem_shared>>)
      tpu.yield
    }) : () -> ()
    %run_scoped3A = arith.constant 1 : i32
    "tpu.region"() ({
      %run_scoped3A_129 = tpu.sem_alloc : memref<!tpu.dma_semaphore, #tpu.memory_space<semaphore_mem>>
      %dma_start3A_130 = tpu.memref_slice %arg3[%run_scoped3A, %mul3A_2] : memref<2x320000xi32, #tpu.memory_space<hbm>> -> memref<1x10000xi32, #tpu.memory_space<hbm>>
      %dma_start3A_131 = tpu.memref_squeeze %dma_start3A_130 : memref<1x10000xi32, #tpu.memory_space<hbm>> -> memref<10000xi32, #tpu.memory_space<hbm>>
      %dma_start3A_132 = tpu.memref_slice %arg3[%run_scoped3A, %mul3A_2] : memref<2x320000xi32, #tpu.memory_space<hbm>> -> memref<1x10000xi32, #tpu.memory_space<hbm>>
      %dma_start3A_133 = tpu.memref_squeeze %dma_start3A_132 : memref<1x10000xi32, #tpu.memory_space<hbm>> -> memref<10000xi32, #tpu.memory_space<hbm>>
      tpu.enqueue_dma source(%dma_start3A_133 : memref<10000xi32, #tpu.memory_space<hbm>>) target(%arg6 : memref<10000xi32, #tpu.memory_space<vmem>>) target_semaphore(%run_scoped3A_129 : memref<!tpu.dma_semaphore, #tpu.memory_space<semaphore_mem>>)
      %dma_wait3A_134 = tpu.memref_slice %arg3[%run_scoped3A, %mul3A_2] : memref<2x320000xi32, #tpu.memory_space<hbm>> -> memref<1x10000xi32, #tpu.memory_space<hbm>>
      %dma_wait3A_135 = tpu.memref_squeeze %dma_wait3A_134 : memref<1x10000xi32, #tpu.memory_space<hbm>> -> memref<10000xi32, #tpu.memory_space<hbm>>
      %dma_wait3A_136 = tpu.memref_slice %arg3[%run_scoped3A, %mul3A_2] : memref<2x320000xi32, #tpu.memory_space<hbm>> -> memref<1x10000xi32, #tpu.memory_space<hbm>>
      %dma_wait3A_137 = tpu.memref_squeeze %dma_wait3A_136 : memref<1x10000xi32, #tpu.memory_space<hbm>> -> memref<10000xi32, #tpu.memory_space<hbm>>
      tpu.wait_dma2 semaphore(%run_scoped3A_129 : memref<!tpu.dma_semaphore, #tpu.memory_space<semaphore_mem>>) src(%dma_wait3A_137 : memref<10000xi32, #tpu.memory_space<hbm>>) dst(%arg6 : memref<10000xi32, #tpu.memory_space<vmem>>)
      tpu.yield
    }) : () -> ()
    %add3A_22 = arith.constant 9984 : i32
    %add3A_23 = arith.addi %mul3A_2, %add3A_22 : i32
    %run_scoped3A_24 = arith.constant 1 : i32
    "tpu.region"() ({
      %run_scoped3A_129 = tpu.sem_alloc : memref<!tpu.dma_semaphore, #tpu.memory_space<semaphore_mem>>
      %dma_start3A_130 = tpu.memref_slice %arg3[%run_scoped3A_24, %add3A_23] : memref<2x320000xi32, #tpu.memory_space<hbm>> -> memref<1x16xi32, #tpu.memory_space<hbm>>
      %dma_start3A_131 = tpu.memref_squeeze %dma_start3A_130 : memref<1x16xi32, #tpu.memory_space<hbm>> -> memref<16xi32, #tpu.memory_space<hbm>>
      %dma_start3A_132 = tpu.memref_slice %arg3[%run_scoped3A_24, %add3A_23] : memref<2x320000xi32, #tpu.memory_space<hbm>> -> memref<1x16xi32, #tpu.memory_space<hbm>>
      %dma_start3A_133 = tpu.memref_squeeze %dma_start3A_132 : memref<1x16xi32, #tpu.memory_space<hbm>> -> memref<16xi32, #tpu.memory_space<hbm>>
      tpu.enqueue_dma source(%dma_start3A_133 : memref<16xi32, #tpu.memory_space<hbm>>) target(%arg7 : memref<16xi32, #tpu.memory_space<vmem>>) target_semaphore(%run_scoped3A_129 : memref<!tpu.dma_semaphore, #tpu.memory_space<semaphore_mem>>)
      %dma_wait3A_134 = tpu.memref_slice %arg3[%run_scoped3A_24, %add3A_23] : memref<2x320000xi32, #tpu.memory_space<hbm>> -> memref<1x16xi32, #tpu.memory_space<hbm>>
      %dma_wait3A_135 = tpu.memref_squeeze %dma_wait3A_134 : memref<1x16xi32, #tpu.memory_space<hbm>> -> memref<16xi32, #tpu.memory_space<hbm>>
      %dma_wait3A_136 = tpu.memref_slice %arg3[%run_scoped3A_24, %add3A_23] : memref<2x320000xi32, #tpu.memory_space<hbm>> -> memref<1x16xi32, #tpu.memory_space<hbm>>
      %dma_wait3A_137 = tpu.memref_squeeze %dma_wait3A_136 : memref<1x16xi32, #tpu.memory_space<hbm>> -> memref<16xi32, #tpu.memory_space<hbm>>
      tpu.wait_dma2 semaphore(%run_scoped3A_129 : memref<!tpu.dma_semaphore, #tpu.memory_space<semaphore_mem>>) src(%dma_wait3A_137 : memref<16xi32, #tpu.memory_space<hbm>>) dst(%arg7 : memref<16xi32, #tpu.memory_space<vmem>>)
      tpu.yield
    }) : () -> ()
    %barrier3A = arith.constant 0 : index
    tpu.barrier barrier_id(%barrier3A)
    %add3A_25 = arith.constant 0 : i32
    %add3A_26 = arith.addi %mul3A_2, %add3A_25 : i32
    %run_scoped3A_27 = arith.constant 0 : i32
    "tpu.region"() ({
      %run_scoped3A_129 = tpu.sem_alloc : memref<!tpu.dma_semaphore, #tpu.memory_space<semaphore_mem>>
      %dma_start3A_130 = arith.constant 0 : i32
      %dma_start3A_131 = tpu.memref_slice %arg5[%dma_start3A_130] : memref<10000xi32, #tpu.memory_space<vmem>> -> memref<10000xi32, #tpu.memory_space<vmem>>
      %dma_start3A_132 = tpu.memref_slice %arg3[%run_scoped3A_27, %add3A_26] : memref<2x320000xi32, #tpu.memory_space<hbm>> -> memref<1x10000xi32, #tpu.memory_space<hbm>>
      %dma_start3A_133 = tpu.memref_squeeze %dma_start3A_132 : memref<1x10000xi32, #tpu.memory_space<hbm>> -> memref<10000xi32, #tpu.memory_space<hbm>>
      %dma_start3A_134 = arith.constant 0 : i32
      %dma_start3A_135 = tpu.memref_slice %arg5[%dma_start3A_134] : memref<10000xi32, #tpu.memory_space<vmem>> -> memref<10000xi32, #tpu.memory_space<vmem>>
      %dma_start3A_136 = tpu.memref_slice %arg3[%run_scoped3A_27, %add3A_26] : memref<2x320000xi32, #tpu.memory_space<hbm>> -> memref<1x10000xi32, #tpu.memory_space<hbm>>
      %dma_start3A_137 = tpu.memref_squeeze %dma_start3A_136 : memref<1x10000xi32, #tpu.memory_space<hbm>> -> memref<10000xi32, #tpu.memory_space<hbm>>
      tpu.enqueue_dma source(%dma_start3A_137 : memref<10000xi32, #tpu.memory_space<hbm>>) target(%dma_start3A_135 : memref<10000xi32, #tpu.memory_space<vmem>>) target_semaphore(%run_scoped3A_129 : memref<!tpu.dma_semaphore, #tpu.memory_space<semaphore_mem>>)
      %dma_wait3A_138 = arith.constant 0 : i32
      %dma_wait3A_139 = tpu.memref_slice %arg5[%dma_wait3A_138] : memref<10000xi32, #tpu.memory_space<vmem>> -> memref<10000xi32, #tpu.memory_space<vmem>>
      %dma_wait3A_140 = tpu.memref_slice %arg3[%run_scoped3A_27, %add3A_26] : memref<2x320000xi32, #tpu.memory_space<hbm>> -> memref<1x10000xi32, #tpu.memory_space<hbm>>
      %dma_wait3A_141 = tpu.memref_squeeze %dma_wait3A_140 : memref<1x10000xi32, #tpu.memory_space<hbm>> -> memref<10000xi32, #tpu.memory_space<hbm>>
      %dma_wait3A_142 = arith.constant 0 : i32
      %dma_wait3A_143 = tpu.memref_slice %arg5[%dma_wait3A_142] : memref<10000xi32, #tpu.memory_space<vmem>> -> memref<10000xi32, #tpu.memory_space<vmem>>
      %dma_wait3A_144 = tpu.memref_slice %arg3[%run_scoped3A_27, %add3A_26] : memref<2x320000xi32, #tpu.memory_space<hbm>> -> memref<1x10000xi32, #tpu.memory_space<hbm>>
      %dma_wait3A_145 = tpu.memref_squeeze %dma_wait3A_144 : memref<1x10000xi32, #tpu.memory_space<hbm>> -> memref<10000xi32, #tpu.memory_space<hbm>>
      tpu.wait_dma2 semaphore(%run_scoped3A_129 : memref<!tpu.dma_semaphore, #tpu.memory_space<semaphore_mem>>) src(%dma_wait3A_145 : memref<10000xi32, #tpu.memory_space<hbm>>) dst(%dma_wait3A_143 : memref<10000xi32, #tpu.memory_space<vmem>>)
      tpu.yield
    }) : () -> ()
    %dma_start3A = arith.constant 0 : i32
    %dma_start3A_28 = tpu.memref_slice %arg5[%dma_start3A] : memref<10000xi32, #tpu.memory_space<vmem>> -> memref<128xi32, #tpu.memory_space<vmem>>
    %dma_start3A_29 = arith.constant 0 : i32
    %dma_start3A_30 = arith.constant 0 : i32
    %dma_start3A_31 = tpu.memref_slice %arg2[%dma_start3A_29, %dma_start3A_30] : memref<10000x128xbf16, #tpu.memory_space<hbm>> -> memref<10000x128xbf16, #tpu.memory_space<hbm>>
    tpu.enqueue_indirect_dma source(%dma_start3A_31 : memref<10000x128xbf16, #tpu.memory_space<hbm>>) target(%arg8 : memref<128x128xbf16, #tpu.memory_space<vmem>>) offsets(%dma_start3A_28 : memref<128xi32, #tpu.memory_space<vmem>>) semaphore(%arg14 : memref<!tpu.dma_semaphore, #tpu.memory_space<semaphore_mem>>)
    %dma_start3A_32 = arith.constant 128 : i32
    %dma_start3A_33 = tpu.memref_slice %arg5[%dma_start3A_32] : memref<10000xi32, #tpu.memory_space<vmem>> -> memref<128xi32, #tpu.memory_space<vmem>>
    %dma_start3A_34 = arith.constant 0 : i32
    %dma_start3A_35 = arith.constant 0 : i32
    %dma_start3A_36 = tpu.memref_slice %arg2[%dma_start3A_34, %dma_start3A_35] : memref<10000x128xbf16, #tpu.memory_space<hbm>> -> memref<10000x128xbf16, #tpu.memory_space<hbm>>
    tpu.enqueue_indirect_dma source(%dma_start3A_36 : memref<10000x128xbf16, #tpu.memory_space<hbm>>) target(%arg9 : memref<128x128xbf16, #tpu.memory_space<vmem>>) offsets(%dma_start3A_33 : memref<128xi32, #tpu.memory_space<vmem>>) semaphore(%arg15 : memref<!tpu.dma_semaphore, #tpu.memory_space<semaphore_mem>>)
    %dma_start3A_37 = arith.constant 256 : i32
    %dma_start3A_38 = tpu.memref_slice %arg5[%dma_start3A_37] : memref<10000xi32, #tpu.memory_space<vmem>> -> memref<128xi32, #tpu.memory_space<vmem>>
    %dma_start3A_39 = arith.constant 0 : i32
    %dma_start3A_40 = arith.constant 0 : i32
    %dma_start3A_41 = tpu.memref_slice %arg2[%dma_start3A_39, %dma_start3A_40] : memref<10000x128xbf16, #tpu.memory_space<hbm>> -> memref<10000x128xbf16, #tpu.memory_space<hbm>>
    tpu.enqueue_indirect_dma source(%dma_start3A_41 : memref<10000x128xbf16, #tpu.memory_space<hbm>>) target(%arg10 : memref<128x128xbf16, #tpu.memory_space<vmem>>) offsets(%dma_start3A_38 : memref<128xi32, #tpu.memory_space<vmem>>) semaphore(%arg16 : memref<!tpu.dma_semaphore, #tpu.memory_space<semaphore_mem>>)
    %dma_start3A_42 = arith.constant 384 : i32
    %dma_start3A_43 = tpu.memref_slice %arg5[%dma_start3A_42] : memref<10000xi32, #tpu.memory_space<vmem>> -> memref<128xi32, #tpu.memory_space<vmem>>
    %dma_start3A_44 = arith.constant 0 : i32
    %dma_start3A_45 = arith.constant 0 : i32
    %dma_start3A_46 = tpu.memref_slice %arg2[%dma_start3A_44, %dma_start3A_45] : memref<10000x128xbf16, #tpu.memory_space<hbm>> -> memref<10000x128xbf16, #tpu.memory_space<hbm>>
    tpu.enqueue_indirect_dma source(%dma_start3A_46 : memref<10000x128xbf16, #tpu.memory_space<hbm>>) target(%arg11 : memref<128x128xbf16, #tpu.memory_space<vmem>>) offsets(%dma_start3A_43 : memref<128xi32, #tpu.memory_space<vmem>>) semaphore(%arg17 : memref<!tpu.dma_semaphore, #tpu.memory_space<semaphore_mem>>)
    %dma_start3A_47 = arith.constant 512 : i32
    %dma_start3A_48 = tpu.memref_slice %arg5[%dma_start3A_47] : memref<10000xi32, #tpu.memory_space<vmem>> -> memref<128xi32, #tpu.memory_space<vmem>>
    %dma_start3A_49 = arith.constant 0 : i32
    %dma_start3A_50 = arith.constant 0 : i32
    %dma_start3A_51 = tpu.memref_slice %arg2[%dma_start3A_49, %dma_start3A_50] : memref<10000x128xbf16, #tpu.memory_space<hbm>> -> memref<10000x128xbf16, #tpu.memory_space<hbm>>
    tpu.enqueue_indirect_dma source(%dma_start3A_51 : memref<10000x128xbf16, #tpu.memory_space<hbm>>) target(%arg12 : memref<128x128xbf16, #tpu.memory_space<vmem>>) offsets(%dma_start3A_48 : memref<128xi32, #tpu.memory_space<vmem>>) semaphore(%arg18 : memref<!tpu.dma_semaphore, #tpu.memory_space<semaphore_mem>>)
    %dma_start3A_52 = arith.constant 640 : i32
    %dma_start3A_53 = tpu.memref_slice %arg5[%dma_start3A_52] : memref<10000xi32, #tpu.memory_space<vmem>> -> memref<128xi32, #tpu.memory_space<vmem>>
    %dma_start3A_54 = arith.constant 0 : i32
    %dma_start3A_55 = arith.constant 0 : i32
    %dma_start3A_56 = tpu.memref_slice %arg2[%dma_start3A_54, %dma_start3A_55] : memref<10000x128xbf16, #tpu.memory_space<hbm>> -> memref<10000x128xbf16, #tpu.memory_space<hbm>>
    tpu.enqueue_indirect_dma source(%dma_start3A_56 : memref<10000x128xbf16, #tpu.memory_space<hbm>>) target(%arg13 : memref<128x128xbf16, #tpu.memory_space<vmem>>) offsets(%dma_start3A_53 : memref<128xi32, #tpu.memory_space<vmem>>) semaphore(%arg19 : memref<!tpu.dma_semaphore, #tpu.memory_space<semaphore_mem>>)
    %scan3A_57 = arith.constant 0 : i32
    %scan3A_58 = arith.constant 0 : i32
    %scan3A_59 = arith.constant 13 : i32
    %scan3A_60 = arith.addi %scan3A_58, %scan3A_59 : i32
    %scan3A_61 = arith.constant 1 : i32
    %scan3A_62 = scf.for %scan3A_129 = %scan3A_58 to %scan3A_60 step %scan3A_61 iter_args(%scan3A_130 = %scan3A_57) -> (i32)  : i32 {
      %mul3A_131 = arith.constant 6 : i32
      %mul3A_132 = arith.muli %scan3A_129, %mul3A_131 : i32
      %add3A_133 = arith.constant 0 : i32
      %add3A_134 = arith.addi %mul3A_132, %add3A_133 : i32
      %mul3A_135 = arith.constant 128 : i32
      %mul3A_136 = arith.muli %add3A_134, %mul3A_135 : i32
      %dma_wait3A_137 = tpu.memref_slice %arg5[%mul3A_136] : memref<10000xi32, #tpu.memory_space<vmem>> -> memref<128xi32, #tpu.memory_space<vmem>>
      %dma_wait3A_138 = arith.constant 0 : i32
      %dma_wait3A_139 = arith.constant 0 : i32
      %dma_wait3A_140 = tpu.memref_slice %arg2[%dma_wait3A_138, %dma_wait3A_139] : memref<10000x128xbf16, #tpu.memory_space<hbm>> -> memref<10000x128xbf16, #tpu.memory_space<hbm>>
      tpu.wait_indirect_dma semaphore(%arg14 : memref<!tpu.dma_semaphore, #tpu.memory_space<semaphore_mem>>) src(%dma_wait3A_140 : memref<10000x128xbf16, #tpu.memory_space<hbm>>) dst(%arg8 : memref<128x128xbf16, #tpu.memory_space<vmem>>)
      %add3A_141 = arith.constant 0 : i32
      %add3A_142 = arith.addi %add3A_141, %add3A_134 : i32
      %mul3A_143 = arith.constant 128 : i32
      %mul3A_144 = arith.muli %add3A_142, %mul3A_143 : i32
      "tpu.region"() ({
        %run_scoped3A_245 = tpu.sem_alloc : memref<!tpu.dma_semaphore, #tpu.memory_space<semaphore_mem>>
        %dma_start3A_246 = tpu.memref_slice %arg6[%mul3A_144] : memref<10000xi32, #tpu.memory_space<vmem>> -> memref<128xi32, #tpu.memory_space<vmem>>
        %dma_start3A_247 = arith.constant 0 : i32
        %dma_start3A_248 = arith.constant 0 : i32
        %dma_start3A_249 = tpu.memref_slice %arg21[%dma_start3A_247, %dma_start3A_248] : memref<10000x128xbf16, #tpu.memory_space<vmem_shared>> -> memref<10000x128xbf16, #tpu.memory_space<vmem_shared>>
        tpu.enqueue_indirect_dma source(%arg8 : memref<128x128xbf16, #tpu.memory_space<vmem>>) target(%dma_start3A_249 : memref<10000x128xbf16, #tpu.memory_space<vmem_shared>>) offsets(%dma_start3A_246 : memref<128xi32, #tpu.memory_space<vmem>>) semaphore(%run_scoped3A_245 : memref<!tpu.dma_semaphore, #tpu.memory_space<semaphore_mem>>) {add = true}
        %dma_wait3A_250 = tpu.memref_slice %arg6[%mul3A_144] : memref<10000xi32, #tpu.memory_space<vmem>> -> memref<128xi32, #tpu.memory_space<vmem>>
        %dma_wait3A_251 = arith.constant 0 : i32
        %dma_wait3A_252 = arith.constant 0 : i32
        %dma_wait3A_253 = tpu.memref_slice %arg21[%dma_wait3A_251, %dma_wait3A_252] : memref<10000x128xbf16, #tpu.memory_space<vmem_shared>> -> memref<10000x128xbf16, #tpu.memory_space<vmem_shared>>
        tpu.wait_indirect_dma semaphore(%run_scoped3A_245 : memref<!tpu.dma_semaphore, #tpu.memory_space<semaphore_mem>>) src(%arg8 : memref<128x128xbf16, #tpu.memory_space<vmem>>) dst(%dma_wait3A_253 : memref<10000x128xbf16, #tpu.memory_space<vmem_shared>>)
        tpu.yield
      }) : () -> ()
      %add3A_145 = arith.constant 6 : i32
      %add3A_146 = arith.addi %add3A_134, %add3A_145 : i32
      %lt3A = arith.constant 78 : i32
      %lt3A_147 = arith.cmpi slt, %add3A_146, %lt3A : i32
      %convert_element_type3A = arith.extui %lt3A_147 : i1 to i32
      %cond3A = arith.constant 0 : i32
      %cond3A_148 = arith.cmpi ne, %convert_element_type3A, %cond3A : i32
      scf.if %cond3A_148 {
        %add3A_245 = arith.constant 6 : i32
        %add3A_246 = arith.addi %add3A_134, %add3A_245 : i32
        %mul3A_247 = arith.constant 128 : i32
        %mul3A_248 = arith.muli %add3A_246, %mul3A_247 : i32
        %dma_start3A_249 = tpu.memref_slice %arg5[%mul3A_248] : memref<10000xi32, #tpu.memory_space<vmem>> -> memref<128xi32, #tpu.memory_space<vmem>>
        %dma_start3A_250 = arith.constant 0 : i32
        %dma_start3A_251 = arith.constant 0 : i32
        %dma_start3A_252 = tpu.memref_slice %arg2[%dma_start3A_250, %dma_start3A_251] : memref<10000x128xbf16, #tpu.memory_space<hbm>> -> memref<10000x128xbf16, #tpu.memory_space<hbm>>
        tpu.enqueue_indirect_dma source(%dma_start3A_252 : memref<10000x128xbf16, #tpu.memory_space<hbm>>) target(%arg8 : memref<128x128xbf16, #tpu.memory_space<vmem>>) offsets(%dma_start3A_249 : memref<128xi32, #tpu.memory_space<vmem>>) semaphore(%arg14 : memref<!tpu.dma_semaphore, #tpu.memory_space<semaphore_mem>>)
      } else {
      }
      %add3A_149 = arith.constant 1 : i32
      %add3A_150 = arith.addi %mul3A_132, %add3A_149 : i32
      %mul3A_151 = arith.constant 128 : i32
      %mul3A_152 = arith.muli %add3A_150, %mul3A_151 : i32
      %dma_wait3A_153 = tpu.memref_slice %arg5[%mul3A_152] : memref<10000xi32, #tpu.memory_space<vmem>> -> memref<128xi32, #tpu.memory_space<vmem>>
      %dma_wait3A_154 = arith.constant 0 : i32
      %dma_wait3A_155 = arith.constant 0 : i32
      %dma_wait3A_156 = tpu.memref_slice %arg2[%dma_wait3A_154, %dma_wait3A_155] : memref<10000x128xbf16, #tpu.memory_space<hbm>> -> memref<10000x128xbf16, #tpu.memory_space<hbm>>
      tpu.wait_indirect_dma semaphore(%arg15 : memref<!tpu.dma_semaphore, #tpu.memory_space<semaphore_mem>>) src(%dma_wait3A_156 : memref<10000x128xbf16, #tpu.memory_space<hbm>>) dst(%arg9 : memref<128x128xbf16, #tpu.memory_space<vmem>>)
      %add3A_157 = arith.constant 0 : i32
      %add3A_158 = arith.addi %add3A_157, %add3A_150 : i32
      %mul3A_159 = arith.constant 128 : i32
      %mul3A_160 = arith.muli %add3A_158, %mul3A_159 : i32
      "tpu.region"() ({
        %run_scoped3A_245 = tpu.sem_alloc : memref<!tpu.dma_semaphore, #tpu.memory_space<semaphore_mem>>
        %dma_start3A_246 = tpu.memref_slice %arg6[%mul3A_160] : memref<10000xi32, #tpu.memory_space<vmem>> -> memref<128xi32, #tpu.memory_space<vmem>>
        %dma_start3A_247 = arith.constant 0 : i32
        %dma_start3A_248 = arith.constant 0 : i32
        %dma_start3A_249 = tpu.memref_slice %arg21[%dma_start3A_247, %dma_start3A_248] : memref<10000x128xbf16, #tpu.memory_space<vmem_shared>> -> memref<10000x128xbf16, #tpu.memory_space<vmem_shared>>
        tpu.enqueue_indirect_dma source(%arg9 : memref<128x128xbf16, #tpu.memory_space<vmem>>) target(%dma_start3A_249 : memref<10000x128xbf16, #tpu.memory_space<vmem_shared>>) offsets(%dma_start3A_246 : memref<128xi32, #tpu.memory_space<vmem>>) semaphore(%run_scoped3A_245 : memref<!tpu.dma_semaphore, #tpu.memory_space<semaphore_mem>>) {add = true}
        %dma_wait3A_250 = tpu.memref_slice %arg6[%mul3A_160] : memref<10000xi32, #tpu.memory_space<vmem>> -> memref<128xi32, #tpu.memory_space<vmem>>
        %dma_wait3A_251 = arith.constant 0 : i32
        %dma_wait3A_252 = arith.constant 0 : i32
        %dma_wait3A_253 = tpu.memref_slice %arg21[%dma_wait3A_251, %dma_wait3A_252] : memref<10000x128xbf16, #tpu.memory_space<vmem_shared>> -> memref<10000x128xbf16, #tpu.memory_space<vmem_shared>>
        tpu.wait_indirect_dma semaphore(%run_scoped3A_245 : memref<!tpu.dma_semaphore, #tpu.memory_space<semaphore_mem>>) src(%arg9 : memref<128x128xbf16, #tpu.memory_space<vmem>>) dst(%dma_wait3A_253 : memref<10000x128xbf16, #tpu.memory_space<vmem_shared>>)
        tpu.yield
      }) : () -> ()
      %add3A_161 = arith.constant 6 : i32
      %add3A_162 = arith.addi %add3A_150, %add3A_161 : i32
      %lt3A_163 = arith.constant 78 : i32
      %lt3A_164 = arith.cmpi slt, %add3A_162, %lt3A_163 : i32
      %convert_element_type3A_165 = arith.extui %lt3A_164 : i1 to i32
      %cond3A_166 = arith.constant 0 : i32
      %cond3A_167 = arith.cmpi ne, %convert_element_type3A_165, %cond3A_166 : i32
      scf.if %cond3A_167 {
        %add3A_245 = arith.constant 6 : i32
        %add3A_246 = arith.addi %add3A_150, %add3A_245 : i32
        %mul3A_247 = arith.constant 128 : i32
        %mul3A_248 = arith.muli %add3A_246, %mul3A_247 : i32
        %dma_start3A_249 = tpu.memref_slice %arg5[%mul3A_248] : memref<10000xi32, #tpu.memory_space<vmem>> -> memref<128xi32, #tpu.memory_space<vmem>>
        %dma_start3A_250 = arith.constant 0 : i32
        %dma_start3A_251 = arith.constant 0 : i32
        %dma_start3A_252 = tpu.memref_slice %arg2[%dma_start3A_250, %dma_start3A_251] : memref<10000x128xbf16, #tpu.memory_space<hbm>> -> memref<10000x128xbf16, #tpu.memory_space<hbm>>
        tpu.enqueue_indirect_dma source(%dma_start3A_252 : memref<10000x128xbf16, #tpu.memory_space<hbm>>) target(%arg9 : memref<128x128xbf16, #tpu.memory_space<vmem>>) offsets(%dma_start3A_249 : memref<128xi32, #tpu.memory_space<vmem>>) semaphore(%arg15 : memref<!tpu.dma_semaphore, #tpu.memory_space<semaphore_mem>>)
      } else {
      }
      %add3A_168 = arith.constant 2 : i32
      %add3A_169 = arith.addi %mul3A_132, %add3A_168 : i32
      %mul3A_170 = arith.constant 128 : i32
      %mul3A_171 = arith.muli %add3A_169, %mul3A_170 : i32
      %dma_wait3A_172 = tpu.memref_slice %arg5[%mul3A_171] : memref<10000xi32, #tpu.memory_space<vmem>> -> memref<128xi32, #tpu.memory_space<vmem>>
      %dma_wait3A_173 = arith.constant 0 : i32
      %dma_wait3A_174 = arith.constant 0 : i32
      %dma_wait3A_175 = tpu.memref_slice %arg2[%dma_wait3A_173, %dma_wait3A_174] : memref<10000x128xbf16, #tpu.memory_space<hbm>> -> memref<10000x128xbf16, #tpu.memory_space<hbm>>
      tpu.wait_indirect_dma semaphore(%arg16 : memref<!tpu.dma_semaphore, #tpu.memory_space<semaphore_mem>>) src(%dma_wait3A_175 : memref<10000x128xbf16, #tpu.memory_space<hbm>>) dst(%arg10 : memref<128x128xbf16, #tpu.memory_space<vmem>>)
      %add3A_176 = arith.constant 0 : i32
      %add3A_177 = arith.addi %add3A_176, %add3A_169 : i32
      %mul3A_178 = arith.constant 128 : i32
      %mul3A_179 = arith.muli %add3A_177, %mul3A_178 : i32
      "tpu.region"() ({
        %run_scoped3A_245 = tpu.sem_alloc : memref<!tpu.dma_semaphore, #tpu.memory_space<semaphore_mem>>
        %dma_start3A_246 = tpu.memref_slice %arg6[%mul3A_179] : memref<10000xi32, #tpu.memory_space<vmem>> -> memref<128xi32, #tpu.memory_space<vmem>>
        %dma_start3A_247 = arith.constant 0 : i32
        %dma_start3A_248 = arith.constant 0 : i32
        %dma_start3A_249 = tpu.memref_slice %arg21[%dma_start3A_247, %dma_start3A_248] : memref<10000x128xbf16, #tpu.memory_space<vmem_shared>> -> memref<10000x128xbf16, #tpu.memory_space<vmem_shared>>
        tpu.enqueue_indirect_dma source(%arg10 : memref<128x128xbf16, #tpu.memory_space<vmem>>) target(%dma_start3A_249 : memref<10000x128xbf16, #tpu.memory_space<vmem_shared>>) offsets(%dma_start3A_246 : memref<128xi32, #tpu.memory_space<vmem>>) semaphore(%run_scoped3A_245 : memref<!tpu.dma_semaphore, #tpu.memory_space<semaphore_mem>>) {add = true}
        %dma_wait3A_250 = tpu.memref_slice %arg6[%mul3A_179] : memref<10000xi32, #tpu.memory_space<vmem>> -> memref<128xi32, #tpu.memory_space<vmem>>
        %dma_wait3A_251 = arith.constant 0 : i32
        %dma_wait3A_252 = arith.constant 0 : i32
        %dma_wait3A_253 = tpu.memref_slice %arg21[%dma_wait3A_251, %dma_wait3A_252] : memref<10000x128xbf16, #tpu.memory_space<vmem_shared>> -> memref<10000x128xbf16, #tpu.memory_space<vmem_shared>>
        tpu.wait_indirect_dma semaphore(%run_scoped3A_245 : memref<!tpu.dma_semaphore, #tpu.memory_space<semaphore_mem>>) src(%arg10 : memref<128x128xbf16, #tpu.memory_space<vmem>>) dst(%dma_wait3A_253 : memref<10000x128xbf16, #tpu.memory_space<vmem_shared>>)
        tpu.yield
      }) : () -> ()
      %add3A_180 = arith.constant 6 : i32
      %add3A_181 = arith.addi %add3A_169, %add3A_180 : i32
      %lt3A_182 = arith.constant 78 : i32
      %lt3A_183 = arith.cmpi slt, %add3A_181, %lt3A_182 : i32
      %convert_element_type3A_184 = arith.extui %lt3A_183 : i1 to i32
      %cond3A_185 = arith.constant 0 : i32
      %cond3A_186 = arith.cmpi ne, %convert_element_type3A_184, %cond3A_185 : i32
      scf.if %cond3A_186 {
        %add3A_245 = arith.constant 6 : i32
        %add3A_246 = arith.addi %add3A_169, %add3A_245 : i32
        %mul3A_247 = arith.constant 128 : i32
        %mul3A_248 = arith.muli %add3A_246, %mul3A_247 : i32
        %dma_start3A_249 = tpu.memref_slice %arg5[%mul3A_248] : memref<10000xi32, #tpu.memory_space<vmem>> -> memref<128xi32, #tpu.memory_space<vmem>>
        %dma_start3A_250 = arith.constant 0 : i32
        %dma_start3A_251 = arith.constant 0 : i32
        %dma_start3A_252 = tpu.memref_slice %arg2[%dma_start3A_250, %dma_start3A_251] : memref<10000x128xbf16, #tpu.memory_space<hbm>> -> memref<10000x128xbf16, #tpu.memory_space<hbm>>
        tpu.enqueue_indirect_dma source(%dma_start3A_252 : memref<10000x128xbf16, #tpu.memory_space<hbm>>) target(%arg10 : memref<128x128xbf16, #tpu.memory_space<vmem>>) offsets(%dma_start3A_249 : memref<128xi32, #tpu.memory_space<vmem>>) semaphore(%arg16 : memref<!tpu.dma_semaphore, #tpu.memory_space<semaphore_mem>>)
      } else {
      }
      %add3A_187 = arith.constant 3 : i32
      %add3A_188 = arith.addi %mul3A_132, %add3A_187 : i32
      %mul3A_189 = arith.constant 128 : i32
      %mul3A_190 = arith.muli %add3A_188, %mul3A_189 : i32
      %dma_wait3A_191 = tpu.memref_slice %arg5[%mul3A_190] : memref<10000xi32, #tpu.memory_space<vmem>> -> memref<128xi32, #tpu.memory_space<vmem>>
      %dma_wait3A_192 = arith.constant 0 : i32
      %dma_wait3A_193 = arith.constant 0 : i32
      %dma_wait3A_194 = tpu.memref_slice %arg2[%dma_wait3A_192, %dma_wait3A_193] : memref<10000x128xbf16, #tpu.memory_space<hbm>> -> memref<10000x128xbf16, #tpu.memory_space<hbm>>
      tpu.wait_indirect_dma semaphore(%arg17 : memref<!tpu.dma_semaphore, #tpu.memory_space<semaphore_mem>>) src(%dma_wait3A_194 : memref<10000x128xbf16, #tpu.memory_space<hbm>>) dst(%arg11 : memref<128x128xbf16, #tpu.memory_space<vmem>>)
      %add3A_195 = arith.constant 0 : i32
      %add3A_196 = arith.addi %add3A_195, %add3A_188 : i32
      %mul3A_197 = arith.constant 128 : i32
      %mul3A_198 = arith.muli %add3A_196, %mul3A_197 : i32
      "tpu.region"() ({
        %run_scoped3A_245 = tpu.sem_alloc : memref<!tpu.dma_semaphore, #tpu.memory_space<semaphore_mem>>
        %dma_start3A_246 = tpu.memref_slice %arg6[%mul3A_198] : memref<10000xi32, #tpu.memory_space<vmem>> -> memref<128xi32, #tpu.memory_space<vmem>>
        %dma_start3A_247 = arith.constant 0 : i32
        %dma_start3A_248 = arith.constant 0 : i32
        %dma_start3A_249 = tpu.memref_slice %arg21[%dma_start3A_247, %dma_start3A_248] : memref<10000x128xbf16, #tpu.memory_space<vmem_shared>> -> memref<10000x128xbf16, #tpu.memory_space<vmem_shared>>
        tpu.enqueue_indirect_dma source(%arg11 : memref<128x128xbf16, #tpu.memory_space<vmem>>) target(%dma_start3A_249 : memref<10000x128xbf16, #tpu.memory_space<vmem_shared>>) offsets(%dma_start3A_246 : memref<128xi32, #tpu.memory_space<vmem>>) semaphore(%run_scoped3A_245 : memref<!tpu.dma_semaphore, #tpu.memory_space<semaphore_mem>>) {add = true}
        %dma_wait3A_250 = tpu.memref_slice %arg6[%mul3A_198] : memref<10000xi32, #tpu.memory_space<vmem>> -> memref<128xi32, #tpu.memory_space<vmem>>
        %dma_wait3A_251 = arith.constant 0 : i32
        %dma_wait3A_252 = arith.constant 0 : i32
        %dma_wait3A_253 = tpu.memref_slice %arg21[%dma_wait3A_251, %dma_wait3A_252] : memref<10000x128xbf16, #tpu.memory_space<vmem_shared>> -> memref<10000x128xbf16, #tpu.memory_space<vmem_shared>>
        tpu.wait_indirect_dma semaphore(%run_scoped3A_245 : memref<!tpu.dma_semaphore, #tpu.memory_space<semaphore_mem>>) src(%arg11 : memref<128x128xbf16, #tpu.memory_space<vmem>>) dst(%dma_wait3A_253 : memref<10000x128xbf16, #tpu.memory_space<vmem_shared>>)
        tpu.yield
      }) : () -> ()
      %add3A_199 = arith.constant 6 : i32
      %add3A_200 = arith.addi %add3A_188, %add3A_199 : i32
      %lt3A_201 = arith.constant 78 : i32
      %lt3A_202 = arith.cmpi slt, %add3A_200, %lt3A_201 : i32
      %convert_element_type3A_203 = arith.extui %lt3A_202 : i1 to i32
      %cond3A_204 = arith.constant 0 : i32
      %cond3A_205 = arith.cmpi ne, %convert_element_type3A_203, %cond3A_204 : i32
      scf.if %cond3A_205 {
        %add3A_245 = arith.constant 6 : i32
        %add3A_246 = arith.addi %add3A_188, %add3A_245 : i32
        %mul3A_247 = arith.constant 128 : i32
        %mul3A_248 = arith.muli %add3A_246, %mul3A_247 : i32
        %dma_start3A_249 = tpu.memref_slice %arg5[%mul3A_248] : memref<10000xi32, #tpu.memory_space<vmem>> -> memref<128xi32, #tpu.memory_space<vmem>>
        %dma_start3A_250 = arith.constant 0 : i32
        %dma_start3A_251 = arith.constant 0 : i32
        %dma_start3A_252 = tpu.memref_slice %arg2[%dma_start3A_250, %dma_start3A_251] : memref<10000x128xbf16, #tpu.memory_space<hbm>> -> memref<10000x128xbf16, #tpu.memory_space<hbm>>
        tpu.enqueue_indirect_dma source(%dma_start3A_252 : memref<10000x128xbf16, #tpu.memory_space<hbm>>) target(%arg11 : memref<128x128xbf16, #tpu.memory_space<vmem>>) offsets(%dma_start3A_249 : memref<128xi32, #tpu.memory_space<vmem>>) semaphore(%arg17 : memref<!tpu.dma_semaphore, #tpu.memory_space<semaphore_mem>>)
      } else {
      }
      %add3A_206 = arith.constant 4 : i32
      %add3A_207 = arith.addi %mul3A_132, %add3A_206 : i32
      %mul3A_208 = arith.constant 128 : i32
      %mul3A_209 = arith.muli %add3A_207, %mul3A_208 : i32
      %dma_wait3A_210 = tpu.memref_slice %arg5[%mul3A_209] : memref<10000xi32, #tpu.memory_space<vmem>> -> memref<128xi32, #tpu.memory_space<vmem>>
      %dma_wait3A_211 = arith.constant 0 : i32
      %dma_wait3A_212 = arith.constant 0 : i32
      %dma_wait3A_213 = tpu.memref_slice %arg2[%dma_wait3A_211, %dma_wait3A_212] : memref<10000x128xbf16, #tpu.memory_space<hbm>> -> memref<10000x128xbf16, #tpu.memory_space<hbm>>
      tpu.wait_indirect_dma semaphore(%arg18 : memref<!tpu.dma_semaphore, #tpu.memory_space<semaphore_mem>>) src(%dma_wait3A_213 : memref<10000x128xbf16, #tpu.memory_space<hbm>>) dst(%arg12 : memref<128x128xbf16, #tpu.memory_space<vmem>>)
      %add3A_214 = arith.constant 0 : i32
      %add3A_215 = arith.addi %add3A_214, %add3A_207 : i32
      %mul3A_216 = arith.constant 128 : i32
      %mul3A_217 = arith.muli %add3A_215, %mul3A_216 : i32
      "tpu.region"() ({
        %run_scoped3A_245 = tpu.sem_alloc : memref<!tpu.dma_semaphore, #tpu.memory_space<semaphore_mem>>
        %dma_start3A_246 = tpu.memref_slice %arg6[%mul3A_217] : memref<10000xi32, #tpu.memory_space<vmem>> -> memref<128xi32, #tpu.memory_space<vmem>>
        %dma_start3A_247 = arith.constant 0 : i32
        %dma_start3A_248 = arith.constant 0 : i32
        %dma_start3A_249 = tpu.memref_slice %arg21[%dma_start3A_247, %dma_start3A_248] : memref<10000x128xbf16, #tpu.memory_space<vmem_shared>> -> memref<10000x128xbf16, #tpu.memory_space<vmem_shared>>
        tpu.enqueue_indirect_dma source(%arg12 : memref<128x128xbf16, #tpu.memory_space<vmem>>) target(%dma_start3A_249 : memref<10000x128xbf16, #tpu.memory_space<vmem_shared>>) offsets(%dma_start3A_246 : memref<128xi32, #tpu.memory_space<vmem>>) semaphore(%run_scoped3A_245 : memref<!tpu.dma_semaphore, #tpu.memory_space<semaphore_mem>>) {add = true}
        %dma_wait3A_250 = tpu.memref_slice %arg6[%mul3A_217] : memref<10000xi32, #tpu.memory_space<vmem>> -> memref<128xi32, #tpu.memory_space<vmem>>
        %dma_wait3A_251 = arith.constant 0 : i32
        %dma_wait3A_252 = arith.constant 0 : i32
        %dma_wait3A_253 = tpu.memref_slice %arg21[%dma_wait3A_251, %dma_wait3A_252] : memref<10000x128xbf16, #tpu.memory_space<vmem_shared>> -> memref<10000x128xbf16, #tpu.memory_space<vmem_shared>>
        tpu.wait_indirect_dma semaphore(%run_scoped3A_245 : memref<!tpu.dma_semaphore, #tpu.memory_space<semaphore_mem>>) src(%arg12 : memref<128x128xbf16, #tpu.memory_space<vmem>>) dst(%dma_wait3A_253 : memref<10000x128xbf16, #tpu.memory_space<vmem_shared>>)
        tpu.yield
      }) : () -> ()
      %add3A_218 = arith.constant 6 : i32
      %add3A_219 = arith.addi %add3A_207, %add3A_218 : i32
      %lt3A_220 = arith.constant 78 : i32
      %lt3A_221 = arith.cmpi slt, %add3A_219, %lt3A_220 : i32
      %convert_element_type3A_222 = arith.extui %lt3A_221 : i1 to i32
      %cond3A_223 = arith.constant 0 : i32
      %cond3A_224 = arith.cmpi ne, %convert_element_type3A_222, %cond3A_223 : i32
      scf.if %cond3A_224 {
        %add3A_245 = arith.constant 6 : i32
        %add3A_246 = arith.addi %add3A_207, %add3A_245 : i32
        %mul3A_247 = arith.constant 128 : i32
        %mul3A_248 = arith.muli %add3A_246, %mul3A_247 : i32
        %dma_start3A_249 = tpu.memref_slice %arg5[%mul3A_248] : memref<10000xi32, #tpu.memory_space<vmem>> -> memref<128xi32, #tpu.memory_space<vmem>>
        %dma_start3A_250 = arith.constant 0 : i32
        %dma_start3A_251 = arith.constant 0 : i32
        %dma_start3A_252 = tpu.memref_slice %arg2[%dma_start3A_250, %dma_start3A_251] : memref<10000x128xbf16, #tpu.memory_space<hbm>> -> memref<10000x128xbf16, #tpu.memory_space<hbm>>
        tpu.enqueue_indirect_dma source(%dma_start3A_252 : memref<10000x128xbf16, #tpu.memory_space<hbm>>) target(%arg12 : memref<128x128xbf16, #tpu.memory_space<vmem>>) offsets(%dma_start3A_249 : memref<128xi32, #tpu.memory_space<vmem>>) semaphore(%arg18 : memref<!tpu.dma_semaphore, #tpu.memory_space<semaphore_mem>>)
      } else {
      }
      %add3A_225 = arith.constant 5 : i32
      %add3A_226 = arith.addi %mul3A_132, %add3A_225 : i32
      %mul3A_227 = arith.constant 128 : i32
      %mul3A_228 = arith.muli %add3A_226, %mul3A_227 : i32
      %dma_wait3A_229 = tpu.memref_slice %arg5[%mul3A_228] : memref<10000xi32, #tpu.memory_space<vmem>> -> memref<128xi32, #tpu.memory_space<vmem>>
      %dma_wait3A_230 = arith.constant 0 : i32
      %dma_wait3A_231 = arith.constant 0 : i32
      %dma_wait3A_232 = tpu.memref_slice %arg2[%dma_wait3A_230, %dma_wait3A_231] : memref<10000x128xbf16, #tpu.memory_space<hbm>> -> memref<10000x128xbf16, #tpu.memory_space<hbm>>
      tpu.wait_indirect_dma semaphore(%arg19 : memref<!tpu.dma_semaphore, #tpu.memory_space<semaphore_mem>>) src(%dma_wait3A_232 : memref<10000x128xbf16, #tpu.memory_space<hbm>>) dst(%arg13 : memref<128x128xbf16, #tpu.memory_space<vmem>>)
      %add3A_233 = arith.constant 0 : i32
      %add3A_234 = arith.addi %add3A_233, %add3A_226 : i32
      %mul3A_235 = arith.constant 128 : i32
      %mul3A_236 = arith.muli %add3A_234, %mul3A_235 : i32
      "tpu.region"() ({
        %run_scoped3A_245 = tpu.sem_alloc : memref<!tpu.dma_semaphore, #tpu.memory_space<semaphore_mem>>
        %dma_start3A_246 = tpu.memref_slice %arg6[%mul3A_236] : memref<10000xi32, #tpu.memory_space<vmem>> -> memref<128xi32, #tpu.memory_space<vmem>>
        %dma_start3A_247 = arith.constant 0 : i32
        %dma_start3A_248 = arith.constant 0 : i32
        %dma_start3A_249 = tpu.memref_slice %arg21[%dma_start3A_247, %dma_start3A_248] : memref<10000x128xbf16, #tpu.memory_space<vmem_shared>> -> memref<10000x128xbf16, #tpu.memory_space<vmem_shared>>
        tpu.enqueue_indirect_dma source(%arg13 : memref<128x128xbf16, #tpu.memory_space<vmem>>) target(%dma_start3A_249 : memref<10000x128xbf16, #tpu.memory_space<vmem_shared>>) offsets(%dma_start3A_246 : memref<128xi32, #tpu.memory_space<vmem>>) semaphore(%run_scoped3A_245 : memref<!tpu.dma_semaphore, #tpu.memory_space<semaphore_mem>>) {add = true}
        %dma_wait3A_250 = tpu.memref_slice %arg6[%mul3A_236] : memref<10000xi32, #tpu.memory_space<vmem>> -> memref<128xi32, #tpu.memory_space<vmem>>
        %dma_wait3A_251 = arith.constant 0 : i32
        %dma_wait3A_252 = arith.constant 0 : i32
        %dma_wait3A_253 = tpu.memref_slice %arg21[%dma_wait3A_251, %dma_wait3A_252] : memref<10000x128xbf16, #tpu.memory_space<vmem_shared>> -> memref<10000x128xbf16, #tpu.memory_space<vmem_shared>>
        tpu.wait_indirect_dma semaphore(%run_scoped3A_245 : memref<!tpu.dma_semaphore, #tpu.memory_space<semaphore_mem>>) src(%arg13 : memref<128x128xbf16, #tpu.memory_space<vmem>>) dst(%dma_wait3A_253 : memref<10000x128xbf16, #tpu.memory_space<vmem_shared>>)
        tpu.yield
      }) : () -> ()
      %add3A_237 = arith.constant 6 : i32
      %add3A_238 = arith.addi %add3A_226, %add3A_237 : i32
      %lt3A_239 = arith.constant 78 : i32
      %lt3A_240 = arith.cmpi slt, %add3A_238, %lt3A_239 : i32
      %convert_element_type3A_241 = arith.extui %lt3A_240 : i1 to i32
      %cond3A_242 = arith.constant 0 : i32
      %cond3A_243 = arith.cmpi ne, %convert_element_type3A_241, %cond3A_242 : i32
      scf.if %cond3A_243 {
        %add3A_245 = arith.constant 6 : i32
        %add3A_246 = arith.addi %add3A_226, %add3A_245 : i32
        %mul3A_247 = arith.constant 128 : i32
        %mul3A_248 = arith.muli %add3A_246, %mul3A_247 : i32
        %dma_start3A_249 = tpu.memref_slice %arg5[%mul3A_248] : memref<10000xi32, #tpu.memory_space<vmem>> -> memref<128xi32, #tpu.memory_space<vmem>>
        %dma_start3A_250 = arith.constant 0 : i32
        %dma_start3A_251 = arith.constant 0 : i32
        %dma_start3A_252 = tpu.memref_slice %arg2[%dma_start3A_250, %dma_start3A_251] : memref<10000x128xbf16, #tpu.memory_space<hbm>> -> memref<10000x128xbf16, #tpu.memory_space<hbm>>
        tpu.enqueue_indirect_dma source(%dma_start3A_252 : memref<10000x128xbf16, #tpu.memory_space<hbm>>) target(%arg13 : memref<128x128xbf16, #tpu.memory_space<vmem>>) offsets(%dma_start3A_249 : memref<128xi32, #tpu.memory_space<vmem>>) semaphore(%arg19 : memref<!tpu.dma_semaphore, #tpu.memory_space<semaphore_mem>>)
      } else {
      }
      %scan3A_244 = arith.constant 0 : i32
      scf.yield %scan3A_244 : i32
    }
    %scan3A_63 = arith.constant 13 : i32
    %dma_start3A_64 = arith.constant 0 : i32
    %dma_start3A_65 = arith.constant 0 : i32
    %dma_start3A_66 = tpu.memref_slice %arg8[%dma_start3A_64, %dma_start3A_65] : memref<128x128xbf16, #tpu.memory_space<vmem>> -> memref<16x128xbf16, #tpu.memory_space<vmem>>
    %dma_start3A_67 = arith.constant 9984 : i32
    %dma_start3A_68 = tpu.memref_slice %arg5[%dma_start3A_67] : memref<10000xi32, #tpu.memory_space<vmem>> -> memref<16xi32, #tpu.memory_space<vmem>>
    %dma_start3A_69 = arith.constant 0 : i32
    %dma_start3A_70 = arith.constant 0 : i32
    %dma_start3A_71 = tpu.memref_slice %arg2[%dma_start3A_69, %dma_start3A_70] : memref<10000x128xbf16, #tpu.memory_space<hbm>> -> memref<10000x128xbf16, #tpu.memory_space<hbm>>
    tpu.enqueue_indirect_dma source(%dma_start3A_71 : memref<10000x128xbf16, #tpu.memory_space<hbm>>) target(%dma_start3A_66 : memref<16x128xbf16, #tpu.memory_space<vmem>>) offsets(%dma_start3A_68 : memref<16xi32, #tpu.memory_space<vmem>>) semaphore(%arg14 : memref<!tpu.dma_semaphore, #tpu.memory_space<semaphore_mem>>)
    %dma_wait3A = arith.constant 0 : i32
    %dma_wait3A_72 = arith.constant 0 : i32
    %dma_wait3A_73 = tpu.memref_slice %arg8[%dma_wait3A, %dma_wait3A_72] : memref<128x128xbf16, #tpu.memory_space<vmem>> -> memref<16x128xbf16, #tpu.memory_space<vmem>>
    %dma_wait3A_74 = arith.constant 9984 : i32
    %dma_wait3A_75 = tpu.memref_slice %arg5[%dma_wait3A_74] : memref<10000xi32, #tpu.memory_space<vmem>> -> memref<16xi32, #tpu.memory_space<vmem>>
    %dma_wait3A_76 = arith.constant 0 : i32
    %dma_wait3A_77 = arith.constant 0 : i32
    %dma_wait3A_78 = tpu.memref_slice %arg2[%dma_wait3A_76, %dma_wait3A_77] : memref<10000x128xbf16, #tpu.memory_space<hbm>> -> memref<10000x128xbf16, #tpu.memory_space<hbm>>
    tpu.wait_indirect_dma semaphore(%arg14 : memref<!tpu.dma_semaphore, #tpu.memory_space<semaphore_mem>>) src(%dma_wait3A_78 : memref<10000x128xbf16, #tpu.memory_space<hbm>>) dst(%dma_wait3A_73 : memref<16x128xbf16, #tpu.memory_space<vmem>>)
    "tpu.region"() ({
      %run_scoped3A_129 = tpu.sem_alloc : memref<!tpu.dma_semaphore, #tpu.memory_space<semaphore_mem>>
      %dma_start3A_130 = arith.constant 0 : i32
      %dma_start3A_131 = arith.constant 0 : i32
      %dma_start3A_132 = tpu.memref_slice %arg8[%dma_start3A_130, %dma_start3A_131] : memref<128x128xbf16, #tpu.memory_space<vmem>> -> memref<16x128xbf16, #tpu.memory_space<vmem>>
      %dma_start3A_133 = arith.constant 0 : i32
      %dma_start3A_134 = arith.constant 0 : i32
      %dma_start3A_135 = tpu.memref_slice %arg21[%dma_start3A_133, %dma_start3A_134] : memref<10000x128xbf16, #tpu.memory_space<vmem_shared>> -> memref<10000x128xbf16, #tpu.memory_space<vmem_shared>>
      tpu.enqueue_indirect_dma source(%dma_start3A_132 : memref<16x128xbf16, #tpu.memory_space<vmem>>) target(%dma_start3A_135 : memref<10000x128xbf16, #tpu.memory_space<vmem_shared>>) offsets(%arg7 : memref<16xi32, #tpu.memory_space<vmem>>) semaphore(%run_scoped3A_129 : memref<!tpu.dma_semaphore, #tpu.memory_space<semaphore_mem>>) {add = true}
      %dma_wait3A_136 = arith.constant 0 : i32
      %dma_wait3A_137 = arith.constant 0 : i32
      %dma_wait3A_138 = tpu.memref_slice %arg8[%dma_wait3A_136, %dma_wait3A_137] : memref<128x128xbf16, #tpu.memory_space<vmem>> -> memref<16x128xbf16, #tpu.memory_space<vmem>>
      %dma_wait3A_139 = arith.constant 0 : i32
      %dma_wait3A_140 = arith.constant 0 : i32
      %dma_wait3A_141 = tpu.memref_slice %arg21[%dma_wait3A_139, %dma_wait3A_140] : memref<10000x128xbf16, #tpu.memory_space<vmem_shared>> -> memref<10000x128xbf16, #tpu.memory_space<vmem_shared>>
      tpu.wait_indirect_dma semaphore(%run_scoped3A_129 : memref<!tpu.dma_semaphore, #tpu.memory_space<semaphore_mem>>) src(%dma_wait3A_138 : memref<16x128xbf16, #tpu.memory_space<vmem>>) dst(%dma_wait3A_141 : memref<10000x128xbf16, #tpu.memory_space<vmem_shared>>)
      tpu.yield
    }) : () -> ()
    %barrier3A_79 = arith.constant 0 : index
    tpu.barrier barrier_id(%barrier3A_79)
    %iota3A = tpu.iota {dimensions = array<i32: 0>} : vector<16xi32>
    %broadcast_in_dim3A_80 = arith.constant -65536 : i32
    %broadcast_in_dim3A_81 = vector.broadcast %broadcast_in_dim3A_80 : i32 to vector<16xi32>
    %broadcast_in_dim3A_82 = arith.constant 16 : i32
    %broadcast_in_dim3A_83 = vector.broadcast %broadcast_in_dim3A_82 : i32 to vector<16xi32>
    %add3A_84 = arith.constant 0 : i32
    %add3A_85 = arith.addi %mul3A_4, %add3A_84 : i32
    "tpu.region"() ({
      %run_scoped3A_129 = tpu.sem_alloc : memref<!tpu.dma_semaphore, #tpu.memory_space<semaphore_mem>>
      %dma_start3A_130 = arith.constant 0 : i32
      %dma_start3A_131 = arith.constant 0 : i32
      %dma_start3A_132 = tpu.memref_slice %arg8[%dma_start3A_130, %dma_start3A_131] : memref<128x128xbf16, #tpu.memory_space<vmem>> -> memref<128x128xbf16, #tpu.memory_space<vmem>>
      %dma_start3A_133 = arith.constant 0 : i32
      %dma_start3A_134 = tpu.memref_slice %arg21[%add3A_85, %dma_start3A_133] : memref<10000x128xbf16, #tpu.memory_space<vmem_shared>> -> memref<128x128xbf16, #tpu.memory_space<vmem_shared>>
      %dma_start3A_135 = arith.constant 0 : i32
      %dma_start3A_136 = arith.constant 0 : i32
      %dma_start3A_137 = tpu.memref_slice %arg8[%dma_start3A_135, %dma_start3A_136] : memref<128x128xbf16, #tpu.memory_space<vmem>> -> memref<128x128xbf16, #tpu.memory_space<vmem>>
      %dma_start3A_138 = arith.constant 0 : i32
      %dma_start3A_139 = tpu.memref_slice %arg21[%add3A_85, %dma_start3A_138] : memref<10000x128xbf16, #tpu.memory_space<vmem_shared>> -> memref<128x128xbf16, #tpu.memory_space<vmem_shared>>
      tpu.enqueue_dma source(%dma_start3A_139 : memref<128x128xbf16, #tpu.memory_space<vmem_shared>>) target(%dma_start3A_137 : memref<128x128xbf16, #tpu.memory_space<vmem>>) target_semaphore(%run_scoped3A_129 : memref<!tpu.dma_semaphore, #tpu.memory_space<semaphore_mem>>)
      %dma_wait3A_140 = arith.constant 0 : i32
      %dma_wait3A_141 = arith.constant 0 : i32
      %dma_wait3A_142 = tpu.memref_slice %arg8[%dma_wait3A_140, %dma_wait3A_141] : memref<128x128xbf16, #tpu.memory_space<vmem>> -> memref<128x128xbf16, #tpu.memory_space<vmem>>
      %dma_wait3A_143 = arith.constant 0 : i32
      %dma_wait3A_144 = tpu.memref_slice %arg21[%add3A_85, %dma_wait3A_143] : memref<10000x128xbf16, #tpu.memory_space<vmem_shared>> -> memref<128x128xbf16, #tpu.memory_space<vmem_shared>>
      %dma_wait3A_145 = arith.constant 0 : i32
      %dma_wait3A_146 = arith.constant 0 : i32
      %dma_wait3A_147 = tpu.memref_slice %arg8[%dma_wait3A_145, %dma_wait3A_146] : memref<128x128xbf16, #tpu.memory_space<vmem>> -> memref<128x128xbf16, #tpu.memory_space<vmem>>
      %dma_wait3A_148 = arith.constant 0 : i32
      %dma_wait3A_149 = tpu.memref_slice %arg21[%add3A_85, %dma_wait3A_148] : memref<10000x128xbf16, #tpu.memory_space<vmem_shared>> -> memref<128x128xbf16, #tpu.memory_space<vmem_shared>>
      tpu.wait_dma2 semaphore(%run_scoped3A_129 : memref<!tpu.dma_semaphore, #tpu.memory_space<semaphore_mem>>) src(%dma_wait3A_149 : memref<128x128xbf16, #tpu.memory_space<vmem_shared>>) dst(%dma_wait3A_147 : memref<128x128xbf16, #tpu.memory_space<vmem>>)
      tpu.yield
    }) : () -> ()
    %scan3A_86 = arith.constant 0 : i32
    %scan3A_87 = arith.constant 0 : i32
    %scan3A_88 = arith.constant 128 : i32
    %scan3A_89 = arith.addi %scan3A_87, %scan3A_88 : i32
    %scan3A_90 = arith.constant 1 : i32
    %scan3A_91 = scf.for %scan3A_129 = %scan3A_87 to %scan3A_89 step %scan3A_90 iter_args(%scan3A_130 = %scan3A_86) -> (i32)  : i32 {
      %broadcast_in_dim3A_131 = vector.broadcast %scan3A_129 : i32 to vector<16xi32>
      %get3A = arith.index_cast %scan3A_129 : i32 to index
      %get3A_132 = arith.constant 0 : index
      %get3A_133 = tpu.vector_load %arg8[%get3A, %get3A_132] {strides = array<i32>} : memref<128x128xbf16, #tpu.memory_space<vmem>>, vector<32xbf16>,
      %bitcast3A = vector.bitcast %get3A_133 : vector<32xbf16> to vector<16xi32>
      %shift_left3A = arith.shli %bitcast3A, %broadcast_in_dim3A_83 : vector<16xi32>
      %bitcast3A_134 = vector.bitcast %shift_left3A : vector<16xi32> to vector<16xf32>
      %and3A = arith.andi %bitcast3A, %broadcast_in_dim3A_81 : vector<16xi32>
      %bitcast3A_135 = vector.bitcast %and3A : vector<16xi32> to vector<16xf32>
      %mul3A_136 = arith.constant 2 : i32
      %mul3A_137 = vector.broadcast %mul3A_136 : i32 to vector<16xi32>
      %mul3A_138 = arith.muli %mul3A_137, %iota3A : vector<16xi32>
      %add3A_139 = arith.constant 0 : i32
      %add3A_140 = vector.broadcast %add3A_139 : i32 to vector<16xi32>
      %add3A_141 = arith.addi %add3A_140, %mul3A_138 : vector<16xi32>
      tpu.vector_store_idx %arg20[%broadcast_in_dim3A_131, %add3A_141], %bitcast3A_134 : memref<128x128xf32, #tpu.memory_space<vmem>>[vector<16xi32>, vector<16xi32>], vector<16xf32>,
      %add3A_142 = arith.constant 1 : i32
      %add3A_143 = vector.broadcast %add3A_142 : i32 to vector<16xi32>
      %add3A_144 = arith.addi %add3A_141, %add3A_143 : vector<16xi32>
      tpu.vector_store_idx %arg20[%broadcast_in_dim3A_131, %add3A_144], %bitcast3A_135 : memref<128x128xf32, #tpu.memory_space<vmem>>[vector<16xi32>, vector<16xi32>], vector<16xf32>,
      %get3A_145 = arith.index_cast %scan3A_129 : i32 to index
      %get3A_146 = arith.constant 32 : index
      %get3A_147 = tpu.vector_load %arg8[%get3A_145, %get3A_146] {strides = array<i32>} : memref<128x128xbf16, #tpu.memory_space<vmem>>, vector<32xbf16>,
      %bitcast3A_148 = vector.bitcast %get3A_147 : vector<32xbf16> to vector<16xi32>
      %shift_left3A_149 = arith.shli %bitcast3A_148, %broadcast_in_dim3A_83 : vector<16xi32>
      %bitcast3A_150 = vector.bitcast %shift_left3A_149 : vector<16xi32> to vector<16xf32>
      %and3A_151 = arith.andi %bitcast3A_148, %broadcast_in_dim3A_81 : vector<16xi32>
      %bitcast3A_152 = vector.bitcast %and3A_151 : vector<16xi32> to vector<16xf32>
      %mul3A_153 = arith.constant 2 : i32
      %mul3A_154 = vector.broadcast %mul3A_153 : i32 to vector<16xi32>
      %mul3A_155 = arith.muli %mul3A_154, %iota3A : vector<16xi32>
      %add3A_156 = arith.constant 32 : i32
      %add3A_157 = vector.broadcast %add3A_156 : i32 to vector<16xi32>
      %add3A_158 = arith.addi %add3A_157, %mul3A_155 : vector<16xi32>
      tpu.vector_store_idx %arg20[%broadcast_in_dim3A_131, %add3A_158], %bitcast3A_150 : memref<128x128xf32, #tpu.memory_space<vmem>>[vector<16xi32>, vector<16xi32>], vector<16xf32>,
      %add3A_159 = arith.constant 1 : i32
      %add3A_160 = vector.broadcast %add3A_159 : i32 to vector<16xi32>
      %add3A_161 = arith.addi %add3A_158, %add3A_160 : vector<16xi32>
      tpu.vector_store_idx %arg20[%broadcast_in_dim3A_131, %add3A_161], %bitcast3A_152 : memref<128x128xf32, #tpu.memory_space<vmem>>[vector<16xi32>, vector<16xi32>], vector<16xf32>,
      %get3A_162 = arith.index_cast %scan3A_129 : i32 to index
      %get3A_163 = arith.constant 64 : index
      %get3A_164 = tpu.vector_load %arg8[%get3A_162, %get3A_163] {strides = array<i32>} : memref<128x128xbf16, #tpu.memory_space<vmem>>, vector<32xbf16>,
      %bitcast3A_165 = vector.bitcast %get3A_164 : vector<32xbf16> to vector<16xi32>
      %shift_left3A_166 = arith.shli %bitcast3A_165, %broadcast_in_dim3A_83 : vector<16xi32>
      %bitcast3A_167 = vector.bitcast %shift_left3A_166 : vector<16xi32> to vector<16xf32>
      %and3A_168 = arith.andi %bitcast3A_165, %broadcast_in_dim3A_81 : vector<16xi32>
      %bitcast3A_169 = vector.bitcast %and3A_168 : vector<16xi32> to vector<16xf32>
      %mul3A_170 = arith.constant 2 : i32
      %mul3A_171 = vector.broadcast %mul3A_170 : i32 to vector<16xi32>
      %mul3A_172 = arith.muli %mul3A_171, %iota3A : vector<16xi32>
      %add3A_173 = arith.constant 64 : i32
      %add3A_174 = vector.broadcast %add3A_173 : i32 to vector<16xi32>
      %add3A_175 = arith.addi %add3A_174, %mul3A_172 : vector<16xi32>
      tpu.vector_store_idx %arg20[%broadcast_in_dim3A_131, %add3A_175], %bitcast3A_167 : memref<128x128xf32, #tpu.memory_space<vmem>>[vector<16xi32>, vector<16xi32>], vector<16xf32>,
      %add3A_176 = arith.constant 1 : i32
      %add3A_177 = vector.broadcast %add3A_176 : i32 to vector<16xi32>
      %add3A_178 = arith.addi %add3A_175, %add3A_177 : vector<16xi32>
      tpu.vector_store_idx %arg20[%broadcast_in_dim3A_131, %add3A_178], %bitcast3A_169 : memref<128x128xf32, #tpu.memory_space<vmem>>[vector<16xi32>, vector<16xi32>], vector<16xf32>,
      %get3A_179 = arith.index_cast %scan3A_129 : i32 to index
      %get3A_180 = arith.constant 96 : index
      %get3A_181 = tpu.vector_load %arg8[%get3A_179, %get3A_180] {strides = array<i32>} : memref<128x128xbf16, #tpu.memory_space<vmem>>, vector<32xbf16>,
      %bitcast3A_182 = vector.bitcast %get3A_181 : vector<32xbf16> to vector<16xi32>
      %shift_left3A_183 = arith.shli %bitcast3A_182, %broadcast_in_dim3A_83 : vector<16xi32>
      %bitcast3A_184 = vector.bitcast %shift_left3A_183 : vector<16xi32> to vector<16xf32>
      %and3A_185 = arith.andi %bitcast3A_182, %broadcast_in_dim3A_81 : vector<16xi32>
      %bitcast3A_186 = vector.bitcast %and3A_185 : vector<16xi32> to vector<16xf32>
      %mul3A_187 = arith.constant 2 : i32
      %mul3A_188 = vector.broadcast %mul3A_187 : i32 to vector<16xi32>
      %mul3A_189 = arith.muli %mul3A_188, %iota3A : vector<16xi32>
      %add3A_190 = arith.constant 96 : i32
      %add3A_191 = vector.broadcast %add3A_190 : i32 to vector<16xi32>
      %add3A_192 = arith.addi %add3A_191, %mul3A_189 : vector<16xi32>
      tpu.vector_store_idx %arg20[%broadcast_in_dim3A_131, %add3A_192], %bitcast3A_184 : memref<128x128xf32, #tpu.memory_space<vmem>>[vector<16xi32>, vector<16xi32>], vector<16xf32>,
      %add3A_193 = arith.constant 1 : i32
      %add3A_194 = vector.broadcast %add3A_193 : i32 to vector<16xi32>
      %add3A_195 = arith.addi %add3A_192, %add3A_194 : vector<16xi32>
      tpu.vector_store_idx %arg20[%broadcast_in_dim3A_131, %add3A_195], %bitcast3A_186 : memref<128x128xf32, #tpu.memory_space<vmem>>[vector<16xi32>, vector<16xi32>], vector<16xf32>,
      %scan3A_196 = arith.constant 0 : i32
      scf.yield %scan3A_196 : i32
    }
    %scan3A_92 = arith.constant 128 : i32
    "tpu.region"() ({
      %run_scoped3A_129 = tpu.sem_alloc : memref<!tpu.dma_semaphore, #tpu.memory_space<semaphore_mem>>
      %dma_start3A_130 = arith.constant 0 : i32
      %dma_start3A_131 = arith.constant 0 : i32
      %dma_start3A_132 = tpu.memref_slice %arg20[%dma_start3A_130, %dma_start3A_131] : memref<128x128xf32, #tpu.memory_space<vmem>> -> memref<128x128xf32, #tpu.memory_space<vmem>>
      %dma_start3A_133 = arith.constant 0 : i32
      %dma_start3A_134 = tpu.memref_slice %arg4[%arg0, %add3A_85, %dma_start3A_133] : memref<2x10000x128xf32, #tpu.memory_space<hbm>> -> memref<1x128x128xf32, #tpu.memory_space<hbm>>
      %dma_start3A_135 = tpu.memref_squeeze %dma_start3A_134 : memref<1x128x128xf32, #tpu.memory_space<hbm>> -> memref<128x128xf32, #tpu.memory_space<hbm>>
      %dma_start3A_136 = arith.constant 0 : i32
      %dma_start3A_137 = tpu.memref_slice %arg4[%arg0, %add3A_85, %dma_start3A_136] : memref<2x10000x128xf32, #tpu.memory_space<hbm>> -> memref<1x128x128xf32, #tpu.memory_space<hbm>>
      %dma_start3A_138 = tpu.memref_squeeze %dma_start3A_137 : memref<1x128x128xf32, #tpu.memory_space<hbm>> -> memref<128x128xf32, #tpu.memory_space<hbm>>
      %dma_start3A_139 = arith.constant 0 : i32
      %dma_start3A_140 = arith.constant 0 : i32
      %dma_start3A_141 = tpu.memref_slice %arg20[%dma_start3A_139, %dma_start3A_140] : memref<128x128xf32, #tpu.memory_space<vmem>> -> memref<128x128xf32, #tpu.memory_space<vmem>>
      tpu.enqueue_dma source(%dma_start3A_141 : memref<128x128xf32, #tpu.memory_space<vmem>>) target(%dma_start3A_138 : memref<128x128xf32, #tpu.memory_space<hbm>>) target_semaphore(%run_scoped3A_129 : memref<!tpu.dma_semaphore, #tpu.memory_space<semaphore_mem>>)
      %dma_wait3A_142 = arith.constant 0 : i32
      %dma_wait3A_143 = arith.constant 0 : i32
      %dma_wait3A_144 = tpu.memref_slice %arg20[%dma_wait3A_142, %dma_wait3A_143] : memref<128x128xf32, #tpu.memory_space<vmem>> -> memref<128x128xf32, #tpu.memory_space<vmem>>
      %dma_wait3A_145 = arith.constant 0 : i32
      %dma_wait3A_146 = tpu.memref_slice %arg4[%arg0, %add3A_85, %dma_wait3A_145] : memref<2x10000x128xf32, #tpu.memory_space<hbm>> -> memref<1x128x128xf32, #tpu.memory_space<hbm>>
      %dma_wait3A_147 = tpu.memref_squeeze %dma_wait3A_146 : memref<1x128x128xf32, #tpu.memory_space<hbm>> -> memref<128x128xf32, #tpu.memory_space<hbm>>
      %dma_wait3A_148 = arith.constant 0 : i32
      %dma_wait3A_149 = tpu.memref_slice %arg4[%arg0, %add3A_85, %dma_wait3A_148] : memref<2x10000x128xf32, #tpu.memory_space<hbm>> -> memref<1x128x128xf32, #tpu.memory_space<hbm>>
      %dma_wait3A_150 = tpu.memref_squeeze %dma_wait3A_149 : memref<1x128x128xf32, #tpu.memory_space<hbm>> -> memref<128x128xf32, #tpu.memory_space<hbm>>
      %dma_wait3A_151 = arith.constant 0 : i32
      %dma_wait3A_152 = arith.constant 0 : i32
      %dma_wait3A_153 = tpu.memref_slice %arg20[%dma_wait3A_151, %dma_wait3A_152] : memref<128x128xf32, #tpu.memory_space<vmem>> -> memref<128x128xf32, #tpu.memory_space<vmem>>
      tpu.wait_dma2 semaphore(%run_scoped3A_129 : memref<!tpu.dma_semaphore, #tpu.memory_space<semaphore_mem>>) src(%dma_wait3A_153 : memref<128x128xf32, #tpu.memory_space<vmem>>) dst(%dma_wait3A_150 : memref<128x128xf32, #tpu.memory_space<hbm>>)
      tpu.yield
    }) : () -> ()
    %add3A_93 = arith.constant 128 : i32
    %add3A_94 = arith.addi %mul3A_4, %add3A_93 : i32
    "tpu.region"() ({
      %run_scoped3A_129 = tpu.sem_alloc : memref<!tpu.dma_semaphore, #tpu.memory_space<semaphore_mem>>
      %dma_start3A_130 = arith.constant 0 : i32
      %dma_start3A_131 = arith.constant 0 : i32
      %dma_start3A_132 = tpu.memref_slice %arg8[%dma_start3A_130, %dma_start3A_131] : memref<128x128xbf16, #tpu.memory_space<vmem>> -> memref<128x128xbf16, #tpu.memory_space<vmem>>
      %dma_start3A_133 = arith.constant 0 : i32
      %dma_start3A_134 = tpu.memref_slice %arg21[%add3A_94, %dma_start3A_133] : memref<10000x128xbf16, #tpu.memory_space<vmem_shared>> -> memref<128x128xbf16, #tpu.memory_space<vmem_shared>>
      %dma_start3A_135 = arith.constant 0 : i32
      %dma_start3A_136 = arith.constant 0 : i32
      %dma_start3A_137 = tpu.memref_slice %arg8[%dma_start3A_135, %dma_start3A_136] : memref<128x128xbf16, #tpu.memory_space<vmem>> -> memref<128x128xbf16, #tpu.memory_space<vmem>>
      %dma_start3A_138 = arith.constant 0 : i32
      %dma_start3A_139 = tpu.memref_slice %arg21[%add3A_94, %dma_start3A_138] : memref<10000x128xbf16, #tpu.memory_space<vmem_shared>> -> memref<128x128xbf16, #tpu.memory_space<vmem_shared>>
      tpu.enqueue_dma source(%dma_start3A_139 : memref<128x128xbf16, #tpu.memory_space<vmem_shared>>) target(%dma_start3A_137 : memref<128x128xbf16, #tpu.memory_space<vmem>>) target_semaphore(%run_scoped3A_129 : memref<!tpu.dma_semaphore, #tpu.memory_space<semaphore_mem>>)
      %dma_wait3A_140 = arith.constant 0 : i32
      %dma_wait3A_141 = arith.constant 0 : i32
      %dma_wait3A_142 = tpu.memref_slice %arg8[%dma_wait3A_140, %dma_wait3A_141] : memref<128x128xbf16, #tpu.memory_space<vmem>> -> memref<128x128xbf16, #tpu.memory_space<vmem>>
      %dma_wait3A_143 = arith.constant 0 : i32
      %dma_wait3A_144 = tpu.memref_slice %arg21[%add3A_94, %dma_wait3A_143] : memref<10000x128xbf16, #tpu.memory_space<vmem_shared>> -> memref<128x128xbf16, #tpu.memory_space<vmem_shared>>
      %dma_wait3A_145 = arith.constant 0 : i32
      %dma_wait3A_146 = arith.constant 0 : i32
      %dma_wait3A_147 = tpu.memref_slice %arg8[%dma_wait3A_145, %dma_wait3A_146] : memref<128x128xbf16, #tpu.memory_space<vmem>> -> memref<128x128xbf16, #tpu.memory_space<vmem>>
      %dma_wait3A_148 = arith.constant 0 : i32
      %dma_wait3A_149 = tpu.memref_slice %arg21[%add3A_94, %dma_wait3A_148] : memref<10000x128xbf16, #tpu.memory_space<vmem_shared>> -> memref<128x128xbf16, #tpu.memory_space<vmem_shared>>
      tpu.wait_dma2 semaphore(%run_scoped3A_129 : memref<!tpu.dma_semaphore, #tpu.memory_space<semaphore_mem>>) src(%dma_wait3A_149 : memref<128x128xbf16, #tpu.memory_space<vmem_shared>>) dst(%dma_wait3A_147 : memref<128x128xbf16, #tpu.memory_space<vmem>>)
      tpu.yield
    }) : () -> ()
    %scan3A_95 = arith.constant 0 : i32
    %scan3A_96 = arith.constant 0 : i32
    %scan3A_97 = arith.constant 128 : i32
    %scan3A_98 = arith.addi %scan3A_96, %scan3A_97 : i32
    %scan3A_99 = arith.constant 1 : i32
    %scan3A_100 = scf.for %scan3A_129 = %scan3A_96 to %scan3A_98 step %scan3A_99 iter_args(%scan3A_130 = %scan3A_95) -> (i32)  : i32 {
      %broadcast_in_dim3A_131 = vector.broadcast %scan3A_129 : i32 to vector<16xi32>
      %get3A = arith.index_cast %scan3A_129 : i32 to index
      %get3A_132 = arith.constant 0 : index
      %get3A_133 = tpu.vector_load %arg8[%get3A, %get3A_132] {strides = array<i32>} : memref<128x128xbf16, #tpu.memory_space<vmem>>, vector<32xbf16>,
      %bitcast3A = vector.bitcast %get3A_133 : vector<32xbf16> to vector<16xi32>
      %shift_left3A = arith.shli %bitcast3A, %broadcast_in_dim3A_83 : vector<16xi32>
      %bitcast3A_134 = vector.bitcast %shift_left3A : vector<16xi32> to vector<16xf32>
      %and3A = arith.andi %bitcast3A, %broadcast_in_dim3A_81 : vector<16xi32>
      %bitcast3A_135 = vector.bitcast %and3A : vector<16xi32> to vector<16xf32>
      %mul3A_136 = arith.constant 2 : i32
      %mul3A_137 = vector.broadcast %mul3A_136 : i32 to vector<16xi32>
      %mul3A_138 = arith.muli %mul3A_137, %iota3A : vector<16xi32>
      %add3A_139 = arith.constant 0 : i32
      %add3A_140 = vector.broadcast %add3A_139 : i32 to vector<16xi32>
      %add3A_141 = arith.addi %add3A_140, %mul3A_138 : vector<16xi32>
      tpu.vector_store_idx %arg20[%broadcast_in_dim3A_131, %add3A_141], %bitcast3A_134 : memref<128x128xf32, #tpu.memory_space<vmem>>[vector<16xi32>, vector<16xi32>], vector<16xf32>,
      %add3A_142 = arith.constant 1 : i32
      %add3A_143 = vector.broadcast %add3A_142 : i32 to vector<16xi32>
      %add3A_144 = arith.addi %add3A_141, %add3A_143 : vector<16xi32>
      tpu.vector_store_idx %arg20[%broadcast_in_dim3A_131, %add3A_144], %bitcast3A_135 : memref<128x128xf32, #tpu.memory_space<vmem>>[vector<16xi32>, vector<16xi32>], vector<16xf32>,
      %get3A_145 = arith.index_cast %scan3A_129 : i32 to index
      %get3A_146 = arith.constant 32 : index
      %get3A_147 = tpu.vector_load %arg8[%get3A_145, %get3A_146] {strides = array<i32>} : memref<128x128xbf16, #tpu.memory_space<vmem>>, vector<32xbf16>,
      %bitcast3A_148 = vector.bitcast %get3A_147 : vector<32xbf16> to vector<16xi32>
      %shift_left3A_149 = arith.shli %bitcast3A_148, %broadcast_in_dim3A_83 : vector<16xi32>
      %bitcast3A_150 = vector.bitcast %shift_left3A_149 : vector<16xi32> to vector<16xf32>
      %and3A_151 = arith.andi %bitcast3A_148, %broadcast_in_dim3A_81 : vector<16xi32>
      %bitcast3A_152 = vector.bitcast %and3A_151 : vector<16xi32> to vector<16xf32>
      %mul3A_153 = arith.constant 2 : i32
      %mul3A_154 = vector.broadcast %mul3A_153 : i32 to vector<16xi32>
      %mul3A_155 = arith.muli %mul3A_154, %iota3A : vector<16xi32>
      %add3A_156 = arith.constant 32 : i32
      %add3A_157 = vector.broadcast %add3A_156 : i32 to vector<16xi32>
      %add3A_158 = arith.addi %add3A_157, %mul3A_155 : vector<16xi32>
      tpu.vector_store_idx %arg20[%broadcast_in_dim3A_131, %add3A_158], %bitcast3A_150 : memref<128x128xf32, #tpu.memory_space<vmem>>[vector<16xi32>, vector<16xi32>], vector<16xf32>,
      %add3A_159 = arith.constant 1 : i32
      %add3A_160 = vector.broadcast %add3A_159 : i32 to vector<16xi32>
      %add3A_161 = arith.addi %add3A_158, %add3A_160 : vector<16xi32>
      tpu.vector_store_idx %arg20[%broadcast_in_dim3A_131, %add3A_161], %bitcast3A_152 : memref<128x128xf32, #tpu.memory_space<vmem>>[vector<16xi32>, vector<16xi32>], vector<16xf32>,
      %get3A_162 = arith.index_cast %scan3A_129 : i32 to index
      %get3A_163 = arith.constant 64 : index
      %get3A_164 = tpu.vector_load %arg8[%get3A_162, %get3A_163] {strides = array<i32>} : memref<128x128xbf16, #tpu.memory_space<vmem>>, vector<32xbf16>,
      %bitcast3A_165 = vector.bitcast %get3A_164 : vector<32xbf16> to vector<16xi32>
      %shift_left3A_166 = arith.shli %bitcast3A_165, %broadcast_in_dim3A_83 : vector<16xi32>
      %bitcast3A_167 = vector.bitcast %shift_left3A_166 : vector<16xi32> to vector<16xf32>
      %and3A_168 = arith.andi %bitcast3A_165, %broadcast_in_dim3A_81 : vector<16xi32>
      %bitcast3A_169 = vector.bitcast %and3A_168 : vector<16xi32> to vector<16xf32>
      %mul3A_170 = arith.constant 2 : i32
      %mul3A_171 = vector.broadcast %mul3A_170 : i32 to vector<16xi32>
      %mul3A_172 = arith.muli %mul3A_171, %iota3A : vector<16xi32>
      %add3A_173 = arith.constant 64 : i32
      %add3A_174 = vector.broadcast %add3A_173 : i32 to vector<16xi32>
      %add3A_175 = arith.addi %add3A_174, %mul3A_172 : vector<16xi32>
      tpu.vector_store_idx %arg20[%broadcast_in_dim3A_131, %add3A_175], %bitcast3A_167 : memref<128x128xf32, #tpu.memory_space<vmem>>[vector<16xi32>, vector<16xi32>], vector<16xf32>,
      %add3A_176 = arith.constant 1 : i32
      %add3A_177 = vector.broadcast %add3A_176 : i32 to vector<16xi32>
      %add3A_178 = arith.addi %add3A_175, %add3A_177 : vector<16xi32>
      tpu.vector_store_idx %arg20[%broadcast_in_dim3A_131, %add3A_178], %bitcast3A_169 : memref<128x128xf32, #tpu.memory_space<vmem>>[vector<16xi32>, vector<16xi32>], vector<16xf32>,
      %get3A_179 = arith.index_cast %scan3A_129 : i32 to index
      %get3A_180 = arith.constant 96 : index
      %get3A_181 = tpu.vector_load %arg8[%get3A_179, %get3A_180] {strides = array<i32>} : memref<128x128xbf16, #tpu.memory_space<vmem>>, vector<32xbf16>,
      %bitcast3A_182 = vector.bitcast %get3A_181 : vector<32xbf16> to vector<16xi32>
      %shift_left3A_183 = arith.shli %bitcast3A_182, %broadcast_in_dim3A_83 : vector<16xi32>
      %bitcast3A_184 = vector.bitcast %shift_left3A_183 : vector<16xi32> to vector<16xf32>
      %and3A_185 = arith.andi %bitcast3A_182, %broadcast_in_dim3A_81 : vector<16xi32>
      %bitcast3A_186 = vector.bitcast %and3A_185 : vector<16xi32> to vector<16xf32>
      %mul3A_187 = arith.constant 2 : i32
      %mul3A_188 = vector.broadcast %mul3A_187 : i32 to vector<16xi32>
      %mul3A_189 = arith.muli %mul3A_188, %iota3A : vector<16xi32>
      %add3A_190 = arith.constant 96 : i32
      %add3A_191 = vector.broadcast %add3A_190 : i32 to vector<16xi32>
      %add3A_192 = arith.addi %add3A_191, %mul3A_189 : vector<16xi32>
      tpu.vector_store_idx %arg20[%broadcast_in_dim3A_131, %add3A_192], %bitcast3A_184 : memref<128x128xf32, #tpu.memory_space<vmem>>[vector<16xi32>, vector<16xi32>], vector<16xf32>,
      %add3A_193 = arith.constant 1 : i32
      %add3A_194 = vector.broadcast %add3A_193 : i32 to vector<16xi32>
      %add3A_195 = arith.addi %add3A_192, %add3A_194 : vector<16xi32>
      tpu.vector_store_idx %arg20[%broadcast_in_dim3A_131, %add3A_195], %bitcast3A_186 : memref<128x128xf32, #tpu.memory_space<vmem>>[vector<16xi32>, vector<16xi32>], vector<16xf32>,
      %scan3A_196 = arith.constant 0 : i32
      scf.yield %scan3A_196 : i32
    }
    %scan3A_101 = arith.constant 128 : i32
    "tpu.region"() ({
      %run_scoped3A_129 = tpu.sem_alloc : memref<!tpu.dma_semaphore, #tpu.memory_space<semaphore_mem>>
      %dma_start3A_130 = arith.constant 0 : i32
      %dma_start3A_131 = arith.constant 0 : i32
      %dma_start3A_132 = tpu.memref_slice %arg20[%dma_start3A_130, %dma_start3A_131] : memref<128x128xf32, #tpu.memory_space<vmem>> -> memref<128x128xf32, #tpu.memory_space<vmem>>
      %dma_start3A_133 = arith.constant 0 : i32
      %dma_start3A_134 = tpu.memref_slice %arg4[%arg0, %add3A_94, %dma_start3A_133] : memref<2x10000x128xf32, #tpu.memory_space<hbm>> -> memref<1x128x128xf32, #tpu.memory_space<hbm>>
      %dma_start3A_135 = tpu.memref_squeeze %dma_start3A_134 : memref<1x128x128xf32, #tpu.memory_space<hbm>> -> memref<128x128xf32, #tpu.memory_space<hbm>>
      %dma_start3A_136 = arith.constant 0 : i32
      %dma_start3A_137 = tpu.memref_slice %arg4[%arg0, %add3A_94, %dma_start3A_136] : memref<2x10000x128xf32, #tpu.memory_space<hbm>> -> memref<1x128x128xf32, #tpu.memory_space<hbm>>
      %dma_start3A_138 = tpu.memref_squeeze %dma_start3A_137 : memref<1x128x128xf32, #tpu.memory_space<hbm>> -> memref<128x128xf32, #tpu.memory_space<hbm>>
      %dma_start3A_139 = arith.constant 0 : i32
      %dma_start3A_140 = arith.constant 0 : i32
      %dma_start3A_141 = tpu.memref_slice %arg20[%dma_start3A_139, %dma_start3A_140] : memref<128x128xf32, #tpu.memory_space<vmem>> -> memref<128x128xf32, #tpu.memory_space<vmem>>
      tpu.enqueue_dma source(%dma_start3A_141 : memref<128x128xf32, #tpu.memory_space<vmem>>) target(%dma_start3A_138 : memref<128x128xf32, #tpu.memory_space<hbm>>) target_semaphore(%run_scoped3A_129 : memref<!tpu.dma_semaphore, #tpu.memory_space<semaphore_mem>>)
      %dma_wait3A_142 = arith.constant 0 : i32
      %dma_wait3A_143 = arith.constant 0 : i32
      %dma_wait3A_144 = tpu.memref_slice %arg20[%dma_wait3A_142, %dma_wait3A_143] : memref<128x128xf32, #tpu.memory_space<vmem>> -> memref<128x128xf32, #tpu.memory_space<vmem>>
      %dma_wait3A_145 = arith.constant 0 : i32
      %dma_wait3A_146 = tpu.memref_slice %arg4[%arg0, %add3A_94, %dma_wait3A_145] : memref<2x10000x128xf32, #tpu.memory_space<hbm>> -> memref<1x128x128xf32, #tpu.memory_space<hbm>>
      %dma_wait3A_147 = tpu.memref_squeeze %dma_wait3A_146 : memref<1x128x128xf32, #tpu.memory_space<hbm>> -> memref<128x128xf32, #tpu.memory_space<hbm>>
      %dma_wait3A_148 = arith.constant 0 : i32
      %dma_wait3A_149 = tpu.memref_slice %arg4[%arg0, %add3A_94, %dma_wait3A_148] : memref<2x10000x128xf32, #tpu.memory_space<hbm>> -> memref<1x128x128xf32, #tpu.memory_space<hbm>>
      %dma_wait3A_150 = tpu.memref_squeeze %dma_wait3A_149 : memref<1x128x128xf32, #tpu.memory_space<hbm>> -> memref<128x128xf32, #tpu.memory_space<hbm>>
      %dma_wait3A_151 = arith.constant 0 : i32
      %dma_wait3A_152 = arith.constant 0 : i32
      %dma_wait3A_153 = tpu.memref_slice %arg20[%dma_wait3A_151, %dma_wait3A_152] : memref<128x128xf32, #tpu.memory_space<vmem>> -> memref<128x128xf32, #tpu.memory_space<vmem>>
      tpu.wait_dma2 semaphore(%run_scoped3A_129 : memref<!tpu.dma_semaphore, #tpu.memory_space<semaphore_mem>>) src(%dma_wait3A_153 : memref<128x128xf32, #tpu.memory_space<vmem>>) dst(%dma_wait3A_150 : memref<128x128xf32, #tpu.memory_space<hbm>>)
      tpu.yield
    }) : () -> ()
    %add3A_102 = arith.constant 256 : i32
    %add3A_103 = arith.addi %mul3A_4, %add3A_102 : i32
    "tpu.region"() ({
      %run_scoped3A_129 = tpu.sem_alloc : memref<!tpu.dma_semaphore, #tpu.memory_space<semaphore_mem>>
      %dma_start3A_130 = arith.constant 0 : i32
      %dma_start3A_131 = arith.constant 0 : i32
      %dma_start3A_132 = tpu.memref_slice %arg8[%dma_start3A_130, %dma_start3A_131] : memref<128x128xbf16, #tpu.memory_space<vmem>> -> memref<128x128xbf16, #tpu.memory_space<vmem>>
      %dma_start3A_133 = arith.constant 0 : i32
      %dma_start3A_134 = tpu.memref_slice %arg21[%add3A_103, %dma_start3A_133] : memref<10000x128xbf16, #tpu.memory_space<vmem_shared>> -> memref<128x128xbf16, #tpu.memory_space<vmem_shared>>
      %dma_start3A_135 = arith.constant 0 : i32
      %dma_start3A_136 = arith.constant 0 : i32
      %dma_start3A_137 = tpu.memref_slice %arg8[%dma_start3A_135, %dma_start3A_136] : memref<128x128xbf16, #tpu.memory_space<vmem>> -> memref<128x128xbf16, #tpu.memory_space<vmem>>
      %dma_start3A_138 = arith.constant 0 : i32
      %dma_start3A_139 = tpu.memref_slice %arg21[%add3A_103, %dma_start3A_138] : memref<10000x128xbf16, #tpu.memory_space<vmem_shared>> -> memref<128x128xbf16, #tpu.memory_space<vmem_shared>>
      tpu.enqueue_dma source(%dma_start3A_139 : memref<128x128xbf16, #tpu.memory_space<vmem_shared>>) target(%dma_start3A_137 : memref<128x128xbf16, #tpu.memory_space<vmem>>) target_semaphore(%run_scoped3A_129 : memref<!tpu.dma_semaphore, #tpu.memory_space<semaphore_mem>>)
      %dma_wait3A_140 = arith.constant 0 : i32
      %dma_wait3A_141 = arith.constant 0 : i32
      %dma_wait3A_142 = tpu.memref_slice %arg8[%dma_wait3A_140, %dma_wait3A_141] : memref<128x128xbf16, #tpu.memory_space<vmem>> -> memref<128x128xbf16, #tpu.memory_space<vmem>>
      %dma_wait3A_143 = arith.constant 0 : i32
      %dma_wait3A_144 = tpu.memref_slice %arg21[%add3A_103, %dma_wait3A_143] : memref<10000x128xbf16, #tpu.memory_space<vmem_shared>> -> memref<128x128xbf16, #tpu.memory_space<vmem_shared>>
      %dma_wait3A_145 = arith.constant 0 : i32
      %dma_wait3A_146 = arith.constant 0 : i32
      %dma_wait3A_147 = tpu.memref_slice %arg8[%dma_wait3A_145, %dma_wait3A_146] : memref<128x128xbf16, #tpu.memory_space<vmem>> -> memref<128x128xbf16, #tpu.memory_space<vmem>>
      %dma_wait3A_148 = arith.constant 0 : i32
      %dma_wait3A_149 = tpu.memref_slice %arg21[%add3A_103, %dma_wait3A_148] : memref<10000x128xbf16, #tpu.memory_space<vmem_shared>> -> memref<128x128xbf16, #tpu.memory_space<vmem_shared>>
      tpu.wait_dma2 semaphore(%run_scoped3A_129 : memref<!tpu.dma_semaphore, #tpu.memory_space<semaphore_mem>>) src(%dma_wait3A_149 : memref<128x128xbf16, #tpu.memory_space<vmem_shared>>) dst(%dma_wait3A_147 : memref<128x128xbf16, #tpu.memory_space<vmem>>)
      tpu.yield
    }) : () -> ()
    %scan3A_104 = arith.constant 0 : i32
    %scan3A_105 = arith.constant 0 : i32
    %scan3A_106 = arith.constant 128 : i32
    %scan3A_107 = arith.addi %scan3A_105, %scan3A_106 : i32
    %scan3A_108 = arith.constant 1 : i32
    %scan3A_109 = scf.for %scan3A_129 = %scan3A_105 to %scan3A_107 step %scan3A_108 iter_args(%scan3A_130 = %scan3A_104) -> (i32)  : i32 {
      %broadcast_in_dim3A_131 = vector.broadcast %scan3A_129 : i32 to vector<16xi32>
      %get3A = arith.index_cast %scan3A_129 : i32 to index
      %get3A_132 = arith.constant 0 : index
      %get3A_133 = tpu.vector_load %arg8[%get3A, %get3A_132] {strides = array<i32>} : memref<128x128xbf16, #tpu.memory_space<vmem>>, vector<32xbf16>,
      %bitcast3A = vector.bitcast %get3A_133 : vector<32xbf16> to vector<16xi32>
      %shift_left3A = arith.shli %bitcast3A, %broadcast_in_dim3A_83 : vector<16xi32>
      %bitcast3A_134 = vector.bitcast %shift_left3A : vector<16xi32> to vector<16xf32>
      %and3A = arith.andi %bitcast3A, %broadcast_in_dim3A_81 : vector<16xi32>
      %bitcast3A_135 = vector.bitcast %and3A : vector<16xi32> to vector<16xf32>
      %mul3A_136 = arith.constant 2 : i32
      %mul3A_137 = vector.broadcast %mul3A_136 : i32 to vector<16xi32>
      %mul3A_138 = arith.muli %mul3A_137, %iota3A : vector<16xi32>
      %add3A_139 = arith.constant 0 : i32
      %add3A_140 = vector.broadcast %add3A_139 : i32 to vector<16xi32>
      %add3A_141 = arith.addi %add3A_140, %mul3A_138 : vector<16xi32>
      tpu.vector_store_idx %arg20[%broadcast_in_dim3A_131, %add3A_141], %bitcast3A_134 : memref<128x128xf32, #tpu.memory_space<vmem>>[vector<16xi32>, vector<16xi32>], vector<16xf32>,
      %add3A_142 = arith.constant 1 : i32
      %add3A_143 = vector.broadcast %add3A_142 : i32 to vector<16xi32>
      %add3A_144 = arith.addi %add3A_141, %add3A_143 : vector<16xi32>
      tpu.vector_store_idx %arg20[%broadcast_in_dim3A_131, %add3A_144], %bitcast3A_135 : memref<128x128xf32, #tpu.memory_space<vmem>>[vector<16xi32>, vector<16xi32>], vector<16xf32>,
      %get3A_145 = arith.index_cast %scan3A_129 : i32 to index
      %get3A_146 = arith.constant 32 : index
      %get3A_147 = tpu.vector_load %arg8[%get3A_145, %get3A_146] {strides = array<i32>} : memref<128x128xbf16, #tpu.memory_space<vmem>>, vector<32xbf16>,
      %bitcast3A_148 = vector.bitcast %get3A_147 : vector<32xbf16> to vector<16xi32>
      %shift_left3A_149 = arith.shli %bitcast3A_148, %broadcast_in_dim3A_83 : vector<16xi32>
      %bitcast3A_150 = vector.bitcast %shift_left3A_149 : vector<16xi32> to vector<16xf32>
      %and3A_151 = arith.andi %bitcast3A_148, %broadcast_in_dim3A_81 : vector<16xi32>
      %bitcast3A_152 = vector.bitcast %and3A_151 : vector<16xi32> to vector<16xf32>
      %mul3A_153 = arith.constant 2 : i32
      %mul3A_154 = vector.broadcast %mul3A_153 : i32 to vector<16xi32>
      %mul3A_155 = arith.muli %mul3A_154, %iota3A : vector<16xi32>
      %add3A_156 = arith.constant 32 : i32
      %add3A_157 = vector.broadcast %add3A_156 : i32 to vector<16xi32>
      %add3A_158 = arith.addi %add3A_157, %mul3A_155 : vector<16xi32>
      tpu.vector_store_idx %arg20[%broadcast_in_dim3A_131, %add3A_158], %bitcast3A_150 : memref<128x128xf32, #tpu.memory_space<vmem>>[vector<16xi32>, vector<16xi32>], vector<16xf32>,
      %add3A_159 = arith.constant 1 : i32
      %add3A_160 = vector.broadcast %add3A_159 : i32 to vector<16xi32>
      %add3A_161 = arith.addi %add3A_158, %add3A_160 : vector<16xi32>
      tpu.vector_store_idx %arg20[%broadcast_in_dim3A_131, %add3A_161], %bitcast3A_152 : memref<128x128xf32, #tpu.memory_space<vmem>>[vector<16xi32>, vector<16xi32>], vector<16xf32>,
      %get3A_162 = arith.index_cast %scan3A_129 : i32 to index
      %get3A_163 = arith.constant 64 : index
      %get3A_164 = tpu.vector_load %arg8[%get3A_162, %get3A_163] {strides = array<i32>} : memref<128x128xbf16, #tpu.memory_space<vmem>>, vector<32xbf16>,
      %bitcast3A_165 = vector.bitcast %get3A_164 : vector<32xbf16> to vector<16xi32>
      %shift_left3A_166 = arith.shli %bitcast3A_165, %broadcast_in_dim3A_83 : vector<16xi32>
      %bitcast3A_167 = vector.bitcast %shift_left3A_166 : vector<16xi32> to vector<16xf32>
      %and3A_168 = arith.andi %bitcast3A_165, %broadcast_in_dim3A_81 : vector<16xi32>
      %bitcast3A_169 = vector.bitcast %and3A_168 : vector<16xi32> to vector<16xf32>
      %mul3A_170 = arith.constant 2 : i32
      %mul3A_171 = vector.broadcast %mul3A_170 : i32 to vector<16xi32>
      %mul3A_172 = arith.muli %mul3A_171, %iota3A : vector<16xi32>
      %add3A_173 = arith.constant 64 : i32
      %add3A_174 = vector.broadcast %add3A_173 : i32 to vector<16xi32>
      %add3A_175 = arith.addi %add3A_174, %mul3A_172 : vector<16xi32>
      tpu.vector_store_idx %arg20[%broadcast_in_dim3A_131, %add3A_175], %bitcast3A_167 : memref<128x128xf32, #tpu.memory_space<vmem>>[vector<16xi32>, vector<16xi32>], vector<16xf32>,
      %add3A_176 = arith.constant 1 : i32
      %add3A_177 = vector.broadcast %add3A_176 : i32 to vector<16xi32>
      %add3A_178 = arith.addi %add3A_175, %add3A_177 : vector<16xi32>
      tpu.vector_store_idx %arg20[%broadcast_in_dim3A_131, %add3A_178], %bitcast3A_169 : memref<128x128xf32, #tpu.memory_space<vmem>>[vector<16xi32>, vector<16xi32>], vector<16xf32>,
      %get3A_179 = arith.index_cast %scan3A_129 : i32 to index
      %get3A_180 = arith.constant 96 : index
      %get3A_181 = tpu.vector_load %arg8[%get3A_179, %get3A_180] {strides = array<i32>} : memref<128x128xbf16, #tpu.memory_space<vmem>>, vector<32xbf16>,
      %bitcast3A_182 = vector.bitcast %get3A_181 : vector<32xbf16> to vector<16xi32>
      %shift_left3A_183 = arith.shli %bitcast3A_182, %broadcast_in_dim3A_83 : vector<16xi32>
      %bitcast3A_184 = vector.bitcast %shift_left3A_183 : vector<16xi32> to vector<16xf32>
      %and3A_185 = arith.andi %bitcast3A_182, %broadcast_in_dim3A_81 : vector<16xi32>
      %bitcast3A_186 = vector.bitcast %and3A_185 : vector<16xi32> to vector<16xf32>
      %mul3A_187 = arith.constant 2 : i32
      %mul3A_188 = vector.broadcast %mul3A_187 : i32 to vector<16xi32>
      %mul3A_189 = arith.muli %mul3A_188, %iota3A : vector<16xi32>
      %add3A_190 = arith.constant 96 : i32
      %add3A_191 = vector.broadcast %add3A_190 : i32 to vector<16xi32>
      %add3A_192 = arith.addi %add3A_191, %mul3A_189 : vector<16xi32>
      tpu.vector_store_idx %arg20[%broadcast_in_dim3A_131, %add3A_192], %bitcast3A_184 : memref<128x128xf32, #tpu.memory_space<vmem>>[vector<16xi32>, vector<16xi32>], vector<16xf32>,
      %add3A_193 = arith.constant 1 : i32
      %add3A_194 = vector.broadcast %add3A_193 : i32 to vector<16xi32>
      %add3A_195 = arith.addi %add3A_192, %add3A_194 : vector<16xi32>
      tpu.vector_store_idx %arg20[%broadcast_in_dim3A_131, %add3A_195], %bitcast3A_186 : memref<128x128xf32, #tpu.memory_space<vmem>>[vector<16xi32>, vector<16xi32>], vector<16xf32>,
      %scan3A_196 = arith.constant 0 : i32
      scf.yield %scan3A_196 : i32
    }
    %scan3A_110 = arith.constant 128 : i32
    "tpu.region"() ({
      %run_scoped3A_129 = tpu.sem_alloc : memref<!tpu.dma_semaphore, #tpu.memory_space<semaphore_mem>>
      %dma_start3A_130 = arith.constant 0 : i32
      %dma_start3A_131 = arith.constant 0 : i32
      %dma_start3A_132 = tpu.memref_slice %arg20[%dma_start3A_130, %dma_start3A_131] : memref<128x128xf32, #tpu.memory_space<vmem>> -> memref<128x128xf32, #tpu.memory_space<vmem>>
      %dma_start3A_133 = arith.constant 0 : i32
      %dma_start3A_134 = tpu.memref_slice %arg4[%arg0, %add3A_103, %dma_start3A_133] : memref<2x10000x128xf32, #tpu.memory_space<hbm>> -> memref<1x128x128xf32, #tpu.memory_space<hbm>>
      %dma_start3A_135 = tpu.memref_squeeze %dma_start3A_134 : memref<1x128x128xf32, #tpu.memory_space<hbm>> -> memref<128x128xf32, #tpu.memory_space<hbm>>
      %dma_start3A_136 = arith.constant 0 : i32
      %dma_start3A_137 = tpu.memref_slice %arg4[%arg0, %add3A_103, %dma_start3A_136] : memref<2x10000x128xf32, #tpu.memory_space<hbm>> -> memref<1x128x128xf32, #tpu.memory_space<hbm>>
      %dma_start3A_138 = tpu.memref_squeeze %dma_start3A_137 : memref<1x128x128xf32, #tpu.memory_space<hbm>> -> memref<128x128xf32, #tpu.memory_space<hbm>>
      %dma_start3A_139 = arith.constant 0 : i32
      %dma_start3A_140 = arith.constant 0 : i32
      %dma_start3A_141 = tpu.memref_slice %arg20[%dma_start3A_139, %dma_start3A_140] : memref<128x128xf32, #tpu.memory_space<vmem>> -> memref<128x128xf32, #tpu.memory_space<vmem>>
      tpu.enqueue_dma source(%dma_start3A_141 : memref<128x128xf32, #tpu.memory_space<vmem>>) target(%dma_start3A_138 : memref<128x128xf32, #tpu.memory_space<hbm>>) target_semaphore(%run_scoped3A_129 : memref<!tpu.dma_semaphore, #tpu.memory_space<semaphore_mem>>)
      %dma_wait3A_142 = arith.constant 0 : i32
      %dma_wait3A_143 = arith.constant 0 : i32
      %dma_wait3A_144 = tpu.memref_slice %arg20[%dma_wait3A_142, %dma_wait3A_143] : memref<128x128xf32, #tpu.memory_space<vmem>> -> memref<128x128xf32, #tpu.memory_space<vmem>>
      %dma_wait3A_145 = arith.constant 0 : i32
      %dma_wait3A_146 = tpu.memref_slice %arg4[%arg0, %add3A_103, %dma_wait3A_145] : memref<2x10000x128xf32, #tpu.memory_space<hbm>> -> memref<1x128x128xf32, #tpu.memory_space<hbm>>
      %dma_wait3A_147 = tpu.memref_squeeze %dma_wait3A_146 : memref<1x128x128xf32, #tpu.memory_space<hbm>> -> memref<128x128xf32, #tpu.memory_space<hbm>>
      %dma_wait3A_148 = arith.constant 0 : i32
      %dma_wait3A_149 = tpu.memref_slice %arg4[%arg0, %add3A_103, %dma_wait3A_148] : memref<2x10000x128xf32, #tpu.memory_space<hbm>> -> memref<1x128x128xf32, #tpu.memory_space<hbm>>
      %dma_wait3A_150 = tpu.memref_squeeze %dma_wait3A_149 : memref<1x128x128xf32, #tpu.memory_space<hbm>> -> memref<128x128xf32, #tpu.memory_space<hbm>>
      %dma_wait3A_151 = arith.constant 0 : i32
      %dma_wait3A_152 = arith.constant 0 : i32
      %dma_wait3A_153 = tpu.memref_slice %arg20[%dma_wait3A_151, %dma_wait3A_152] : memref<128x128xf32, #tpu.memory_space<vmem>> -> memref<128x128xf32, #tpu.memory_space<vmem>>
      tpu.wait_dma2 semaphore(%run_scoped3A_129 : memref<!tpu.dma_semaphore, #tpu.memory_space<semaphore_mem>>) src(%dma_wait3A_153 : memref<128x128xf32, #tpu.memory_space<vmem>>) dst(%dma_wait3A_150 : memref<128x128xf32, #tpu.memory_space<hbm>>)
      tpu.yield
    }) : () -> ()
    %add3A_111 = arith.constant 384 : i32
    %add3A_112 = arith.addi %mul3A_4, %add3A_111 : i32
    "tpu.region"() ({
      %run_scoped3A_129 = tpu.sem_alloc : memref<!tpu.dma_semaphore, #tpu.memory_space<semaphore_mem>>
      %dma_start3A_130 = arith.constant 0 : i32
      %dma_start3A_131 = arith.constant 0 : i32
      %dma_start3A_132 = tpu.memref_slice %arg8[%dma_start3A_130, %dma_start3A_131] : memref<128x128xbf16, #tpu.memory_space<vmem>> -> memref<128x128xbf16, #tpu.memory_space<vmem>>
      %dma_start3A_133 = arith.constant 0 : i32
      %dma_start3A_134 = tpu.memref_slice %arg21[%add3A_112, %dma_start3A_133] : memref<10000x128xbf16, #tpu.memory_space<vmem_shared>> -> memref<128x128xbf16, #tpu.memory_space<vmem_shared>>
      %dma_start3A_135 = arith.constant 0 : i32
      %dma_start3A_136 = arith.constant 0 : i32
      %dma_start3A_137 = tpu.memref_slice %arg8[%dma_start3A_135, %dma_start3A_136] : memref<128x128xbf16, #tpu.memory_space<vmem>> -> memref<128x128xbf16, #tpu.memory_space<vmem>>
      %dma_start3A_138 = arith.constant 0 : i32
      %dma_start3A_139 = tpu.memref_slice %arg21[%add3A_112, %dma_start3A_138] : memref<10000x128xbf16, #tpu.memory_space<vmem_shared>> -> memref<128x128xbf16, #tpu.memory_space<vmem_shared>>
      tpu.enqueue_dma source(%dma_start3A_139 : memref<128x128xbf16, #tpu.memory_space<vmem_shared>>) target(%dma_start3A_137 : memref<128x128xbf16, #tpu.memory_space<vmem>>) target_semaphore(%run_scoped3A_129 : memref<!tpu.dma_semaphore, #tpu.memory_space<semaphore_mem>>)
      %dma_wait3A_140 = arith.constant 0 : i32
      %dma_wait3A_141 = arith.constant 0 : i32
      %dma_wait3A_142 = tpu.memref_slice %arg8[%dma_wait3A_140, %dma_wait3A_141] : memref<128x128xbf16, #tpu.memory_space<vmem>> -> memref<128x128xbf16, #tpu.memory_space<vmem>>
      %dma_wait3A_143 = arith.constant 0 : i32
      %dma_wait3A_144 = tpu.memref_slice %arg21[%add3A_112, %dma_wait3A_143] : memref<10000x128xbf16, #tpu.memory_space<vmem_shared>> -> memref<128x128xbf16, #tpu.memory_space<vmem_shared>>
      %dma_wait3A_145 = arith.constant 0 : i32
      %dma_wait3A_146 = arith.constant 0 : i32
      %dma_wait3A_147 = tpu.memref_slice %arg8[%dma_wait3A_145, %dma_wait3A_146] : memref<128x128xbf16, #tpu.memory_space<vmem>> -> memref<128x128xbf16, #tpu.memory_space<vmem>>
      %dma_wait3A_148 = arith.constant 0 : i32
      %dma_wait3A_149 = tpu.memref_slice %arg21[%add3A_112, %dma_wait3A_148] : memref<10000x128xbf16, #tpu.memory_space<vmem_shared>> -> memref<128x128xbf16, #tpu.memory_space<vmem_shared>>
      tpu.wait_dma2 semaphore(%run_scoped3A_129 : memref<!tpu.dma_semaphore, #tpu.memory_space<semaphore_mem>>) src(%dma_wait3A_149 : memref<128x128xbf16, #tpu.memory_space<vmem_shared>>) dst(%dma_wait3A_147 : memref<128x128xbf16, #tpu.memory_space<vmem>>)
      tpu.yield
    }) : () -> ()
    %scan3A_113 = arith.constant 0 : i32
    %scan3A_114 = arith.constant 0 : i32
    %scan3A_115 = arith.constant 128 : i32
    %scan3A_116 = arith.addi %scan3A_114, %scan3A_115 : i32
    %scan3A_117 = arith.constant 1 : i32
    %scan3A_118 = scf.for %scan3A_129 = %scan3A_114 to %scan3A_116 step %scan3A_117 iter_args(%scan3A_130 = %scan3A_113) -> (i32)  : i32 {
      %broadcast_in_dim3A_131 = vector.broadcast %scan3A_129 : i32 to vector<16xi32>
      %get3A = arith.index_cast %scan3A_129 : i32 to index
      %get3A_132 = arith.constant 0 : index
      %get3A_133 = tpu.vector_load %arg8[%get3A, %get3A_132] {strides = array<i32>} : memref<128x128xbf16, #tpu.memory_space<vmem>>, vector<32xbf16>,
      %bitcast3A = vector.bitcast %get3A_133 : vector<32xbf16> to vector<16xi32>
      %shift_left3A = arith.shli %bitcast3A, %broadcast_in_dim3A_83 : vector<16xi32>
      %bitcast3A_134 = vector.bitcast %shift_left3A : vector<16xi32> to vector<16xf32>
      %and3A = arith.andi %bitcast3A, %broadcast_in_dim3A_81 : vector<16xi32>
      %bitcast3A_135 = vector.bitcast %and3A : vector<16xi32> to vector<16xf32>
      %mul3A_136 = arith.constant 2 : i32
      %mul3A_137 = vector.broadcast %mul3A_136 : i32 to vector<16xi32>
      %mul3A_138 = arith.muli %mul3A_137, %iota3A : vector<16xi32>
      %add3A_139 = arith.constant 0 : i32
      %add3A_140 = vector.broadcast %add3A_139 : i32 to vector<16xi32>
      %add3A_141 = arith.addi %add3A_140, %mul3A_138 : vector<16xi32>
      tpu.vector_store_idx %arg20[%broadcast_in_dim3A_131, %add3A_141], %bitcast3A_134 : memref<128x128xf32, #tpu.memory_space<vmem>>[vector<16xi32>, vector<16xi32>], vector<16xf32>,
      %add3A_142 = arith.constant 1 : i32
      %add3A_143 = vector.broadcast %add3A_142 : i32 to vector<16xi32>
      %add3A_144 = arith.addi %add3A_141, %add3A_143 : vector<16xi32>
      tpu.vector_store_idx %arg20[%broadcast_in_dim3A_131, %add3A_144], %bitcast3A_135 : memref<128x128xf32, #tpu.memory_space<vmem>>[vector<16xi32>, vector<16xi32>], vector<16xf32>,
      %get3A_145 = arith.index_cast %scan3A_129 : i32 to index
      %get3A_146 = arith.constant 32 : index
      %get3A_147 = tpu.vector_load %arg8[%get3A_145, %get3A_146] {strides = array<i32>} : memref<128x128xbf16, #tpu.memory_space<vmem>>, vector<32xbf16>,
      %bitcast3A_148 = vector.bitcast %get3A_147 : vector<32xbf16> to vector<16xi32>
      %shift_left3A_149 = arith.shli %bitcast3A_148, %broadcast_in_dim3A_83 : vector<16xi32>
      %bitcast3A_150 = vector.bitcast %shift_left3A_149 : vector<16xi32> to vector<16xf32>
      %and3A_151 = arith.andi %bitcast3A_148, %broadcast_in_dim3A_81 : vector<16xi32>
      %bitcast3A_152 = vector.bitcast %and3A_151 : vector<16xi32> to vector<16xf32>
      %mul3A_153 = arith.constant 2 : i32
      %mul3A_154 = vector.broadcast %mul3A_153 : i32 to vector<16xi32>
      %mul3A_155 = arith.muli %mul3A_154, %iota3A : vector<16xi32>
      %add3A_156 = arith.constant 32 : i32
      %add3A_157 = vector.broadcast %add3A_156 : i32 to vector<16xi32>
      %add3A_158 = arith.addi %add3A_157, %mul3A_155 : vector<16xi32>
      tpu.vector_store_idx %arg20[%broadcast_in_dim3A_131, %add3A_158], %bitcast3A_150 : memref<128x128xf32, #tpu.memory_space<vmem>>[vector<16xi32>, vector<16xi32>], vector<16xf32>,
      %add3A_159 = arith.constant 1 : i32
      %add3A_160 = vector.broadcast %add3A_159 : i32 to vector<16xi32>
      %add3A_161 = arith.addi %add3A_158, %add3A_160 : vector<16xi32>
      tpu.vector_store_idx %arg20[%broadcast_in_dim3A_131, %add3A_161], %bitcast3A_152 : memref<128x128xf32, #tpu.memory_space<vmem>>[vector<16xi32>, vector<16xi32>], vector<16xf32>,
      %get3A_162 = arith.index_cast %scan3A_129 : i32 to index
      %get3A_163 = arith.constant 64 : index
      %get3A_164 = tpu.vector_load %arg8[%get3A_162, %get3A_163] {strides = array<i32>} : memref<128x128xbf16, #tpu.memory_space<vmem>>, vector<32xbf16>,
      %bitcast3A_165 = vector.bitcast %get3A_164 : vector<32xbf16> to vector<16xi32>
      %shift_left3A_166 = arith.shli %bitcast3A_165, %broadcast_in_dim3A_83 : vector<16xi32>
      %bitcast3A_167 = vector.bitcast %shift_left3A_166 : vector<16xi32> to vector<16xf32>
      %and3A_168 = arith.andi %bitcast3A_165, %broadcast_in_dim3A_81 : vector<16xi32>
      %bitcast3A_169 = vector.bitcast %and3A_168 : vector<16xi32> to vector<16xf32>
      %mul3A_170 = arith.constant 2 : i32
      %mul3A_171 = vector.broadcast %mul3A_170 : i32 to vector<16xi32>
      %mul3A_172 = arith.muli %mul3A_171, %iota3A : vector<16xi32>
      %add3A_173 = arith.constant 64 : i32
      %add3A_174 = vector.broadcast %add3A_173 : i32 to vector<16xi32>
      %add3A_175 = arith.addi %add3A_174, %mul3A_172 : vector<16xi32>
      tpu.vector_store_idx %arg20[%broadcast_in_dim3A_131, %add3A_175], %bitcast3A_167 : memref<128x128xf32, #tpu.memory_space<vmem>>[vector<16xi32>, vector<16xi32>], vector<16xf32>,
      %add3A_176 = arith.constant 1 : i32
      %add3A_177 = vector.broadcast %add3A_176 : i32 to vector<16xi32>
      %add3A_178 = arith.addi %add3A_175, %add3A_177 : vector<16xi32>
      tpu.vector_store_idx %arg20[%broadcast_in_dim3A_131, %add3A_178], %bitcast3A_169 : memref<128x128xf32, #tpu.memory_space<vmem>>[vector<16xi32>, vector<16xi32>], vector<16xf32>,
      %get3A_179 = arith.index_cast %scan3A_129 : i32 to index
      %get3A_180 = arith.constant 96 : index
      %get3A_181 = tpu.vector_load %arg8[%get3A_179, %get3A_180] {strides = array<i32>} : memref<128x128xbf16, #tpu.memory_space<vmem>>, vector<32xbf16>,
      %bitcast3A_182 = vector.bitcast %get3A_181 : vector<32xbf16> to vector<16xi32>
      %shift_left3A_183 = arith.shli %bitcast3A_182, %broadcast_in_dim3A_83 : vector<16xi32>
      %bitcast3A_184 = vector.bitcast %shift_left3A_183 : vector<16xi32> to vector<16xf32>
      %and3A_185 = arith.andi %bitcast3A_182, %broadcast_in_dim3A_81 : vector<16xi32>
      %bitcast3A_186 = vector.bitcast %and3A_185 : vector<16xi32> to vector<16xf32>
      %mul3A_187 = arith.constant 2 : i32
      %mul3A_188 = vector.broadcast %mul3A_187 : i32 to vector<16xi32>
      %mul3A_189 = arith.muli %mul3A_188, %iota3A : vector<16xi32>
      %add3A_190 = arith.constant 96 : i32
      %add3A_191 = vector.broadcast %add3A_190 : i32 to vector<16xi32>
      %add3A_192 = arith.addi %add3A_191, %mul3A_189 : vector<16xi32>
      tpu.vector_store_idx %arg20[%broadcast_in_dim3A_131, %add3A_192], %bitcast3A_184 : memref<128x128xf32, #tpu.memory_space<vmem>>[vector<16xi32>, vector<16xi32>], vector<16xf32>,
      %add3A_193 = arith.constant 1 : i32
      %add3A_194 = vector.broadcast %add3A_193 : i32 to vector<16xi32>
      %add3A_195 = arith.addi %add3A_192, %add3A_194 : vector<16xi32>
      tpu.vector_store_idx %arg20[%broadcast_in_dim3A_131, %add3A_195], %bitcast3A_186 : memref<128x128xf32, #tpu.memory_space<vmem>>[vector<16xi32>, vector<16xi32>], vector<16xf32>,
      %scan3A_196 = arith.constant 0 : i32
      scf.yield %scan3A_196 : i32
    }
    %scan3A_119 = arith.constant 128 : i32
    "tpu.region"() ({
      %run_scoped3A_129 = tpu.sem_alloc : memref<!tpu.dma_semaphore, #tpu.memory_space<semaphore_mem>>
      %dma_start3A_130 = arith.constant 0 : i32
      %dma_start3A_131 = arith.constant 0 : i32
      %dma_start3A_132 = tpu.memref_slice %arg20[%dma_start3A_130, %dma_start3A_131] : memref<128x128xf32, #tpu.memory_space<vmem>> -> memref<128x128xf32, #tpu.memory_space<vmem>>
      %dma_start3A_133 = arith.constant 0 : i32
      %dma_start3A_134 = tpu.memref_slice %arg4[%arg0, %add3A_112, %dma_start3A_133] : memref<2x10000x128xf32, #tpu.memory_space<hbm>> -> memref<1x128x128xf32, #tpu.memory_space<hbm>>
      %dma_start3A_135 = tpu.memref_squeeze %dma_start3A_134 : memref<1x128x128xf32, #tpu.memory_space<hbm>> -> memref<128x128xf32, #tpu.memory_space<hbm>>
      %dma_start3A_136 = arith.constant 0 : i32
      %dma_start3A_137 = tpu.memref_slice %arg4[%arg0, %add3A_112, %dma_start3A_136] : memref<2x10000x128xf32, #tpu.memory_space<hbm>> -> memref<1x128x128xf32, #tpu.memory_space<hbm>>
      %dma_start3A_138 = tpu.memref_squeeze %dma_start3A_137 : memref<1x128x128xf32, #tpu.memory_space<hbm>> -> memref<128x128xf32, #tpu.memory_space<hbm>>
      %dma_start3A_139 = arith.constant 0 : i32
      %dma_start3A_140 = arith.constant 0 : i32
      %dma_start3A_141 = tpu.memref_slice %arg20[%dma_start3A_139, %dma_start3A_140] : memref<128x128xf32, #tpu.memory_space<vmem>> -> memref<128x128xf32, #tpu.memory_space<vmem>>
      tpu.enqueue_dma source(%dma_start3A_141 : memref<128x128xf32, #tpu.memory_space<vmem>>) target(%dma_start3A_138 : memref<128x128xf32, #tpu.memory_space<hbm>>) target_semaphore(%run_scoped3A_129 : memref<!tpu.dma_semaphore, #tpu.memory_space<semaphore_mem>>)
      %dma_wait3A_142 = arith.constant 0 : i32
      %dma_wait3A_143 = arith.constant 0 : i32
      %dma_wait3A_144 = tpu.memref_slice %arg20[%dma_wait3A_142, %dma_wait3A_143] : memref<128x128xf32, #tpu.memory_space<vmem>> -> memref<128x128xf32, #tpu.memory_space<vmem>>
      %dma_wait3A_145 = arith.constant 0 : i32
      %dma_wait3A_146 = tpu.memref_slice %arg4[%arg0, %add3A_112, %dma_wait3A_145] : memref<2x10000x128xf32, #tpu.memory_space<hbm>> -> memref<1x128x128xf32, #tpu.memory_space<hbm>>
      %dma_wait3A_147 = tpu.memref_squeeze %dma_wait3A_146 : memref<1x128x128xf32, #tpu.memory_space<hbm>> -> memref<128x128xf32, #tpu.memory_space<hbm>>
      %dma_wait3A_148 = arith.constant 0 : i32
      %dma_wait3A_149 = tpu.memref_slice %arg4[%arg0, %add3A_112, %dma_wait3A_148] : memref<2x10000x128xf32, #tpu.memory_space<hbm>> -> memref<1x128x128xf32, #tpu.memory_space<hbm>>
      %dma_wait3A_150 = tpu.memref_squeeze %dma_wait3A_149 : memref<1x128x128xf32, #tpu.memory_space<hbm>> -> memref<128x128xf32, #tpu.memory_space<hbm>>
      %dma_wait3A_151 = arith.constant 0 : i32
      %dma_wait3A_152 = arith.constant 0 : i32
      %dma_wait3A_153 = tpu.memref_slice %arg20[%dma_wait3A_151, %dma_wait3A_152] : memref<128x128xf32, #tpu.memory_space<vmem>> -> memref<128x128xf32, #tpu.memory_space<vmem>>
      tpu.wait_dma2 semaphore(%run_scoped3A_129 : memref<!tpu.dma_semaphore, #tpu.memory_space<semaphore_mem>>) src(%dma_wait3A_153 : memref<128x128xf32, #tpu.memory_space<vmem>>) dst(%dma_wait3A_150 : memref<128x128xf32, #tpu.memory_space<hbm>>)
      tpu.yield
    }) : () -> ()
    %add3A_120 = arith.constant 512 : i32
    %add3A_121 = arith.addi %mul3A_4, %add3A_120 : i32
    "tpu.region"() ({
      %run_scoped3A_129 = tpu.sem_alloc : memref<!tpu.dma_semaphore, #tpu.memory_space<semaphore_mem>>
      %dma_start3A_130 = arith.constant 0 : i32
      %dma_start3A_131 = arith.constant 0 : i32
      %dma_start3A_132 = tpu.memref_slice %arg8[%dma_start3A_130, %dma_start3A_131] : memref<128x128xbf16, #tpu.memory_space<vmem>> -> memref<113x128xbf16, #tpu.memory_space<vmem>>
      %dma_start3A_133 = arith.constant 0 : i32
      %dma_start3A_134 = tpu.memref_slice %arg21[%add3A_121, %dma_start3A_133] : memref<10000x128xbf16, #tpu.memory_space<vmem_shared>> -> memref<113x128xbf16, #tpu.memory_space<vmem_shared>>
      %dma_start3A_135 = arith.constant 0 : i32
      %dma_start3A_136 = arith.constant 0 : i32
      %dma_start3A_137 = tpu.memref_slice %arg8[%dma_start3A_135, %dma_start3A_136] : memref<128x128xbf16, #tpu.memory_space<vmem>> -> memref<113x128xbf16, #tpu.memory_space<vmem>>
      %dma_start3A_138 = arith.constant 0 : i32
      %dma_start3A_139 = tpu.memref_slice %arg21[%add3A_121, %dma_start3A_138] : memref<10000x128xbf16, #tpu.memory_space<vmem_shared>> -> memref<113x128xbf16, #tpu.memory_space<vmem_shared>>
      tpu.enqueue_dma source(%dma_start3A_139 : memref<113x128xbf16, #tpu.memory_space<vmem_shared>>) target(%dma_start3A_137 : memref<113x128xbf16, #tpu.memory_space<vmem>>) target_semaphore(%run_scoped3A_129 : memref<!tpu.dma_semaphore, #tpu.memory_space<semaphore_mem>>)
      %dma_wait3A_140 = arith.constant 0 : i32
      %dma_wait3A_141 = arith.constant 0 : i32
      %dma_wait3A_142 = tpu.memref_slice %arg8[%dma_wait3A_140, %dma_wait3A_141] : memref<128x128xbf16, #tpu.memory_space<vmem>> -> memref<113x128xbf16, #tpu.memory_space<vmem>>
      %dma_wait3A_143 = arith.constant 0 : i32
      %dma_wait3A_144 = tpu.memref_slice %arg21[%add3A_121, %dma_wait3A_143] : memref<10000x128xbf16, #tpu.memory_space<vmem_shared>> -> memref<113x128xbf16, #tpu.memory_space<vmem_shared>>
      %dma_wait3A_145 = arith.constant 0 : i32
      %dma_wait3A_146 = arith.constant 0 : i32
      %dma_wait3A_147 = tpu.memref_slice %arg8[%dma_wait3A_145, %dma_wait3A_146] : memref<128x128xbf16, #tpu.memory_space<vmem>> -> memref<113x128xbf16, #tpu.memory_space<vmem>>
      %dma_wait3A_148 = arith.constant 0 : i32
      %dma_wait3A_149 = tpu.memref_slice %arg21[%add3A_121, %dma_wait3A_148] : memref<10000x128xbf16, #tpu.memory_space<vmem_shared>> -> memref<113x128xbf16, #tpu.memory_space<vmem_shared>>
      tpu.wait_dma2 semaphore(%run_scoped3A_129 : memref<!tpu.dma_semaphore, #tpu.memory_space<semaphore_mem>>) src(%dma_wait3A_149 : memref<113x128xbf16, #tpu.memory_space<vmem_shared>>) dst(%dma_wait3A_147 : memref<113x128xbf16, #tpu.memory_space<vmem>>)
      tpu.yield
    }) : () -> ()
    %scan3A_122 = arith.constant 0 : i32
    %scan3A_123 = arith.constant 0 : i32
    %scan3A_124 = arith.constant 113 : i32
    %scan3A_125 = arith.addi %scan3A_123, %scan3A_124 : i32
    %scan3A_126 = arith.constant 1 : i32
    %scan3A_127 = scf.for %scan3A_129 = %scan3A_123 to %scan3A_125 step %scan3A_126 iter_args(%scan3A_130 = %scan3A_122) -> (i32)  : i32 {
      %broadcast_in_dim3A_131 = vector.broadcast %scan3A_129 : i32 to vector<16xi32>
      %get3A = arith.index_cast %scan3A_129 : i32 to index
      %get3A_132 = arith.constant 0 : index
      %get3A_133 = tpu.vector_load %arg8[%get3A, %get3A_132] {strides = array<i32>} : memref<128x128xbf16, #tpu.memory_space<vmem>>, vector<32xbf16>,
      %bitcast3A = vector.bitcast %get3A_133 : vector<32xbf16> to vector<16xi32>
      %shift_left3A = arith.shli %bitcast3A, %broadcast_in_dim3A_83 : vector<16xi32>
      %bitcast3A_134 = vector.bitcast %shift_left3A : vector<16xi32> to vector<16xf32>
      %and3A = arith.andi %bitcast3A, %broadcast_in_dim3A_81 : vector<16xi32>
      %bitcast3A_135 = vector.bitcast %and3A : vector<16xi32> to vector<16xf32>
      %mul3A_136 = arith.constant 2 : i32
      %mul3A_137 = vector.broadcast %mul3A_136 : i32 to vector<16xi32>
      %mul3A_138 = arith.muli %mul3A_137, %iota3A : vector<16xi32>
      %add3A_139 = arith.constant 0 : i32
      %add3A_140 = vector.broadcast %add3A_139 : i32 to vector<16xi32>
      %add3A_141 = arith.addi %add3A_140, %mul3A_138 : vector<16xi32>
      tpu.vector_store_idx %arg20[%broadcast_in_dim3A_131, %add3A_141], %bitcast3A_134 : memref<128x128xf32, #tpu.memory_space<vmem>>[vector<16xi32>, vector<16xi32>], vector<16xf32>,
      %add3A_142 = arith.constant 1 : i32
      %add3A_143 = vector.broadcast %add3A_142 : i32 to vector<16xi32>
      %add3A_144 = arith.addi %add3A_141, %add3A_143 : vector<16xi32>
      tpu.vector_store_idx %arg20[%broadcast_in_dim3A_131, %add3A_144], %bitcast3A_135 : memref<128x128xf32, #tpu.memory_space<vmem>>[vector<16xi32>, vector<16xi32>], vector<16xf32>,
      %get3A_145 = arith.index_cast %scan3A_129 : i32 to index
      %get3A_146 = arith.constant 32 : index
      %get3A_147 = tpu.vector_load %arg8[%get3A_145, %get3A_146] {strides = array<i32>} : memref<128x128xbf16, #tpu.memory_space<vmem>>, vector<32xbf16>,
      %bitcast3A_148 = vector.bitcast %get3A_147 : vector<32xbf16> to vector<16xi32>
      %shift_left3A_149 = arith.shli %bitcast3A_148, %broadcast_in_dim3A_83 : vector<16xi32>
      %bitcast3A_150 = vector.bitcast %shift_left3A_149 : vector<16xi32> to vector<16xf32>
      %and3A_151 = arith.andi %bitcast3A_148, %broadcast_in_dim3A_81 : vector<16xi32>
      %bitcast3A_152 = vector.bitcast %and3A_151 : vector<16xi32> to vector<16xf32>
      %mul3A_153 = arith.constant 2 : i32
      %mul3A_154 = vector.broadcast %mul3A_153 : i32 to vector<16xi32>
      %mul3A_155 = arith.muli %mul3A_154, %iota3A : vector<16xi32>
      %add3A_156 = arith.constant 32 : i32
      %add3A_157 = vector.broadcast %add3A_156 : i32 to vector<16xi32>
      %add3A_158 = arith.addi %add3A_157, %mul3A_155 : vector<16xi32>
      tpu.vector_store_idx %arg20[%broadcast_in_dim3A_131, %add3A_158], %bitcast3A_150 : memref<128x128xf32, #tpu.memory_space<vmem>>[vector<16xi32>, vector<16xi32>], vector<16xf32>,
      %add3A_159 = arith.constant 1 : i32
      %add3A_160 = vector.broadcast %add3A_159 : i32 to vector<16xi32>
      %add3A_161 = arith.addi %add3A_158, %add3A_160 : vector<16xi32>
      tpu.vector_store_idx %arg20[%broadcast_in_dim3A_131, %add3A_161], %bitcast3A_152 : memref<128x128xf32, #tpu.memory_space<vmem>>[vector<16xi32>, vector<16xi32>], vector<16xf32>,
      %get3A_162 = arith.index_cast %scan3A_129 : i32 to index
      %get3A_163 = arith.constant 64 : index
      %get3A_164 = tpu.vector_load %arg8[%get3A_162, %get3A_163] {strides = array<i32>} : memref<128x128xbf16, #tpu.memory_space<vmem>>, vector<32xbf16>,
      %bitcast3A_165 = vector.bitcast %get3A_164 : vector<32xbf16> to vector<16xi32>
      %shift_left3A_166 = arith.shli %bitcast3A_165, %broadcast_in_dim3A_83 : vector<16xi32>
      %bitcast3A_167 = vector.bitcast %shift_left3A_166 : vector<16xi32> to vector<16xf32>
      %and3A_168 = arith.andi %bitcast3A_165, %broadcast_in_dim3A_81 : vector<16xi32>
      %bitcast3A_169 = vector.bitcast %and3A_168 : vector<16xi32> to vector<16xf32>
      %mul3A_170 = arith.constant 2 : i32
      %mul3A_171 = vector.broadcast %mul3A_170 : i32 to vector<16xi32>
      %mul3A_172 = arith.muli %mul3A_171, %iota3A : vector<16xi32>
      %add3A_173 = arith.constant 64 : i32
      %add3A_174 = vector.broadcast %add3A_173 : i32 to vector<16xi32>
      %add3A_175 = arith.addi %add3A_174, %mul3A_172 : vector<16xi32>
      tpu.vector_store_idx %arg20[%broadcast_in_dim3A_131, %add3A_175], %bitcast3A_167 : memref<128x128xf32, #tpu.memory_space<vmem>>[vector<16xi32>, vector<16xi32>], vector<16xf32>,
      %add3A_176 = arith.constant 1 : i32
      %add3A_177 = vector.broadcast %add3A_176 : i32 to vector<16xi32>
      %add3A_178 = arith.addi %add3A_175, %add3A_177 : vector<16xi32>
      tpu.vector_store_idx %arg20[%broadcast_in_dim3A_131, %add3A_178], %bitcast3A_169 : memref<128x128xf32, #tpu.memory_space<vmem>>[vector<16xi32>, vector<16xi32>], vector<16xf32>,
      %get3A_179 = arith.index_cast %scan3A_129 : i32 to index
      %get3A_180 = arith.constant 96 : index
      %get3A_181 = tpu.vector_load %arg8[%get3A_179, %get3A_180] {strides = array<i32>} : memref<128x128xbf16, #tpu.memory_space<vmem>>, vector<32xbf16>,
      %bitcast3A_182 = vector.bitcast %get3A_181 : vector<32xbf16> to vector<16xi32>
      %shift_left3A_183 = arith.shli %bitcast3A_182, %broadcast_in_dim3A_83 : vector<16xi32>
      %bitcast3A_184 = vector.bitcast %shift_left3A_183 : vector<16xi32> to vector<16xf32>
      %and3A_185 = arith.andi %bitcast3A_182, %broadcast_in_dim3A_81 : vector<16xi32>
      %bitcast3A_186 = vector.bitcast %and3A_185 : vector<16xi32> to vector<16xf32>
      %mul3A_187 = arith.constant 2 : i32
      %mul3A_188 = vector.broadcast %mul3A_187 : i32 to vector<16xi32>
      %mul3A_189 = arith.muli %mul3A_188, %iota3A : vector<16xi32>
      %add3A_190 = arith.constant 96 : i32
      %add3A_191 = vector.broadcast %add3A_190 : i32 to vector<16xi32>
      %add3A_192 = arith.addi %add3A_191, %mul3A_189 : vector<16xi32>
      tpu.vector_store_idx %arg20[%broadcast_in_dim3A_131, %add3A_192], %bitcast3A_184 : memref<128x128xf32, #tpu.memory_space<vmem>>[vector<16xi32>, vector<16xi32>], vector<16xf32>,
      %add3A_193 = arith.constant 1 : i32
      %add3A_194 = vector.broadcast %add3A_193 : i32 to vector<16xi32>
      %add3A_195 = arith.addi %add3A_192, %add3A_194 : vector<16xi32>
      tpu.vector_store_idx %arg20[%broadcast_in_dim3A_131, %add3A_195], %bitcast3A_186 : memref<128x128xf32, #tpu.memory_space<vmem>>[vector<16xi32>, vector<16xi32>], vector<16xf32>,
      %scan3A_196 = arith.constant 0 : i32
      scf.yield %scan3A_196 : i32
    }
    %scan3A_128 = arith.constant 113 : i32
    "tpu.region"() ({
      %run_scoped3A_129 = tpu.sem_alloc : memref<!tpu.dma_semaphore, #tpu.memory_space<semaphore_mem>>
      %dma_start3A_130 = arith.constant 0 : i32
      %dma_start3A_131 = arith.constant 0 : i32
      %dma_start3A_132 = tpu.memref_slice %arg20[%dma_start3A_130, %dma_start3A_131] : memref<128x128xf32, #tpu.memory_space<vmem>> -> memref<113x128xf32, #tpu.memory_space<vmem>>
      %dma_start3A_133 = arith.constant 0 : i32
      %dma_start3A_134 = tpu.memref_slice %arg4[%arg0, %add3A_121, %dma_start3A_133] : memref<2x10000x128xf32, #tpu.memory_space<hbm>> -> memref<1x113x128xf32, #tpu.memory_space<hbm>>
      %dma_start3A_135 = tpu.memref_squeeze %dma_start3A_134 : memref<1x113x128xf32, #tpu.memory_space<hbm>> -> memref<113x128xf32, #tpu.memory_space<hbm>>
      %dma_start3A_136 = arith.constant 0 : i32
      %dma_start3A_137 = tpu.memref_slice %arg4[%arg0, %add3A_121, %dma_start3A_136] : memref<2x10000x128xf32, #tpu.memory_space<hbm>> -> memref<1x113x128xf32, #tpu.memory_space<hbm>>
      %dma_start3A_138 = tpu.memref_squeeze %dma_start3A_137 : memref<1x113x128xf32, #tpu.memory_space<hbm>> -> memref<113x128xf32, #tpu.memory_space<hbm>>
      %dma_start3A_139 = arith.constant 0 : i32
      %dma_start3A_140 = arith.constant 0 : i32
      %dma_start3A_141 = tpu.memref_slice %arg20[%dma_start3A_139, %dma_start3A_140] : memref<128x128xf32, #tpu.memory_space<vmem>> -> memref<113x128xf32, #tpu.memory_space<vmem>>
      tpu.enqueue_dma source(%dma_start3A_141 : memref<113x128xf32, #tpu.memory_space<vmem>>) target(%dma_start3A_138 : memref<113x128xf32, #tpu.memory_space<hbm>>) target_semaphore(%run_scoped3A_129 : memref<!tpu.dma_semaphore, #tpu.memory_space<semaphore_mem>>)
      %dma_wait3A_142 = arith.constant 0 : i32
      %dma_wait3A_143 = arith.constant 0 : i32
      %dma_wait3A_144 = tpu.memref_slice %arg20[%dma_wait3A_142, %dma_wait3A_143] : memref<128x128xf32, #tpu.memory_space<vmem>> -> memref<113x128xf32, #tpu.memory_space<vmem>>
      %dma_wait3A_145 = arith.constant 0 : i32
      %dma_wait3A_146 = tpu.memref_slice %arg4[%arg0, %add3A_121, %dma_wait3A_145] : memref<2x10000x128xf32, #tpu.memory_space<hbm>> -> memref<1x113x128xf32, #tpu.memory_space<hbm>>
      %dma_wait3A_147 = tpu.memref_squeeze %dma_wait3A_146 : memref<1x113x128xf32, #tpu.memory_space<hbm>> -> memref<113x128xf32, #tpu.memory_space<hbm>>
      %dma_wait3A_148 = arith.constant 0 : i32
      %dma_wait3A_149 = tpu.memref_slice %arg4[%arg0, %add3A_121, %dma_wait3A_148] : memref<2x10000x128xf32, #tpu.memory_space<hbm>> -> memref<1x113x128xf32, #tpu.memory_space<hbm>>
      %dma_wait3A_150 = tpu.memref_squeeze %dma_wait3A_149 : memref<1x113x128xf32, #tpu.memory_space<hbm>> -> memref<113x128xf32, #tpu.memory_space<hbm>>
      %dma_wait3A_151 = arith.constant 0 : i32
      %dma_wait3A_152 = arith.constant 0 : i32
      %dma_wait3A_153 = tpu.memref_slice %arg20[%dma_wait3A_151, %dma_wait3A_152] : memref<128x128xf32, #tpu.memory_space<vmem>> -> memref<113x128xf32, #tpu.memory_space<vmem>>
      tpu.wait_dma2 semaphore(%run_scoped3A_129 : memref<!tpu.dma_semaphore, #tpu.memory_space<semaphore_mem>>) src(%dma_wait3A_153 : memref<113x128xf32, #tpu.memory_space<vmem>>) dst(%dma_wait3A_150 : memref<113x128xf32, #tpu.memory_space<hbm>>)
      tpu.yield
    }) : () -> ()
    return
  }
}

#map = affine_map<(d0, d1) -> (0, 0)>
#map1 = affine_map<(d0, d1) -> (0, 0, 0)>
module attributes {stable_mosaic.version = 14 : i64} {
  func.func @body(%arg0: i32, %arg1: i32, %arg2: memref<10000x16xf32, #tpu.memory_space<hbm>>, %arg3: memref<2x320000xi32, #tpu.memory_space<hbm>>, %arg4: memref<2x10000x16xf32, #tpu.memory_space<hbm>>, %arg5: memref<10000xi32, #tpu.memory_space<vmem>>, %arg6: memref<10000xi32, #tpu.memory_space<vmem>>, %arg7: memref<16xi32, #tpu.memory_space<vmem>>, %arg8: memref<128x16xf32, #tpu.memory_space<vmem>>, %arg9: memref<128x16xf32, #tpu.memory_space<vmem>>, %arg10: memref<128x16xf32, #tpu.memory_space<vmem>>, %arg11: memref<128x16xf32, #tpu.memory_space<vmem>>, %arg12: memref<128x16xf32, #tpu.memory_space<vmem>>, %arg13: memref<128x16xf32, #tpu.memory_space<vmem>>, %arg14: memref<!tpu.dma_semaphore, #tpu.memory_space<semaphore_mem>>, %arg15: memref<!tpu.dma_semaphore, #tpu.memory_space<semaphore_mem>>, %arg16: memref<!tpu.dma_semaphore, #tpu.memory_space<semaphore_mem>>, %arg17: memref<!tpu.dma_semaphore, #tpu.memory_space<semaphore_mem>>, %arg18: memref<!tpu.dma_semaphore, #tpu.memory_space<semaphore_mem>>, %arg19: memref<!tpu.dma_semaphore, #tpu.memory_space<semaphore_mem>>, %arg20: memref<10000x16xf32, #tpu.memory_space<vmem_shared>>) attributes {dimension_semantics = [#tpu.dimension_semantics<core_parallel>, #tpu.dimension_semantics<subcore_parallel>], iteration_bounds = array<i64: 2, 16>, scalar_prefetch = 0 : i64, scratch_operands = 16 : i64, tpu.core_type = #tpu.core_type<sc_vector_subcore>, window_params = [{transform_indices = #map}, {transform_indices = #map}, {transform_indices = #map1}]} {
    %mul3A = arith.constant 2 : i32
    %mul3A_0 = arith.muli %arg1, %mul3A : i32
    %add3A = arith.addi %mul3A_0, %arg0 : i32
    %mul3A_1 = arith.constant 10000 : i32
    %mul3A_2 = arith.muli %add3A, %mul3A_1 : i32
    %mul3A_3 = arith.constant 625 : i32
    %mul3A_4 = arith.muli %arg1, %mul3A_3 : i32
    %broadcast_in_dim3A = arith.constant 0.000000e+00 : f32
    %broadcast_in_dim3A_5 = vector.broadcast %broadcast_in_dim3A : f32 to vector<16xf32>
    %scan3A = arith.constant 0 : i32
    %scan3A_6 = arith.constant 0 : i32
    %scan3A_7 = arith.constant 128 : i32
    %scan3A_8 = arith.addi %scan3A_6, %scan3A_7 : i32
    %scan3A_9 = arith.constant 1 : i32
    %scan3A_10 = scf.for %scan3A_80 = %scan3A_6 to %scan3A_8 step %scan3A_9 iter_args(%scan3A_81 = %scan3A) -> (i32)  : i32 {
      %swap3A = arith.index_cast %scan3A_80 : i32 to index
      %swap3A_82 = arith.constant 0 : index
      %swap3A_83 = tpu.vector_load %arg8[%swap3A, %swap3A_82] {strides = array<i32>} : memref<128x16xf32, #tpu.memory_space<vmem>>, vector<16xf32>,
      tpu.vector_store %arg8[%swap3A, %swap3A_82], %broadcast_in_dim3A_5 {strides = array<i32>} : memref<128x16xf32, #tpu.memory_space<vmem>>, vector<16xf32>,
      %scan3A_84 = arith.constant 0 : i32
      scf.yield %scan3A_84 : i32
    }
    %scan3A_11 = arith.constant 128 : i32
    %add3A_12 = arith.constant 0 : i32
    %add3A_13 = arith.addi %mul3A_4, %add3A_12 : i32
    "tpu.region"() ({
      %run_scoped3A_80 = tpu.sem_alloc : memref<!tpu.dma_semaphore, #tpu.memory_space<semaphore_mem>>
      %dma_start3A_81 = arith.constant 0 : i32
      %dma_start3A_82 = tpu.memref_slice %arg20[%add3A_13, %dma_start3A_81] : memref<10000x16xf32, #tpu.memory_space<vmem_shared>> -> memref<128x16xf32, #tpu.memory_space<vmem_shared>>
      %dma_start3A_83 = arith.constant 0 : i32
      %dma_start3A_84 = tpu.memref_slice %arg20[%add3A_13, %dma_start3A_83] : memref<10000x16xf32, #tpu.memory_space<vmem_shared>> -> memref<128x16xf32, #tpu.memory_space<vmem_shared>>
      tpu.enqueue_dma source(%arg8 : memref<128x16xf32, #tpu.memory_space<vmem>>) target(%dma_start3A_84 : memref<128x16xf32, #tpu.memory_space<vmem_shared>>) target_semaphore(%run_scoped3A_80 : memref<!tpu.dma_semaphore, #tpu.memory_space<semaphore_mem>>)
      %dma_wait3A_85 = arith.constant 0 : i32
      %dma_wait3A_86 = tpu.memref_slice %arg20[%add3A_13, %dma_wait3A_85] : memref<10000x16xf32, #tpu.memory_space<vmem_shared>> -> memref<128x16xf32, #tpu.memory_space<vmem_shared>>
      %dma_wait3A_87 = arith.constant 0 : i32
      %dma_wait3A_88 = tpu.memref_slice %arg20[%add3A_13, %dma_wait3A_87] : memref<10000x16xf32, #tpu.memory_space<vmem_shared>> -> memref<128x16xf32, #tpu.memory_space<vmem_shared>>
      tpu.wait_dma2 semaphore(%run_scoped3A_80 : memref<!tpu.dma_semaphore, #tpu.memory_space<semaphore_mem>>) src(%arg8 : memref<128x16xf32, #tpu.memory_space<vmem>>) dst(%dma_wait3A_88 : memref<128x16xf32, #tpu.memory_space<vmem_shared>>)
      tpu.yield
    }) : () -> ()
    %add3A_14 = arith.constant 128 : i32
    %add3A_15 = arith.addi %mul3A_4, %add3A_14 : i32
    "tpu.region"() ({
      %run_scoped3A_80 = tpu.sem_alloc : memref<!tpu.dma_semaphore, #tpu.memory_space<semaphore_mem>>
      %dma_start3A_81 = arith.constant 0 : i32
      %dma_start3A_82 = tpu.memref_slice %arg20[%add3A_15, %dma_start3A_81] : memref<10000x16xf32, #tpu.memory_space<vmem_shared>> -> memref<128x16xf32, #tpu.memory_space<vmem_shared>>
      %dma_start3A_83 = arith.constant 0 : i32
      %dma_start3A_84 = tpu.memref_slice %arg20[%add3A_15, %dma_start3A_83] : memref<10000x16xf32, #tpu.memory_space<vmem_shared>> -> memref<128x16xf32, #tpu.memory_space<vmem_shared>>
      tpu.enqueue_dma source(%arg8 : memref<128x16xf32, #tpu.memory_space<vmem>>) target(%dma_start3A_84 : memref<128x16xf32, #tpu.memory_space<vmem_shared>>) target_semaphore(%run_scoped3A_80 : memref<!tpu.dma_semaphore, #tpu.memory_space<semaphore_mem>>)
      %dma_wait3A_85 = arith.constant 0 : i32
      %dma_wait3A_86 = tpu.memref_slice %arg20[%add3A_15, %dma_wait3A_85] : memref<10000x16xf32, #tpu.memory_space<vmem_shared>> -> memref<128x16xf32, #tpu.memory_space<vmem_shared>>
      %dma_wait3A_87 = arith.constant 0 : i32
      %dma_wait3A_88 = tpu.memref_slice %arg20[%add3A_15, %dma_wait3A_87] : memref<10000x16xf32, #tpu.memory_space<vmem_shared>> -> memref<128x16xf32, #tpu.memory_space<vmem_shared>>
      tpu.wait_dma2 semaphore(%run_scoped3A_80 : memref<!tpu.dma_semaphore, #tpu.memory_space<semaphore_mem>>) src(%arg8 : memref<128x16xf32, #tpu.memory_space<vmem>>) dst(%dma_wait3A_88 : memref<128x16xf32, #tpu.memory_space<vmem_shared>>)
      tpu.yield
    }) : () -> ()
    %add3A_16 = arith.constant 256 : i32
    %add3A_17 = arith.addi %mul3A_4, %add3A_16 : i32
    "tpu.region"() ({
      %run_scoped3A_80 = tpu.sem_alloc : memref<!tpu.dma_semaphore, #tpu.memory_space<semaphore_mem>>
      %dma_start3A_81 = arith.constant 0 : i32
      %dma_start3A_82 = tpu.memref_slice %arg20[%add3A_17, %dma_start3A_81] : memref<10000x16xf32, #tpu.memory_space<vmem_shared>> -> memref<128x16xf32, #tpu.memory_space<vmem_shared>>
      %dma_start3A_83 = arith.constant 0 : i32
      %dma_start3A_84 = tpu.memref_slice %arg20[%add3A_17, %dma_start3A_83] : memref<10000x16xf32, #tpu.memory_space<vmem_shared>> -> memref<128x16xf32, #tpu.memory_space<vmem_shared>>
      tpu.enqueue_dma source(%arg8 : memref<128x16xf32, #tpu.memory_space<vmem>>) target(%dma_start3A_84 : memref<128x16xf32, #tpu.memory_space<vmem_shared>>) target_semaphore(%run_scoped3A_80 : memref<!tpu.dma_semaphore, #tpu.memory_space<semaphore_mem>>)
      %dma_wait3A_85 = arith.constant 0 : i32
      %dma_wait3A_86 = tpu.memref_slice %arg20[%add3A_17, %dma_wait3A_85] : memref<10000x16xf32, #tpu.memory_space<vmem_shared>> -> memref<128x16xf32, #tpu.memory_space<vmem_shared>>
      %dma_wait3A_87 = arith.constant 0 : i32
      %dma_wait3A_88 = tpu.memref_slice %arg20[%add3A_17, %dma_wait3A_87] : memref<10000x16xf32, #tpu.memory_space<vmem_shared>> -> memref<128x16xf32, #tpu.memory_space<vmem_shared>>
      tpu.wait_dma2 semaphore(%run_scoped3A_80 : memref<!tpu.dma_semaphore, #tpu.memory_space<semaphore_mem>>) src(%arg8 : memref<128x16xf32, #tpu.memory_space<vmem>>) dst(%dma_wait3A_88 : memref<128x16xf32, #tpu.memory_space<vmem_shared>>)
      tpu.yield
    }) : () -> ()
    %add3A_18 = arith.constant 384 : i32
    %add3A_19 = arith.addi %mul3A_4, %add3A_18 : i32
    "tpu.region"() ({
      %run_scoped3A_80 = tpu.sem_alloc : memref<!tpu.dma_semaphore, #tpu.memory_space<semaphore_mem>>
      %dma_start3A_81 = arith.constant 0 : i32
      %dma_start3A_82 = tpu.memref_slice %arg20[%add3A_19, %dma_start3A_81] : memref<10000x16xf32, #tpu.memory_space<vmem_shared>> -> memref<128x16xf32, #tpu.memory_space<vmem_shared>>
      %dma_start3A_83 = arith.constant 0 : i32
      %dma_start3A_84 = tpu.memref_slice %arg20[%add3A_19, %dma_start3A_83] : memref<10000x16xf32, #tpu.memory_space<vmem_shared>> -> memref<128x16xf32, #tpu.memory_space<vmem_shared>>
      tpu.enqueue_dma source(%arg8 : memref<128x16xf32, #tpu.memory_space<vmem>>) target(%dma_start3A_84 : memref<128x16xf32, #tpu.memory_space<vmem_shared>>) target_semaphore(%run_scoped3A_80 : memref<!tpu.dma_semaphore, #tpu.memory_space<semaphore_mem>>)
      %dma_wait3A_85 = arith.constant 0 : i32
      %dma_wait3A_86 = tpu.memref_slice %arg20[%add3A_19, %dma_wait3A_85] : memref<10000x16xf32, #tpu.memory_space<vmem_shared>> -> memref<128x16xf32, #tpu.memory_space<vmem_shared>>
      %dma_wait3A_87 = arith.constant 0 : i32
      %dma_wait3A_88 = tpu.memref_slice %arg20[%add3A_19, %dma_wait3A_87] : memref<10000x16xf32, #tpu.memory_space<vmem_shared>> -> memref<128x16xf32, #tpu.memory_space<vmem_shared>>
      tpu.wait_dma2 semaphore(%run_scoped3A_80 : memref<!tpu.dma_semaphore, #tpu.memory_space<semaphore_mem>>) src(%arg8 : memref<128x16xf32, #tpu.memory_space<vmem>>) dst(%dma_wait3A_88 : memref<128x16xf32, #tpu.memory_space<vmem_shared>>)
      tpu.yield
    }) : () -> ()
    %add3A_20 = arith.constant 512 : i32
    %add3A_21 = arith.addi %mul3A_4, %add3A_20 : i32
    "tpu.region"() ({
      %run_scoped3A_80 = tpu.sem_alloc : memref<!tpu.dma_semaphore, #tpu.memory_space<semaphore_mem>>
      %dma_start3A_81 = arith.constant 0 : i32
      %dma_start3A_82 = arith.constant 0 : i32
      %dma_start3A_83 = tpu.memref_slice %arg8[%dma_start3A_81, %dma_start3A_82] : memref<128x16xf32, #tpu.memory_space<vmem>> -> memref<113x16xf32, #tpu.memory_space<vmem>>
      %dma_start3A_84 = arith.constant 0 : i32
      %dma_start3A_85 = tpu.memref_slice %arg20[%add3A_21, %dma_start3A_84] : memref<10000x16xf32, #tpu.memory_space<vmem_shared>> -> memref<113x16xf32, #tpu.memory_space<vmem_shared>>
      %dma_start3A_86 = arith.constant 0 : i32
      %dma_start3A_87 = tpu.memref_slice %arg20[%add3A_21, %dma_start3A_86] : memref<10000x16xf32, #tpu.memory_space<vmem_shared>> -> memref<113x16xf32, #tpu.memory_space<vmem_shared>>
      %dma_start3A_88 = arith.constant 0 : i32
      %dma_start3A_89 = arith.constant 0 : i32
      %dma_start3A_90 = tpu.memref_slice %arg8[%dma_start3A_88, %dma_start3A_89] : memref<128x16xf32, #tpu.memory_space<vmem>> -> memref<113x16xf32, #tpu.memory_space<vmem>>
      tpu.enqueue_dma source(%dma_start3A_90 : memref<113x16xf32, #tpu.memory_space<vmem>>) target(%dma_start3A_87 : memref<113x16xf32, #tpu.memory_space<vmem_shared>>) target_semaphore(%run_scoped3A_80 : memref<!tpu.dma_semaphore, #tpu.memory_space<semaphore_mem>>)
      %dma_wait3A_91 = arith.constant 0 : i32
      %dma_wait3A_92 = arith.constant 0 : i32
      %dma_wait3A_93 = tpu.memref_slice %arg8[%dma_wait3A_91, %dma_wait3A_92] : memref<128x16xf32, #tpu.memory_space<vmem>> -> memref<113x16xf32, #tpu.memory_space<vmem>>
      %dma_wait3A_94 = arith.constant 0 : i32
      %dma_wait3A_95 = tpu.memref_slice %arg20[%add3A_21, %dma_wait3A_94] : memref<10000x16xf32, #tpu.memory_space<vmem_shared>> -> memref<113x16xf32, #tpu.memory_space<vmem_shared>>
      %dma_wait3A_96 = arith.constant 0 : i32
      %dma_wait3A_97 = tpu.memref_slice %arg20[%add3A_21, %dma_wait3A_96] : memref<10000x16xf32, #tpu.memory_space<vmem_shared>> -> memref<113x16xf32, #tpu.memory_space<vmem_shared>>
      %dma_wait3A_98 = arith.constant 0 : i32
      %dma_wait3A_99 = arith.constant 0 : i32
      %dma_wait3A_100 = tpu.memref_slice %arg8[%dma_wait3A_98, %dma_wait3A_99] : memref<128x16xf32, #tpu.memory_space<vmem>> -> memref<113x16xf32, #tpu.memory_space<vmem>>
      tpu.wait_dma2 semaphore(%run_scoped3A_80 : memref<!tpu.dma_semaphore, #tpu.memory_space<semaphore_mem>>) src(%dma_wait3A_100 : memref<113x16xf32, #tpu.memory_space<vmem>>) dst(%dma_wait3A_97 : memref<113x16xf32, #tpu.memory_space<vmem_shared>>)
      tpu.yield
    }) : () -> ()
    %run_scoped3A = arith.constant 1 : i32
    "tpu.region"() ({
      %run_scoped3A_80 = tpu.sem_alloc : memref<!tpu.dma_semaphore, #tpu.memory_space<semaphore_mem>>
      %dma_start3A_81 = tpu.memref_slice %arg3[%run_scoped3A, %mul3A_2] : memref<2x320000xi32, #tpu.memory_space<hbm>> -> memref<1x10000xi32, #tpu.memory_space<hbm>>
      %dma_start3A_82 = tpu.memref_squeeze %dma_start3A_81 : memref<1x10000xi32, #tpu.memory_space<hbm>> -> memref<10000xi32, #tpu.memory_space<hbm>>
      %dma_start3A_83 = tpu.memref_slice %arg3[%run_scoped3A, %mul3A_2] : memref<2x320000xi32, #tpu.memory_space<hbm>> -> memref<1x10000xi32, #tpu.memory_space<hbm>>
      %dma_start3A_84 = tpu.memref_squeeze %dma_start3A_83 : memref<1x10000xi32, #tpu.memory_space<hbm>> -> memref<10000xi32, #tpu.memory_space<hbm>>
      tpu.enqueue_dma source(%dma_start3A_84 : memref<10000xi32, #tpu.memory_space<hbm>>) target(%arg6 : memref<10000xi32, #tpu.memory_space<vmem>>) target_semaphore(%run_scoped3A_80 : memref<!tpu.dma_semaphore, #tpu.memory_space<semaphore_mem>>)
      %dma_wait3A_85 = tpu.memref_slice %arg3[%run_scoped3A, %mul3A_2] : memref<2x320000xi32, #tpu.memory_space<hbm>> -> memref<1x10000xi32, #tpu.memory_space<hbm>>
      %dma_wait3A_86 = tpu.memref_squeeze %dma_wait3A_85 : memref<1x10000xi32, #tpu.memory_space<hbm>> -> memref<10000xi32, #tpu.memory_space<hbm>>
      %dma_wait3A_87 = tpu.memref_slice %arg3[%run_scoped3A, %mul3A_2] : memref<2x320000xi32, #tpu.memory_space<hbm>> -> memref<1x10000xi32, #tpu.memory_space<hbm>>
      %dma_wait3A_88 = tpu.memref_squeeze %dma_wait3A_87 : memref<1x10000xi32, #tpu.memory_space<hbm>> -> memref<10000xi32, #tpu.memory_space<hbm>>
      tpu.wait_dma2 semaphore(%run_scoped3A_80 : memref<!tpu.dma_semaphore, #tpu.memory_space<semaphore_mem>>) src(%dma_wait3A_88 : memref<10000xi32, #tpu.memory_space<hbm>>) dst(%arg6 : memref<10000xi32, #tpu.memory_space<vmem>>)
      tpu.yield
    }) : () -> ()
    %add3A_22 = arith.constant 9984 : i32
    %add3A_23 = arith.addi %mul3A_2, %add3A_22 : i32
    %run_scoped3A_24 = arith.constant 1 : i32
    "tpu.region"() ({
      %run_scoped3A_80 = tpu.sem_alloc : memref<!tpu.dma_semaphore, #tpu.memory_space<semaphore_mem>>
      %dma_start3A_81 = tpu.memref_slice %arg3[%run_scoped3A_24, %add3A_23] : memref<2x320000xi32, #tpu.memory_space<hbm>> -> memref<1x16xi32, #tpu.memory_space<hbm>>
      %dma_start3A_82 = tpu.memref_squeeze %dma_start3A_81 : memref<1x16xi32, #tpu.memory_space<hbm>> -> memref<16xi32, #tpu.memory_space<hbm>>
      %dma_start3A_83 = tpu.memref_slice %arg3[%run_scoped3A_24, %add3A_23] : memref<2x320000xi32, #tpu.memory_space<hbm>> -> memref<1x16xi32, #tpu.memory_space<hbm>>
      %dma_start3A_84 = tpu.memref_squeeze %dma_start3A_83 : memref<1x16xi32, #tpu.memory_space<hbm>> -> memref<16xi32, #tpu.memory_space<hbm>>
      tpu.enqueue_dma source(%dma_start3A_84 : memref<16xi32, #tpu.memory_space<hbm>>) target(%arg7 : memref<16xi32, #tpu.memory_space<vmem>>) target_semaphore(%run_scoped3A_80 : memref<!tpu.dma_semaphore, #tpu.memory_space<semaphore_mem>>)
      %dma_wait3A_85 = tpu.memref_slice %arg3[%run_scoped3A_24, %add3A_23] : memref<2x320000xi32, #tpu.memory_space<hbm>> -> memref<1x16xi32, #tpu.memory_space<hbm>>
      %dma_wait3A_86 = tpu.memref_squeeze %dma_wait3A_85 : memref<1x16xi32, #tpu.memory_space<hbm>> -> memref<16xi32, #tpu.memory_space<hbm>>
      %dma_wait3A_87 = tpu.memref_slice %arg3[%run_scoped3A_24, %add3A_23] : memref<2x320000xi32, #tpu.memory_space<hbm>> -> memref<1x16xi32, #tpu.memory_space<hbm>>
      %dma_wait3A_88 = tpu.memref_squeeze %dma_wait3A_87 : memref<1x16xi32, #tpu.memory_space<hbm>> -> memref<16xi32, #tpu.memory_space<hbm>>
      tpu.wait_dma2 semaphore(%run_scoped3A_80 : memref<!tpu.dma_semaphore, #tpu.memory_space<semaphore_mem>>) src(%dma_wait3A_88 : memref<16xi32, #tpu.memory_space<hbm>>) dst(%arg7 : memref<16xi32, #tpu.memory_space<vmem>>)
      tpu.yield
    }) : () -> ()
    %barrier3A = arith.constant 0 : index
    tpu.barrier barrier_id(%barrier3A)
    %add3A_25 = arith.constant 0 : i32
    %add3A_26 = arith.addi %mul3A_2, %add3A_25 : i32
    %run_scoped3A_27 = arith.constant 0 : i32
    "tpu.region"() ({
      %run_scoped3A_80 = tpu.sem_alloc : memref<!tpu.dma_semaphore, #tpu.memory_space<semaphore_mem>>
      %dma_start3A_81 = arith.constant 0 : i32
      %dma_start3A_82 = tpu.memref_slice %arg5[%dma_start3A_81] : memref<10000xi32, #tpu.memory_space<vmem>> -> memref<10000xi32, #tpu.memory_space<vmem>>
      %dma_start3A_83 = tpu.memref_slice %arg3[%run_scoped3A_27, %add3A_26] : memref<2x320000xi32, #tpu.memory_space<hbm>> -> memref<1x10000xi32, #tpu.memory_space<hbm>>
      %dma_start3A_84 = tpu.memref_squeeze %dma_start3A_83 : memref<1x10000xi32, #tpu.memory_space<hbm>> -> memref<10000xi32, #tpu.memory_space<hbm>>
      %dma_start3A_85 = arith.constant 0 : i32
      %dma_start3A_86 = tpu.memref_slice %arg5[%dma_start3A_85] : memref<10000xi32, #tpu.memory_space<vmem>> -> memref<10000xi32, #tpu.memory_space<vmem>>
      %dma_start3A_87 = tpu.memref_slice %arg3[%run_scoped3A_27, %add3A_26] : memref<2x320000xi32, #tpu.memory_space<hbm>> -> memref<1x10000xi32, #tpu.memory_space<hbm>>
      %dma_start3A_88 = tpu.memref_squeeze %dma_start3A_87 : memref<1x10000xi32, #tpu.memory_space<hbm>> -> memref<10000xi32, #tpu.memory_space<hbm>>
      tpu.enqueue_dma source(%dma_start3A_88 : memref<10000xi32, #tpu.memory_space<hbm>>) target(%dma_start3A_86 : memref<10000xi32, #tpu.memory_space<vmem>>) target_semaphore(%run_scoped3A_80 : memref<!tpu.dma_semaphore, #tpu.memory_space<semaphore_mem>>)
      %dma_wait3A_89 = arith.constant 0 : i32
      %dma_wait3A_90 = tpu.memref_slice %arg5[%dma_wait3A_89] : memref<10000xi32, #tpu.memory_space<vmem>> -> memref<10000xi32, #tpu.memory_space<vmem>>
      %dma_wait3A_91 = tpu.memref_slice %arg3[%run_scoped3A_27, %add3A_26] : memref<2x320000xi32, #tpu.memory_space<hbm>> -> memref<1x10000xi32, #tpu.memory_space<hbm>>
      %dma_wait3A_92 = tpu.memref_squeeze %dma_wait3A_91 : memref<1x10000xi32, #tpu.memory_space<hbm>> -> memref<10000xi32, #tpu.memory_space<hbm>>
      %dma_wait3A_93 = arith.constant 0 : i32
      %dma_wait3A_94 = tpu.memref_slice %arg5[%dma_wait3A_93] : memref<10000xi32, #tpu.memory_space<vmem>> -> memref<10000xi32, #tpu.memory_space<vmem>>
      %dma_wait3A_95 = tpu.memref_slice %arg3[%run_scoped3A_27, %add3A_26] : memref<2x320000xi32, #tpu.memory_space<hbm>> -> memref<1x10000xi32, #tpu.memory_space<hbm>>
      %dma_wait3A_96 = tpu.memref_squeeze %dma_wait3A_95 : memref<1x10000xi32, #tpu.memory_space<hbm>> -> memref<10000xi32, #tpu.memory_space<hbm>>
      tpu.wait_dma2 semaphore(%run_scoped3A_80 : memref<!tpu.dma_semaphore, #tpu.memory_space<semaphore_mem>>) src(%dma_wait3A_96 : memref<10000xi32, #tpu.memory_space<hbm>>) dst(%dma_wait3A_94 : memref<10000xi32, #tpu.memory_space<vmem>>)
      tpu.yield
    }) : () -> ()
    %dma_start3A = arith.constant 0 : i32
    %dma_start3A_28 = tpu.memref_slice %arg5[%dma_start3A] : memref<10000xi32, #tpu.memory_space<vmem>> -> memref<128xi32, #tpu.memory_space<vmem>>
    %dma_start3A_29 = arith.constant 0 : i32
    %dma_start3A_30 = arith.constant 0 : i32
    %dma_start3A_31 = tpu.memref_slice %arg2[%dma_start3A_29, %dma_start3A_30] : memref<10000x16xf32, #tpu.memory_space<hbm>> -> memref<10000x16xf32, #tpu.memory_space<hbm>>
    tpu.enqueue_indirect_dma source(%dma_start3A_31 : memref<10000x16xf32, #tpu.memory_space<hbm>>) target(%arg8 : memref<128x16xf32, #tpu.memory_space<vmem>>) offsets(%dma_start3A_28 : memref<128xi32, #tpu.memory_space<vmem>>) semaphore(%arg14 : memref<!tpu.dma_semaphore, #tpu.memory_space<semaphore_mem>>)
    %dma_start3A_32 = arith.constant 128 : i32
    %dma_start3A_33 = tpu.memref_slice %arg5[%dma_start3A_32] : memref<10000xi32, #tpu.memory_space<vmem>> -> memref<128xi32, #tpu.memory_space<vmem>>
    %dma_start3A_34 = arith.constant 0 : i32
    %dma_start3A_35 = arith.constant 0 : i32
    %dma_start3A_36 = tpu.memref_slice %arg2[%dma_start3A_34, %dma_start3A_35] : memref<10000x16xf32, #tpu.memory_space<hbm>> -> memref<10000x16xf32, #tpu.memory_space<hbm>>
    tpu.enqueue_indirect_dma source(%dma_start3A_36 : memref<10000x16xf32, #tpu.memory_space<hbm>>) target(%arg9 : memref<128x16xf32, #tpu.memory_space<vmem>>) offsets(%dma_start3A_33 : memref<128xi32, #tpu.memory_space<vmem>>) semaphore(%arg15 : memref<!tpu.dma_semaphore, #tpu.memory_space<semaphore_mem>>)
    %dma_start3A_37 = arith.constant 256 : i32
    %dma_start3A_38 = tpu.memref_slice %arg5[%dma_start3A_37] : memref<10000xi32, #tpu.memory_space<vmem>> -> memref<128xi32, #tpu.memory_space<vmem>>
    %dma_start3A_39 = arith.constant 0 : i32
    %dma_start3A_40 = arith.constant 0 : i32
    %dma_start3A_41 = tpu.memref_slice %arg2[%dma_start3A_39, %dma_start3A_40] : memref<10000x16xf32, #tpu.memory_space<hbm>> -> memref<10000x16xf32, #tpu.memory_space<hbm>>
    tpu.enqueue_indirect_dma source(%dma_start3A_41 : memref<10000x16xf32, #tpu.memory_space<hbm>>) target(%arg10 : memref<128x16xf32, #tpu.memory_space<vmem>>) offsets(%dma_start3A_38 : memref<128xi32, #tpu.memory_space<vmem>>) semaphore(%arg16 : memref<!tpu.dma_semaphore, #tpu.memory_space<semaphore_mem>>)
    %dma_start3A_42 = arith.constant 384 : i32
    %dma_start3A_43 = tpu.memref_slice %arg5[%dma_start3A_42] : memref<10000xi32, #tpu.memory_space<vmem>> -> memref<128xi32, #tpu.memory_space<vmem>>
    %dma_start3A_44 = arith.constant 0 : i32
    %dma_start3A_45 = arith.constant 0 : i32
    %dma_start3A_46 = tpu.memref_slice %arg2[%dma_start3A_44, %dma_start3A_45] : memref<10000x16xf32, #tpu.memory_space<hbm>> -> memref<10000x16xf32, #tpu.memory_space<hbm>>
    tpu.enqueue_indirect_dma source(%dma_start3A_46 : memref<10000x16xf32, #tpu.memory_space<hbm>>) target(%arg11 : memref<128x16xf32, #tpu.memory_space<vmem>>) offsets(%dma_start3A_43 : memref<128xi32, #tpu.memory_space<vmem>>) semaphore(%arg17 : memref<!tpu.dma_semaphore, #tpu.memory_space<semaphore_mem>>)
    %dma_start3A_47 = arith.constant 512 : i32
    %dma_start3A_48 = tpu.memref_slice %arg5[%dma_start3A_47] : memref<10000xi32, #tpu.memory_space<vmem>> -> memref<128xi32, #tpu.memory_space<vmem>>
    %dma_start3A_49 = arith.constant 0 : i32
    %dma_start3A_50 = arith.constant 0 : i32
    %dma_start3A_51 = tpu.memref_slice %arg2[%dma_start3A_49, %dma_start3A_50] : memref<10000x16xf32, #tpu.memory_space<hbm>> -> memref<10000x16xf32, #tpu.memory_space<hbm>>
    tpu.enqueue_indirect_dma source(%dma_start3A_51 : memref<10000x16xf32, #tpu.memory_space<hbm>>) target(%arg12 : memref<128x16xf32, #tpu.memory_space<vmem>>) offsets(%dma_start3A_48 : memref<128xi32, #tpu.memory_space<vmem>>) semaphore(%arg18 : memref<!tpu.dma_semaphore, #tpu.memory_space<semaphore_mem>>)
    %dma_start3A_52 = arith.constant 640 : i32
    %dma_start3A_53 = tpu.memref_slice %arg5[%dma_start3A_52] : memref<10000xi32, #tpu.memory_space<vmem>> -> memref<128xi32, #tpu.memory_space<vmem>>
    %dma_start3A_54 = arith.constant 0 : i32
    %dma_start3A_55 = arith.constant 0 : i32
    %dma_start3A_56 = tpu.memref_slice %arg2[%dma_start3A_54, %dma_start3A_55] : memref<10000x16xf32, #tpu.memory_space<hbm>> -> memref<10000x16xf32, #tpu.memory_space<hbm>>
    tpu.enqueue_indirect_dma source(%dma_start3A_56 : memref<10000x16xf32, #tpu.memory_space<hbm>>) target(%arg13 : memref<128x16xf32, #tpu.memory_space<vmem>>) offsets(%dma_start3A_53 : memref<128xi32, #tpu.memory_space<vmem>>) semaphore(%arg19 : memref<!tpu.dma_semaphore, #tpu.memory_space<semaphore_mem>>)
    %scan3A_57 = arith.constant 0 : i32
    %scan3A_58 = arith.constant 0 : i32
    %scan3A_59 = arith.constant 13 : i32
    %scan3A_60 = arith.addi %scan3A_58, %scan3A_59 : i32
    %scan3A_61 = arith.constant 1 : i32
    %scan3A_62 = scf.for %scan3A_80 = %scan3A_58 to %scan3A_60 step %scan3A_61 iter_args(%scan3A_81 = %scan3A_57) -> (i32)  : i32 {
      %mul3A_82 = arith.constant 6 : i32
      %mul3A_83 = arith.muli %scan3A_80, %mul3A_82 : i32
      %add3A_84 = arith.constant 0 : i32
      %add3A_85 = arith.addi %mul3A_83, %add3A_84 : i32
      %mul3A_86 = arith.constant 128 : i32
      %mul3A_87 = arith.muli %add3A_85, %mul3A_86 : i32
      %dma_wait3A_88 = tpu.memref_slice %arg5[%mul3A_87] : memref<10000xi32, #tpu.memory_space<vmem>> -> memref<128xi32, #tpu.memory_space<vmem>>
      %dma_wait3A_89 = arith.constant 0 : i32
      %dma_wait3A_90 = arith.constant 0 : i32
      %dma_wait3A_91 = tpu.memref_slice %arg2[%dma_wait3A_89, %dma_wait3A_90] : memref<10000x16xf32, #tpu.memory_space<hbm>> -> memref<10000x16xf32, #tpu.memory_space<hbm>>
      tpu.wait_indirect_dma semaphore(%arg14 : memref<!tpu.dma_semaphore, #tpu.memory_space<semaphore_mem>>) src(%dma_wait3A_91 : memref<10000x16xf32, #tpu.memory_space<hbm>>) dst(%arg8 : memref<128x16xf32, #tpu.memory_space<vmem>>)
      %add3A_92 = arith.constant 0 : i32
      %add3A_93 = arith.addi %add3A_92, %add3A_85 : i32
      %mul3A_94 = arith.constant 128 : i32
      %mul3A_95 = arith.muli %add3A_93, %mul3A_94 : i32
      "tpu.region"() ({
        %run_scoped3A_196 = tpu.sem_alloc : memref<!tpu.dma_semaphore, #tpu.memory_space<semaphore_mem>>
        %dma_start3A_197 = tpu.memref_slice %arg6[%mul3A_95] : memref<10000xi32, #tpu.memory_space<vmem>> -> memref<128xi32, #tpu.memory_space<vmem>>
        %dma_start3A_198 = arith.constant 0 : i32
        %dma_start3A_199 = arith.constant 0 : i32
        %dma_start3A_200 = tpu.memref_slice %arg20[%dma_start3A_198, %dma_start3A_199] : memref<10000x16xf32, #tpu.memory_space<vmem_shared>> -> memref<10000x16xf32, #tpu.memory_space<vmem_shared>>
        tpu.enqueue_indirect_dma source(%arg8 : memref<128x16xf32, #tpu.memory_space<vmem>>) target(%dma_start3A_200 : memref<10000x16xf32, #tpu.memory_space<vmem_shared>>) offsets(%dma_start3A_197 : memref<128xi32, #tpu.memory_space<vmem>>) semaphore(%run_scoped3A_196 : memref<!tpu.dma_semaphore, #tpu.memory_space<semaphore_mem>>) {add = true}
        %dma_wait3A_201 = tpu.memref_slice %arg6[%mul3A_95] : memref<10000xi32, #tpu.memory_space<vmem>> -> memref<128xi32, #tpu.memory_space<vmem>>
        %dma_wait3A_202 = arith.constant 0 : i32
        %dma_wait3A_203 = arith.constant 0 : i32
        %dma_wait3A_204 = tpu.memref_slice %arg20[%dma_wait3A_202, %dma_wait3A_203] : memref<10000x16xf32, #tpu.memory_space<vmem_shared>> -> memref<10000x16xf32, #tpu.memory_space<vmem_shared>>
        tpu.wait_indirect_dma semaphore(%run_scoped3A_196 : memref<!tpu.dma_semaphore, #tpu.memory_space<semaphore_mem>>) src(%arg8 : memref<128x16xf32, #tpu.memory_space<vmem>>) dst(%dma_wait3A_204 : memref<10000x16xf32, #tpu.memory_space<vmem_shared>>)
        tpu.yield
      }) : () -> ()
      %add3A_96 = arith.constant 6 : i32
      %add3A_97 = arith.addi %add3A_85, %add3A_96 : i32
      %lt3A = arith.constant 78 : i32
      %lt3A_98 = arith.cmpi slt, %add3A_97, %lt3A : i32
      %convert_element_type3A = arith.extui %lt3A_98 : i1 to i32
      %cond3A = arith.constant 0 : i32
      %cond3A_99 = arith.cmpi ne, %convert_element_type3A, %cond3A : i32
      scf.if %cond3A_99 {
        %add3A_196 = arith.constant 6 : i32
        %add3A_197 = arith.addi %add3A_85, %add3A_196 : i32
        %mul3A_198 = arith.constant 128 : i32
        %mul3A_199 = arith.muli %add3A_197, %mul3A_198 : i32
        %dma_start3A_200 = tpu.memref_slice %arg5[%mul3A_199] : memref<10000xi32, #tpu.memory_space<vmem>> -> memref<128xi32, #tpu.memory_space<vmem>>
        %dma_start3A_201 = arith.constant 0 : i32
        %dma_start3A_202 = arith.constant 0 : i32
        %dma_start3A_203 = tpu.memref_slice %arg2[%dma_start3A_201, %dma_start3A_202] : memref<10000x16xf32, #tpu.memory_space<hbm>> -> memref<10000x16xf32, #tpu.memory_space<hbm>>
        tpu.enqueue_indirect_dma source(%dma_start3A_203 : memref<10000x16xf32, #tpu.memory_space<hbm>>) target(%arg8 : memref<128x16xf32, #tpu.memory_space<vmem>>) offsets(%dma_start3A_200 : memref<128xi32, #tpu.memory_space<vmem>>) semaphore(%arg14 : memref<!tpu.dma_semaphore, #tpu.memory_space<semaphore_mem>>)
      } else {
      }
      %add3A_100 = arith.constant 1 : i32
      %add3A_101 = arith.addi %mul3A_83, %add3A_100 : i32
      %mul3A_102 = arith.constant 128 : i32
      %mul3A_103 = arith.muli %add3A_101, %mul3A_102 : i32
      %dma_wait3A_104 = tpu.memref_slice %arg5[%mul3A_103] : memref<10000xi32, #tpu.memory_space<vmem>> -> memref<128xi32, #tpu.memory_space<vmem>>
      %dma_wait3A_105 = arith.constant 0 : i32
      %dma_wait3A_106 = arith.constant 0 : i32
      %dma_wait3A_107 = tpu.memref_slice %arg2[%dma_wait3A_105, %dma_wait3A_106] : memref<10000x16xf32, #tpu.memory_space<hbm>> -> memref<10000x16xf32, #tpu.memory_space<hbm>>
      tpu.wait_indirect_dma semaphore(%arg15 : memref<!tpu.dma_semaphore, #tpu.memory_space<semaphore_mem>>) src(%dma_wait3A_107 : memref<10000x16xf32, #tpu.memory_space<hbm>>) dst(%arg9 : memref<128x16xf32, #tpu.memory_space<vmem>>)
      %add3A_108 = arith.constant 0 : i32
      %add3A_109 = arith.addi %add3A_108, %add3A_101 : i32
      %mul3A_110 = arith.constant 128 : i32
      %mul3A_111 = arith.muli %add3A_109, %mul3A_110 : i32
      "tpu.region"() ({
        %run_scoped3A_196 = tpu.sem_alloc : memref<!tpu.dma_semaphore, #tpu.memory_space<semaphore_mem>>
        %dma_start3A_197 = tpu.memref_slice %arg6[%mul3A_111] : memref<10000xi32, #tpu.memory_space<vmem>> -> memref<128xi32, #tpu.memory_space<vmem>>
        %dma_start3A_198 = arith.constant 0 : i32
        %dma_start3A_199 = arith.constant 0 : i32
        %dma_start3A_200 = tpu.memref_slice %arg20[%dma_start3A_198, %dma_start3A_199] : memref<10000x16xf32, #tpu.memory_space<vmem_shared>> -> memref<10000x16xf32, #tpu.memory_space<vmem_shared>>
        tpu.enqueue_indirect_dma source(%arg9 : memref<128x16xf32, #tpu.memory_space<vmem>>) target(%dma_start3A_200 : memref<10000x16xf32, #tpu.memory_space<vmem_shared>>) offsets(%dma_start3A_197 : memref<128xi32, #tpu.memory_space<vmem>>) semaphore(%run_scoped3A_196 : memref<!tpu.dma_semaphore, #tpu.memory_space<semaphore_mem>>) {add = true}
        %dma_wait3A_201 = tpu.memref_slice %arg6[%mul3A_111] : memref<10000xi32, #tpu.memory_space<vmem>> -> memref<128xi32, #tpu.memory_space<vmem>>
        %dma_wait3A_202 = arith.constant 0 : i32
        %dma_wait3A_203 = arith.constant 0 : i32
        %dma_wait3A_204 = tpu.memref_slice %arg20[%dma_wait3A_202, %dma_wait3A_203] : memref<10000x16xf32, #tpu.memory_space<vmem_shared>> -> memref<10000x16xf32, #tpu.memory_space<vmem_shared>>
        tpu.wait_indirect_dma semaphore(%run_scoped3A_196 : memref<!tpu.dma_semaphore, #tpu.memory_space<semaphore_mem>>) src(%arg9 : memref<128x16xf32, #tpu.memory_space<vmem>>) dst(%dma_wait3A_204 : memref<10000x16xf32, #tpu.memory_space<vmem_shared>>)
        tpu.yield
      }) : () -> ()
      %add3A_112 = arith.constant 6 : i32
      %add3A_113 = arith.addi %add3A_101, %add3A_112 : i32
      %lt3A_114 = arith.constant 78 : i32
      %lt3A_115 = arith.cmpi slt, %add3A_113, %lt3A_114 : i32
      %convert_element_type3A_116 = arith.extui %lt3A_115 : i1 to i32
      %cond3A_117 = arith.constant 0 : i32
      %cond3A_118 = arith.cmpi ne, %convert_element_type3A_116, %cond3A_117 : i32
      scf.if %cond3A_118 {
        %add3A_196 = arith.constant 6 : i32
        %add3A_197 = arith.addi %add3A_101, %add3A_196 : i32
        %mul3A_198 = arith.constant 128 : i32
        %mul3A_199 = arith.muli %add3A_197, %mul3A_198 : i32
        %dma_start3A_200 = tpu.memref_slice %arg5[%mul3A_199] : memref<10000xi32, #tpu.memory_space<vmem>> -> memref<128xi32, #tpu.memory_space<vmem>>
        %dma_start3A_201 = arith.constant 0 : i32
        %dma_start3A_202 = arith.constant 0 : i32
        %dma_start3A_203 = tpu.memref_slice %arg2[%dma_start3A_201, %dma_start3A_202] : memref<10000x16xf32, #tpu.memory_space<hbm>> -> memref<10000x16xf32, #tpu.memory_space<hbm>>
        tpu.enqueue_indirect_dma source(%dma_start3A_203 : memref<10000x16xf32, #tpu.memory_space<hbm>>) target(%arg9 : memref<128x16xf32, #tpu.memory_space<vmem>>) offsets(%dma_start3A_200 : memref<128xi32, #tpu.memory_space<vmem>>) semaphore(%arg15 : memref<!tpu.dma_semaphore, #tpu.memory_space<semaphore_mem>>)
      } else {
      }
      %add3A_119 = arith.constant 2 : i32
      %add3A_120 = arith.addi %mul3A_83, %add3A_119 : i32
      %mul3A_121 = arith.constant 128 : i32
      %mul3A_122 = arith.muli %add3A_120, %mul3A_121 : i32
      %dma_wait3A_123 = tpu.memref_slice %arg5[%mul3A_122] : memref<10000xi32, #tpu.memory_space<vmem>> -> memref<128xi32, #tpu.memory_space<vmem>>
      %dma_wait3A_124 = arith.constant 0 : i32
      %dma_wait3A_125 = arith.constant 0 : i32
      %dma_wait3A_126 = tpu.memref_slice %arg2[%dma_wait3A_124, %dma_wait3A_125] : memref<10000x16xf32, #tpu.memory_space<hbm>> -> memref<10000x16xf32, #tpu.memory_space<hbm>>
      tpu.wait_indirect_dma semaphore(%arg16 : memref<!tpu.dma_semaphore, #tpu.memory_space<semaphore_mem>>) src(%dma_wait3A_126 : memref<10000x16xf32, #tpu.memory_space<hbm>>) dst(%arg10 : memref<128x16xf32, #tpu.memory_space<vmem>>)
      %add3A_127 = arith.constant 0 : i32
      %add3A_128 = arith.addi %add3A_127, %add3A_120 : i32
      %mul3A_129 = arith.constant 128 : i32
      %mul3A_130 = arith.muli %add3A_128, %mul3A_129 : i32
      "tpu.region"() ({
        %run_scoped3A_196 = tpu.sem_alloc : memref<!tpu.dma_semaphore, #tpu.memory_space<semaphore_mem>>
        %dma_start3A_197 = tpu.memref_slice %arg6[%mul3A_130] : memref<10000xi32, #tpu.memory_space<vmem>> -> memref<128xi32, #tpu.memory_space<vmem>>
        %dma_start3A_198 = arith.constant 0 : i32
        %dma_start3A_199 = arith.constant 0 : i32
        %dma_start3A_200 = tpu.memref_slice %arg20[%dma_start3A_198, %dma_start3A_199] : memref<10000x16xf32, #tpu.memory_space<vmem_shared>> -> memref<10000x16xf32, #tpu.memory_space<vmem_shared>>
        tpu.enqueue_indirect_dma source(%arg10 : memref<128x16xf32, #tpu.memory_space<vmem>>) target(%dma_start3A_200 : memref<10000x16xf32, #tpu.memory_space<vmem_shared>>) offsets(%dma_start3A_197 : memref<128xi32, #tpu.memory_space<vmem>>) semaphore(%run_scoped3A_196 : memref<!tpu.dma_semaphore, #tpu.memory_space<semaphore_mem>>) {add = true}
        %dma_wait3A_201 = tpu.memref_slice %arg6[%mul3A_130] : memref<10000xi32, #tpu.memory_space<vmem>> -> memref<128xi32, #tpu.memory_space<vmem>>
        %dma_wait3A_202 = arith.constant 0 : i32
        %dma_wait3A_203 = arith.constant 0 : i32
        %dma_wait3A_204 = tpu.memref_slice %arg20[%dma_wait3A_202, %dma_wait3A_203] : memref<10000x16xf32, #tpu.memory_space<vmem_shared>> -> memref<10000x16xf32, #tpu.memory_space<vmem_shared>>
        tpu.wait_indirect_dma semaphore(%run_scoped3A_196 : memref<!tpu.dma_semaphore, #tpu.memory_space<semaphore_mem>>) src(%arg10 : memref<128x16xf32, #tpu.memory_space<vmem>>) dst(%dma_wait3A_204 : memref<10000x16xf32, #tpu.memory_space<vmem_shared>>)
        tpu.yield
      }) : () -> ()
      %add3A_131 = arith.constant 6 : i32
      %add3A_132 = arith.addi %add3A_120, %add3A_131 : i32
      %lt3A_133 = arith.constant 78 : i32
      %lt3A_134 = arith.cmpi slt, %add3A_132, %lt3A_133 : i32
      %convert_element_type3A_135 = arith.extui %lt3A_134 : i1 to i32
      %cond3A_136 = arith.constant 0 : i32
      %cond3A_137 = arith.cmpi ne, %convert_element_type3A_135, %cond3A_136 : i32
      scf.if %cond3A_137 {
        %add3A_196 = arith.constant 6 : i32
        %add3A_197 = arith.addi %add3A_120, %add3A_196 : i32
        %mul3A_198 = arith.constant 128 : i32
        %mul3A_199 = arith.muli %add3A_197, %mul3A_198 : i32
        %dma_start3A_200 = tpu.memref_slice %arg5[%mul3A_199] : memref<10000xi32, #tpu.memory_space<vmem>> -> memref<128xi32, #tpu.memory_space<vmem>>
        %dma_start3A_201 = arith.constant 0 : i32
        %dma_start3A_202 = arith.constant 0 : i32
        %dma_start3A_203 = tpu.memref_slice %arg2[%dma_start3A_201, %dma_start3A_202] : memref<10000x16xf32, #tpu.memory_space<hbm>> -> memref<10000x16xf32, #tpu.memory_space<hbm>>
        tpu.enqueue_indirect_dma source(%dma_start3A_203 : memref<10000x16xf32, #tpu.memory_space<hbm>>) target(%arg10 : memref<128x16xf32, #tpu.memory_space<vmem>>) offsets(%dma_start3A_200 : memref<128xi32, #tpu.memory_space<vmem>>) semaphore(%arg16 : memref<!tpu.dma_semaphore, #tpu.memory_space<semaphore_mem>>)
      } else {
      }
      %add3A_138 = arith.constant 3 : i32
      %add3A_139 = arith.addi %mul3A_83, %add3A_138 : i32
      %mul3A_140 = arith.constant 128 : i32
      %mul3A_141 = arith.muli %add3A_139, %mul3A_140 : i32
      %dma_wait3A_142 = tpu.memref_slice %arg5[%mul3A_141] : memref<10000xi32, #tpu.memory_space<vmem>> -> memref<128xi32, #tpu.memory_space<vmem>>
      %dma_wait3A_143 = arith.constant 0 : i32
      %dma_wait3A_144 = arith.constant 0 : i32
      %dma_wait3A_145 = tpu.memref_slice %arg2[%dma_wait3A_143, %dma_wait3A_144] : memref<10000x16xf32, #tpu.memory_space<hbm>> -> memref<10000x16xf32, #tpu.memory_space<hbm>>
      tpu.wait_indirect_dma semaphore(%arg17 : memref<!tpu.dma_semaphore, #tpu.memory_space<semaphore_mem>>) src(%dma_wait3A_145 : memref<10000x16xf32, #tpu.memory_space<hbm>>) dst(%arg11 : memref<128x16xf32, #tpu.memory_space<vmem>>)
      %add3A_146 = arith.constant 0 : i32
      %add3A_147 = arith.addi %add3A_146, %add3A_139 : i32
      %mul3A_148 = arith.constant 128 : i32
      %mul3A_149 = arith.muli %add3A_147, %mul3A_148 : i32
      "tpu.region"() ({
        %run_scoped3A_196 = tpu.sem_alloc : memref<!tpu.dma_semaphore, #tpu.memory_space<semaphore_mem>>
        %dma_start3A_197 = tpu.memref_slice %arg6[%mul3A_149] : memref<10000xi32, #tpu.memory_space<vmem>> -> memref<128xi32, #tpu.memory_space<vmem>>
        %dma_start3A_198 = arith.constant 0 : i32
        %dma_start3A_199 = arith.constant 0 : i32
        %dma_start3A_200 = tpu.memref_slice %arg20[%dma_start3A_198, %dma_start3A_199] : memref<10000x16xf32, #tpu.memory_space<vmem_shared>> -> memref<10000x16xf32, #tpu.memory_space<vmem_shared>>
        tpu.enqueue_indirect_dma source(%arg11 : memref<128x16xf32, #tpu.memory_space<vmem>>) target(%dma_start3A_200 : memref<10000x16xf32, #tpu.memory_space<vmem_shared>>) offsets(%dma_start3A_197 : memref<128xi32, #tpu.memory_space<vmem>>) semaphore(%run_scoped3A_196 : memref<!tpu.dma_semaphore, #tpu.memory_space<semaphore_mem>>) {add = true}
        %dma_wait3A_201 = tpu.memref_slice %arg6[%mul3A_149] : memref<10000xi32, #tpu.memory_space<vmem>> -> memref<128xi32, #tpu.memory_space<vmem>>
        %dma_wait3A_202 = arith.constant 0 : i32
        %dma_wait3A_203 = arith.constant 0 : i32
        %dma_wait3A_204 = tpu.memref_slice %arg20[%dma_wait3A_202, %dma_wait3A_203] : memref<10000x16xf32, #tpu.memory_space<vmem_shared>> -> memref<10000x16xf32, #tpu.memory_space<vmem_shared>>
        tpu.wait_indirect_dma semaphore(%run_scoped3A_196 : memref<!tpu.dma_semaphore, #tpu.memory_space<semaphore_mem>>) src(%arg11 : memref<128x16xf32, #tpu.memory_space<vmem>>) dst(%dma_wait3A_204 : memref<10000x16xf32, #tpu.memory_space<vmem_shared>>)
        tpu.yield
      }) : () -> ()
      %add3A_150 = arith.constant 6 : i32
      %add3A_151 = arith.addi %add3A_139, %add3A_150 : i32
      %lt3A_152 = arith.constant 78 : i32
      %lt3A_153 = arith.cmpi slt, %add3A_151, %lt3A_152 : i32
      %convert_element_type3A_154 = arith.extui %lt3A_153 : i1 to i32
      %cond3A_155 = arith.constant 0 : i32
      %cond3A_156 = arith.cmpi ne, %convert_element_type3A_154, %cond3A_155 : i32
      scf.if %cond3A_156 {
        %add3A_196 = arith.constant 6 : i32
        %add3A_197 = arith.addi %add3A_139, %add3A_196 : i32
        %mul3A_198 = arith.constant 128 : i32
        %mul3A_199 = arith.muli %add3A_197, %mul3A_198 : i32
        %dma_start3A_200 = tpu.memref_slice %arg5[%mul3A_199] : memref<10000xi32, #tpu.memory_space<vmem>> -> memref<128xi32, #tpu.memory_space<vmem>>
        %dma_start3A_201 = arith.constant 0 : i32
        %dma_start3A_202 = arith.constant 0 : i32
        %dma_start3A_203 = tpu.memref_slice %arg2[%dma_start3A_201, %dma_start3A_202] : memref<10000x16xf32, #tpu.memory_space<hbm>> -> memref<10000x16xf32, #tpu.memory_space<hbm>>
        tpu.enqueue_indirect_dma source(%dma_start3A_203 : memref<10000x16xf32, #tpu.memory_space<hbm>>) target(%arg11 : memref<128x16xf32, #tpu.memory_space<vmem>>) offsets(%dma_start3A_200 : memref<128xi32, #tpu.memory_space<vmem>>) semaphore(%arg17 : memref<!tpu.dma_semaphore, #tpu.memory_space<semaphore_mem>>)
      } else {
      }
      %add3A_157 = arith.constant 4 : i32
      %add3A_158 = arith.addi %mul3A_83, %add3A_157 : i32
      %mul3A_159 = arith.constant 128 : i32
      %mul3A_160 = arith.muli %add3A_158, %mul3A_159 : i32
      %dma_wait3A_161 = tpu.memref_slice %arg5[%mul3A_160] : memref<10000xi32, #tpu.memory_space<vmem>> -> memref<128xi32, #tpu.memory_space<vmem>>
      %dma_wait3A_162 = arith.constant 0 : i32
      %dma_wait3A_163 = arith.constant 0 : i32
      %dma_wait3A_164 = tpu.memref_slice %arg2[%dma_wait3A_162, %dma_wait3A_163] : memref<10000x16xf32, #tpu.memory_space<hbm>> -> memref<10000x16xf32, #tpu.memory_space<hbm>>
      tpu.wait_indirect_dma semaphore(%arg18 : memref<!tpu.dma_semaphore, #tpu.memory_space<semaphore_mem>>) src(%dma_wait3A_164 : memref<10000x16xf32, #tpu.memory_space<hbm>>) dst(%arg12 : memref<128x16xf32, #tpu.memory_space<vmem>>)
      %add3A_165 = arith.constant 0 : i32
      %add3A_166 = arith.addi %add3A_165, %add3A_158 : i32
      %mul3A_167 = arith.constant 128 : i32
      %mul3A_168 = arith.muli %add3A_166, %mul3A_167 : i32
      "tpu.region"() ({
        %run_scoped3A_196 = tpu.sem_alloc : memref<!tpu.dma_semaphore, #tpu.memory_space<semaphore_mem>>
        %dma_start3A_197 = tpu.memref_slice %arg6[%mul3A_168] : memref<10000xi32, #tpu.memory_space<vmem>> -> memref<128xi32, #tpu.memory_space<vmem>>
        %dma_start3A_198 = arith.constant 0 : i32
        %dma_start3A_199 = arith.constant 0 : i32
        %dma_start3A_200 = tpu.memref_slice %arg20[%dma_start3A_198, %dma_start3A_199] : memref<10000x16xf32, #tpu.memory_space<vmem_shared>> -> memref<10000x16xf32, #tpu.memory_space<vmem_shared>>
        tpu.enqueue_indirect_dma source(%arg12 : memref<128x16xf32, #tpu.memory_space<vmem>>) target(%dma_start3A_200 : memref<10000x16xf32, #tpu.memory_space<vmem_shared>>) offsets(%dma_start3A_197 : memref<128xi32, #tpu.memory_space<vmem>>) semaphore(%run_scoped3A_196 : memref<!tpu.dma_semaphore, #tpu.memory_space<semaphore_mem>>) {add = true}
        %dma_wait3A_201 = tpu.memref_slice %arg6[%mul3A_168] : memref<10000xi32, #tpu.memory_space<vmem>> -> memref<128xi32, #tpu.memory_space<vmem>>
        %dma_wait3A_202 = arith.constant 0 : i32
        %dma_wait3A_203 = arith.constant 0 : i32
        %dma_wait3A_204 = tpu.memref_slice %arg20[%dma_wait3A_202, %dma_wait3A_203] : memref<10000x16xf32, #tpu.memory_space<vmem_shared>> -> memref<10000x16xf32, #tpu.memory_space<vmem_shared>>
        tpu.wait_indirect_dma semaphore(%run_scoped3A_196 : memref<!tpu.dma_semaphore, #tpu.memory_space<semaphore_mem>>) src(%arg12 : memref<128x16xf32, #tpu.memory_space<vmem>>) dst(%dma_wait3A_204 : memref<10000x16xf32, #tpu.memory_space<vmem_shared>>)
        tpu.yield
      }) : () -> ()
      %add3A_169 = arith.constant 6 : i32
      %add3A_170 = arith.addi %add3A_158, %add3A_169 : i32
      %lt3A_171 = arith.constant 78 : i32
      %lt3A_172 = arith.cmpi slt, %add3A_170, %lt3A_171 : i32
      %convert_element_type3A_173 = arith.extui %lt3A_172 : i1 to i32
      %cond3A_174 = arith.constant 0 : i32
      %cond3A_175 = arith.cmpi ne, %convert_element_type3A_173, %cond3A_174 : i32
      scf.if %cond3A_175 {
        %add3A_196 = arith.constant 6 : i32
        %add3A_197 = arith.addi %add3A_158, %add3A_196 : i32
        %mul3A_198 = arith.constant 128 : i32
        %mul3A_199 = arith.muli %add3A_197, %mul3A_198 : i32
        %dma_start3A_200 = tpu.memref_slice %arg5[%mul3A_199] : memref<10000xi32, #tpu.memory_space<vmem>> -> memref<128xi32, #tpu.memory_space<vmem>>
        %dma_start3A_201 = arith.constant 0 : i32
        %dma_start3A_202 = arith.constant 0 : i32
        %dma_start3A_203 = tpu.memref_slice %arg2[%dma_start3A_201, %dma_start3A_202] : memref<10000x16xf32, #tpu.memory_space<hbm>> -> memref<10000x16xf32, #tpu.memory_space<hbm>>
        tpu.enqueue_indirect_dma source(%dma_start3A_203 : memref<10000x16xf32, #tpu.memory_space<hbm>>) target(%arg12 : memref<128x16xf32, #tpu.memory_space<vmem>>) offsets(%dma_start3A_200 : memref<128xi32, #tpu.memory_space<vmem>>) semaphore(%arg18 : memref<!tpu.dma_semaphore, #tpu.memory_space<semaphore_mem>>)
      } else {
      }
      %add3A_176 = arith.constant 5 : i32
      %add3A_177 = arith.addi %mul3A_83, %add3A_176 : i32
      %mul3A_178 = arith.constant 128 : i32
      %mul3A_179 = arith.muli %add3A_177, %mul3A_178 : i32
      %dma_wait3A_180 = tpu.memref_slice %arg5[%mul3A_179] : memref<10000xi32, #tpu.memory_space<vmem>> -> memref<128xi32, #tpu.memory_space<vmem>>
      %dma_wait3A_181 = arith.constant 0 : i32
      %dma_wait3A_182 = arith.constant 0 : i32
      %dma_wait3A_183 = tpu.memref_slice %arg2[%dma_wait3A_181, %dma_wait3A_182] : memref<10000x16xf32, #tpu.memory_space<hbm>> -> memref<10000x16xf32, #tpu.memory_space<hbm>>
      tpu.wait_indirect_dma semaphore(%arg19 : memref<!tpu.dma_semaphore, #tpu.memory_space<semaphore_mem>>) src(%dma_wait3A_183 : memref<10000x16xf32, #tpu.memory_space<hbm>>) dst(%arg13 : memref<128x16xf32, #tpu.memory_space<vmem>>)
      %add3A_184 = arith.constant 0 : i32
      %add3A_185 = arith.addi %add3A_184, %add3A_177 : i32
      %mul3A_186 = arith.constant 128 : i32
      %mul3A_187 = arith.muli %add3A_185, %mul3A_186 : i32
      "tpu.region"() ({
        %run_scoped3A_196 = tpu.sem_alloc : memref<!tpu.dma_semaphore, #tpu.memory_space<semaphore_mem>>
        %dma_start3A_197 = tpu.memref_slice %arg6[%mul3A_187] : memref<10000xi32, #tpu.memory_space<vmem>> -> memref<128xi32, #tpu.memory_space<vmem>>
        %dma_start3A_198 = arith.constant 0 : i32
        %dma_start3A_199 = arith.constant 0 : i32
        %dma_start3A_200 = tpu.memref_slice %arg20[%dma_start3A_198, %dma_start3A_199] : memref<10000x16xf32, #tpu.memory_space<vmem_shared>> -> memref<10000x16xf32, #tpu.memory_space<vmem_shared>>
        tpu.enqueue_indirect_dma source(%arg13 : memref<128x16xf32, #tpu.memory_space<vmem>>) target(%dma_start3A_200 : memref<10000x16xf32, #tpu.memory_space<vmem_shared>>) offsets(%dma_start3A_197 : memref<128xi32, #tpu.memory_space<vmem>>) semaphore(%run_scoped3A_196 : memref<!tpu.dma_semaphore, #tpu.memory_space<semaphore_mem>>) {add = true}
        %dma_wait3A_201 = tpu.memref_slice %arg6[%mul3A_187] : memref<10000xi32, #tpu.memory_space<vmem>> -> memref<128xi32, #tpu.memory_space<vmem>>
        %dma_wait3A_202 = arith.constant 0 : i32
        %dma_wait3A_203 = arith.constant 0 : i32
        %dma_wait3A_204 = tpu.memref_slice %arg20[%dma_wait3A_202, %dma_wait3A_203] : memref<10000x16xf32, #tpu.memory_space<vmem_shared>> -> memref<10000x16xf32, #tpu.memory_space<vmem_shared>>
        tpu.wait_indirect_dma semaphore(%run_scoped3A_196 : memref<!tpu.dma_semaphore, #tpu.memory_space<semaphore_mem>>) src(%arg13 : memref<128x16xf32, #tpu.memory_space<vmem>>) dst(%dma_wait3A_204 : memref<10000x16xf32, #tpu.memory_space<vmem_shared>>)
        tpu.yield
      }) : () -> ()
      %add3A_188 = arith.constant 6 : i32
      %add3A_189 = arith.addi %add3A_177, %add3A_188 : i32
      %lt3A_190 = arith.constant 78 : i32
      %lt3A_191 = arith.cmpi slt, %add3A_189, %lt3A_190 : i32
      %convert_element_type3A_192 = arith.extui %lt3A_191 : i1 to i32
      %cond3A_193 = arith.constant 0 : i32
      %cond3A_194 = arith.cmpi ne, %convert_element_type3A_192, %cond3A_193 : i32
      scf.if %cond3A_194 {
        %add3A_196 = arith.constant 6 : i32
        %add3A_197 = arith.addi %add3A_177, %add3A_196 : i32
        %mul3A_198 = arith.constant 128 : i32
        %mul3A_199 = arith.muli %add3A_197, %mul3A_198 : i32
        %dma_start3A_200 = tpu.memref_slice %arg5[%mul3A_199] : memref<10000xi32, #tpu.memory_space<vmem>> -> memref<128xi32, #tpu.memory_space<vmem>>
        %dma_start3A_201 = arith.constant 0 : i32
        %dma_start3A_202 = arith.constant 0 : i32
        %dma_start3A_203 = tpu.memref_slice %arg2[%dma_start3A_201, %dma_start3A_202] : memref<10000x16xf32, #tpu.memory_space<hbm>> -> memref<10000x16xf32, #tpu.memory_space<hbm>>
        tpu.enqueue_indirect_dma source(%dma_start3A_203 : memref<10000x16xf32, #tpu.memory_space<hbm>>) target(%arg13 : memref<128x16xf32, #tpu.memory_space<vmem>>) offsets(%dma_start3A_200 : memref<128xi32, #tpu.memory_space<vmem>>) semaphore(%arg19 : memref<!tpu.dma_semaphore, #tpu.memory_space<semaphore_mem>>)
      } else {
      }
      %scan3A_195 = arith.constant 0 : i32
      scf.yield %scan3A_195 : i32
    }
    %scan3A_63 = arith.constant 13 : i32
    %dma_start3A_64 = arith.constant 0 : i32
    %dma_start3A_65 = arith.constant 0 : i32
    %dma_start3A_66 = tpu.memref_slice %arg8[%dma_start3A_64, %dma_start3A_65] : memref<128x16xf32, #tpu.memory_space<vmem>> -> memref<16x16xf32, #tpu.memory_space<vmem>>
    %dma_start3A_67 = arith.constant 9984 : i32
    %dma_start3A_68 = tpu.memref_slice %arg5[%dma_start3A_67] : memref<10000xi32, #tpu.memory_space<vmem>> -> memref<16xi32, #tpu.memory_space<vmem>>
    %dma_start3A_69 = arith.constant 0 : i32
    %dma_start3A_70 = arith.constant 0 : i32
    %dma_start3A_71 = tpu.memref_slice %arg2[%dma_start3A_69, %dma_start3A_70] : memref<10000x16xf32, #tpu.memory_space<hbm>> -> memref<10000x16xf32, #tpu.memory_space<hbm>>
    tpu.enqueue_indirect_dma source(%dma_start3A_71 : memref<10000x16xf32, #tpu.memory_space<hbm>>) target(%dma_start3A_66 : memref<16x16xf32, #tpu.memory_space<vmem>>) offsets(%dma_start3A_68 : memref<16xi32, #tpu.memory_space<vmem>>) semaphore(%arg14 : memref<!tpu.dma_semaphore, #tpu.memory_space<semaphore_mem>>)
    %dma_wait3A = arith.constant 0 : i32
    %dma_wait3A_72 = arith.constant 0 : i32
    %dma_wait3A_73 = tpu.memref_slice %arg8[%dma_wait3A, %dma_wait3A_72] : memref<128x16xf32, #tpu.memory_space<vmem>> -> memref<16x16xf32, #tpu.memory_space<vmem>>
    %dma_wait3A_74 = arith.constant 9984 : i32
    %dma_wait3A_75 = tpu.memref_slice %arg5[%dma_wait3A_74] : memref<10000xi32, #tpu.memory_space<vmem>> -> memref<16xi32, #tpu.memory_space<vmem>>
    %dma_wait3A_76 = arith.constant 0 : i32
    %dma_wait3A_77 = arith.constant 0 : i32
    %dma_wait3A_78 = tpu.memref_slice %arg2[%dma_wait3A_76, %dma_wait3A_77] : memref<10000x16xf32, #tpu.memory_space<hbm>> -> memref<10000x16xf32, #tpu.memory_space<hbm>>
    tpu.wait_indirect_dma semaphore(%arg14 : memref<!tpu.dma_semaphore, #tpu.memory_space<semaphore_mem>>) src(%dma_wait3A_78 : memref<10000x16xf32, #tpu.memory_space<hbm>>) dst(%dma_wait3A_73 : memref<16x16xf32, #tpu.memory_space<vmem>>)
    "tpu.region"() ({
      %run_scoped3A_80 = tpu.sem_alloc : memref<!tpu.dma_semaphore, #tpu.memory_space<semaphore_mem>>
      %dma_start3A_81 = arith.constant 0 : i32
      %dma_start3A_82 = arith.constant 0 : i32
      %dma_start3A_83 = tpu.memref_slice %arg8[%dma_start3A_81, %dma_start3A_82] : memref<128x16xf32, #tpu.memory_space<vmem>> -> memref<16x16xf32, #tpu.memory_space<vmem>>
      %dma_start3A_84 = arith.constant 0 : i32
      %dma_start3A_85 = arith.constant 0 : i32
      %dma_start3A_86 = tpu.memref_slice %arg20[%dma_start3A_84, %dma_start3A_85] : memref<10000x16xf32, #tpu.memory_space<vmem_shared>> -> memref<10000x16xf32, #tpu.memory_space<vmem_shared>>
      tpu.enqueue_indirect_dma source(%dma_start3A_83 : memref<16x16xf32, #tpu.memory_space<vmem>>) target(%dma_start3A_86 : memref<10000x16xf32, #tpu.memory_space<vmem_shared>>) offsets(%arg7 : memref<16xi32, #tpu.memory_space<vmem>>) semaphore(%run_scoped3A_80 : memref<!tpu.dma_semaphore, #tpu.memory_space<semaphore_mem>>) {add = true}
      %dma_wait3A_87 = arith.constant 0 : i32
      %dma_wait3A_88 = arith.constant 0 : i32
      %dma_wait3A_89 = tpu.memref_slice %arg8[%dma_wait3A_87, %dma_wait3A_88] : memref<128x16xf32, #tpu.memory_space<vmem>> -> memref<16x16xf32, #tpu.memory_space<vmem>>
      %dma_wait3A_90 = arith.constant 0 : i32
      %dma_wait3A_91 = arith.constant 0 : i32
      %dma_wait3A_92 = tpu.memref_slice %arg20[%dma_wait3A_90, %dma_wait3A_91] : memref<10000x16xf32, #tpu.memory_space<vmem_shared>> -> memref<10000x16xf32, #tpu.memory_space<vmem_shared>>
      tpu.wait_indirect_dma semaphore(%run_scoped3A_80 : memref<!tpu.dma_semaphore, #tpu.memory_space<semaphore_mem>>) src(%dma_wait3A_89 : memref<16x16xf32, #tpu.memory_space<vmem>>) dst(%dma_wait3A_92 : memref<10000x16xf32, #tpu.memory_space<vmem_shared>>)
      tpu.yield
    }) : () -> ()
    %barrier3A_79 = arith.constant 0 : index
    tpu.barrier barrier_id(%barrier3A_79)
    "tpu.region"() ({
      %run_scoped3A_80 = tpu.sem_alloc : memref<!tpu.dma_semaphore, #tpu.memory_space<semaphore_mem>>
      %dma_start3A_81 = arith.constant 0 : i32
      %dma_start3A_82 = tpu.memref_slice %arg4[%arg0, %mul3A_4, %dma_start3A_81] : memref<2x10000x16xf32, #tpu.memory_space<hbm>> -> memref<1x625x16xf32, #tpu.memory_space<hbm>>
      %dma_start3A_83 = tpu.memref_squeeze %dma_start3A_82 : memref<1x625x16xf32, #tpu.memory_space<hbm>> -> memref<625x16xf32, #tpu.memory_space<hbm>>
      %dma_start3A_84 = arith.constant 0 : i32
      %dma_start3A_85 = tpu.memref_slice %arg20[%mul3A_4, %dma_start3A_84] : memref<10000x16xf32, #tpu.memory_space<vmem_shared>> -> memref<625x16xf32, #tpu.memory_space<vmem_shared>>
      tpu.enqueue_dma source(%dma_start3A_85 : memref<625x16xf32, #tpu.memory_space<vmem_shared>>) target(%dma_start3A_83 : memref<625x16xf32, #tpu.memory_space<hbm>>) target_semaphore(%run_scoped3A_80 : memref<!tpu.dma_semaphore, #tpu.memory_space<semaphore_mem>>)
      %dma_wait3A_86 = arith.constant 0 : i32
      %dma_wait3A_87 = tpu.memref_slice %arg4[%arg0, %mul3A_4, %dma_wait3A_86] : memref<2x10000x16xf32, #tpu.memory_space<hbm>> -> memref<1x625x16xf32, #tpu.memory_space<hbm>>
      %dma_wait3A_88 = tpu.memref_squeeze %dma_wait3A_87 : memref<1x625x16xf32, #tpu.memory_space<hbm>> -> memref<625x16xf32, #tpu.memory_space<hbm>>
      %dma_wait3A_89 = arith.constant 0 : i32
      %dma_wait3A_90 = tpu.memref_slice %arg20[%mul3A_4, %dma_wait3A_89] : memref<10000x16xf32, #tpu.memory_space<vmem_shared>> -> memref<625x16xf32, #tpu.memory_space<vmem_shared>>
      tpu.wait_dma2 semaphore(%run_scoped3A_80 : memref<!tpu.dma_semaphore, #tpu.memory_space<semaphore_mem>>) src(%dma_wait3A_90 : memref<625x16xf32, #tpu.memory_space<vmem_shared>>) dst(%dma_wait3A_88 : memref<625x16xf32, #tpu.memory_space<hbm>>)
      tpu.yield
    }) : () -> ()
    return
  }
}

module attributes {stable_mosaic.version = 14 : i64} {
  func.func @_tc1_body(%arg0: i32, %arg1: memref<4096x128xf32, #tpu.memory_space<vmem>>, %arg2: memref<128x128xf32, #tpu.memory_space<vmem>>, %arg3: memref<2x4096x8xf32, #tpu.memory_space<vmem>>, %arg4: memref<4096x128xbf16, #tpu.memory_space<vmem>>, %arg5: memref<4096xf32, #tpu.memory_space<vmem>>) attributes {dimension_semantics = [#tpu.dimension_semantics<arbitrary>], iteration_bounds = array<i64: 3>, scalar_prefetch = 0 : i64, scratch_operands = 0 : i64, tpu.core_type = #tpu.core_type<tc>, window_params = [{transform_indices = @transform_0, window_bounds = array<i64: 4096, 128>}, {pipeline_mode = #tpu.pipeline_mode<synchronous>, transform_indices = @transform_1, window_bounds = array<i64: 128, 128>}, {transform_indices = @transform_2, window_bounds = array<i64: 2, 4096, 8>}, {transform_indices = @transform_3, window_bounds = array<i64: 4096, 128>}, {transform_indices = @transform_4, window_bounds = array<i64: 4096>}]} {
    %get3A = arith.constant 0 : index
    %get3A_0 = arith.constant 0 : index
    %get3A_1 = arith.constant 0 : index
    %get3A_2 = vector.load %arg3[%get3A, %get3A_0, %get3A_1] : memref<2x4096x8xf32, #tpu.memory_space<vmem>>, vector<1x4096x1xf32>
    %get3A_3 = vector.shape_cast %get3A_2 : vector<1x4096x1xf32> to vector<4096xf32>
    %get3A_4 = arith.constant 1 : index
    %get3A_5 = arith.constant 0 : index
    %get3A_6 = arith.constant 0 : index
    %get3A_7 = vector.load %arg3[%get3A_4, %get3A_5, %get3A_6] : memref<2x4096x8xf32, #tpu.memory_space<vmem>>, vector<1x4096x1xf32>
    %get3A_8 = vector.shape_cast %get3A_7 : vector<1x4096x1xf32> to vector<4096xf32>
    %add3A = arith.addf %get3A_3, %get3A_8 : vector<4096xf32>
    %add3A_9 = arith.constant 1.000000e+00 : f32
    %add3A_10 = vector.broadcast %add3A_9 : f32 to vector<4096xf32>
    %add3A_11 = arith.addf %add3A, %add3A_10 : vector<4096xf32>
    %rsqrt3A = math.rsqrt %add3A_11 : vector<4096xf32>
    %get3A_12 = arith.constant 0 : index
    %get3A_13 = arith.constant 0 : index
    %get3A_14 = vector.load %arg1[%get3A_12, %get3A_13] : memref<4096x128xf32, #tpu.memory_space<vmem>>, vector<4096x128xf32>
    %get3A_15 = arith.constant 0 : index
    %get3A_16 = arith.constant 0 : index
    %get3A_17 = vector.load %arg2[%get3A_15, %get3A_16] : memref<128x128xf32, #tpu.memory_space<vmem>>, vector<128x128xf32>
    %dot_general3A = arith.constant dense<0.000000e+00> : vector<4096x128xf32>
    %dot_general3A_18 = tpu.matmul %get3A_14, %get3A_17, %dot_general3A {dimension_numbers = #tpu.dot_dimension_numbers<[1], [0], [0], [1], [0, 0, 1, 1], [], []>, transpose_lhs_hint = false} : vector<4096x128xf32>, vector<128x128xf32>, vector<4096x128xf32> -> vector<4096x128xf32>
    %broadcast_in_dim3A = vector.shape_cast %rsqrt3A : vector<4096xf32> to vector<4096x1xf32>
    %mul3A = vector.broadcast %broadcast_in_dim3A : vector<4096x1xf32> to vector<4096x128xf32>
    %mul3A_19 = arith.mulf %dot_general3A_18, %mul3A : vector<4096x128xf32>
    %convert_element_type3A = arith.truncf %mul3A_19 : vector<4096x128xf32> to vector<4096x128xbf16>
    %swap3A = arith.constant 0 : index
    %swap3A_20 = arith.constant 0 : index
    %swap3A_21 = vector.load %arg4[%swap3A, %swap3A_20] : memref<4096x128xbf16, #tpu.memory_space<vmem>>, vector<4096x128xbf16>
    tpu.vector_store %arg4[%swap3A, %swap3A_20], %convert_element_type3A {strides = array<i32>} : memref<4096x128xbf16, #tpu.memory_space<vmem>>, vector<4096x128xbf16>,
    %swap3A_22 = arith.constant 0 : index
    %swap3A_23 = vector.load %arg5[%swap3A_22] : memref<4096xf32, #tpu.memory_space<vmem>>, vector<4096xf32>
    tpu.vector_store %arg5[%swap3A_22], %rsqrt3A {strides = array<i32>} : memref<4096xf32, #tpu.memory_space<vmem>>, vector<4096xf32>,
    return
  }
  func.func @transform_0(%arg0: i32) -> (i32, i32) {
    %c0_i32 = arith.constant 0 : i32
    %c0_i32_0 = arith.constant 0 : i32
    return %arg0, %c0_i32 : i32, i32
  }
  func.func @transform_1(%arg0: i32) -> (i32, i32) {
    %c0_i32 = arith.constant 0 : i32
    %c0_i32_0 = arith.constant 0 : i32
    %c0_i32_1 = arith.constant 0 : i32
    return %c0_i32, %c0_i32_0 : i32, i32
  }
  func.func @transform_2(%arg0: i32) -> (i32, i32, i32) {
    %c0_i32 = arith.constant 0 : i32
    %c0_i32_0 = arith.constant 0 : i32
    %c0_i32_1 = arith.constant 0 : i32
    return %c0_i32, %arg0, %c0_i32_0 : i32, i32, i32
  }
  func.func @transform_3(%arg0: i32) -> (i32, i32) {
    %c0_i32 = arith.constant 0 : i32
    %c0_i32_0 = arith.constant 0 : i32
    return %arg0, %c0_i32 : i32, i32
  }
  func.func @transform_4(%arg0: i32) -> i32 {
    %c0_i32 = arith.constant 0 : i32
    return %arg0 : i32
  }
}

module attributes {stable_mosaic.version = 14 : i64} {
  func.func @_tc2_body(%arg0: i32, %arg1: memref<4096x128xbf16, #tpu.memory_space<vmem>>, %arg2: memref<2x4096x128xf32, #tpu.memory_space<vmem>>, %arg3: memref<4096xf32, #tpu.memory_space<vmem>>, %arg4: memref<128xf32, #tpu.memory_space<vmem>>, %arg5: memref<128x16xf32, #tpu.memory_space<vmem>>, %arg6: memref<4096x16xf32, #tpu.memory_space<vmem>>) attributes {dimension_semantics = [#tpu.dimension_semantics<arbitrary>], iteration_bounds = array<i64: 3>, scalar_prefetch = 0 : i64, scratch_operands = 0 : i64, tpu.core_type = #tpu.core_type<tc>, window_params = [{transform_indices = @transform_0, window_bounds = array<i64: 4096, 128>}, {transform_indices = @transform_1, window_bounds = array<i64: 2, 4096, 128>}, {transform_indices = @transform_2, window_bounds = array<i64: 4096>}, {pipeline_mode = #tpu.pipeline_mode<synchronous>, transform_indices = @transform_3, window_bounds = array<i64: 128>}, {pipeline_mode = #tpu.pipeline_mode<synchronous>, transform_indices = @transform_4, window_bounds = array<i64: 128, 16>}, {transform_indices = @transform_5, window_bounds = array<i64: 4096, 16>}]} {
    %get3A = arith.constant 0 : index
    %get3A_0 = vector.load %arg3[%get3A] : memref<4096xf32, #tpu.memory_space<vmem>>, vector<4096xf32>
    %get3A_1 = arith.constant 0 : index
    %get3A_2 = arith.constant 0 : index
    %get3A_3 = arith.constant 0 : index
    %get3A_4 = vector.load %arg2[%get3A_1, %get3A_2, %get3A_3] : memref<2x4096x128xf32, #tpu.memory_space<vmem>>, vector<1x4096x128xf32>
    %get3A_5 = vector.shape_cast %get3A_4 : vector<1x4096x128xf32> to vector<4096x128xf32>
    %get3A_6 = arith.constant 1 : index
    %get3A_7 = arith.constant 0 : index
    %get3A_8 = arith.constant 0 : index
    %get3A_9 = vector.load %arg2[%get3A_6, %get3A_7, %get3A_8] : memref<2x4096x128xf32, #tpu.memory_space<vmem>>, vector<1x4096x128xf32>
    %get3A_10 = vector.shape_cast %get3A_9 : vector<1x4096x128xf32> to vector<4096x128xf32>
    %add3A = arith.addf %get3A_5, %get3A_10 : vector<4096x128xf32>
    %get3A_11 = arith.constant 0 : index
    %get3A_12 = arith.constant 0 : index
    %get3A_13 = vector.load %arg1[%get3A_11, %get3A_12] : memref<4096x128xbf16, #tpu.memory_space<vmem>>, vector<4096x128xbf16>
    %convert_element_type3A = arith.extf %get3A_13 : vector<4096x128xbf16> to vector<4096x128xf32>
    %add3A_14 = arith.addf %add3A, %convert_element_type3A : vector<4096x128xf32>
    %broadcast_in_dim3A = vector.shape_cast %get3A_0 : vector<4096xf32> to vector<4096x1xf32>
    %mul3A = vector.broadcast %broadcast_in_dim3A : vector<4096x1xf32> to vector<4096x128xf32>
    %mul3A_15 = arith.mulf %mul3A, %add3A_14 : vector<4096x128xf32>
    %get3A_16 = arith.constant 0 : index
    %get3A_17 = vector.load %arg4[%get3A_16] : memref<128xf32, #tpu.memory_space<vmem>>, vector<128xf32>
    %broadcast_in_dim3A_18 = vector.shape_cast %get3A_17 : vector<128xf32> to vector<1x128xf32>
    %add3A_19 = vector.broadcast %broadcast_in_dim3A_18 : vector<1x128xf32> to vector<4096x128xf32>
    %add3A_20 = arith.addf %mul3A_15, %add3A_19 : vector<4096x128xf32>
    %max3A = arith.constant 0.000000e+00 : f32
    %max3A_21 = vector.broadcast %max3A : f32 to vector<4096x128xf32>
    %max3A_22 = arith.maximumf %add3A_20, %max3A_21 : vector<4096x128xf32>
    %get3A_23 = arith.constant 0 : index
    %get3A_24 = arith.constant 0 : index
    %get3A_25 = vector.load %arg5[%get3A_23, %get3A_24] : memref<128x16xf32, #tpu.memory_space<vmem>>, vector<128x16xf32>
    %dot_general3A = arith.constant dense<0.000000e+00> : vector<4096x16xf32>
    %dot_general3A_26 = tpu.matmul %max3A_22, %get3A_25, %dot_general3A {dimension_numbers = #tpu.dot_dimension_numbers<[1], [0], [0], [1], [0, 0, 1, 1], [], []>, transpose_lhs_hint = false} : vector<4096x128xf32>, vector<128x16xf32>, vector<4096x16xf32> -> vector<4096x16xf32>
    %broadcast_in_dim3A_27 = vector.shape_cast %get3A_0 : vector<4096xf32> to vector<4096x1xf32>
    %mul3A_28 = vector.broadcast %broadcast_in_dim3A_27 : vector<4096x1xf32> to vector<4096x16xf32>
    %mul3A_29 = arith.mulf %dot_general3A_26, %mul3A_28 : vector<4096x16xf32>
    %swap3A = arith.constant 0 : index
    %swap3A_30 = arith.constant 0 : index
    %swap3A_31 = vector.load %arg6[%swap3A, %swap3A_30] : memref<4096x16xf32, #tpu.memory_space<vmem>>, vector<4096x16xf32>
    tpu.vector_store %arg6[%swap3A, %swap3A_30], %mul3A_29 {strides = array<i32>} : memref<4096x16xf32, #tpu.memory_space<vmem>>, vector<4096x16xf32>,
    return
  }
  func.func @transform_0(%arg0: i32) -> (i32, i32) {
    %c0_i32 = arith.constant 0 : i32
    %c0_i32_0 = arith.constant 0 : i32
    return %arg0, %c0_i32 : i32, i32
  }
  func.func @transform_1(%arg0: i32) -> (i32, i32, i32) {
    %c0_i32 = arith.constant 0 : i32
    %c0_i32_0 = arith.constant 0 : i32
    %c0_i32_1 = arith.constant 0 : i32
    return %c0_i32, %arg0, %c0_i32_0 : i32, i32, i32
  }
  func.func @transform_2(%arg0: i32) -> i32 {
    %c0_i32 = arith.constant 0 : i32
    return %arg0 : i32
  }
  func.func @transform_3(%arg0: i32) -> i32 {
    %c0_i32 = arith.constant 0 : i32
    %c0_i32_0 = arith.constant 0 : i32
    return %c0_i32 : i32
  }
  func.func @transform_4(%arg0: i32) -> (i32, i32) {
    %c0_i32 = arith.constant 0 : i32
    %c0_i32_0 = arith.constant 0 : i32
    %c0_i32_1 = arith.constant 0 : i32
    return %c0_i32, %c0_i32_0 : i32, i32
  }
  func.func @transform_5(%arg0: i32) -> (i32, i32) {
    %c0_i32 = arith.constant 0 : i32
    %c0_i32_0 = arith.constant 0 : i32
    return %arg0, %c0_i32 : i32, i32
  }
}

module attributes {stable_mosaic.version = 14 : i64} {
  func.func @_tc3_body(%arg0: i32, %arg1: memref<4096x16xf32, #tpu.memory_space<vmem>>, %arg2: memref<2x4096x16xf32, #tpu.memory_space<vmem>>, %arg3: memref<4096xf32, #tpu.memory_space<vmem>>, %arg4: memref<16xf32, #tpu.memory_space<vmem>>, %arg5: memref<4096x3xf32, #tpu.memory_space<vmem>>) attributes {dimension_semantics = [#tpu.dimension_semantics<arbitrary>], iteration_bounds = array<i64: 3>, scalar_prefetch = 0 : i64, scratch_operands = 0 : i64, tpu.core_type = #tpu.core_type<tc>, window_params = [{transform_indices = @transform_0, window_bounds = array<i64: 4096, 16>}, {transform_indices = @transform_1, window_bounds = array<i64: 2, 4096, 16>}, {transform_indices = @transform_2, window_bounds = array<i64: 4096>}, {pipeline_mode = #tpu.pipeline_mode<synchronous>, transform_indices = @transform_3, window_bounds = array<i64: 16>}, {transform_indices = @transform_4, window_bounds = array<i64: 4096, 3>}]} {
    %get3A = arith.constant 0 : index
    %get3A_0 = vector.load %arg3[%get3A] : memref<4096xf32, #tpu.memory_space<vmem>>, vector<4096xf32>
    %broadcast_in_dim3A = vector.shape_cast %get3A_0 : vector<4096xf32> to vector<4096x1xf32>
    %get3A_1 = arith.constant 0 : index
    %get3A_2 = arith.constant 0 : index
    %get3A_3 = arith.constant 0 : index
    %get3A_4 = vector.load %arg2[%get3A_1, %get3A_2, %get3A_3] : memref<2x4096x16xf32, #tpu.memory_space<vmem>>, vector<1x4096x16xf32>
    %get3A_5 = vector.shape_cast %get3A_4 : vector<1x4096x16xf32> to vector<4096x16xf32>
    %get3A_6 = arith.constant 1 : index
    %get3A_7 = arith.constant 0 : index
    %get3A_8 = arith.constant 0 : index
    %get3A_9 = vector.load %arg2[%get3A_6, %get3A_7, %get3A_8] : memref<2x4096x16xf32, #tpu.memory_space<vmem>>, vector<1x4096x16xf32>
    %get3A_10 = vector.shape_cast %get3A_9 : vector<1x4096x16xf32> to vector<4096x16xf32>
    %add3A = arith.addf %get3A_5, %get3A_10 : vector<4096x16xf32>
    %get3A_11 = arith.constant 0 : index
    %get3A_12 = arith.constant 0 : index
    %get3A_13 = vector.load %arg1[%get3A_11, %get3A_12] : memref<4096x16xf32, #tpu.memory_space<vmem>>, vector<4096x16xf32>
    %add3A_14 = arith.addf %add3A, %get3A_13 : vector<4096x16xf32>
    %mul3A = vector.broadcast %broadcast_in_dim3A : vector<4096x1xf32> to vector<4096x16xf32>
    %mul3A_15 = arith.mulf %mul3A, %add3A_14 : vector<4096x16xf32>
    %get3A_16 = arith.constant 0 : index
    %get3A_17 = vector.load %arg4[%get3A_16] : memref<16xf32, #tpu.memory_space<vmem>>, vector<16xf32>
    %broadcast_in_dim3A_18 = vector.shape_cast %get3A_17 : vector<16xf32> to vector<1x16xf32>
    %add3A_19 = vector.broadcast %broadcast_in_dim3A_18 : vector<1x16xf32> to vector<4096x16xf32>
    %add3A_20 = arith.addf %mul3A_15, %add3A_19 : vector<4096x16xf32>
    %max3A = arith.constant 0.000000e+00 : f32
    %max3A_21 = vector.broadcast %max3A : f32 to vector<4096x16xf32>
    %max3A_22 = arith.maximumf %add3A_20, %max3A_21 : vector<4096x16xf32>
    %tanh3A = math.tanh %max3A_22 : vector<4096x16xf32>
    %slice3A = vector.extract_strided_slice %tanh3A {offsets = [0, 0], sizes = [4096, 3], strides = [1, 1]} : vector<4096x16xf32> to vector<4096x3xf32>
    %swap3A = arith.constant 0 : index
    %swap3A_23 = arith.constant 0 : index
    %swap3A_24 = vector.load %arg5[%swap3A, %swap3A_23] : memref<4096x3xf32, #tpu.memory_space<vmem>>, vector<4096x3xf32>
    tpu.vector_store %arg5[%swap3A, %swap3A_23], %slice3A {strides = array<i32>} : memref<4096x3xf32, #tpu.memory_space<vmem>>, vector<4096x3xf32>,
    return
  }
  func.func @transform_0(%arg0: i32) -> (i32, i32) {
    %c0_i32 = arith.constant 0 : i32
    %c0_i32_0 = arith.constant 0 : i32
    return %arg0, %c0_i32 : i32, i32
  }
  func.func @transform_1(%arg0: i32) -> (i32, i32, i32) {
    %c0_i32 = arith.constant 0 : i32
    %c0_i32_0 = arith.constant 0 : i32
    %c0_i32_1 = arith.constant 0 : i32
    return %c0_i32, %arg0, %c0_i32_0 : i32, i32, i32
  }
  func.func @transform_2(%arg0: i32) -> i32 {
    %c0_i32 = arith.constant 0 : i32
    return %arg0 : i32
  }
  func.func @transform_3(%arg0: i32) -> i32 {
    %c0_i32 = arith.constant 0 : i32
    %c0_i32_0 = arith.constant 0 : i32
    return %c0_i32 : i32
  }
  func.func @transform_4(%arg0: i32) -> (i32, i32) {
    %c0_i32 = arith.constant 0 : i32
    %c0_i32_0 = arith.constant 0 : i32
    return %arg0, %c0_i32 : i32, i32
  }
}

</mosaic_0001>

<sc_bundles>
// kernel: kernel.11.cloned.1.call-start
scs
__scs_entry_jumppad:
0x0: {  	(pc) =	sbr.rel $0x88, $3  }
0x1: {  	(tag) =	ssettag $0x0;
	lr =	simm.s32 $0x1  }
0x2: {  	[smem:$0x3F9B] =	sst lr;
	_ =	strace $0xD0000000  }
0x3: {  	_ = 	snop  }
0x4: {  	_ = 	snop  }
0x5: {  	_ = 	snop  }
0x6: {  	_ = 	snop  }
0x7: {  	_ = 	snop  }
__scs_overlays_trampoline_lowered:
0x8: {  	[smem:$0x3FAA] =	sst s0  }
0x9: {  	[smem:$0x3FAB] =	sst s1  }
0xa: {  	[smem:$0x3FAC] =	sst s2  }
0xb: {  	[smem:$0x3FAD] =	sst s3  }
0xc: {  	[smem:$0x3FAE] =	sst s4  }
0xd: {  	[smem:$0x3FAF] =	sst s5  }
0xe: {  	[smem:$0x3FB0] =	sst s6  }
0xf: {  	[smem:$0x3FB1] =	sst s7  }
0x10: {  	[smem:$0x3FB2] =	sst s8  }
0x11: {  	[smem:$0x3FB3] =	sst s9;
	s0 =	simm.s32 @!p0 $0x0  }
0x12: {  	s1 =	sld [smem:$0x3F99];
	s0 =	simm.s32 @p0 $0x1  }
0x13: {  	[smem:$0x3FB4] =	sst s0;
	s0 =	simm.s32 @!p1 $0x0  }
0x14: {  	s2 =	sld [smem:$0x3F98];
	s0 =	simm.s32 @p1 $0x1  }
0x15: {  	[smem:$0x3FB5] =	sst s0;
	s0 =	simm.s32 @!p2 $0x0  }
0x16: {  	s3 =	sld [smem:$0x3FDB];
	s0 =	simm.s32 @p2 $0x1  }
0x17: {  	s4 =	simm.s32 $0x1BF5;
	[smem:$0x3FB7] =	sst s0  }
0x18: {  	s0 =	sld [smem:$0x3F9A];
	_ =	swait.ge [sflag:s4], $0x0  }
0x19: {  	s7 =	sld [smem:$0x3F9B]  }
0x1a: {  	s8 =	sadd.s32 $0xFFFFE003, lr  }
0x1b: {  	s9 =	sadd.s32 $0xFFFFFEF7, lr;
	s5 =	simm.s32 $0xFFFFFFFF;
	p2 =	slt.u32 s8, $0xFFFFF086  }
0x1c: {  	p1 =	slt.u32 s9, $0xF7A;
	s5 =	simm.s32 @!p2 $0x0  }
0x1d: {  	s5 =	simm.s32 @p1 $0x1;
	p0 =	seq.s32 s7, s2  }
0x1e: {  	s7 =	smul.u32 @!p0 $0xF7A, s2;
	p2 =	seq.s32 @!p0 s5, $0x0  }
0x1f: {  	s9 =	smul.u32 $0xF7A, s1;
	s8 =	simm.s32 @!p0 $0x1BF5;
	p2 =	por !p2, p0  }
0x20: {  	[sflag:s8] =	ssyncset.s32 @!p0 $0xFFFFF086;
	s6 =	sadd.s32 @!p0 s3, s7;
	s7 =	simm.s32 @!p0 $0x108  }
0x21: {  	s3 =	sadd.s32 s3, s9;
	s6 =	sadd.s32 @!p0 $0x88, s6;
	s7 =	simm.s32 @p2 $0x1082  }
0x22: {  	[simem:s7], [sflag:s8] =	dma.local @!p0 [hbm:s6], $0xF7A  }
0x23: {  	s9 =	sor.u32 $0xD0000000, s2;
	s6 =	simm.s32 $0x108;
	_ =	swait.ge @!p0 [sflag:s8], $0x0  }
0x24: {  	s3 =	sadd.s32 $0x88, s3;
	s6 =	simm.s32 @!p1 $0x1082;
	[sflag:s4] =	ssyncset.s32 $0xFFFFF086  }
0x25: {  	[simem:s6], [sflag:s4] =	dma.local [hbm:s3], $0xF7A  }
0x26: {  	[smem:$0x3F9B] =	sst s1;
	(tag) =	ssettag s2;
	_ =	strace s9  }
0x27: {  	s1 =	sld [smem:$0x3FAB]  }
0x28: {  	s2 =	sld [smem:$0x3FAC]  }
0x29: {  	s4 =	sld [smem:$0x3FAE]  }
0x2a: {  	p0 =	seq.s32 s5, $0x0;
	s5 =	sld [smem:$0x3FAF]  }
0x2b: {  	s6 =	sld [smem:$0x3FB0]  }
0x2c: {  	s7 =	sld [smem:$0x3FB1]  }
0x2d: {  	s3 =	simm.s32 $0x108;
	s8 =	sld [smem:$0x3FB2]  }
0x2e: {  	s3 =	simm.s32 @!p0 $0x1082;
	s9 =	sld [smem:$0x3FB3]  }
0x2f: {  	lr =	sadd.s32 s0, s3;
	s0 =	sld [smem:$0x3FAA]  }
0x30: {  	s3 =	sld [smem:$0x3FAD]  }
0x31: {  	[smem:$0x3FB6] =	sst s10  }
0x32: {  	s10 =	sld [smem:$0x3FB4];
	_ =	sdelay $0x3  }
0x33: {  	p0 =	seq.s32 s10, $0x1;
	s10 =	sld [smem:$0x3FB6];
	_ =	sdelay $0x3  }
0x34: {  	[smem:$0x3FB6] =	sst s10  }
0x35: {  	s10 =	sld [smem:$0x3FB5];
	_ =	sdelay $0x3  }
0x36: {  	p1 =	seq.s32 s10, $0x1;
	s10 =	sld [smem:$0x3FB6];
	_ =	sdelay $0x3  }
0x37: {  	[smem:$0x3FB6] =	sst s10  }
0x38: {  	s10 =	sld [smem:$0x3FB7]  }
0x39: {  	_ = 	snop;
	(pc) =	sbr.ind lr, $3  }
0x3a: {  	_ = 	snop  }
0x3b: {  	_ = 	snop  }
0x3c: {  	p2 =	seq.s32 s10, $0x1;
	s10 =	sld [smem:$0x3FB6]  }
0x3d: {  	_ =	shalt  }
0x3e: {  	_ =	shalt  }
0x3f: {  	_ =	shalt  }
0x40: {  	_ =	shalt  }
0x41: {  	_ =	shalt  }
0x42: {  	_ =	shalt  }
0x43: {  	_ =	shalt  }
0x44: {  	_ =	shalt  }
0x45: {  	_ =	shalt  }
0x46: {  	_ =	shalt  }
0x47: {  	_ =	shalt  }
0x48: {  	_ =	shalt  }
0x49: {  	_ =	shalt  }
0x4a: {  	_ =	shalt  }
0x4b: {  	_ =	shalt  }
0x4c: {  	_ =	shalt  }
0x4d: {  	_ =	shalt  }
0x4e: {  	_ =	shalt  }
0x4f: {  	_ =	shalt  }
0x50: {  	_ =	shalt  }
0x51: {  	_ =	shalt  }
0x52: {  	_ =	shalt  }
0x53: {  	_ =	shalt  }
0x54: {  	_ =	shalt  }
0x55: {  	_ =	shalt  }
0x56: {  	_ =	shalt  }
0x57: {  	_ =	shalt  }
0x58: {  	_ =	shalt  }
0x59: {  	_ =	shalt  }
0x5a: {  	_ =	shalt  }
0x5b: {  	_ =	shalt  }
0x5c: {  	_ =	shalt  }
0x5d: {  	_ =	shalt  }
0x5e: {  	_ =	shalt  }
0x5f: {  	_ =	shalt  }
0x60: {  	_ =	shalt  }
0x61: {  	_ =	shalt  }
0x62: {  	_ =	shalt  }
0x63: {  	_ =	shalt  }
0x64: {  	_ =	shalt  }
0x65: {  	_ =	shalt  }
0x66: {  	_ =	shalt  }
0x67: {  	_ =	shalt  }
0x68: {  	_ =	shalt  }
0x69: {  	_ =	shalt  }
0x6a: {  	_ =	shalt  }
0x6b: {  	_ =	shalt  }
0x6c: {  	_ =	shalt  }
0x6d: {  	_ =	shalt  }
0x6e: {  	_ =	shalt  }
0x6f: {  	_ =	shalt  }
0x70: {  	_ =	shalt  }
0x71: {  	_ =	shalt  }
0x72: {  	_ =	shalt  }
0x73: {  	_ =	shalt  }
0x74: {  	_ =	shalt  }
0x75: {  	_ =	shalt  }
0x76: {  	_ =	shalt  }
0x77: {  	_ =	shalt  }
0x78: {  	_ =	shalt  }
0x79: {  	_ =	shalt  }
0x7a: {  	_ =	shalt  }
0x7b: {  	_ =	shalt  }
0x7c: {  	_ =	shalt  }
0x7d: {  	_ =	shalt  }
0x7e: {  	_ =	shalt  }
0x7f: {  	_ =	shalt  }
0x80: {  	_ =	shalt  }
0x81: {  	_ =	shalt  }
0x82: {  	_ =	shalt  }
0x83: {  	_ =	shalt  }
0x84: {  	_ =	shalt  }
0x85: {  	_ =	shalt  }
0x86: {  	_ =	shalt  }
0x87: {  	_ =	shalt  }
.Lfunc_end0:
.L_simem_size_0:
called_computation.1_lowered:
.L_overlay_start_0:
0x88: {  	s2 =	sld [smem:$0x3FD9]  }
0x89: {  	s3 =	sld [smem:$0x3FFE];
	_ =	sdelay $0x1  }
0x8a: {  	s1 =	srdreg.scid  }
0x8b: {  	s0 =	sand.u32 $0x1, s1  }
0x8c: {  	s16 =	sshll.u32 s0, $0xA;
	s2 =	sadd.s32 s3, s2  }
0x8d: {  	s2 =	sadd.s32 s2, s16  }
0x8e: {  	[smem:$0x3FC2] =	sst s2  }
0x8f: {  	_ = 	snop  }
0x90: {  	(tm) =	ssettm $0x1  }
0x91: {  	s17 =	sld [smem:$0x3FFB];
	_ =	sdelay $0x3  }
0x92: {  	_ =	strace s17  }
0x93: {  	s2 =	sld [smem:$0x3FFC];
	_ =	sdelay $0x3  }
0x94: {  	_ =	strace s2  }
0x95: {  	s2 =	sld [smem:$0x3FFD];
	_ =	sdelay $0x3  }
0x96: {  	_ =	strace s2  }
0x97: {  	_ =	strace $0x8FFFFFFF  }
0x98: {  	s18 =	sld [smem:$0x3FDB];
	_ =	sdelay $0x1  }
0x99: {  	s19 =	simm.s32 $_scs_section_size  }
0x9a: {  	s4 =	simm.s32 $_size__tile_overlayer_lowered;
	s5 =	simm.s32 $_tile_overlayer_lowered  }
0x9b: {  	s22 =	simm.s32 $0x1BFF;
	s21 =	sshll.u32 s5, $0x1;
	s2 =	sadd.s32 s19, s18  }
0x9c: {  	s6 =	simm.s32 $0x0;
	s20 =	sshll.u32 s4, $0x1;
	s4 =	sadd.s32 s21, s2  }
0x9d: {  	[timem:s6], [sflag:s22] =	dma.local [hbm:s4], s20  }
0x9e: {  	_ =	swait.ge [sflag:s22], s20  }
0x9f: {  	s3 =	ssub.s32 $0x0, s20;
	[sflag:s22] =	ssyncset.done $0x0  }
0xa0: {  	[sflag:s22] =	ssyncadd.s32 s3;
	_ =	sdelay $0x1  }
0xa1: {  	s23 =	simm.s32 $0x1B8B  }
0xa2: {  	_ =	swait.ge [sflag:s23], $0x1  }
0xa3: {  	[sflag:s23] =	ssyncset.done $0x0  }
0xa4: {  	s25 =	simm.s32 $0x1B8E;
	s24 =	sld [smem:$0x3FFE];
	[sflag:s23] =	ssyncadd.s32 $0xFFFFFFFF  }
0xa5: {  	s26 =	simm.s32 $execute0_lowered;
	[smem:$0x3FD2] =	sst s25  }
0xa6: {  	s4 =	sshll.u32 s26, $0x1;
	_ =	strace $0x80000049;
	[dreg:$0x1] =	wrdreg $0xFFFFFFFF  }
0xa7: {  	s28 =	simm.s32 $_size_execute0_lowered;
	s2 =	sadd.s32 s2, s4;
	[dreg:$0x0] =	wrdreg $0x0  }
0xa8: {  	s4 =	sshll.u32 s28, $0x1;
	[dreg:$0x2] =	wrdreg s2  }
0xa9: {  	[dreg:$0x3] =	wrdreg s4  }
0xaa: {  	[dreg:$0x4] =	wrdreg $0xC0  }
0xab: {  	_ =	task [dreg:s6], $0x5FFFF  }
0xac: {  	[dreg:$0x1] =	wrdreg $0xFFFFFFFF  }
0xad: {  	[dreg:$0x0] =	wrdreg $0x60  }
0xae: {  	[dreg:$0x2] =	wrdreg s24  }
0xaf: {  	[dreg:$0x3] =	wrdreg $0x14E300  }
0xb0: {  	[dreg:$0x4] =	wrdreg $0x9  }
0xb1: {  	_ =	task.clear_ibuf [dreg:s6], $0x5FFFF;
	_ =	strace $0x90000049  }
0xb2: {  	s29 =	simm.s32 $0x9;
	_ =	strace $0x8000004B  }
0xb3: {  	_ =	swait.ge [sflag:s29], $0x1  }
0xb4: {  	[sflag:s29] =	ssyncadd.s32 $0xFFFFFFFF  }
0xb5: {  	_ =	strace $0x9000004B  }
0xb6: {  	_ =	sfence  }
0xb7: {  	s30 =	sld [smem:$0x0];
	_ =	sdelay $0x2  }
0xb8: {  	s31 =	sshll.u32 s1, $0xD;
	s1 =	sshrl.u32 s1, $0x2  }
0xb9: {  	s3 =	sand.u32 $0x4000, s31;
	s1 =	sadd.s32 s1, s30  }
0xba: {  	s0 =	sor.u32 s3, s0;
	s1 =	sshll.u32 s1, $0x11  }
0xbb: {  	s0 =	sor.u32 s1, s0  }
0xbc: {  	s0 =	sadd.s32 $0x8F2B, s0  }
0xbd: {  	[sflag:s0] =	ssyncadd.remote.s32 $0x1  }
0xbe: {  	_ =	sfence.sel $0xFFFF  }
0xbf: {  	[dreg:$0x0] =	wrdreg $0xFFFFFFFF;
	(pc) =	sbr.abs _section_cstart, $3  }
0xc0: {  	[dreg:$0x1] =	wrdreg $0xFFFFFFFF  }
0xc1: {  	_ =	task.clear_ibuf [dreg:s6], $0x2FFFF;
	_ =	strace $0x9FFFFFFF  }
0xc2: {  	(tm) =	ssettm $0x7FFFFFFF  }
0xc3: {  	_ =	shalt  }
tec
execute0_lowered:
.L_overlay_start_1:
0x0: {  	(tag) =	ssettag $0x1  }
0x1: {  	s0 =	rddreg [dreg:$0x0]  }
0x2: {  	s1 =	srdreg.scid;
	s6 =	stileid.u32  }
0x3: {  	s2 =	rddreg [dreg:$0x1];
	s4 =	simm.s32 $0x0;
	s31 =	simm.s32 $0xCE30  }
0x4: {  	s28 =	simm.s32 $0x10;
	s30 =	simm.s32 $0x10E30;
	s1 =	sand.u32 $0x1, s1  }
0x5: {  	s3 =	sshll.u32 s6, $0x1;
	[smem:$0x7FF] =	sst s4;
	s10 =	smul.u32 $0x13880, s6  }
0x6: {  	s3 =	sor.u32 s1, s3;
	s5 =	ssub.s32 $0x2, s1;
	s1 =	smul.u32 $0x138800, s1  }
0x7: {  	s4 =	sadd.s32 $0x15A00, s0;
	_ =	strace $0x8000004A;
	s3 =	smul.u32 $0x2710, s3  }
0x8: {  	s19 =	sshrl.u32 s5, $0x1;
	s20 =	sshrl.u32 s10, $0x1;
	s12 =	sadd.s32 $0x4000, s10  }
0x9: {  	s15 =	sadd.s32 $0x8000, s10;
	s16 =	sadd.s32 $0xC000, s10;
	s17 =	sadd.s32 $0x10000, s10  }
0xa: {  	s11 =	ssub.s32 s5, s19;
	s5 =	sadd.s32 s20, s2;
	s21 =	sshrl.u32 s12, $0x1  }
0xb: {  	s7 =	sshrl.u32 s15, $0x1;
	s8 =	sshrl.u32 s16, $0x1;
	s9 =	sshrl.u32 s17, $0x1  }
0xc: {  	s10 =	sadd.s32 s10, s1;
	s14 =	sadd.s32 s1, s12;
	s25 =	sadd.s32 s1, s15  }
0xd: {  	s26 =	sadd.s32 s1, s16;
	s1 =	sadd.s32 s1, s17;
	s19 =	simm.s32 $0x4E30  }
0xe: {  	s20 =	simm.s32 $0x7;
	s12 =	simm.s32 $0x4E20;
	s3 =	sshrl.u32 s3, $0x3  }
0xf: {  	s6 =	sadd.s32 s21, s2;
	s7 =	sadd.s32 s7, s2;
	s8 =	sadd.s32 s8, s2  }
0x10: {  	s9 =	sadd.s32 s9, s2;
	s10 =	sshrl.u32 s10, $0x3;
	s3 =	sadd.s32 s3, s0  }
0x11: {  	s24 =	sshrl.u32 s14, $0x3;
	s1 =	sshrl.u32 s1, $0x3;
	s13 =	sadd.s32 $0xBC40, s3  }
0x12: {  	s18 =	smax.u32 s11, $0x1;
	s22 =	sadd.s32 $0xC120, s3;
	[dreg:$0x3] =	wrdreg s13  }
0x13: {  	s0 =	sadd.s32 $0x29400, s0;
	s3 =	sadd.s32 $0x2000, s3;
	[dreg:$0x4] =	wrdreg s22  }
0x14: {  	s21 =	simm.s32 $0x3;
	s23 =	sadd.s32 s0, s10;
	[dreg:$0x5] =	wrdreg s3  }
0x15: {  	v0 =	vlaneseq.u32;
	s10 =	sshrl.u32 s26, $0x3;
	s26 =	simm.s32 $0x8E30;
	[dreg:$0x6] =	wrdreg s23  }
0x16: {  	v0 =	vmul.u32 $0x2, v0;
	s3 =	sadd.s32 s0, s24;
	s29 =	sadd.s32 s0, s10;
	s23 =	simm.s32 $0x80  }
0x17: {  	s24 =	simm.s32 $0x5;
	[dreg:$0x7] =	wrdreg s3;
	s3 =	sshrl.u32 s25, $0x3  }
0x18: {  	v1 =	vimm.bf16 $0.0e+00;
	v2 =	vor.u32 $0x1, v0;
	[dreg:$0x9] =	wrdreg s29;
	s25 =	simm.s32 $0x6;
	s3 =	sadd.s32 s0, s3  }
0x19: {  	v3 =	vor.u32 $0x20, v0;
	v4 =	vor.u32 $0x21, v0;
	v5 =	vor.u32 $0x40, v0;
	s0 =	sadd.s32 s0, s1;
	s1 =	simm.s32 $0x0;
	[dreg:$0x8] =	wrdreg s3  }
0x1a: {  	v6 =	vor.u32 $0x41, v0;
	v7 =	vor.u32 $0x60, v0;
	v8 =	vor.u32 $0x61, v0;
	[dreg:$0xa] =	wrdreg s0;
	s0 =	simm.s32 $0xEE30;
	s3 =	simm.s32 $0x1  }
.LBB2_1:
0x1b: {  	s29 =	simm.s32 $0x100;
	s10 =	simm.s32 $0x0  }
.LBB2_2:
0x1c: {  	p0 =	sne.s32 s29, $0x7F00;
	[tilespmem:s10+$0x4E60] =	vst v1;
	s11 =	smov.u32 s29;
	s29 =	sadd.s32 $0x100, s29  }
.Ltmp0:
0x1d: {  	[tilespmem:s10+$0x4E50] =	vst v1;
	(pc) =	sbr.rel @p0 .LBB2_2-.Ltmp0, $3  }
0x1e: {  	[tilespmem:s10+$0x4E30] =	vst v1  }
0x1f: {  	[tilespmem:s10+$0x4E40] =	vst v1;
	_ =	sdelay $0x1  }
0x20: {  	s10 =	sshra.s32 s11, $0x2  }
0x21: {  	[tilespmem:s10+$0x4E60] =	vst v1  }
0x22: {  	[tilespmem:s10+$0x4E50] =	vst v1  }
0x23: {  	[tilespmem:s10+$0x4E30] =	vst v1  }
0x24: {  	[tilespmem:s10+$0x4E40] =	vst v1  }
0x25: {  	[spmem:s5] =	stream.linear.scatter [tilespmem:s19], [sflag:$0x7], $0x2000, $0x38;
	[tilespmem:$0x1EA70] =	vst v63  }
0x26: {  	_ =	swait.ge [sflag:s20], $0x2000  }
0x27: {  	[sflag:s20] =	ssyncset.done $0x0  }
0x28: {  	[sflag:s20] =	ssyncadd.s32 $0xFFFFE000  }
0x29: {  	[spmem:s6] =	stream.linear.scatter [tilespmem:s19], [sflag:$0x7], $0x2000, $0x38;
	[tilespmem:$0x1EA70] =	vst v63  }
0x2a: {  	_ =	swait.ge [sflag:s20], $0x2000  }
0x2b: {  	[sflag:s20] =	ssyncset.done $0x0  }
0x2c: {  	[sflag:s20] =	ssyncadd.s32 $0xFFFFE000  }
0x2d: {  	[spmem:s7] =	stream.linear.scatter [tilespmem:s19], [sflag:$0x7], $0x2000, $0x38;
	[tilespmem:$0x1EA70] =	vst v63  }
0x2e: {  	_ =	swait.ge [sflag:s20], $0x2000  }
0x2f: {  	[sflag:s20] =	ssyncset.done $0x0  }
0x30: {  	[sflag:s20] =	ssyncadd.s32 $0xFFFFE000  }
0x31: {  	[spmem:s8] =	stream.linear.scatter [tilespmem:s19], [sflag:$0x7], $0x2000, $0x38;
	[tilespmem:$0x1EA70] =	vst v63  }
0x32: {  	_ =	swait.ge [sflag:s20], $0x2000  }
0x33: {  	[sflag:s20] =	ssyncset.done $0x0  }
0x34: {  	[sflag:s20] =	ssyncadd.s32 $0xFFFFE000  }
0x35: {  	[spmem:s9] =	stream.linear.scatter [tilespmem:s19], [sflag:$0x7], $0x1C40, $0x38;
	[tilespmem:$0x1EA70] =	vst v63  }
0x36: {  	_ =	swait.ge [sflag:s20], $0x1C40  }
0x37: {  	s29 =	simm.s32 $0x0;
	[sflag:s20] =	ssyncset.done $0x0  }
0x38: {  	s11 =	simm.s32 $0x2710;
	s22 =	rddreg [dreg:$0x3];
	[sflag:s20] =	ssyncadd.s32 $0xFFFFE3C0  }
0x39: {  	[tilespmem:s11], [sflag:$0x7] =	stream.linear.gather [hbm4b:s22+s29], $0x2710, $0x38;
	[tilespmem:$0x1EA70] =	vst v63  }
0x3a: {  	_ =	swait.ge [sflag:s20], $0x2710  }
0x3b: {  	[sflag:s20] =	ssyncset.done $0x0  }
0x3c: {  	s11 =	rddreg [dreg:$0x4];
	[sflag:s20] =	ssyncadd.s32 $0xFFFFD8F0  }
0x3d: {  	[tilespmem:s12], [sflag:$0x7] =	stream.linear.gather [hbm4b:s11+s29], $0x10, $0x38;
	[tilespmem:$0x1EA70] =	vst v63  }
0x3e: {  	_ =	swait.ge [sflag:s20], $0x10  }
0x3f: {  	[sflag:s20] =	ssyncset.done $0x0  }
0x40: {  	[sflag:s20] =	ssyncadd.s32 $0xFFFFFFF0  }
0x41: {  	[bflag:$0x0] =	sbarrier.arrive $0xFFFF  }
0x42: {  	s12 =	rddreg [dreg:$0x5]  }
0x43: {  	[tilespmem:s29], [sflag:$0x7] =	stream.linear.gather [hbm4b:s12+s29], $0x2710, $0x38;
	[tilespmem:$0x1EA70] =	vst v63  }
0x44: {  	_ =	swait.ge [sflag:s20], $0x2710  }
0x45: {  	[sflag:s20] =	ssyncset.done $0x0  }
0x46: {  	[sflag:s20] =	ssyncadd.s32 $0xFFFFD8F0  }
0x47: {  	[tilespmem:s19], [sflag:$0x1] =	stream.indirect.gather [hbm4b:s4+s23], $0x40, s29, s23, $0xb8;
	[tilespmem:$0x1EA70] =	vst v63  }
0x48: {  	s13 =	simm.s32 $0x6E30  }
0x49: {  	[tilespmem:s13], [sflag:$0x2] =	stream.indirect.gather [hbm4b:s4+s23], $0x40, s23, s23, $0xb8;
	[tilespmem:$0x1EA70] =	vst v63  }
0x4a: {  	s14 =	simm.s32 $0x100  }
0x4b: {  	[tilespmem:s26], [sflag:$0x3] =	stream.indirect.gather [hbm4b:s4+s23], $0x40, s14, s23, $0xb8;
	[tilespmem:$0x1EA70] =	vst v63  }
0x4c: {  	s15 =	simm.s32 $0x180;
	s16 =	simm.s32 $0xAE30  }
0x4d: {  	[tilespmem:s16], [sflag:$0x4] =	stream.indirect.gather [hbm4b:s4+s23], $0x40, s15, s23, $0xb8;
	[tilespmem:$0x1EA70] =	vst v63  }
0x4e: {  	s17 =	simm.s32 $0x200  }
0x4f: {  	[tilespmem:s31], [sflag:$0x5] =	stream.indirect.gather [hbm4b:s4+s23], $0x40, s17, s23, $0xb8;
	[tilespmem:$0x1EA70] =	vst v63  }
0x50: {  	s22 =	simm.s32 $0x280  }
0x51: {  	[tilespmem:s0], [sflag:$0x6] =	stream.indirect.gather [hbm4b:s4+s23], $0x40, s22, s23, $0xb8;
	[tilespmem:$0x1EA70] =	vst v63  }
.LBB2_4:
0x52: {  	_ =	swait.ge [sflag:s3], $0x2000  }
0x53: {  	s10 =	sshra.s32 s29, $0x2;
	[sflag:s3] =	ssyncset.done $0x0  }
0x54: {  	s11 =	sadd.s32 $0x2710, s10;
	[sflag:s3] =	ssyncadd.s32 $0xFFFFE000  }
0x55: {  	[spmem:s2] =	stream.indirect.scatter.add.bf16 [tilespmem:s19], [sflag:$0x7], $0x40, s11, s23, $0xb8;
	[tilespmem:$0x1EA70] =	vst v63  }
0x56: {  	_ =	swait.ge [sflag:s20], $0x2000  }
0x57: {  	p0 =	seq.s32 s29, $0x9000;
	[sflag:s20] =	ssyncset.done $0x0  }
0x58: {  	s11 =	simm.s32 @p0 $0x2;
	[sflag:s20] =	ssyncadd.s32 $0xFFFFE000  }
0x59: {  	_ =	swait.ge @p0 [sflag:s11], $0x2000  }
0x5a: {  	[sflag:s11] =	ssyncset.done @p0 $0x0  }
0x5b: {  	[sflag:s11] =	ssyncadd.s32 @p0 $0xFFFFE000;
	s11 =	sshra.s32 @p0 s29, $0x2  }
0x5c: {  	s13 =	simm.s32 @p0 $0x80;
	s14 =	simm.s32 @p0 $0x6E30;
	s12 =	sadd.s32 @p0 $0x2790, s11  }
0x5d: {  	[spmem:s2] =	stream.indirect.scatter.add.bf16 @p0 [tilespmem:s14], [sflag:$0x7], $0x40, s12, s13, $0xb8;
	[tilespmem:$0x1EA70] =	vst v63  }
0x5e: {  	s12 =	simm.s32 @p0 $0x7  }
0x5f: {  	_ =	swait.ge @p0 [sflag:s12], $0x2000  }
0x60: {  	s15 =	simm.s32 @!p0 $0x80;
	s14 =	sshra.s32 @!p0 s29, $0x2;
	[sflag:s12] =	ssyncset.done @p0 $0x0  }
0x61: {  	s16 =	simm.s32 @!p0 $0x4E30;
	s22 =	sadd.s32 @!p0 $0x300, s14;
	[sflag:s12] =	ssyncadd.s32 @p0 $0xFFFFE000  }
0x62: {  	[tilespmem:s16], [sflag:$0x1] =	stream.indirect.gather @!p0 [hbm4b:s4+s15], $0x40, s22, s15, $0xb8;
	[tilespmem:$0x1EA70] =	vst v63  }
0x63: {  	s16 =	simm.s32 @!p0 $0x2  }
0x64: {  	_ =	swait.ge @!p0 [sflag:s16], $0x2000  }
0x65: {  	[sflag:s16] =	ssyncset.done @!p0 $0x0  }
0x66: {  	s22 =	simm.s32 @!p0 $0x6E30;
	[sflag:s16] =	ssyncadd.s32 @!p0 $0xFFFFE000;
	s16 =	sadd.s32 @!p0 $0x2790, s14  }
0x67: {  	[spmem:s2] =	stream.indirect.scatter.add.bf16 @!p0 [tilespmem:s22], [sflag:$0x7], $0x40, s16, s15, $0xb8;
	[tilespmem:$0x1EA70] =	vst v63  }
0x68: {  	s16 =	simm.s32 @!p0 $0x7  }
0x69: {  	_ =	swait.ge @!p0 [sflag:s16], $0x2000  }
0x6a: {  	[sflag:s16] =	ssyncset.done @!p0 $0x0  }
0x6b: {  	s17 =	sadd.s32 @!p0 $0x380, s14;
	[sflag:s16] =	ssyncadd.s32 @!p0 $0xFFFFE000  }
0x6c: {  	[tilespmem:s22], [sflag:$0x2] =	stream.indirect.gather @!p0 [hbm4b:s4+s15], $0x40, s17, s15, $0xb8;
	[tilespmem:$0x1EA70] =	vst v63  }
0x6d: {  	_ =	swait.ge [sflag:s21], $0x2000  }
0x6e: {  	[sflag:s21] =	ssyncset.done $0x0  }
0x6f: {  	s22 =	sadd.s32 $0x2810, s10;
	[sflag:s21] =	ssyncadd.s32 $0xFFFFE000  }
0x70: {  	[spmem:s2] =	stream.indirect.scatter.add.bf16 [tilespmem:s26], [sflag:$0x7], $0x40, s22, s23, $0xb8;
	[tilespmem:$0x1EA70] =	vst v63  }
0x71: {  	_ =	swait.ge [sflag:s20], $0x2000  }
0x72: {  	[sflag:s20] =	ssyncset.done $0x0  }
0x73: {  	s17 =	simm.s32 @p0 $0x4;
	[sflag:s20] =	ssyncadd.s32 $0xFFFFE000  }
0x74: {  	_ =	swait.ge @p0 [sflag:s17], $0x2000  }
0x75: {  	[sflag:s17] =	ssyncset.done @p0 $0x0  }
0x76: {  	s11 =	sadd.s32 @p0 $0x2890, s11;
	[sflag:s17] =	ssyncadd.s32 @p0 $0xFFFFE000;
	s17 =	simm.s32 @p0 $0xAE30  }
0x77: {  	[spmem:s2] =	stream.indirect.scatter.add.bf16 @p0 [tilespmem:s17], [sflag:$0x7], $0x40, s11, s13, $0xb8;
	[tilespmem:$0x1EA70] =	vst v63  }
0x78: {  	_ =	swait.ge @p0 [sflag:s12], $0x2000  }
0x79: {  	[sflag:s12] =	ssyncset.done @p0 $0x0  }
0x7a: {  	s11 =	sadd.s32 @!p0 $0x400, s14;
	[sflag:s12] =	ssyncadd.s32 @p0 $0xFFFFE000;
	s12 =	simm.s32 @!p0 $0x8E30  }
0x7b: {  	[tilespmem:s12], [sflag:$0x3] =	stream.indirect.gather @!p0 [hbm4b:s4+s15], $0x40, s11, s15, $0xb8;
	[tilespmem:$0x1EA70] =	vst v63  }
0x7c: {  	s11 =	simm.s32 @!p0 $0x4  }
0x7d: {  	_ =	swait.ge @!p0 [sflag:s11], $0x2000  }
0x7e: {  	[sflag:s11] =	ssyncset.done @!p0 $0x0  }
0x7f: {  	s12 =	simm.s32 @!p0 $0xAE30;
	[sflag:s11] =	ssyncadd.s32 @!p0 $0xFFFFE000;
	s11 =	sadd.s32 @!p0 $0x2890, s14  }
0x80: {  	[spmem:s2] =	stream.indirect.scatter.add.bf16 @!p0 [tilespmem:s12], [sflag:$0x7], $0x40, s11, s15, $0xb8;
	[tilespmem:$0x1EA70] =	vst v63  }
0x81: {  	_ =	swait.ge @!p0 [sflag:s16], $0x2000  }
0x82: {  	[sflag:s16] =	ssyncset.done @!p0 $0x0  }
0x83: {  	s11 =	sadd.s32 @!p0 $0x480, s14;
	[sflag:s16] =	ssyncadd.s32 @!p0 $0xFFFFE000  }
0x84: {  	[tilespmem:s12], [sflag:$0x4] =	stream.indirect.gather @!p0 [hbm4b:s4+s15], $0x40, s11, s15, $0xb8;
	[tilespmem:$0x1EA70] =	vst v63  }
0x85: {  	_ =	swait.ge [sflag:s24], $0x2000  }
0x86: {  	[sflag:s24] =	ssyncset.done $0x0  }
.Ltmp1:
0x87: {  	s22 =	sadd.s32 $0x2910, s10;
	[sflag:s24] =	ssyncadd.s32 $0xFFFFE000;
	(pc) =	sbr.rel @p0 .LBB2_6-.Ltmp1, $4  }
0x88: {  	[spmem:s2] =	stream.indirect.scatter.add.bf16 [tilespmem:s31], [sflag:$0x7], $0x40, s22, s23, $0xb8;
	[tilespmem:$0x1EA70] =	vst v63  }
0x89: {  	_ =	swait.ge [sflag:s20], $0x2000  }
0x8a: {  	[sflag:s20] =	ssyncset.done $0x0  }
0x8b: {  	s11 =	sadd.s32 $0x2990, s10;
	[sflag:s20] =	ssyncadd.s32 $0xFFFFE000  }
0x8c: {  	s12 =	sadd.s32 $0x500, s10  }
0x8d: {  	[tilespmem:s31], [sflag:$0x5] =	stream.indirect.gather [hbm4b:s4+s23], $0x40, s12, s23, $0xb8;
	[tilespmem:$0x1EA70] =	vst v63  }
0x8e: {  	_ =	swait.ge [sflag:s25], $0x2000  }
0x8f: {  	[sflag:s25] =	ssyncset.done $0x0  }
0x90: {  	[sflag:s25] =	ssyncadd.s32 $0xFFFFE000  }
0x91: {  	[spmem:s2] =	stream.indirect.scatter.add.bf16 [tilespmem:s0], [sflag:$0x7], $0x40, s11, s23, $0xb8;
	[tilespmem:$0x1EA70] =	vst v63  }
.Ltmp2:
0x92: {  	_ = 	snop;
	(pc) =	sbr.rel .LBB2_4-.Ltmp2, $4  }
0x93: {  	_ =	swait.ge [sflag:s20], $0x2000  }
0x94: {  	[sflag:s20] =	ssyncset.done $0x0  }
0x95: {  	s22 =	sadd.s32 $0x580, s10;
	s29 =	sadd.s32 $0xC00, s29;
	[sflag:s20] =	ssyncadd.s32 $0xFFFFE000  }
0x96: {  	[tilespmem:s0], [sflag:$0x6] =	stream.indirect.gather [hbm4b:s4+s23], $0x40, s22, s23, $0xb8;
	[tilespmem:$0x1EA70] =	vst v63  }
.LBB2_6:
0x97: {  	_ =	swait.ge [sflag:s25], $0x2000  }
0x98: {  	[sflag:s25] =	ssyncset.done $0x0  }
0x99: {  	[sflag:s25] =	ssyncadd.s32 $0xFFFFE000  }
0x9a: {  	[spmem:s2] =	stream.indirect.scatter.add.bf16 [tilespmem:s0], [sflag:$0x7], $0x40, s11, s23, $0xb8;
	[tilespmem:$0x1EA70] =	vst v63  }
0x9b: {  	_ =	swait.ge [sflag:s20], $0x2000  }
0x9c: {  	[sflag:s20] =	ssyncset.done $0x0  }
0x9d: {  	s10 =	simm.s32 $0x2700;
	[sflag:s20] =	ssyncadd.s32 $0xFFFFE000  }
0x9e: {  	[tilespmem:s19], [sflag:$0x1] =	stream.indirect.gather [hbm4b:s4+s28], $0x40, s10, s28, $0xb8;
	[tilespmem:$0x1EA70] =	vst v63  }
0x9f: {  	_ =	swait.ge [sflag:s3], $0x400  }
0xa0: {  	[sflag:s3] =	ssyncset.done $0x0  }
0xa1: {  	s12 =	simm.s32 $0x4E20;
	[sflag:s3] =	ssyncadd.s32 $0xFFFFFC00  }
0xa2: {  	[spmem:s2] =	stream.indirect.scatter.add.bf16 [tilespmem:s19], [sflag:$0x7], $0x40, s12, s28, $0xb8;
	[tilespmem:$0x1EA70] =	vst v63  }
0xa3: {  	_ =	swait.ge [sflag:s20], $0x400  }
0xa4: {  	[sflag:s20] =	ssyncset.done $0x0  }
0xa5: {  	[sflag:s20] =	ssyncadd.s32 $0xFFFFFC00  }
0xa6: {  	[bflag:$0x0] =	sbarrier.arrive $0xFFFF  }
0xa7: {  	[tilespmem:s19], [sflag:$0x7] =	stream.linear.gather [spmem:s5], $0x2000, $0x38;
	[tilespmem:$0x1EA70] =	vst v63  }
0xa8: {  	_ =	swait.ge [sflag:s20], $0x2000  }
0xa9: {  	[sflag:s20] =	ssyncset.done $0x0  }
0xaa: {  	s29 =	simm.s32 $0x4E50;
	[sflag:s20] =	ssyncadd.s32 $0xFFFFE000  }
0xab: {  	s22 =	simm.s32 $0x0;
	v9 =	vld [tilespmem:s29+$0xFFFFFFE0]  }
0xac: {  	v10 =	vor.u32 s22, v0  }
0xad: {  	v11 =	vor.u32 s22, v2;
	_ =	sdelay $0x2  }
0xae: {  	v12 =	vshll.u32 v9, $0x10  }
0xaf: {  	v9 =	vand.u32 $0xFFFF0000, v9;
	[tilespmem:v10+s30+$0x0] =	vst.idx.msk $0xffff, v12  }
0xb0: {  	[tilespmem:v11+s30+$0x0] =	vst.idx.msk $0xffff, v9  }
0xb1: {  	v9 =	vld [tilespmem:s29+$0xFFFFFFF0]  }
0xb2: {  	v10 =	vor.u32 s22, v3  }
0xb3: {  	v11 =	vor.u32 s22, v4;
	_ =	sdelay $0x2  }
0xb4: {  	v61 =	vshll.u32 v9, $0x10  }
0xb5: {  	v9 =	vand.u32 $0xFFFF0000, v9;
	[tilespmem:v10+s30+$0x0] =	vst.idx.msk $0xffff, v61  }
0xb6: {  	[tilespmem:v11+s30+$0x0] =	vst.idx.msk $0xffff, v9  }
0xb7: {  	v9 =	vld [tilespmem:s29+$0x0]  }
0xb8: {  	v10 =	vor.u32 s22, v5  }
0xb9: {  	v11 =	vor.u32 s22, v6;
	_ =	sdelay $0x2  }
0xba: {  	v62 =	vshll.u32 v9, $0x10  }
0xbb: {  	v9 =	vand.u32 $0xFFFF0000, v9;
	[tilespmem:v10+s30+$0x0] =	vst.idx.msk $0xffff, v62  }
0xbc: {  	[tilespmem:v11+s30+$0x0] =	vst.idx.msk $0xffff, v9  }
0xbd: {  	v10 =	vld [tilespmem:s29+$0x10]  }
0xbe: {  	v11 =	vor.u32 s22, v7;
	_ =	sdelay $0x1  }
0xbf: {  	v9 =	vor.u32 s22, v8;
	_ =	sdelay $0x1  }
0xc0: {  	v63 =	vshll.u32 v10, $0x10  }
0xc1: {  	s10 =	simm.s32 $0x1;
	v10 =	vand.u32 $0xFFFF0000, v10;
	[tilespmem:v11+s30+$0x0] =	vst.idx.msk $0xffff, v63  }
.LBB2_7:
0xc2: {  	p0 =	sne.s32 s10, $0x7F  }
0xc3: {  	[tilespmem:v9+s30+$0x0] =	vst.idx.msk $0xffff, v10;
	s29 =	sadd.s32 $0x40, s29;
	s11 =	smov.u32 s10;
	s10 =	sadd.s32 $0x1, s10  }
0xc4: {  	v9 =	vld [tilespmem:s29+$0xFFFFFFE0];
	s11 =	sshll.u32 s11, $0x7  }
0xc5: {  	v10 =	vor.u32 s11, v0  }
0xc6: {  	v11 =	vor.u32 s11, v2;
	_ =	sdelay $0x2  }
0xc7: {  	v12 =	vshll.u32 v9, $0x10  }
0xc8: {  	v9 =	vand.u32 $0xFFFF0000, v9;
	[tilespmem:v10+s30+$0x0] =	vst.idx.msk $0xffff, v12  }
0xc9: {  	[tilespmem:v11+s30+$0x0] =	vst.idx.msk $0xffff, v9  }
0xca: {  	v9 =	vld [tilespmem:s29+$0xFFFFFFF0]  }
0xcb: {  	v10 =	vor.u32 s11, v3  }
0xcc: {  	v11 =	vor.u32 s11, v4;
	_ =	sdelay $0x2  }
0xcd: {  	v12 =	vshll.u32 v9, $0x10  }
0xce: {  	v9 =	vand.u32 $0xFFFF0000, v9;
	[tilespmem:v10+s30+$0x0] =	vst.idx.msk $0xffff, v12  }
0xcf: {  	[tilespmem:v11+s30+$0x0] =	vst.idx.msk $0xffff, v9  }
0xd0: {  	v9 =	vld [tilespmem:s29+$0x0]  }
0xd1: {  	v10 =	vor.u32 s11, v5  }
0xd2: {  	v11 =	vor.u32 s11, v6;
	_ =	sdelay $0x2  }
0xd3: {  	v12 =	vshll.u32 v9, $0x10  }
0xd4: {  	v9 =	vand.u32 $0xFFFF0000, v9;
	[tilespmem:v10+s30+$0x0] =	vst.idx.msk $0xffff, v12  }
0xd5: {  	[tilespmem:v11+s30+$0x0] =	vst.idx.msk $0xffff, v9  }
0xd6: {  	v10 =	vld [tilespmem:s29+$0x10]  }
0xd7: {  	v11 =	vor.u32 s11, v7  }
.Ltmp3:
0xd8: {  	v9 =	vor.u32 s11, v8;
	(pc) =	sbr.rel @p0 .LBB2_7-.Ltmp3, $3  }
0xd9: {  	_ =	sdelay $0x1  }
0xda: {  	v12 =	vshll.u32 v10, $0x10  }
0xdb: {  	v10 =	vand.u32 $0xFFFF0000, v10;
	[tilespmem:v11+s30+$0x0] =	vst.idx.msk $0xffff, v12  }
0xdc: {  	_ =	sdelay $0x3  }
0xdd: {  	[tilespmem:v9+s30+$0x0] =	vst.idx.msk $0xffff, v10;
	s10 =	simm.s32 $0x0;
	s11 =	rddreg [dreg:$0x6]  }
0xde: {  	[hbm4b:s11+s10] =	stream.linear.scatter [tilespmem:s30], [sflag:$0x7], $0x4000, $0x38;
	[tilespmem:$0x1EA70] =	vst v63  }
0xdf: {  	_ =	swait.ge [sflag:s20], $0x4000  }
0xe0: {  	[sflag:s20] =	ssyncset.done $0x0  }
0xe1: {  	[sflag:s20] =	ssyncadd.s32 $0xFFFFC000  }
0xe2: {  	[tilespmem:s19], [sflag:$0x7] =	stream.linear.gather [spmem:s6], $0x2000, $0x38;
	[tilespmem:$0x1EA70] =	vst v63  }
0xe3: {  	_ =	swait.ge [sflag:s20], $0x2000  }
0xe4: {  	[sflag:s20] =	ssyncset.done $0x0  }
0xe5: {  	s29 =	simm.s32 $0x4E50;
	[sflag:s20] =	ssyncadd.s32 $0xFFFFE000  }
0xe6: {  	s22 =	simm.s32 $0x0;
	v9 =	vld [tilespmem:s29+$0xFFFFFFE0]  }
0xe7: {  	v10 =	vor.u32 s22, v0  }
0xe8: {  	v11 =	vor.u32 s22, v2;
	_ =	sdelay $0x2  }
0xe9: {  	v12 =	vshll.u32 v9, $0x10  }
0xea: {  	v9 =	vand.u32 $0xFFFF0000, v9;
	[tilespmem:v10+s30+$0x0] =	vst.idx.msk $0xffff, v12  }
0xeb: {  	[tilespmem:v11+s30+$0x0] =	vst.idx.msk $0xffff, v9  }
0xec: {  	v9 =	vld [tilespmem:s29+$0xFFFFFFF0]  }
0xed: {  	v10 =	vor.u32 s22, v3  }
0xee: {  	v11 =	vor.u32 s22, v4;
	_ =	sdelay $0x2  }
0xef: {  	v61 =	vshll.u32 v9, $0x10  }
0xf0: {  	v9 =	vand.u32 $0xFFFF0000, v9;
	[tilespmem:v10+s30+$0x0] =	vst.idx.msk $0xffff, v61  }
0xf1: {  	[tilespmem:v11+s30+$0x0] =	vst.idx.msk $0xffff, v9  }
0xf2: {  	v9 =	vld [tilespmem:s29+$0x0]  }
0xf3: {  	v10 =	vor.u32 s22, v5  }
0xf4: {  	v11 =	vor.u32 s22, v6;
	_ =	sdelay $0x2  }
0xf5: {  	v62 =	vshll.u32 v9, $0x10  }
0xf6: {  	v9 =	vand.u32 $0xFFFF0000, v9;
	[tilespmem:v10+s30+$0x0] =	vst.idx.msk $0xffff, v62  }
0xf7: {  	[tilespmem:v11+s30+$0x0] =	vst.idx.msk $0xffff, v9  }
0xf8: {  	v10 =	vld [tilespmem:s29+$0x10]  }
0xf9: {  	v11 =	vor.u32 s22, v7;
	_ =	sdelay $0x1  }
0xfa: {  	v9 =	vor.u32 s22, v8;
	_ =	sdelay $0x1  }
0xfb: {  	v63 =	vshll.u32 v10, $0x10  }
0xfc: {  	s10 =	simm.s32 $0x1;
	v10 =	vand.u32 $0xFFFF0000, v10;
	[tilespmem:v11+s30+$0x0] =	vst.idx.msk $0xffff, v63  }
.LBB2_9:
0xfd: {  	p0 =	sne.s32 s10, $0x7F  }
0xfe: {  	[tilespmem:v9+s30+$0x0] =	vst.idx.msk $0xffff, v10;
	s29 =	sadd.s32 $0x40, s29;
	s11 =	smov.u32 s10;
	s10 =	sadd.s32 $0x1, s10  }
0xff: {  	v9 =	vld [tilespmem:s29+$0xFFFFFFE0];
	s11 =	sshll.u32 s11, $0x7  }
0x100: {  	v10 =	vor.u32 s11, v0  }
0x101: {  	v11 =	vor.u32 s11, v2;
	_ =	sdelay $0x2  }
0x102: {  	v12 =	vshll.u32 v9, $0x10  }
0x103: {  	v9 =	vand.u32 $0xFFFF0000, v9;
	[tilespmem:v10+s30+$0x0] =	vst.idx.msk $0xffff, v12  }
0x104: {  	[tilespmem:v11+s30+$0x0] =	vst.idx.msk $0xffff, v9  }
0x105: {  	v9 =	vld [tilespmem:s29+$0xFFFFFFF0]  }
0x106: {  	v10 =	vor.u32 s11, v3  }
0x107: {  	v11 =	vor.u32 s11, v4;
	_ =	sdelay $0x2  }
0x108: {  	v12 =	vshll.u32 v9, $0x10  }
0x109: {  	v9 =	vand.u32 $0xFFFF0000, v9;
	[tilespmem:v10+s30+$0x0] =	vst.idx.msk $0xffff, v12  }
0x10a: {  	[tilespmem:v11+s30+$0x0] =	vst.idx.msk $0xffff, v9  }
0x10b: {  	v9 =	vld [tilespmem:s29+$0x0]  }
0x10c: {  	v10 =	vor.u32 s11, v5  }
0x10d: {  	v11 =	vor.u32 s11, v6;
	_ =	sdelay $0x2  }
0x10e: {  	v12 =	vshll.u32 v9, $0x10  }
0x10f: {  	v9 =	vand.u32 $0xFFFF0000, v9;
	[tilespmem:v10+s30+$0x0] =	vst.idx.msk $0xffff, v12  }
0x110: {  	[tilespmem:v11+s30+$0x0] =	vst.idx.msk $0xffff, v9  }
0x111: {  	v10 =	vld [tilespmem:s29+$0x10]  }
0x112: {  	v11 =	vor.u32 s11, v7  }
.Ltmp4:
0x113: {  	v9 =	vor.u32 s11, v8;
	(pc) =	sbr.rel @p0 .LBB2_9-.Ltmp4, $3  }
0x114: {  	_ =	sdelay $0x1  }
0x115: {  	v12 =	vshll.u32 v10, $0x10  }
0x116: {  	v10 =	vand.u32 $0xFFFF0000, v10;
	[tilespmem:v11+s30+$0x0] =	vst.idx.msk $0xffff, v12  }
0x117: {  	_ =	sdelay $0x3  }
0x118: {  	[tilespmem:v9+s30+$0x0] =	vst.idx.msk $0xffff, v10;
	s10 =	simm.s32 $0x0;
	s11 =	rddreg [dreg:$0x7]  }
0x119: {  	[hbm4b:s11+s10] =	stream.linear.scatter [tilespmem:s30], [sflag:$0x7], $0x4000, $0x38;
	[tilespmem:$0x1EA70] =	vst v63  }
0x11a: {  	_ =	swait.ge [sflag:s20], $0x4000  }
0x11b: {  	[sflag:s20] =	ssyncset.done $0x0  }
0x11c: {  	[sflag:s20] =	ssyncadd.s32 $0xFFFFC000  }
0x11d: {  	[tilespmem:s19], [sflag:$0x7] =	stream.linear.gather [spmem:s7], $0x2000, $0x38;
	[tilespmem:$0x1EA70] =	vst v63  }
0x11e: {  	_ =	swait.ge [sflag:s20], $0x2000  }
0x11f: {  	[sflag:s20] =	ssyncset.done $0x0  }
0x120: {  	s29 =	simm.s32 $0x4E50;
	[sflag:s20] =	ssyncadd.s32 $0xFFFFE000  }
0x121: {  	s22 =	simm.s32 $0x0;
	v9 =	vld [tilespmem:s29+$0xFFFFFFE0]  }
0x122: {  	v10 =	vor.u32 s22, v0  }
0x123: {  	v11 =	vor.u32 s22, v2;
	_ =	sdelay $0x2  }
0x124: {  	v12 =	vshll.u32 v9, $0x10  }
0x125: {  	v9 =	vand.u32 $0xFFFF0000, v9;
	[tilespmem:v10+s30+$0x0] =	vst.idx.msk $0xffff, v12  }
0x126: {  	[tilespmem:v11+s30+$0x0] =	vst.idx.msk $0xffff, v9  }
0x127: {  	v9 =	vld [tilespmem:s29+$0xFFFFFFF0]  }
0x128: {  	v10 =	vor.u32 s22, v3  }
0x129: {  	v11 =	vor.u32 s22, v4;
	_ =	sdelay $0x2  }
0x12a: {  	v61 =	vshll.u32 v9, $0x10  }
0x12b: {  	v9 =	vand.u32 $0xFFFF0000, v9;
	[tilespmem:v10+s30+$0x0] =	vst.idx.msk $0xffff, v61  }
0x12c: {  	[tilespmem:v11+s30+$0x0] =	vst.idx.msk $0xffff, v9  }
0x12d: {  	v9 =	vld [tilespmem:s29+$0x0]  }
0x12e: {  	v10 =	vor.u32 s22, v5  }
0x12f: {  	v11 =	vor.u32 s22, v6;
	_ =	sdelay $0x2  }
0x130: {  	v62 =	vshll.u32 v9, $0x10  }
0x131: {  	v9 =	vand.u32 $0xFFFF0000, v9;
	[tilespmem:v10+s30+$0x0] =	vst.idx.msk $0xffff, v62  }
0x132: {  	[tilespmem:v11+s30+$0x0] =	vst.idx.msk $0xffff, v9  }
0x133: {  	v10 =	vld [tilespmem:s29+$0x10]  }
0x134: {  	v11 =	vor.u32 s22, v7;
	_ =	sdelay $0x1  }
0x135: {  	v9 =	vor.u32 s22, v8;
	_ =	sdelay $0x1  }
0x136: {  	v63 =	vshll.u32 v10, $0x10  }
0x137: {  	s10 =	simm.s32 $0x1;
	v10 =	vand.u32 $0xFFFF0000, v10;
	[tilespmem:v11+s30+$0x0] =	vst.idx.msk $0xffff, v63  }
.LBB2_11:
0x138: {  	p0 =	sne.s32 s10, $0x7F  }
0x139: {  	[tilespmem:v9+s30+$0x0] =	vst.idx.msk $0xffff, v10;
	s29 =	sadd.s32 $0x40, s29;
	s11 =	smov.u32 s10;
	s10 =	sadd.s32 $0x1, s10  }
0x13a: {  	v9 =	vld [tilespmem:s29+$0xFFFFFFE0];
	s11 =	sshll.u32 s11, $0x7  }
0x13b: {  	v10 =	vor.u32 s11, v0  }
0x13c: {  	v11 =	vor.u32 s11, v2;
	_ =	sdelay $0x2  }
0x13d: {  	v12 =	vshll.u32 v9, $0x10  }
0x13e: {  	v9 =	vand.u32 $0xFFFF0000, v9;
	[tilespmem:v10+s30+$0x0] =	vst.idx.msk $0xffff, v12  }
0x13f: {  	[tilespmem:v11+s30+$0x0] =	vst.idx.msk $0xffff, v9  }
0x140: {  	v9 =	vld [tilespmem:s29+$0xFFFFFFF0]  }
0x141: {  	v10 =	vor.u32 s11, v3  }
0x142: {  	v11 =	vor.u32 s11, v4;
	_ =	sdelay $0x2  }
0x143: {  	v12 =	vshll.u32 v9, $0x10  }
0x144: {  	v9 =	vand.u32 $0xFFFF0000, v9;
	[tilespmem:v10+s30+$0x0] =	vst.idx.msk $0xffff, v12  }
0x145: {  	[tilespmem:v11+s30+$0x0] =	vst.idx.msk $0xffff, v9  }
0x146: {  	v9 =	vld [tilespmem:s29+$0x0]  }
0x147: {  	v10 =	vor.u32 s11, v5  }
0x148: {  	v11 =	vor.u32 s11, v6;
	_ =	sdelay $0x2  }
0x149: {  	v12 =	vshll.u32 v9, $0x10  }
0x14a: {  	v9 =	vand.u32 $0xFFFF0000, v9;
	[tilespmem:v10+s30+$0x0] =	vst.idx.msk $0xffff, v12  }
0x14b: {  	[tilespmem:v11+s30+$0x0] =	vst.idx.msk $0xffff, v9  }
0x14c: {  	v10 =	vld [tilespmem:s29+$0x10]  }
0x14d: {  	v11 =	vor.u32 s11, v7  }
.Ltmp5:
0x14e: {  	v9 =	vor.u32 s11, v8;
	(pc) =	sbr.rel @p0 .LBB2_11-.Ltmp5, $3  }
0x14f: {  	_ =	sdelay $0x1  }
0x150: {  	v12 =	vshll.u32 v10, $0x10  }
0x151: {  	v10 =	vand.u32 $0xFFFF0000, v10;
	[tilespmem:v11+s30+$0x0] =	vst.idx.msk $0xffff, v12  }
0x152: {  	_ =	sdelay $0x3  }
0x153: {  	[tilespmem:v9+s30+$0x0] =	vst.idx.msk $0xffff, v10;
	s10 =	simm.s32 $0x0;
	s11 =	rddreg [dreg:$0x8]  }
0x154: {  	[hbm4b:s11+s10] =	stream.linear.scatter [tilespmem:s30], [sflag:$0x7], $0x4000, $0x38;
	[tilespmem:$0x1EA70] =	vst v63  }
0x155: {  	_ =	swait.ge [sflag:s20], $0x4000  }
0x156: {  	[sflag:s20] =	ssyncset.done $0x0  }
0x157: {  	[sflag:s20] =	ssyncadd.s32 $0xFFFFC000  }
0x158: {  	[tilespmem:s19], [sflag:$0x7] =	stream.linear.gather [spmem:s8], $0x2000, $0x38;
	[tilespmem:$0x1EA70] =	vst v63  }
0x159: {  	_ =	swait.ge [sflag:s20], $0x2000  }
0x15a: {  	[sflag:s20] =	ssyncset.done $0x0  }
0x15b: {  	s29 =	simm.s32 $0x4E50;
	[sflag:s20] =	ssyncadd.s32 $0xFFFFE000  }
0x15c: {  	s22 =	simm.s32 $0x0;
	v9 =	vld [tilespmem:s29+$0xFFFFFFE0]  }
0x15d: {  	v10 =	vor.u32 s22, v0  }
0x15e: {  	v11 =	vor.u32 s22, v2;
	_ =	sdelay $0x2  }
0x15f: {  	v12 =	vshll.u32 v9, $0x10  }
0x160: {  	v9 =	vand.u32 $0xFFFF0000, v9;
	[tilespmem:v10+s30+$0x0] =	vst.idx.msk $0xffff, v12  }
0x161: {  	[tilespmem:v11+s30+$0x0] =	vst.idx.msk $0xffff, v9  }
0x162: {  	v9 =	vld [tilespmem:s29+$0xFFFFFFF0]  }
0x163: {  	v10 =	vor.u32 s22, v3  }
0x164: {  	v11 =	vor.u32 s22, v4;
	_ =	sdelay $0x2  }
0x165: {  	v61 =	vshll.u32 v9, $0x10  }
0x166: {  	v9 =	vand.u32 $0xFFFF0000, v9;
	[tilespmem:v10+s30+$0x0] =	vst.idx.msk $0xffff, v61  }
0x167: {  	[tilespmem:v11+s30+$0x0] =	vst.idx.msk $0xffff, v9  }
0x168: {  	v9 =	vld [tilespmem:s29+$0x0]  }
0x169: {  	v10 =	vor.u32 s22, v5  }
0x16a: {  	v11 =	vor.u32 s22, v6;
	_ =	sdelay $0x2  }
0x16b: {  	v62 =	vshll.u32 v9, $0x10  }
0x16c: {  	v9 =	vand.u32 $0xFFFF0000, v9;
	[tilespmem:v10+s30+$0x0] =	vst.idx.msk $0xffff, v62  }
0x16d: {  	[tilespmem:v11+s30+$0x0] =	vst.idx.msk $0xffff, v9  }
0x16e: {  	v10 =	vld [tilespmem:s29+$0x10]  }
0x16f: {  	v11 =	vor.u32 s22, v7;
	_ =	sdelay $0x1  }
0x170: {  	v9 =	vor.u32 s22, v8;
	_ =	sdelay $0x1  }
0x171: {  	v63 =	vshll.u32 v10, $0x10  }
0x172: {  	s10 =	simm.s32 $0x1;
	v10 =	vand.u32 $0xFFFF0000, v10;
	[tilespmem:v11+s30+$0x0] =	vst.idx.msk $0xffff, v63  }
.LBB2_13:
0x173: {  	p0 =	sne.s32 s10, $0x7F  }
0x174: {  	[tilespmem:v9+s30+$0x0] =	vst.idx.msk $0xffff, v10;
	s29 =	sadd.s32 $0x40, s29;
	s11 =	smov.u32 s10;
	s10 =	sadd.s32 $0x1, s10  }
0x175: {  	v9 =	vld [tilespmem:s29+$0xFFFFFFE0];
	s11 =	sshll.u32 s11, $0x7  }
0x176: {  	v10 =	vor.u32 s11, v0  }
0x177: {  	v11 =	vor.u32 s11, v2;
	_ =	sdelay $0x2  }
0x178: {  	v12 =	vshll.u32 v9, $0x10  }
0x179: {  	v9 =	vand.u32 $0xFFFF0000, v9;
	[tilespmem:v10+s30+$0x0] =	vst.idx.msk $0xffff, v12  }
0x17a: {  	[tilespmem:v11+s30+$0x0] =	vst.idx.msk $0xffff, v9  }
0x17b: {  	v9 =	vld [tilespmem:s29+$0xFFFFFFF0]  }
0x17c: {  	v10 =	vor.u32 s11, v3  }
0x17d: {  	v11 =	vor.u32 s11, v4;
	_ =	sdelay $0x2  }
0x17e: {  	v12 =	vshll.u32 v9, $0x10  }
0x17f: {  	v9 =	vand.u32 $0xFFFF0000, v9;
	[tilespmem:v10+s30+$0x0] =	vst.idx.msk $0xffff, v12  }
0x180: {  	[tilespmem:v11+s30+$0x0] =	vst.idx.msk $0xffff, v9  }
0x181: {  	v9 =	vld [tilespmem:s29+$0x0]  }
0x182: {  	v10 =	vor.u32 s11, v5  }
0x183: {  	v11 =	vor.u32 s11, v6;
	_ =	sdelay $0x2  }
0x184: {  	v12 =	vshll.u32 v9, $0x10  }
0x185: {  	v9 =	vand.u32 $0xFFFF0000, v9;
	[tilespmem:v10+s30+$0x0] =	vst.idx.msk $0xffff, v12  }
0x186: {  	[tilespmem:v11+s30+$0x0] =	vst.idx.msk $0xffff, v9  }
0x187: {  	v10 =	vld [tilespmem:s29+$0x10]  }
0x188: {  	v11 =	vor.u32 s11, v7  }
.Ltmp6:
0x189: {  	v9 =	vor.u32 s11, v8;
	(pc) =	sbr.rel @p0 .LBB2_13-.Ltmp6, $3  }
0x18a: {  	_ =	sdelay $0x1  }
0x18b: {  	v12 =	vshll.u32 v10, $0x10  }
0x18c: {  	v10 =	vand.u32 $0xFFFF0000, v10;
	[tilespmem:v11+s30+$0x0] =	vst.idx.msk $0xffff, v12  }
0x18d: {  	_ =	sdelay $0x3  }
0x18e: {  	[tilespmem:v9+s30+$0x0] =	vst.idx.msk $0xffff, v10;
	s10 =	simm.s32 $0x0;
	s11 =	rddreg [dreg:$0x9]  }
0x18f: {  	[hbm4b:s11+s10] =	stream.linear.scatter [tilespmem:s30], [sflag:$0x7], $0x4000, $0x38;
	[tilespmem:$0x1EA70] =	vst v63  }
0x190: {  	_ =	swait.ge [sflag:s20], $0x4000  }
0x191: {  	[sflag:s20] =	ssyncset.done $0x0  }
0x192: {  	[sflag:s20] =	ssyncadd.s32 $0xFFFFC000  }
0x193: {  	[tilespmem:s19], [sflag:$0x7] =	stream.linear.gather [spmem:s9], $0x1C40, $0x38;
	[tilespmem:$0x1EA70] =	vst v63  }
0x194: {  	_ =	swait.ge [sflag:s20], $0x1C40  }
0x195: {  	[sflag:s20] =	ssyncset.done $0x0  }
0x196: {  	s29 =	simm.s32 $0x4E50;
	[sflag:s20] =	ssyncadd.s32 $0xFFFFE3C0  }
0x197: {  	s22 =	simm.s32 $0x0;
	v9 =	vld [tilespmem:s29+$0xFFFFFFE0]  }
0x198: {  	v10 =	vor.u32 s22, v0  }
0x199: {  	v11 =	vor.u32 s22, v2;
	_ =	sdelay $0x2  }
0x19a: {  	v12 =	vshll.u32 v9, $0x10  }
0x19b: {  	v9 =	vand.u32 $0xFFFF0000, v9;
	[tilespmem:v10+s30+$0x0] =	vst.idx.msk $0xffff, v12  }
0x19c: {  	[tilespmem:v11+s30+$0x0] =	vst.idx.msk $0xffff, v9  }
0x19d: {  	v9 =	vld [tilespmem:s29+$0xFFFFFFF0]  }
0x19e: {  	v10 =	vor.u32 s22, v3  }
0x19f: {  	v11 =	vor.u32 s22, v4;
	_ =	sdelay $0x2  }
0x1a0: {  	v61 =	vshll.u32 v9, $0x10  }
0x1a1: {  	v9 =	vand.u32 $0xFFFF0000, v9;
	[tilespmem:v10+s30+$0x0] =	vst.idx.msk $0xffff, v61  }
0x1a2: {  	[tilespmem:v11+s30+$0x0] =	vst.idx.msk $0xffff, v9  }
0x1a3: {  	v9 =	vld [tilespmem:s29+$0x0]  }
0x1a4: {  	v10 =	vor.u32 s22, v5  }
0x1a5: {  	v11 =	vor.u32 s22, v6;
	_ =	sdelay $0x2  }
0x1a6: {  	v62 =	vshll.u32 v9, $0x10  }
0x1a7: {  	v9 =	vand.u32 $0xFFFF0000, v9;
	[tilespmem:v10+s30+$0x0] =	vst.idx.msk $0xffff, v62  }
0x1a8: {  	[tilespmem:v11+s30+$0x0] =	vst.idx.msk $0xffff, v9  }
0x1a9: {  	v10 =	vld [tilespmem:s29+$0x10]  }
0x1aa: {  	v11 =	vor.u32 s22, v7;
	_ =	sdelay $0x1  }
0x1ab: {  	v9 =	vor.u32 s22, v8;
	_ =	sdelay $0x1  }
0x1ac: {  	v63 =	vshll.u32 v10, $0x10  }
0x1ad: {  	s10 =	simm.s32 $0x1;
	v10 =	vand.u32 $0xFFFF0000, v10;
	[tilespmem:v11+s30+$0x0] =	vst.idx.msk $0xffff, v63  }
.LBB2_15:
0x1ae: {  	p0 =	sne.s32 s10, $0x70  }
0x1af: {  	[tilespmem:v9+s30+$0x0] =	vst.idx.msk $0xffff, v10;
	s29 =	sadd.s32 $0x40, s29;
	s11 =	smov.u32 s10;
	s10 =	sadd.s32 $0x1, s10  }
0x1b0: {  	v9 =	vld [tilespmem:s29+$0xFFFFFFE0];
	s11 =	sshll.u32 s11, $0x7  }
0x1b1: {  	v10 =	vor.u32 s11, v0  }
0x1b2: {  	v11 =	vor.u32 s11, v2;
	_ =	sdelay $0x2  }
0x1b3: {  	v12 =	vshll.u32 v9, $0x10  }
0x1b4: {  	v9 =	vand.u32 $0xFFFF0000, v9;
	[tilespmem:v10+s30+$0x0] =	vst.idx.msk $0xffff, v12  }
0x1b5: {  	[tilespmem:v11+s30+$0x0] =	vst.idx.msk $0xffff, v9  }
0x1b6: {  	v9 =	vld [tilespmem:s29+$0xFFFFFFF0]  }
0x1b7: {  	v10 =	vor.u32 s11, v3  }
0x1b8: {  	v11 =	vor.u32 s11, v4;
	_ =	sdelay $0x2  }
0x1b9: {  	v12 =	vshll.u32 v9, $0x10  }
0x1ba: {  	v9 =	vand.u32 $0xFFFF0000, v9;
	[tilespmem:v10+s30+$0x0] =	vst.idx.msk $0xffff, v12  }
0x1bb: {  	[tilespmem:v11+s30+$0x0] =	vst.idx.msk $0xffff, v9  }
0x1bc: {  	v9 =	vld [tilespmem:s29+$0x0]  }
0x1bd: {  	v10 =	vor.u32 s11, v5  }
0x1be: {  	v11 =	vor.u32 s11, v6;
	_ =	sdelay $0x2  }
0x1bf: {  	v12 =	vshll.u32 v9, $0x10  }
0x1c0: {  	v9 =	vand.u32 $0xFFFF0000, v9;
	[tilespmem:v10+s30+$0x0] =	vst.idx.msk $0xffff, v12  }
0x1c1: {  	[tilespmem:v11+s30+$0x0] =	vst.idx.msk $0xffff, v9  }
0x1c2: {  	v10 =	vld [tilespmem:s29+$0x10]  }
0x1c3: {  	v11 =	vor.u32 s11, v7  }
.Ltmp7:
0x1c4: {  	v9 =	vor.u32 s11, v8;
	(pc) =	sbr.rel @p0 .LBB2_15-.Ltmp7, $3  }
0x1c5: {  	_ =	sdelay $0x1  }
0x1c6: {  	v12 =	vshll.u32 v10, $0x10  }
0x1c7: {  	v10 =	vand.u32 $0xFFFF0000, v10;
	[tilespmem:v11+s30+$0x0] =	vst.idx.msk $0xffff, v12  }
0x1c8: {  	_ =	sdelay $0x1  }
0x1c9: {  	s1 =	sadd.s32 $0x1, s1  }
0x1ca: {  	p0 =	sne.s32 s1, s18  }
.Ltmp8:
0x1cb: {  	[tilespmem:v9+s30+$0x0] =	vst.idx.msk $0xffff, v10;
	s10 =	simm.s32 $0x0;
	s11 =	rddreg [dreg:$0xa];
	(pc) =	sbr.rel @p0 .LBB2_1-.Ltmp8, $4  }
0x1cc: {  	[hbm4b:s11+s10] =	stream.linear.scatter [tilespmem:s30], [sflag:$0x7], $0x3880, $0x38;
	[tilespmem:$0x1EA70] =	vst v63  }
0x1cd: {  	_ =	swait.ge [sflag:s20], $0x3880  }
0x1ce: {  	[sflag:s20] =	ssyncset.done $0x0  }
0x1cf: {  	[sflag:s20] =	ssyncadd.s32 $0xFFFFC780  }
0x1d0: {  	_ =	sfence.sel $0x180000  }
0x1d1: {  	[bflag:$0x0] =	sbarrier.arrive $0xFFFF  }
0x1d2: {  	_ =	strace $0x9000004A  }
0x1d3: {  	s0 =	stileid.u32;
	[bflag:$0x2] =	sbarrier.arrive $0xFFFF  }
0x1d4: {  	p0 =	sne.s32 s0, $0x0;
	s0 =	rddreg [dreg:$0x2]  }
0x1d5: {  	s0 =	sadd.s32 @!p0 $0x100000, s0  }
0x1d6: {  	[sflag:s0] =	ssyncadd.tile.s32 @!p0 $0x1;
	_ =	shalt  }
.Lfunc_end2:
_tile_overlayer_lowered:
.L_overlay_start_2:
0x1d7: {  	(tag) =	ssettag $0x2  }
0x1d8: {  	s0 =	rddreg [dreg:$0x0];
	s2 =	stileid.u32  }
0x1d9: {  	s1 =	rddreg [dreg:$0x1];
	p0 =	sne.s32 s2, $0x0  }
0x1da: {  	s3 =	rddreg [dreg:$0x2];
	[bflag:$0x3] =	sbarrier.arrive $0xFFFF;
	s2 =	simm.s32 @!p0 $0x1C07  }
0x1db: {  	[timem:s3], [sflag:s2] =	dma.local @!p0 [hbm:s0], s1  }
0x1dc: {  	s0 =	simm.s32 @!p0 $0x7  }
0x1dd: {  	_ =	swait.ge @!p0 [sflag:s0], s1  }
0x1de: {  	s1 =	ssub.s32 @!p0 $0x0, s1;
	[sflag:s0] =	ssyncset.done @!p0 $0x0  }
0x1df: {  	[sflag:s0] =	ssyncadd.s32 @!p0 s1  }
0x1e0: {  	[bflag:$0x3] =	sbarrier.arrive $0xFFFF  }
0x1e1: {  	_ =	shalt  }

// kernel: kernel.14.cloned.1.call-start
scs
__scs_entry_jumppad:
0x0: {  	(pc) =	sbr.rel $0x88, $3  }
0x1: {  	(tag) =	ssettag $0x0;
	lr =	simm.s32 $0x1  }
0x2: {  	[smem:$0x3F9B] =	sst lr;
	_ =	strace $0xD0000000  }
0x3: {  	_ = 	snop  }
0x4: {  	_ = 	snop  }
0x5: {  	_ = 	snop  }
0x6: {  	_ = 	snop  }
0x7: {  	_ = 	snop  }
__scs_overlays_trampoline_lowered:
0x8: {  	[smem:$0x3FAA] =	sst s0  }
0x9: {  	[smem:$0x3FAB] =	sst s1  }
0xa: {  	[smem:$0x3FAC] =	sst s2  }
0xb: {  	[smem:$0x3FAD] =	sst s3  }
0xc: {  	[smem:$0x3FAE] =	sst s4  }
0xd: {  	[smem:$0x3FAF] =	sst s5  }
0xe: {  	[smem:$0x3FB0] =	sst s6  }
0xf: {  	[smem:$0x3FB1] =	sst s7  }
0x10: {  	[smem:$0x3FB2] =	sst s8  }
0x11: {  	[smem:$0x3FB3] =	sst s9;
	s0 =	simm.s32 @!p0 $0x0  }
0x12: {  	s1 =	sld [smem:$0x3F99];
	s0 =	simm.s32 @p0 $0x1  }
0x13: {  	[smem:$0x3FB4] =	sst s0;
	s0 =	simm.s32 @!p1 $0x0  }
0x14: {  	s2 =	sld [smem:$0x3F98];
	s0 =	simm.s32 @p1 $0x1  }
0x15: {  	[smem:$0x3FB5] =	sst s0;
	s0 =	simm.s32 @!p2 $0x0  }
0x16: {  	s3 =	sld [smem:$0x3FDB];
	s0 =	simm.s32 @p2 $0x1  }
0x17: {  	s4 =	simm.s32 $0x1BF5;
	[smem:$0x3FB7] =	sst s0  }
0x18: {  	s0 =	sld [smem:$0x3F9A];
	_ =	swait.ge [sflag:s4], $0x0  }
0x19: {  	s7 =	sld [smem:$0x3F9B]  }
0x1a: {  	s8 =	sadd.s32 $0xFFFFE003, lr  }
0x1b: {  	s9 =	sadd.s32 $0xFFFFFEF7, lr;
	s5 =	simm.s32 $0xFFFFFFFF;
	p2 =	slt.u32 s8, $0xFFFFF086  }
0x1c: {  	p1 =	slt.u32 s9, $0xF7A;
	s5 =	simm.s32 @!p2 $0x0  }
0x1d: {  	s5 =	simm.s32 @p1 $0x1;
	p0 =	seq.s32 s7, s2  }
0x1e: {  	s7 =	smul.u32 @!p0 $0xF7A, s2;
	p2 =	seq.s32 @!p0 s5, $0x0  }
0x1f: {  	s9 =	smul.u32 $0xF7A, s1;
	s8 =	simm.s32 @!p0 $0x1BF5;
	p2 =	por !p2, p0  }
0x20: {  	[sflag:s8] =	ssyncset.s32 @!p0 $0xFFFFF086;
	s6 =	sadd.s32 @!p0 s3, s7;
	s7 =	simm.s32 @!p0 $0x108  }
0x21: {  	s3 =	sadd.s32 s3, s9;
	s6 =	sadd.s32 @!p0 $0x88, s6;
	s7 =	simm.s32 @p2 $0x1082  }
0x22: {  	[simem:s7], [sflag:s8] =	dma.local @!p0 [hbm:s6], $0xF7A  }
0x23: {  	s9 =	sor.u32 $0xD0000000, s2;
	s6 =	simm.s32 $0x108;
	_ =	swait.ge @!p0 [sflag:s8], $0x0  }
0x24: {  	s3 =	sadd.s32 $0x88, s3;
	s6 =	simm.s32 @!p1 $0x1082;
	[sflag:s4] =	ssyncset.s32 $0xFFFFF086  }
0x25: {  	[simem:s6], [sflag:s4] =	dma.local [hbm:s3], $0xF7A  }
0x26: {  	[smem:$0x3F9B] =	sst s1;
	(tag) =	ssettag s2;
	_ =	strace s9  }
0x27: {  	s1 =	sld [smem:$0x3FAB]  }
0x28: {  	s2 =	sld [smem:$0x3FAC]  }
0x29: {  	s4 =	sld [smem:$0x3FAE]  }
0x2a: {  	p0 =	seq.s32 s5, $0x0;
	s5 =	sld [smem:$0x3FAF]  }
0x2b: {  	s6 =	sld [smem:$0x3FB0]  }
0x2c: {  	s7 =	sld [smem:$0x3FB1]  }
0x2d: {  	s3 =	simm.s32 $0x108;
	s8 =	sld [smem:$0x3FB2]  }
0x2e: {  	s3 =	simm.s32 @!p0 $0x1082;
	s9 =	sld [smem:$0x3FB3]  }
0x2f: {  	lr =	sadd.s32 s0, s3;
	s0 =	sld [smem:$0x3FAA]  }
0x30: {  	s3 =	sld [smem:$0x3FAD]  }
0x31: {  	[smem:$0x3FB6] =	sst s10  }
0x32: {  	s10 =	sld [smem:$0x3FB4];
	_ =	sdelay $0x3  }
0x33: {  	p0 =	seq.s32 s10, $0x1;
	s10 =	sld [smem:$0x3FB6];
	_ =	sdelay $0x3  }
0x34: {  	[smem:$0x3FB6] =	sst s10  }
0x35: {  	s10 =	sld [smem:$0x3FB5];
	_ =	sdelay $0x3  }
0x36: {  	p1 =	seq.s32 s10, $0x1;
	s10 =	sld [smem:$0x3FB6];
	_ =	sdelay $0x3  }
0x37: {  	[smem:$0x3FB6] =	sst s10  }
0x38: {  	s10 =	sld [smem:$0x3FB7]  }
0x39: {  	_ = 	snop;
	(pc) =	sbr.ind lr, $3  }
0x3a: {  	_ = 	snop  }
0x3b: {  	_ = 	snop  }
0x3c: {  	p2 =	seq.s32 s10, $0x1;
	s10 =	sld [smem:$0x3FB6]  }
0x3d: {  	_ =	shalt  }
0x3e: {  	_ =	shalt  }
0x3f: {  	_ =	shalt  }
0x40: {  	_ =	shalt  }
0x41: {  	_ =	shalt  }
0x42: {  	_ =	shalt  }
0x43: {  	_ =	shalt  }
0x44: {  	_ =	shalt  }
0x45: {  	_ =	shalt  }
0x46: {  	_ =	shalt  }
0x47: {  	_ =	shalt  }
0x48: {  	_ =	shalt  }
0x49: {  	_ =	shalt  }
0x4a: {  	_ =	shalt  }
0x4b: {  	_ =	shalt  }
0x4c: {  	_ =	shalt  }
0x4d: {  	_ =	shalt  }
0x4e: {  	_ =	shalt  }
0x4f: {  	_ =	shalt  }
0x50: {  	_ =	shalt  }
0x51: {  	_ =	shalt  }
0x52: {  	_ =	shalt  }
0x53: {  	_ =	shalt  }
0x54: {  	_ =	shalt  }
0x55: {  	_ =	shalt  }
0x56: {  	_ =	shalt  }
0x57: {  	_ =	shalt  }
0x58: {  	_ =	shalt  }
0x59: {  	_ =	shalt  }
0x5a: {  	_ =	shalt  }
0x5b: {  	_ =	shalt  }
0x5c: {  	_ =	shalt  }
0x5d: {  	_ =	shalt  }
0x5e: {  	_ =	shalt  }
0x5f: {  	_ =	shalt  }
0x60: {  	_ =	shalt  }
0x61: {  	_ =	shalt  }
0x62: {  	_ =	shalt  }
0x63: {  	_ =	shalt  }
0x64: {  	_ =	shalt  }
0x65: {  	_ =	shalt  }
0x66: {  	_ =	shalt  }
0x67: {  	_ =	shalt  }
0x68: {  	_ =	shalt  }
0x69: {  	_ =	shalt  }
0x6a: {  	_ =	shalt  }
0x6b: {  	_ =	shalt  }
0x6c: {  	_ =	shalt  }
0x6d: {  	_ =	shalt  }
0x6e: {  	_ =	shalt  }
0x6f: {  	_ =	shalt  }
0x70: {  	_ =	shalt  }
0x71: {  	_ =	shalt  }
0x72: {  	_ =	shalt  }
0x73: {  	_ =	shalt  }
0x74: {  	_ =	shalt  }
0x75: {  	_ =	shalt  }
0x76: {  	_ =	shalt  }
0x77: {  	_ =	shalt  }
0x78: {  	_ =	shalt  }
0x79: {  	_ =	shalt  }
0x7a: {  	_ =	shalt  }
0x7b: {  	_ =	shalt  }
0x7c: {  	_ =	shalt  }
0x7d: {  	_ =	shalt  }
0x7e: {  	_ =	shalt  }
0x7f: {  	_ =	shalt  }
0x80: {  	_ =	shalt  }
0x81: {  	_ =	shalt  }
0x82: {  	_ =	shalt  }
0x83: {  	_ =	shalt  }
0x84: {  	_ =	shalt  }
0x85: {  	_ =	shalt  }
0x86: {  	_ =	shalt  }
0x87: {  	_ =	shalt  }
.Lfunc_end0:
.L_simem_size_0:
called_computation.2_lowered:
.L_overlay_start_0:
0x88: {  	s2 =	sld [smem:$0x3FD9]  }
0x89: {  	s3 =	sld [smem:$0x3FFE];
	_ =	sdelay $0x1  }
0x8a: {  	s1 =	srdreg.scid  }
0x8b: {  	s0 =	sand.u32 $0x1, s1  }
0x8c: {  	s16 =	sshll.u32 s0, $0xA;
	s2 =	sadd.s32 s3, s2  }
0x8d: {  	s2 =	sadd.s32 s2, s16  }
0x8e: {  	[smem:$0x3FC2] =	sst s2  }
0x8f: {  	_ = 	snop  }
0x90: {  	(tm) =	ssettm $0x1  }
0x91: {  	s17 =	sld [smem:$0x3FFB];
	_ =	sdelay $0x3  }
0x92: {  	_ =	strace s17  }
0x93: {  	s2 =	sld [smem:$0x3FFC];
	_ =	sdelay $0x3  }
0x94: {  	_ =	strace s2  }
0x95: {  	s2 =	sld [smem:$0x3FFD];
	_ =	sdelay $0x3  }
0x96: {  	_ =	strace s2  }
0x97: {  	_ =	strace $0x8FFFFFFF  }
0x98: {  	s18 =	sld [smem:$0x3FDB];
	_ =	sdelay $0x1  }
0x99: {  	s19 =	simm.s32 $_scs_section_size  }
0x9a: {  	s4 =	simm.s32 $_size__tile_overlayer_lowered;
	s5 =	simm.s32 $_tile_overlayer_lowered  }
0x9b: {  	s22 =	simm.s32 $0x1BFF;
	s21 =	sshll.u32 s5, $0x1;
	s2 =	sadd.s32 s19, s18  }
0x9c: {  	s6 =	simm.s32 $0x0;
	s20 =	sshll.u32 s4, $0x1;
	s4 =	sadd.s32 s21, s2  }
0x9d: {  	[timem:s6], [sflag:s22] =	dma.local [hbm:s4], s20  }
0x9e: {  	_ =	swait.ge [sflag:s22], s20  }
0x9f: {  	s3 =	ssub.s32 $0x0, s20;
	[sflag:s22] =	ssyncset.done $0x0  }
0xa0: {  	[sflag:s22] =	ssyncadd.s32 s3;
	_ =	sdelay $0x1  }
0xa1: {  	s23 =	simm.s32 $0x1B8B  }
0xa2: {  	_ =	swait.ge [sflag:s23], $0x1  }
0xa3: {  	[sflag:s23] =	ssyncset.done $0x0  }
0xa4: {  	s25 =	simm.s32 $0x1B8E;
	s24 =	sld [smem:$0x3FFE];
	[sflag:s23] =	ssyncadd.s32 $0xFFFFFFFF  }
0xa5: {  	s26 =	simm.s32 $execute0_lowered;
	[smem:$0x3FD2] =	sst s25  }
0xa6: {  	s4 =	sshll.u32 s26, $0x1;
	_ =	strace $0x8000004C;
	[dreg:$0x1] =	wrdreg $0xFFFFFFFF  }
0xa7: {  	s28 =	simm.s32 $_size_execute0_lowered;
	s2 =	sadd.s32 s2, s4;
	[dreg:$0x0] =	wrdreg $0x0  }
0xa8: {  	s4 =	sshll.u32 s28, $0x1;
	[dreg:$0x2] =	wrdreg s2  }
0xa9: {  	[dreg:$0x3] =	wrdreg s4  }
0xaa: {  	[dreg:$0x4] =	wrdreg $0xC0  }
0xab: {  	_ =	task [dreg:s6], $0x5FFFF  }
0xac: {  	[dreg:$0x1] =	wrdreg $0xFFFFFFFF  }
0xad: {  	[dreg:$0x0] =	wrdreg $0x60  }
0xae: {  	[dreg:$0x2] =	wrdreg s24  }
0xaf: {  	[dreg:$0x3] =	wrdreg $0x7E300  }
0xb0: {  	[dreg:$0x4] =	wrdreg $0x9  }
0xb1: {  	_ =	task.clear_ibuf [dreg:s6], $0x5FFFF;
	_ =	strace $0x9000004C  }
0xb2: {  	s29 =	simm.s32 $0x9;
	_ =	strace $0x8000004E  }
0xb3: {  	_ =	swait.ge [sflag:s29], $0x1  }
0xb4: {  	[sflag:s29] =	ssyncadd.s32 $0xFFFFFFFF  }
0xb5: {  	_ =	strace $0x9000004E  }
0xb6: {  	_ =	sfence  }
0xb7: {  	s30 =	sld [smem:$0x0];
	_ =	sdelay $0x2  }
0xb8: {  	s31 =	sshll.u32 s1, $0xD;
	s1 =	sshrl.u32 s1, $0x2  }
0xb9: {  	s3 =	sand.u32 $0x4000, s31;
	s1 =	sadd.s32 s1, s30  }
0xba: {  	s0 =	sor.u32 s3, s0;
	s1 =	sshll.u32 s1, $0x11  }
0xbb: {  	s0 =	sor.u32 s1, s0  }
0xbc: {  	s0 =	sadd.s32 $0x8F2B, s0  }
0xbd: {  	[sflag:s0] =	ssyncadd.remote.s32 $0x1  }
0xbe: {  	_ =	sfence.sel $0xFFFF  }
0xbf: {  	[dreg:$0x0] =	wrdreg $0xFFFFFFFF;
	(pc) =	sbr.abs _section_cstart, $3  }
0xc0: {  	[dreg:$0x1] =	wrdreg $0xFFFFFFFF  }
0xc1: {  	_ =	task.clear_ibuf [dreg:s6], $0x2FFFF;
	_ =	strace $0x9FFFFFFF  }
0xc2: {  	(tm) =	ssettm $0x7FFFFFFF  }
0xc3: {  	_ =	shalt  }
tec
execute0_lowered:
.L_overlay_start_1:
0x0: {  	(tag) =	ssettag $0x1  }
0x1: {  	s0 =	srdreg.scid;
	s1 =	rddreg [dreg:$0x0]  }
0x2: {  	s8 =	stileid.u32;
	s2 =	rddreg [dreg:$0x1]  }
0x3: {  	s15 =	simm.s32 $0x4E30;
	s16 =	simm.s32 $0x7;
	s18 =	simm.s32 $0x4E20  }
0x4: {  	s19 =	simm.s32 $0x80;
	s29 =	simm.s32 $0x7630;
	s30 =	simm.s32 $0x1  }
0x5: {  	s31 =	simm.s32 $0x3;
	s17 =	simm.s32 $0x10;
	s6 =	smul.u32 $0x2710, s8  }
0x6: {  	s0 =	sand.u32 $0x1, s0;
	s3 =	sshll.u32 s8, $0x1;
	s8 =	smul.u32 $0x9C40, s8  }
0x7: {  	s4 =	sor.u32 s0, s3;
	s3 =	simm.s32 $0x0;
	s7 =	smul.u32 $0x27100, s0  }
0x8: {  	s0 =	ssub.s32 $0x2, s0;
	s5 =	smul.u32 $0x2710, s4;
	[smem:$0x7FF] =	sst s3  }
0x9: {  	s4 =	sadd.s32 $0x15A00, s1;
	s23 =	sshrl.u32 s0, $0x1;
	s8 =	sshrl.u32 s8, $0x2  }
0xa: {  	_ =	strace $0x8000004D;
	s22 =	sadd.s32 s6, s7;
	s9 =	sadd.s32 s8, s2  }
0xb: {  	s0 =	ssub.s32 s0, s23;
	s5 =	sshrl.u32 s5, $0x3;
	s24 =	sadd.s32 $0x800, s9  }
0xc: {  	s25 =	sadd.s32 $0x1000, s9;
	s26 =	sadd.s32 $0x1800, s9;
	[dreg:$0x3] =	wrdreg s24  }
0xd: {  	s28 =	sadd.s32 $0x2000, s9;
	s14 =	smax.u32 s0, $0x1;
	[dreg:$0x4] =	wrdreg s25  }
.Ltmp0:
0xe: {  	s0 =	simm.s32 $0x6;
	[dreg:$0x5] =	wrdreg s26;
	(pc) =	sbr.rel .LBB2_1-.Ltmp0, $4  }
0xf: {  	s12 =	sadd.s32 s5, s1;
	s5 =	sshrl.u32 s22, $0x3;
	[dreg:$0x6] =	wrdreg s28  }
0x10: {  	s22 =	simm.s32 $0x5E30;
	s26 =	simm.s32 $0x6E30;
	s1 =	sadd.s32 s5, s1  }
0x11: {  	s5 =	sadd.s32 s6, s2;
	s10 =	sadd.s32 $0xBC40, s12;
	s11 =	sadd.s32 $0xC120, s12  }
0x12: {  	v0 =	vimm.f32 $0.0e+00;
	s12 =	sadd.s32 $0x2000, s12;
	s13 =	sadd.s32 $0x1AA00, s1;
	s1 =	simm.s32 $0x5  }
.LBB2_6:
0x13: {  	_ =	swait.ge [sflag:s0], $0x800  }
0x14: {  	[sflag:s0] =	ssyncset.done $0x0  }
0x15: {  	[sflag:s0] =	ssyncadd.s32 $0xFFFFF800  }
0x16: {  	[spmem:s2] =	stream.indirect.scatter.add.f32 [tilespmem:s29], [sflag:$0x7], $0x10, s24, s19, $0xb8;
	[tilespmem:$0xA540] =	vst v63  }
0x17: {  	_ =	swait.ge [sflag:s16], $0x800  }
0x18: {  	[sflag:s16] =	ssyncset.done $0x0  }
0x19: {  	s6 =	simm.s32 $0x2700;
	[sflag:s16] =	ssyncadd.s32 $0xFFFFF800  }
0x1a: {  	[tilespmem:s15], [sflag:$0x1] =	stream.indirect.gather [hbm4b:s4+s17], $0x10, s6, s17, $0xb8;
	[tilespmem:$0xA540] =	vst v63  }
0x1b: {  	_ =	swait.ge [sflag:s30], $0x100  }
0x1c: {  	[sflag:s30] =	ssyncset.done $0x0  }
0x1d: {  	[sflag:s30] =	ssyncadd.s32 $0xFFFFFF00  }
0x1e: {  	[spmem:s2] =	stream.indirect.scatter.add.f32 [tilespmem:s15], [sflag:$0x7], $0x10, s18, s17, $0xb8;
	[tilespmem:$0xA540] =	vst v63  }
0x1f: {  	s28 =	stileid.u32;
	_ =	swait.ge [sflag:s16], $0x100  }
0x20: {  	s7 =	sshrl.u32 s5, $0x3;
	s3 =	sadd.s32 $0x1, s3;
	[sflag:s16] =	ssyncset.done $0x0  }
0x21: {  	p0 =	sne.s32 s3, s14;
	s6 =	sshll.u32 s28, $0x6;
	[sflag:s16] =	ssyncadd.s32 $0xFFFFFF00  }
.Ltmp1:
0x22: {  	s6 =	sor.u32 $0x1C07, s6;
	[bflag:$0x0] =	sbarrier.arrive $0xFFFF;
	(pc) =	sbr.rel @!p0 .LBB2_7-.Ltmp1, $4  }
0x23: {  	[hbm:s13], [sflag:s6] =	dma.local [spmem:s7], $0x4E2  }
0x24: {  	_ =	swait.ge [sflag:s16], $0x4E2  }
0x25: {  	[sflag:s16] =	ssyncset.done $0x0  }
0x26: {  	[sflag:s16] =	ssyncadd.s32 $0xFFFFFB1E  }
.LBB2_1:
0x27: {  	s21 =	simm.s32 $0x40;
	s23 =	simm.s32 $0x0  }
.LBB2_2:
0x28: {  	p0 =	sne.s32 s21, $0x1FC0;
	[tilespmem:s23+$0x4E30] =	vst v0;
	s23 =	smov.u32 s21;
	s21 =	sadd.s32 $0x40, s21  }
.Ltmp2:
0x29: {  	(pc) =	sbr.rel @p0 .LBB2_2-.Ltmp2, $2  }
0x2a: {  	_ =	sdelay $0x2  }
0x2b: {  	s23 =	sshra.s32 s23, $0x2  }
0x2c: {  	[tilespmem:s23+$0x4E30] =	vst v0  }
0x2d: {  	[spmem:s5] =	stream.linear.scatter [tilespmem:s15], [sflag:$0x7], $0x800, $0x38;
	[tilespmem:$0xA540] =	vst v63  }
0x2e: {  	_ =	swait.ge [sflag:s16], $0x800  }
0x2f: {  	[sflag:s16] =	ssyncset.done $0x0  }
0x30: {  	s6 =	rddreg [dreg:$0x3];
	[sflag:s16] =	ssyncadd.s32 $0xFFFFF800  }
0x31: {  	[spmem:s6] =	stream.linear.scatter [tilespmem:s15], [sflag:$0x7], $0x800, $0x38;
	[tilespmem:$0xA540] =	vst v63  }
0x32: {  	_ =	swait.ge [sflag:s16], $0x800  }
0x33: {  	[sflag:s16] =	ssyncset.done $0x0  }
0x34: {  	s28 =	rddreg [dreg:$0x4];
	[sflag:s16] =	ssyncadd.s32 $0xFFFFF800  }
0x35: {  	[spmem:s28] =	stream.linear.scatter [tilespmem:s15], [sflag:$0x7], $0x800, $0x38;
	[tilespmem:$0xA540] =	vst v63  }
0x36: {  	_ =	swait.ge [sflag:s16], $0x800  }
0x37: {  	[sflag:s16] =	ssyncset.done $0x0  }
0x38: {  	s7 =	rddreg [dreg:$0x5];
	[sflag:s16] =	ssyncadd.s32 $0xFFFFF800  }
0x39: {  	[spmem:s7] =	stream.linear.scatter [tilespmem:s15], [sflag:$0x7], $0x800, $0x38;
	[tilespmem:$0xA540] =	vst v63  }
0x3a: {  	_ =	swait.ge [sflag:s16], $0x800  }
0x3b: {  	[sflag:s16] =	ssyncset.done $0x0  }
0x3c: {  	s8 =	rddreg [dreg:$0x6];
	[sflag:s16] =	ssyncadd.s32 $0xFFFFF800  }
0x3d: {  	[spmem:s8] =	stream.linear.scatter [tilespmem:s15], [sflag:$0x7], $0x710, $0x38;
	[tilespmem:$0xA540] =	vst v63  }
0x3e: {  	_ =	swait.ge [sflag:s16], $0x710  }
0x3f: {  	[sflag:s16] =	ssyncset.done $0x0  }
0x40: {  	s21 =	simm.s32 $0x0;
	s9 =	simm.s32 $0x2710;
	[sflag:s16] =	ssyncadd.s32 $0xFFFFF8F0  }
0x41: {  	[tilespmem:s9], [sflag:$0x7] =	stream.linear.gather [hbm4b:s10+s21], $0x2710, $0x38;
	[tilespmem:$0xA540] =	vst v63  }
0x42: {  	_ =	swait.ge [sflag:s16], $0x2710  }
0x43: {  	[sflag:s16] =	ssyncset.done $0x0  }
0x44: {  	[sflag:s16] =	ssyncadd.s32 $0xFFFFD8F0  }
0x45: {  	[tilespmem:s18], [sflag:$0x7] =	stream.linear.gather [hbm4b:s11+s21], $0x10, $0x38;
	[tilespmem:$0xA540] =	vst v63  }
0x46: {  	_ =	swait.ge [sflag:s16], $0x10  }
0x47: {  	[sflag:s16] =	ssyncset.done $0x0  }
0x48: {  	[sflag:s16] =	ssyncadd.s32 $0xFFFFFFF0  }
0x49: {  	[bflag:$0x0] =	sbarrier.arrive $0xFFFF  }
0x4a: {  	[tilespmem:s21], [sflag:$0x7] =	stream.linear.gather [hbm4b:s12+s21], $0x2710, $0x38;
	[tilespmem:$0xA540] =	vst v63  }
0x4b: {  	_ =	swait.ge [sflag:s16], $0x2710  }
0x4c: {  	[sflag:s16] =	ssyncset.done $0x0  }
0x4d: {  	[sflag:s16] =	ssyncadd.s32 $0xFFFFD8F0  }
0x4e: {  	[tilespmem:s15], [sflag:$0x1] =	stream.indirect.gather [hbm4b:s4+s19], $0x10, s21, s19, $0xb8;
	[tilespmem:$0xA540] =	vst v63  }
0x4f: {  	s20 =	simm.s32 $0x5630  }
0x50: {  	[tilespmem:s20], [sflag:$0x2] =	stream.indirect.gather [hbm4b:s4+s19], $0x10, s19, s19, $0xb8;
	[tilespmem:$0xA540] =	vst v63  }
0x51: {  	s23 =	simm.s32 $0x100  }
0x52: {  	[tilespmem:s22], [sflag:$0x3] =	stream.indirect.gather [hbm4b:s4+s19], $0x10, s23, s19, $0xb8;
	[tilespmem:$0xA540] =	vst v63  }
0x53: {  	s24 =	simm.s32 $0x180;
	s7 =	simm.s32 $0x6630  }
0x54: {  	[tilespmem:s7], [sflag:$0x4] =	stream.indirect.gather [hbm4b:s4+s19], $0x10, s24, s19, $0xb8;
	[tilespmem:$0xA540] =	vst v63  }
0x55: {  	s25 =	simm.s32 $0x200  }
0x56: {  	[tilespmem:s26], [sflag:$0x5] =	stream.indirect.gather [hbm4b:s4+s19], $0x10, s25, s19, $0xb8;
	[tilespmem:$0xA540] =	vst v63  }
0x57: {  	s28 =	simm.s32 $0x280  }
0x58: {  	[tilespmem:s29], [sflag:$0x6] =	stream.indirect.gather [hbm4b:s4+s19], $0x10, s28, s19, $0xb8;
	[tilespmem:$0xA540] =	vst v63  }
.LBB2_4:
0x59: {  	_ =	swait.ge [sflag:s30], $0x800  }
0x5a: {  	s23 =	sshra.s32 s21, $0x2;
	[sflag:s30] =	ssyncset.done $0x0  }
0x5b: {  	s24 =	sadd.s32 $0x2710, s23;
	[sflag:s30] =	ssyncadd.s32 $0xFFFFF800  }
0x5c: {  	[spmem:s2] =	stream.indirect.scatter.add.f32 [tilespmem:s15], [sflag:$0x7], $0x10, s24, s19, $0xb8;
	[tilespmem:$0xA540] =	vst v63  }
0x5d: {  	_ =	swait.ge [sflag:s16], $0x800  }
0x5e: {  	p0 =	seq.s32 s21, $0x9000;
	[sflag:s16] =	ssyncset.done $0x0  }
0x5f: {  	s24 =	simm.s32 @p0 $0x2;
	[sflag:s16] =	ssyncadd.s32 $0xFFFFF800  }
0x60: {  	_ =	swait.ge @p0 [sflag:s24], $0x800  }
0x61: {  	[sflag:s24] =	ssyncset.done @p0 $0x0  }
0x62: {  	[sflag:s24] =	ssyncadd.s32 @p0 $0xFFFFF800;
	s24 =	sshra.s32 @p0 s21, $0x2  }
0x63: {  	s28 =	simm.s32 @p0 $0x80;
	s20 =	simm.s32 @p0 $0x5630;
	s25 =	sadd.s32 @p0 $0x2790, s24  }
0x64: {  	[spmem:s2] =	stream.indirect.scatter.add.f32 @p0 [tilespmem:s20], [sflag:$0x7], $0x10, s25, s28, $0xb8;
	[tilespmem:$0xA540] =	vst v63  }
0x65: {  	s20 =	simm.s32 @p0 $0x7  }
0x66: {  	_ =	swait.ge @p0 [sflag:s20], $0x800  }
0x67: {  	s7 =	simm.s32 @!p0 $0x80;
	s25 =	sshra.s32 @!p0 s21, $0x2;
	[sflag:s20] =	ssyncset.done @p0 $0x0  }
0x68: {  	s8 =	simm.s32 @!p0 $0x4E30;
	s6 =	sadd.s32 @!p0 $0x300, s25;
	[sflag:s20] =	ssyncadd.s32 @p0 $0xFFFFF800  }
0x69: {  	[tilespmem:s8], [sflag:$0x1] =	stream.indirect.gather @!p0 [hbm4b:s4+s7], $0x10, s6, s7, $0xb8;
	[tilespmem:$0xA540] =	vst v63  }
0x6a: {  	s6 =	simm.s32 @!p0 $0x2  }
0x6b: {  	_ =	swait.ge @!p0 [sflag:s6], $0x800  }
0x6c: {  	[sflag:s6] =	ssyncset.done @!p0 $0x0  }
0x6d: {  	s8 =	simm.s32 @!p0 $0x5630;
	[sflag:s6] =	ssyncadd.s32 @!p0 $0xFFFFF800;
	s6 =	sadd.s32 @!p0 $0x2790, s25  }
0x6e: {  	[spmem:s2] =	stream.indirect.scatter.add.f32 @!p0 [tilespmem:s8], [sflag:$0x7], $0x10, s6, s7, $0xb8;
	[tilespmem:$0xA540] =	vst v63  }
0x6f: {  	s6 =	simm.s32 @!p0 $0x7  }
0x70: {  	_ =	swait.ge @!p0 [sflag:s6], $0x800  }
0x71: {  	[sflag:s6] =	ssyncset.done @!p0 $0x0  }
0x72: {  	s9 =	sadd.s32 @!p0 $0x380, s25;
	[sflag:s6] =	ssyncadd.s32 @!p0 $0xFFFFF800  }
0x73: {  	[tilespmem:s8], [sflag:$0x2] =	stream.indirect.gather @!p0 [hbm4b:s4+s7], $0x10, s9, s7, $0xb8;
	[tilespmem:$0xA540] =	vst v63  }
0x74: {  	_ =	swait.ge [sflag:s31], $0x800  }
0x75: {  	[sflag:s31] =	ssyncset.done $0x0  }
0x76: {  	s9 =	sadd.s32 $0x2810, s23;
	[sflag:s31] =	ssyncadd.s32 $0xFFFFF800  }
0x77: {  	[spmem:s2] =	stream.indirect.scatter.add.f32 [tilespmem:s22], [sflag:$0x7], $0x10, s9, s19, $0xb8;
	[tilespmem:$0xA540] =	vst v63  }
0x78: {  	_ =	swait.ge [sflag:s16], $0x800  }
0x79: {  	[sflag:s16] =	ssyncset.done $0x0  }
0x7a: {  	s8 =	simm.s32 @p0 $0x4;
	[sflag:s16] =	ssyncadd.s32 $0xFFFFF800  }
0x7b: {  	_ =	swait.ge @p0 [sflag:s8], $0x800  }
0x7c: {  	[sflag:s8] =	ssyncset.done @p0 $0x0  }
0x7d: {  	s9 =	simm.s32 @p0 $0x6630;
	[sflag:s8] =	ssyncadd.s32 @p0 $0xFFFFF800;
	s8 =	sadd.s32 @p0 $0x2890, s24  }
0x7e: {  	[spmem:s2] =	stream.indirect.scatter.add.f32 @p0 [tilespmem:s9], [sflag:$0x7], $0x10, s8, s28, $0xb8;
	[tilespmem:$0xA540] =	vst v63  }
0x7f: {  	_ =	swait.ge @p0 [sflag:s20], $0x800  }
0x80: {  	[sflag:s20] =	ssyncset.done @p0 $0x0  }
0x81: {  	s8 =	sadd.s32 @!p0 $0x400, s25;
	s9 =	simm.s32 @!p0 $0x5E30;
	[sflag:s20] =	ssyncadd.s32 @p0 $0xFFFFF800  }
0x82: {  	[tilespmem:s9], [sflag:$0x3] =	stream.indirect.gather @!p0 [hbm4b:s4+s7], $0x10, s8, s7, $0xb8;
	[tilespmem:$0xA540] =	vst v63  }
0x83: {  	s8 =	simm.s32 @!p0 $0x4  }
0x84: {  	_ =	swait.ge @!p0 [sflag:s8], $0x800  }
0x85: {  	[sflag:s8] =	ssyncset.done @!p0 $0x0  }
0x86: {  	s9 =	simm.s32 @!p0 $0x6630;
	[sflag:s8] =	ssyncadd.s32 @!p0 $0xFFFFF800;
	s8 =	sadd.s32 @!p0 $0x2890, s25  }
0x87: {  	[spmem:s2] =	stream.indirect.scatter.add.f32 @!p0 [tilespmem:s9], [sflag:$0x7], $0x10, s8, s7, $0xb8;
	[tilespmem:$0xA540] =	vst v63  }
0x88: {  	_ =	swait.ge @!p0 [sflag:s6], $0x800  }
0x89: {  	[sflag:s6] =	ssyncset.done @!p0 $0x0  }
0x8a: {  	[sflag:s6] =	ssyncadd.s32 @!p0 $0xFFFFF800;
	s6 =	sadd.s32 @!p0 $0x480, s25  }
0x8b: {  	[tilespmem:s9], [sflag:$0x4] =	stream.indirect.gather @!p0 [hbm4b:s4+s7], $0x10, s6, s7, $0xb8;
	[tilespmem:$0xA540] =	vst v63  }
0x8c: {  	_ =	swait.ge [sflag:s1], $0x800  }
0x8d: {  	[sflag:s1] =	ssyncset.done $0x0  }
.Ltmp3:
0x8e: {  	s28 =	sadd.s32 $0x2910, s23;
	[sflag:s1] =	ssyncadd.s32 $0xFFFFF800;
	(pc) =	sbr.rel @p0 .LBB2_6-.Ltmp3, $4  }
0x8f: {  	[spmem:s2] =	stream.indirect.scatter.add.f32 [tilespmem:s26], [sflag:$0x7], $0x10, s28, s19, $0xb8;
	[tilespmem:$0xA540] =	vst v63  }
0x90: {  	_ =	swait.ge [sflag:s16], $0x800  }
0x91: {  	[sflag:s16] =	ssyncset.done $0x0  }
0x92: {  	s24 =	sadd.s32 $0x2990, s23;
	[sflag:s16] =	ssyncadd.s32 $0xFFFFF800  }
0x93: {  	s6 =	sadd.s32 $0x500, s23  }
0x94: {  	[tilespmem:s26], [sflag:$0x5] =	stream.indirect.gather [hbm4b:s4+s19], $0x10, s6, s19, $0xb8;
	[tilespmem:$0xA540] =	vst v63  }
0x95: {  	_ =	swait.ge [sflag:s0], $0x800  }
0x96: {  	[sflag:s0] =	ssyncset.done $0x0  }
0x97: {  	[sflag:s0] =	ssyncadd.s32 $0xFFFFF800  }
0x98: {  	[spmem:s2] =	stream.indirect.scatter.add.f32 [tilespmem:s29], [sflag:$0x7], $0x10, s24, s19, $0xb8;
	[tilespmem:$0xA540] =	vst v63  }
.Ltmp4:
0x99: {  	_ = 	snop;
	(pc) =	sbr.rel .LBB2_4-.Ltmp4, $4  }
0x9a: {  	_ =	swait.ge [sflag:s16], $0x800  }
0x9b: {  	[sflag:s16] =	ssyncset.done $0x0  }
0x9c: {  	s28 =	sadd.s32 $0x580, s23;
	s21 =	sadd.s32 $0xC00, s21;
	[sflag:s16] =	ssyncadd.s32 $0xFFFFF800  }
0x9d: {  	[tilespmem:s29], [sflag:$0x6] =	stream.indirect.gather [hbm4b:s4+s19], $0x10, s28, s19, $0xb8;
	[tilespmem:$0xA540] =	vst v63  }
.LBB2_7:
0x9e: {  	_ =	sfence.sel $0x180000  }
0x9f: {  	[bflag:$0x0] =	sbarrier.arrive $0xFFFF  }
0xa0: {  	_ =	strace $0x9000004D  }
0xa1: {  	s0 =	stileid.u32;
	[bflag:$0x2] =	sbarrier.arrive $0xFFFF  }
0xa2: {  	p0 =	sne.s32 s0, $0x0;
	s0 =	rddreg [dreg:$0x2]  }
0xa3: {  	s0 =	sadd.s32 @!p0 $0x100000, s0  }
0xa4: {  	[sflag:s0] =	ssyncadd.tile.s32 @!p0 $0x1;
	_ =	shalt  }
.Lfunc_end2:
_tile_overlayer_lowered:
.L_overlay_start_2:
0xa5: {  	(tag) =	ssettag $0x2  }
0xa6: {  	s0 =	rddreg [dreg:$0x0];
	s2 =	stileid.u32  }
0xa7: {  	s1 =	rddreg [dreg:$0x1];
	p0 =	sne.s32 s2, $0x0  }
0xa8: {  	s3 =	rddreg [dreg:$0x2];
	[bflag:$0x3] =	sbarrier.arrive $0xFFFF;
	s2 =	simm.s32 @!p0 $0x1C07  }
0xa9: {  	[timem:s3], [sflag:s2] =	dma.local @!p0 [hbm:s0], s1  }
0xaa: {  	s0 =	simm.s32 @!p0 $0x7  }
0xab: {  	_ =	swait.ge @!p0 [sflag:s0], s1  }
0xac: {  	s1 =	ssub.s32 @!p0 $0x0, s1;
	[sflag:s0] =	ssyncset.done @!p0 $0x0  }
0xad: {  	[sflag:s0] =	ssyncadd.s32 @!p0 s1  }
0xae: {  	[bflag:$0x3] =	sbarrier.arrive $0xFFFF  }
0xaf: {  	_ =	shalt  }

// kernel: kernel.8.cloned.1.call-start
scs
__scs_entry_jumppad:
0x0: {  	(pc) =	sbr.rel $0x88, $3  }
0x1: {  	(tag) =	ssettag $0x0;
	lr =	simm.s32 $0x1  }
0x2: {  	[smem:$0x3F9B] =	sst lr;
	_ =	strace $0xD0000000  }
0x3: {  	_ = 	snop  }
0x4: {  	_ = 	snop  }
0x5: {  	_ = 	snop  }
0x6: {  	_ = 	snop  }
0x7: {  	_ = 	snop  }
__scs_overlays_trampoline_lowered:
0x8: {  	[smem:$0x3FAA] =	sst s0  }
0x9: {  	[smem:$0x3FAB] =	sst s1  }
0xa: {  	[smem:$0x3FAC] =	sst s2  }
0xb: {  	[smem:$0x3FAD] =	sst s3  }
0xc: {  	[smem:$0x3FAE] =	sst s4  }
0xd: {  	[smem:$0x3FAF] =	sst s5  }
0xe: {  	[smem:$0x3FB0] =	sst s6  }
0xf: {  	[smem:$0x3FB1] =	sst s7  }
0x10: {  	[smem:$0x3FB2] =	sst s8  }
0x11: {  	[smem:$0x3FB3] =	sst s9;
	s0 =	simm.s32 @!p0 $0x0  }
0x12: {  	s1 =	sld [smem:$0x3F99];
	s0 =	simm.s32 @p0 $0x1  }
0x13: {  	[smem:$0x3FB4] =	sst s0;
	s0 =	simm.s32 @!p1 $0x0  }
0x14: {  	s2 =	sld [smem:$0x3F98];
	s0 =	simm.s32 @p1 $0x1  }
0x15: {  	[smem:$0x3FB5] =	sst s0;
	s0 =	simm.s32 @!p2 $0x0  }
0x16: {  	s3 =	sld [smem:$0x3FDB];
	s0 =	simm.s32 @p2 $0x1  }
0x17: {  	s4 =	simm.s32 $0x1BF5;
	[smem:$0x3FB7] =	sst s0  }
0x18: {  	s0 =	sld [smem:$0x3F9A];
	_ =	swait.ge [sflag:s4], $0x0  }
0x19: {  	s7 =	sld [smem:$0x3F9B]  }
0x1a: {  	s8 =	sadd.s32 $0xFFFFE003, lr  }
0x1b: {  	s9 =	sadd.s32 $0xFFFFFEF7, lr;
	s5 =	simm.s32 $0xFFFFFFFF;
	p2 =	slt.u32 s8, $0xFFFFF086  }
0x1c: {  	p1 =	slt.u32 s9, $0xF7A;
	s5 =	simm.s32 @!p2 $0x0  }
0x1d: {  	s5 =	simm.s32 @p1 $0x1;
	p0 =	seq.s32 s7, s2  }
0x1e: {  	s7 =	smul.u32 @!p0 $0xF7A, s2;
	p2 =	seq.s32 @!p0 s5, $0x0  }
0x1f: {  	s9 =	smul.u32 $0xF7A, s1;
	s8 =	simm.s32 @!p0 $0x1BF5;
	p2 =	por !p2, p0  }
0x20: {  	[sflag:s8] =	ssyncset.s32 @!p0 $0xFFFFF086;
	s6 =	sadd.s32 @!p0 s3, s7;
	s7 =	simm.s32 @!p0 $0x108  }
0x21: {  	s3 =	sadd.s32 s3, s9;
	s6 =	sadd.s32 @!p0 $0x88, s6;
	s7 =	simm.s32 @p2 $0x1082  }
0x22: {  	[simem:s7], [sflag:s8] =	dma.local @!p0 [hbm:s6], $0xF7A  }
0x23: {  	s9 =	sor.u32 $0xD0000000, s2;
	s6 =	simm.s32 $0x108;
	_ =	swait.ge @!p0 [sflag:s8], $0x0  }
0x24: {  	s3 =	sadd.s32 $0x88, s3;
	s6 =	simm.s32 @!p1 $0x1082;
	[sflag:s4] =	ssyncset.s32 $0xFFFFF086  }
0x25: {  	[simem:s6], [sflag:s4] =	dma.local [hbm:s3], $0xF7A  }
0x26: {  	[smem:$0x3F9B] =	sst s1;
	(tag) =	ssettag s2;
	_ =	strace s9  }
0x27: {  	s1 =	sld [smem:$0x3FAB]  }
0x28: {  	s2 =	sld [smem:$0x3FAC]  }
0x29: {  	s4 =	sld [smem:$0x3FAE]  }
0x2a: {  	p0 =	seq.s32 s5, $0x0;
	s5 =	sld [smem:$0x3FAF]  }
0x2b: {  	s6 =	sld [smem:$0x3FB0]  }
0x2c: {  	s7 =	sld [smem:$0x3FB1]  }
0x2d: {  	s3 =	simm.s32 $0x108;
	s8 =	sld [smem:$0x3FB2]  }
0x2e: {  	s3 =	simm.s32 @!p0 $0x1082;
	s9 =	sld [smem:$0x3FB3]  }
0x2f: {  	lr =	sadd.s32 s0, s3;
	s0 =	sld [smem:$0x3FAA]  }
0x30: {  	s3 =	sld [smem:$0x3FAD]  }
0x31: {  	[smem:$0x3FB6] =	sst s10  }
0x32: {  	s10 =	sld [smem:$0x3FB4];
	_ =	sdelay $0x3  }
0x33: {  	p0 =	seq.s32 s10, $0x1;
	s10 =	sld [smem:$0x3FB6];
	_ =	sdelay $0x3  }
0x34: {  	[smem:$0x3FB6] =	sst s10  }
0x35: {  	s10 =	sld [smem:$0x3FB5];
	_ =	sdelay $0x3  }
0x36: {  	p1 =	seq.s32 s10, $0x1;
	s10 =	sld [smem:$0x3FB6];
	_ =	sdelay $0x3  }
0x37: {  	[smem:$0x3FB6] =	sst s10  }
0x38: {  	s10 =	sld [smem:$0x3FB7]  }
0x39: {  	_ = 	snop;
	(pc) =	sbr.ind lr, $3  }
0x3a: {  	_ = 	snop  }
0x3b: {  	_ = 	snop  }
0x3c: {  	p2 =	seq.s32 s10, $0x1;
	s10 =	sld [smem:$0x3FB6]  }
0x3d: {  	_ =	shalt  }
0x3e: {  	_ =	shalt  }
0x3f: {  	_ =	shalt  }
0x40: {  	_ =	shalt  }
0x41: {  	_ =	shalt  }
0x42: {  	_ =	shalt  }
0x43: {  	_ =	shalt  }
0x44: {  	_ =	shalt  }
0x45: {  	_ =	shalt  }
0x46: {  	_ =	shalt  }
0x47: {  	_ =	shalt  }
0x48: {  	_ =	shalt  }
0x49: {  	_ =	shalt  }
0x4a: {  	_ =	shalt  }
0x4b: {  	_ =	shalt  }
0x4c: {  	_ =	shalt  }
0x4d: {  	_ =	shalt  }
0x4e: {  	_ =	shalt  }
0x4f: {  	_ =	shalt  }
0x50: {  	_ =	shalt  }
0x51: {  	_ =	shalt  }
0x52: {  	_ =	shalt  }
0x53: {  	_ =	shalt  }
0x54: {  	_ =	shalt  }
0x55: {  	_ =	shalt  }
0x56: {  	_ =	shalt  }
0x57: {  	_ =	shalt  }
0x58: {  	_ =	shalt  }
0x59: {  	_ =	shalt  }
0x5a: {  	_ =	shalt  }
0x5b: {  	_ =	shalt  }
0x5c: {  	_ =	shalt  }
0x5d: {  	_ =	shalt  }
0x5e: {  	_ =	shalt  }
0x5f: {  	_ =	shalt  }
0x60: {  	_ =	shalt  }
0x61: {  	_ =	shalt  }
0x62: {  	_ =	shalt  }
0x63: {  	_ =	shalt  }
0x64: {  	_ =	shalt  }
0x65: {  	_ =	shalt  }
0x66: {  	_ =	shalt  }
0x67: {  	_ =	shalt  }
0x68: {  	_ =	shalt  }
0x69: {  	_ =	shalt  }
0x6a: {  	_ =	shalt  }
0x6b: {  	_ =	shalt  }
0x6c: {  	_ =	shalt  }
0x6d: {  	_ =	shalt  }
0x6e: {  	_ =	shalt  }
0x6f: {  	_ =	shalt  }
0x70: {  	_ =	shalt  }
0x71: {  	_ =	shalt  }
0x72: {  	_ =	shalt  }
0x73: {  	_ =	shalt  }
0x74: {  	_ =	shalt  }
0x75: {  	_ =	shalt  }
0x76: {  	_ =	shalt  }
0x77: {  	_ =	shalt  }
0x78: {  	_ =	shalt  }
0x79: {  	_ =	shalt  }
0x7a: {  	_ =	shalt  }
0x7b: {  	_ =	shalt  }
0x7c: {  	_ =	shalt  }
0x7d: {  	_ =	shalt  }
0x7e: {  	_ =	shalt  }
0x7f: {  	_ =	shalt  }
0x80: {  	_ =	shalt  }
0x81: {  	_ =	shalt  }
0x82: {  	_ =	shalt  }
0x83: {  	_ =	shalt  }
0x84: {  	_ =	shalt  }
0x85: {  	_ =	shalt  }
0x86: {  	_ =	shalt  }
0x87: {  	_ =	shalt  }
.Lfunc_end0:
.L_simem_size_0:
called_computation_lowered:
.L_overlay_start_0:
0x88: {  	s2 =	sld [smem:$0x3FD9]  }
0x89: {  	s3 =	sld [smem:$0x3FFE];
	_ =	sdelay $0x1  }
0x8a: {  	s1 =	srdreg.scid  }
0x8b: {  	s0 =	sand.u32 $0x1, s1  }
0x8c: {  	s17 =	sshll.u32 s0, $0xA;
	s2 =	sadd.s32 s3, s2  }
0x8d: {  	s2 =	sadd.s32 s2, s17  }
0x8e: {  	[smem:$0x3FC2] =	sst s2  }
0x8f: {  	_ = 	snop  }
0x90: {  	s2 =	sld [smem:$0x3FD0];
	(tm) =	ssettm $0x1  }
0x91: {  	s18 =	sld [smem:$0x3FFB];
	_ =	sdelay $0x3  }
0x92: {  	_ =	strace s18  }
0x93: {  	s3 =	sld [smem:$0x3FFC];
	_ =	sdelay $0x3  }
0x94: {  	_ =	strace s3  }
0x95: {  	s3 =	sld [smem:$0x3FFD];
	_ =	sdelay $0x3  }
0x96: {  	_ =	strace s3  }
0x97: {  	_ =	strace $0x8FFFFFFF  }
0x98: {  	s19 =	sld [smem:$0x3FDB];
	_ =	sdelay $0x1  }
0x99: {  	s4 =	simm.s32 $_scs_section_size  }
0x9a: {  	s5 =	simm.s32 $_size__tile_overlayer_lowered;
	s6 =	simm.s32 $_tile_overlayer_lowered  }
0x9b: {  	s22 =	simm.s32 $0x1BFF;
	s21 =	sshll.u32 s6, $0x1;
	s3 =	sadd.s32 s4, s19  }
0x9c: {  	s7 =	simm.s32 $0x0;
	s20 =	sshll.u32 s5, $0x1;
	s5 =	sadd.s32 s21, s3  }
0x9d: {  	[timem:s7], [sflag:s22] =	dma.local [hbm:s5], s20  }
0x9e: {  	_ =	swait.ge [sflag:s22], s20  }
0x9f: {  	s4 =	ssub.s32 $0x0, s20;
	[sflag:s22] =	ssyncset.done $0x0  }
0xa0: {  	[sflag:s22] =	ssyncadd.s32 s4;
	_ =	sdelay $0x1  }
0xa1: {  	s23 =	simm.s32 $0x1B8B  }
0xa2: {  	_ =	swait.ge [sflag:s23], $0x1  }
0xa3: {  	[sflag:s23] =	ssyncset.done $0x0  }
0xa4: {  	s25 =	simm.s32 $0x1B8E;
	s24 =	sld [smem:$0x3FFE];
	[sflag:s23] =	ssyncadd.s32 $0xFFFFFFFF  }
0xa5: {  	s26 =	simm.s32 $execute0_lowered;
	[smem:$0x3FD2] =	sst s25  }
0xa6: {  	s5 =	sshll.u32 s26, $0x1;
	_ =	strace $0x80000046;
	[dreg:$0x1] =	wrdreg $0xFFFFFFFF  }
0xa7: {  	s28 =	simm.s32 $_size_execute0_lowered;
	s3 =	sadd.s32 s3, s5;
	[dreg:$0x0] =	wrdreg $0x0  }
0xa8: {  	s5 =	sshll.u32 s28, $0x1;
	[dreg:$0x2] =	wrdreg s3  }
0xa9: {  	[dreg:$0x3] =	wrdreg s5  }
0xaa: {  	[dreg:$0x4] =	wrdreg $0xC0  }
0xab: {  	_ =	task [dreg:s7], $0x5FFFF  }
0xac: {  	[dreg:$0x1] =	wrdreg $0xFFFFFFFF  }
0xad: {  	[dreg:$0x0] =	wrdreg $0x60  }
0xae: {  	[dreg:$0x2] =	wrdreg s24  }
0xaf: {  	[dreg:$0x3] =	wrdreg s2  }
0xb0: {  	[dreg:$0x4] =	wrdreg $0x2B200  }
0xb1: {  	[dreg:$0x5] =	wrdreg $0x9  }
0xb2: {  	_ =	task.clear_ibuf [dreg:s7], $0x6FFFF;
	_ =	strace $0x90000046  }
0xb3: {  	s29 =	simm.s32 $0x9;
	_ =	strace $0x80000048  }
0xb4: {  	_ =	swait.ge [sflag:s29], $0x1  }
0xb5: {  	[sflag:s29] =	ssyncadd.s32 $0xFFFFFFFF  }
0xb6: {  	_ =	strace $0x90000048  }
0xb7: {  	_ =	sfence  }
0xb8: {  	s30 =	sld [smem:$0x0];
	_ =	sdelay $0x2  }
0xb9: {  	s31 =	sshll.u32 s1, $0xD;
	s1 =	sshrl.u32 s1, $0x2  }
0xba: {  	s3 =	sand.u32 $0x4000, s31;
	s1 =	sadd.s32 s1, s30  }
0xbb: {  	s0 =	sor.u32 s3, s0;
	s1 =	sshll.u32 s1, $0x11  }
0xbc: {  	s0 =	sor.u32 s1, s0  }
0xbd: {  	s0 =	sadd.s32 $0x8F2B, s0  }
0xbe: {  	[sflag:s0] =	ssyncadd.remote.s32 $0x1  }
0xbf: {  	_ =	sfence.sel $0xFFFF  }
0xc0: {  	[dreg:$0x0] =	wrdreg $0xFFFFFFFF;
	(pc) =	sbr.abs _section_cstart, $3  }
0xc1: {  	[dreg:$0x1] =	wrdreg $0xFFFFFFFF  }
0xc2: {  	_ =	task.clear_ibuf [dreg:s7], $0x2FFFF;
	_ =	strace $0x9FFFFFFF  }
0xc3: {  	(tm) =	ssettm $0x7FFFFFFF  }
tec
execute0_lowered:
.L_overlay_start_1:
0x0: {  	(tag) =	ssettag $0x1  }
0x1: {  	s6 =	rddreg [dreg:$0x0]  }
0x2: {  	s1 =	srdreg.scid;
	s2 =	rddreg [dreg:$0x1]  }
0x3: {  	s0 =	stileid.u32;
	s3 =	rddreg [dreg:$0x2];
	s4 =	simm.s32 $0x0  }
0x4: {  	s12 =	simm.s32 $0x2710;
	s15 =	simm.s32 $0x80;
	s16 =	simm.s32 $0x1  }
0x5: {  	s17 =	simm.s32 $0x10;
	s18 =	simm.s32 $0x0;
	s5 =	sand.u32 $0x1, s1  }
0x6: {  	s31 =	sshll.u32 s0, $0x1;
	s8 =	smul.u32 $0x1388, s0;
	[smem:$0x7FF] =	sst s4  }
0x7: {  	s13 =	sshll.u32 s0, $0x6;
	s1 =	sor.u32 s5, s31;
	s9 =	smul.u32 $0x13880, s5  }
0x8: {  	s10 =	ssub.s32 $0x2, s5;
	s5 =	sadd.s32 $0x15A00, s6;
	s13 =	sor.u32 $0x1C02, s13  }
0x9: {  	s7 =	smul.u32 $0x2710, s1;
	s1 =	rddreg [dreg:$0x3];
	_ =	strace $0x80000047  }
0xa: {  	s11 =	sshrl.u32 s10, $0x1;
	s14 =	sadd.s32 s8, s3;
	s9 =	sadd.s32 s8, s9  }
0xb: {  	s10 =	ssub.s32 s10, s11;
	s11 =	simm.s32 $0x2B10;
	s7 =	sshrl.u32 s7, $0x3  }
0xc: {  	s14 =	sshrl.u32 s14, $0x3;
	s9 =	sshrl.u32 s9, $0x3;
	s7 =	sadd.s32 s7, s6  }
0xd: {  	s9 =	sadd.s32 s9, s6;
	s6 =	sadd.s32 $0xBC40, s7;
	s7 =	sadd.s32 $0xC120, s7  }
0xe: {  	s8 =	sadd.s32 $0x15C00, s9;
	s9 =	smax.u32 s10, $0x1;
	s10 =	simm.s32 $0x2  }
.LBB2_1:
0xf: {  	[tilespmem:s4], [sflag:$0x2] =	stream.linear.gather [hbm4b:s6+s4], $0x2710, $0x38;
	[tilespmem:$0x3EA8] =	vst v63  }
0x10: {  	_ =	swait.ge [sflag:s10], $0x2710  }
0x11: {  	[sflag:s10] =	ssyncset.done $0x0  }
0x12: {  	[sflag:s10] =	ssyncadd.s32 $0xFFFFD8F0  }
0x13: {  	[tilespmem:s11], [sflag:$0x2] =	stream.linear.gather [hbm4b:s7+s4], $0x10, $0x38;
	[tilespmem:$0x3EA8] =	vst v63  }
0x14: {  	_ =	swait.ge [sflag:s10], $0x10  }
0x15: {  	[sflag:s10] =	ssyncset.done $0x0  }
0x16: {  	[sflag:s10] =	ssyncadd.s32 $0xFFFFFFF0  }
0x17: {  	[tilespmem:s12], [sflag:$0x2] =	stream.linear.gather [hbm4b:s5+s4], $0x400, $0x38;
	[tilespmem:$0x3EA8] =	vst v63  }
0x18: {  	_ =	swait.ge [sflag:s10], $0x400  }
0x19: {  	[sflag:s10] =	ssyncset.done $0x0  }
0x1a: {  	[sflag:s10] =	ssyncadd.s32 $0xFFFFFC00  }
0x1b: {  	[spmem:s14], [sflag:s13] =	dma.local [hbm:s2], $0x271  }
0x1c: {  	_ =	swait.ge [sflag:s10], $0x271  }
0x1d: {  	[sflag:s10] =	ssyncset.done $0x0  }
0x1e: {  	[sflag:s10] =	ssyncadd.s32 $0xFFFFFD8F  }
0x1f: {  	s19 =	simm.s32 $0x0;
	[bflag:$0x0] =	sbarrier.arrive $0xFFFF  }
0x20: {  	[spmem:s3] =	stream.indirect.scatter.add.f32 [tilespmem:s12], [sflag:$0x1], $0x8, s19, s15, $0xb8;
	[tilespmem:$0x3EA8] =	vst v63  }
0x21: {  	s26 =	simm.s32 $0x80  }
0x22: {  	[spmem:s3] =	stream.indirect.scatter.add.f32 [tilespmem:s12], [sflag:$0x1], $0x8, s26, s15, $0xb8;
	[tilespmem:$0x3EA8] =	vst v63  }
0x23: {  	s28 =	simm.s32 $0x100  }
0x24: {  	[spmem:s3] =	stream.indirect.scatter.add.f32 [tilespmem:s12], [sflag:$0x1], $0x8, s28, s15, $0xb8;
	[tilespmem:$0x3EA8] =	vst v63  }
0x25: {  	s29 =	simm.s32 $0x180  }
0x26: {  	[spmem:s3] =	stream.indirect.scatter.add.f32 [tilespmem:s12], [sflag:$0x1], $0x8, s29, s15, $0xb8;
	[tilespmem:$0x3EA8] =	vst v63  }
0x27: {  	s30 =	simm.s32 $0x200  }
0x28: {  	[spmem:s3] =	stream.indirect.scatter.add.f32 [tilespmem:s12], [sflag:$0x1], $0x8, s30, s15, $0xb8;
	[tilespmem:$0x3EA8] =	vst v63  }
0x29: {  	s31 =	simm.s32 $0x280  }
0x2a: {  	[spmem:s3] =	stream.indirect.scatter.add.f32 [tilespmem:s12], [sflag:$0x1], $0x8, s31, s15, $0xb8;
	[tilespmem:$0x3EA8] =	vst v63  }
0x2b: {  	_ =	swait.ge [sflag:s16], $0x400  }
0x2c: {  	[sflag:s16] =	ssyncset.done $0x0  }
0x2d: {  	[sflag:s16] =	ssyncadd.s32 $0xFFFFFC00  }
0x2e: {  	_ =	swait.ge [sflag:s16], $0x400  }
0x2f: {  	[sflag:s16] =	ssyncset.done $0x0  }
0x30: {  	[sflag:s16] =	ssyncadd.s32 $0xFFFFFC00  }
0x31: {  	_ =	swait.ge [sflag:s16], $0x400  }
0x32: {  	[sflag:s16] =	ssyncset.done $0x0  }
0x33: {  	[sflag:s16] =	ssyncadd.s32 $0xFFFFFC00  }
0x34: {  	_ =	swait.ge [sflag:s16], $0x400  }
0x35: {  	[sflag:s16] =	ssyncset.done $0x0  }
0x36: {  	[sflag:s16] =	ssyncadd.s32 $0xFFFFFC00  }
0x37: {  	_ =	swait.ge [sflag:s16], $0x400  }
0x38: {  	[sflag:s16] =	ssyncset.done $0x0  }
0x39: {  	[sflag:s16] =	ssyncadd.s32 $0xFFFFFC00  }
0x3a: {  	_ =	swait.ge [sflag:s16], $0x400  }
0x3b: {  	s20 =	simm.s32 $0x1800;
	s19 =	simm.s32 $0xC00;
	[sflag:s16] =	ssyncset.done $0x0  }
.LBB2_2:
0x3c: {  	s21 =	sshra.s32 s19, $0x2  }
0x3d: {  	[sflag:s16] =	ssyncadd.s32 $0xFFFFFC00;
	s19 =	smov.u32 s20;
	s22 =	sadd.s32 $0xC00, s20  }
0x3e: {  	[spmem:s3] =	stream.indirect.scatter.add.f32 [tilespmem:s12], [sflag:$0x1], $0x8, s21, s15, $0xb8;
	[tilespmem:$0x3EA8] =	vst v63  }
0x3f: {  	p0 =	sne.s32 s20, $0x9000;
	s20 =	sadd.s32 $0x80, s21  }
0x40: {  	[spmem:s3] =	stream.indirect.scatter.add.f32 [tilespmem:s12], [sflag:$0x1], $0x8, s20, s15, $0xb8;
	[tilespmem:$0x3EA8] =	vst v63  }
0x41: {  	s20 =	sadd.s32 $0x100, s21  }
0x42: {  	[spmem:s3] =	stream.indirect.scatter.add.f32 [tilespmem:s12], [sflag:$0x1], $0x8, s20, s15, $0xb8;
	[tilespmem:$0x3EA8] =	vst v63  }
0x43: {  	s20 =	sadd.s32 $0x180, s21  }
0x44: {  	[spmem:s3] =	stream.indirect.scatter.add.f32 [tilespmem:s12], [sflag:$0x1], $0x8, s20, s15, $0xb8;
	[tilespmem:$0x3EA8] =	vst v63  }
0x45: {  	s20 =	sadd.s32 $0x200, s21  }
0x46: {  	[spmem:s3] =	stream.indirect.scatter.add.f32 [tilespmem:s12], [sflag:$0x1], $0x8, s20, s15, $0xb8;
	[tilespmem:$0x3EA8] =	vst v63  }
0x47: {  	s20 =	sadd.s32 $0x280, s21  }
0x48: {  	[spmem:s3] =	stream.indirect.scatter.add.f32 [tilespmem:s12], [sflag:$0x1], $0x8, s20, s15, $0xb8;
	[tilespmem:$0x3EA8] =	vst v63  }
0x49: {  	_ =	swait.ge [sflag:s16], $0x400  }
0x4a: {  	[sflag:s16] =	ssyncset.done $0x0  }
0x4b: {  	[sflag:s16] =	ssyncadd.s32 $0xFFFFFC00  }
0x4c: {  	_ =	swait.ge [sflag:s16], $0x400  }
0x4d: {  	[sflag:s16] =	ssyncset.done $0x0  }
0x4e: {  	[sflag:s16] =	ssyncadd.s32 $0xFFFFFC00  }
0x4f: {  	_ =	swait.ge [sflag:s16], $0x400  }
0x50: {  	[sflag:s16] =	ssyncset.done $0x0  }
0x51: {  	[sflag:s16] =	ssyncadd.s32 $0xFFFFFC00  }
0x52: {  	_ =	swait.ge [sflag:s16], $0x400  }
0x53: {  	[sflag:s16] =	ssyncset.done $0x0  }
0x54: {  	[sflag:s16] =	ssyncadd.s32 $0xFFFFFC00  }
.Ltmp0:
0x55: {  	_ =	swait.ge [sflag:s16], $0x400;
	(pc) =	sbr.rel @p0 .LBB2_2-.Ltmp0, $4  }
0x56: {  	[sflag:s16] =	ssyncset.done $0x0  }
0x57: {  	[sflag:s16] =	ssyncadd.s32 $0xFFFFFC00  }
0x58: {  	_ =	swait.ge [sflag:s16], $0x400  }
0x59: {  	s20 =	smov.u32 s22;
	[sflag:s16] =	ssyncset.done $0x0  }
0x5a: {  	s19 =	sshra.s32 s19, $0x2;
	[sflag:s16] =	ssyncadd.s32 $0xFFFFFC00  }
0x5b: {  	[spmem:s3] =	stream.indirect.scatter.add.f32 [tilespmem:s12], [sflag:$0x1], $0x8, s19, s15, $0xb8;
	[tilespmem:$0x3EA8] =	vst v63  }
0x5c: {  	s20 =	sadd.s32 $0x80, s19  }
0x5d: {  	[spmem:s3] =	stream.indirect.scatter.add.f32 [tilespmem:s12], [sflag:$0x1], $0x8, s20, s15, $0xb8;
	[tilespmem:$0x3EA8] =	vst v63  }
0x5e: {  	s29 =	sadd.s32 $0x100, s19  }
0x5f: {  	[spmem:s3] =	stream.indirect.scatter.add.f32 [tilespmem:s12], [sflag:$0x1], $0x8, s29, s15, $0xb8;
	[tilespmem:$0x3EA8] =	vst v63  }
0x60: {  	s30 =	sadd.s32 $0x180, s19  }
0x61: {  	[spmem:s3] =	stream.indirect.scatter.add.f32 [tilespmem:s12], [sflag:$0x1], $0x8, s30, s15, $0xb8;
	[tilespmem:$0x3EA8] =	vst v63  }
0x62: {  	s31 =	sadd.s32 $0x200, s19  }
0x63: {  	[spmem:s3] =	stream.indirect.scatter.add.f32 [tilespmem:s12], [sflag:$0x1], $0x8, s31, s15, $0xb8;
	[tilespmem:$0x3EA8] =	vst v63  }
0x64: {  	s19 =	sadd.s32 $0x280, s19  }
0x65: {  	[spmem:s3] =	stream.indirect.scatter.add.f32 [tilespmem:s12], [sflag:$0x1], $0x8, s19, s15, $0xb8;
	[tilespmem:$0x3EA8] =	vst v63  }
0x66: {  	_ =	swait.ge [sflag:s16], $0x400  }
0x67: {  	[sflag:s16] =	ssyncset.done $0x0  }
0x68: {  	[sflag:s16] =	ssyncadd.s32 $0xFFFFFC00  }
0x69: {  	_ =	swait.ge [sflag:s16], $0x400  }
0x6a: {  	[sflag:s16] =	ssyncset.done $0x0  }
0x6b: {  	[sflag:s16] =	ssyncadd.s32 $0xFFFFFC00  }
0x6c: {  	_ =	swait.ge [sflag:s16], $0x400  }
0x6d: {  	[sflag:s16] =	ssyncset.done $0x0  }
0x6e: {  	[sflag:s16] =	ssyncadd.s32 $0xFFFFFC00  }
0x6f: {  	_ =	swait.ge [sflag:s16], $0x400  }
0x70: {  	[sflag:s16] =	ssyncset.done $0x0  }
0x71: {  	[sflag:s16] =	ssyncadd.s32 $0xFFFFFC00  }
0x72: {  	_ =	swait.ge [sflag:s16], $0x400  }
0x73: {  	[sflag:s16] =	ssyncset.done $0x0  }
0x74: {  	[sflag:s16] =	ssyncadd.s32 $0xFFFFFC00  }
0x75: {  	_ =	swait.ge [sflag:s16], $0x400  }
0x76: {  	[sflag:s16] =	ssyncset.done $0x0  }
0x77: {  	[sflag:s16] =	ssyncadd.s32 $0xFFFFFC00  }
0x78: {  	[spmem:s3] =	stream.indirect.scatter.add.f32 [tilespmem:s12], [sflag:$0x2], $0x8, s11, s17, $0xb8;
	[tilespmem:$0x3EA8] =	vst v63  }
0x79: {  	_ =	swait.ge [sflag:s10], $0x80  }
0x7a: {  	s18 =	sadd.s32 $0x1, s18;
	[sflag:s10] =	ssyncset.done $0x0  }
0x7b: {  	p0 =	sne.s32 s18, s9;
	[sflag:s10] =	ssyncadd.s32 $0xFFFFFF80  }
.Ltmp1:
0x7c: {  	[bflag:$0x0] =	sbarrier.arrive $0xFFFF;
	(pc) =	sbr.rel @p0 .LBB2_1-.Ltmp1, $4  }
0x7d: {  	[hbm:s8], [sflag:s13] =	dma.local [spmem:s14], $0x271  }
0x7e: {  	_ =	swait.ge [sflag:s10], $0x271  }
0x7f: {  	[sflag:s10] =	ssyncset.done $0x0  }
0x80: {  	[sflag:s10] =	ssyncadd.s32 $0xFFFFFD8F  }
0x81: {  	_ =	sfence.sel $0x180000  }
0x82: {  	[bflag:$0x0] =	sbarrier.arrive $0xFFFF  }
0x83: {  	p0 =	sne.s32 s0, $0x0;
	_ =	strace $0x90000047  }
0x84: {  	s0 =	sadd.s32 @!p0 $0x100000, s1;
	[bflag:$0x2] =	sbarrier.arrive $0xFFFF  }
0x85: {  	[sflag:s0] =	ssyncadd.tile.s32 @!p0 $0x1;
	_ =	shalt  }
.Lfunc_end2:
_tile_overlayer_lowered:
.L_overlay_start_2:
0x86: {  	(tag) =	ssettag $0x2  }
0x87: {  	s0 =	rddreg [dreg:$0x0];
	s2 =	stileid.u32  }
0x88: {  	s1 =	rddreg [dreg:$0x1];
	p0 =	sne.s32 s2, $0x0  }
0x89: {  	s3 =	rddreg [dreg:$0x2];
	[bflag:$0x3] =	sbarrier.arrive $0xFFFF;
	s2 =	simm.s32 @!p0 $0x1C02  }
0x8a: {  	[timem:s3], [sflag:s2] =	dma.local @!p0 [hbm:s0], s1  }
0x8b: {  	s0 =	simm.s32 @!p0 $0x2  }
0x8c: {  	_ =	swait.ge @!p0 [sflag:s0], s1  }
0x8d: {  	s1 =	ssub.s32 @!p0 $0x0, s1;
	[sflag:s0] =	ssyncset.done @!p0 $0x0  }
0x8e: {  	[sflag:s0] =	ssyncadd.s32 @!p0 s1  }
0x8f: {  	[bflag:$0x3] =	sbarrier.arrive $0xFFFF  }
0x90: {  	_ =	shalt  }

</sc_bundles>
